<compile_context>
chip_gen: v7x
topology: tpu7x:2x2x1
jax: 0.10.2.dev20260603
libtpu: 0.0.44.dev20260713+nightly
codegen_flags: <defaults>
</compile_context>

<pallas_src>
import functools

import jax
import jax.numpy as jnp
from jax import lax
from jax.experimental import pallas as pl
from jax.experimental.pallas import tpu as pltpu
from jax.experimental.pallas import tpu_sc as plsc

N = 10000
E = 320000
D = 128
MSG = 16
TDIM = 100
H = 2
DH = 64
HD = H * DH

KV = 2 * HD
DN = 256
NP = 10240

NW = 32
BPW = E // NW
CH = 80
NCH = BPW // CH
NG = CH // 16

NB = 1000
EB = 1000


def _proj_body(x_ref, wq, bq, wk, bk, wv, bv, ws, bs, q_o, k_o, v_o, s_o):
    xb = x_ref[...]
    q_o[...] = jnp.dot(xb, wq[...], preferred_element_type=jnp.float32) + bq[...]
    k_o[...] = jnp.dot(xb, wk[...], preferred_element_type=jnp.float32) + bk[...]
    v_o[...] = jnp.dot(xb, wv[...], preferred_element_type=jnp.float32) + bv[...]
    s_o[...] = jnp.dot(xb, ws[...], preferred_element_type=jnp.float32) + bs[...]


def _proj(x, wqT, bq, wkT, bk, wvT, bv, wsT, bs):
    w_spec = pl.BlockSpec((D, HD), lambda i: (0, 0))
    b_spec = pl.BlockSpec((1, HD), lambda i: (0, 0))
    out = jax.ShapeDtypeStruct((N, HD), jnp.float32)
    return pl.pallas_call(
        _proj_body,
        grid=(N // NB,),
        in_specs=[pl.BlockSpec((NB, D), lambda i: (i, 0)),
                  w_spec, b_spec, w_spec, b_spec, w_spec, b_spec, w_spec, b_spec],
        out_specs=[pl.BlockSpec((NB, HD), lambda i: (i, 0))] * 4,
        out_shape=[out, out, out, out],
    )(x, wqT, bq, wkT, bk, wvT, bv, wsT, bs)


def _sc_gather(kv, q_all, last_update, src, dst, t):
    mesh = plsc.VectorSubcoreMesh(core_axis_name="c", subcore_axis_name="s")

    @functools.partial(
        pl.kernel,
        mesh=mesh,
        out_type=[jax.ShapeDtypeStruct((E, KV), jnp.float32),
                  jax.ShapeDtypeStruct((E, HD), jnp.float32),
                  jax.ShapeDtypeStruct((E,), jnp.float32)],
        scratch_types=[pltpu.VMEM((2, CH), jnp.int32),
                       pltpu.VMEM((2, CH), jnp.int32),
                       pltpu.VMEM((2, CH), jnp.float32),
                       pltpu.VMEM((2, CH), jnp.float32),
                       pltpu.VMEM((2, CH, KV), jnp.float32),
                       pltpu.VMEM((2, CH, HD), jnp.float32),
                       pltpu.VMEM((N,), jnp.float32),
                       pltpu.SemaphoreType.DMA,
                       pltpu.SemaphoreType.DMA,
                       pltpu.SemaphoreType.DMA,
                       pltpu.SemaphoreType.DMA,
                       pltpu.SemaphoreType.DMA,
                       pltpu.SemaphoreType.DMA],
        compiler_params=pltpu.CompilerParams(needs_layout_passes=False),
    )
    def gather_kernel(kv_hbm, q_hbm, lu_hbm, src_hbm, dst_hbm, t_hbm,
                      kv_o, q_o, rel_o,
                      isrc, idst, tbuf, relbuf, kvbuf, qbuf, lubuf,
                      si0, si1, sg0, sg1, sw0, sw1):
        wid = lax.axis_index("s") * 2 + lax.axis_index("c")
        base = wid * BPW
        semi = (si0, si1)
        semg = (sg0, sg1)
        semw = (sw0, sw1)
        pltpu.sync_copy(lu_hbm, lubuf)

        def fire_idx(c, b):
            off = jnp.minimum(base + c * CH, E - CH)
            return (pltpu.async_copy(src_hbm.at[pl.ds(off, CH)], isrc.at[b], semi[b]),
                    pltpu.async_copy(dst_hbm.at[pl.ds(off, CH)], idst.at[b], semi[b]),
                    pltpu.async_copy(t_hbm.at[pl.ds(off, CH)], tbuf.at[b], semi[b]))

        def wait_idx(b):
            pltpu.make_async_copy(src_hbm.at[pl.ds(0, CH)], isrc.at[b], semi[b]).wait()
            pltpu.make_async_copy(dst_hbm.at[pl.ds(0, CH)], idst.at[b], semi[b]).wait()
            pltpu.make_async_copy(t_hbm.at[pl.ds(0, CH)], tbuf.at[b], semi[b]).wait()

        def fire_gather(b):
            pltpu.async_copy(kv_hbm.at[isrc.at[b]], kvbuf.at[b], semg[b])
            pltpu.async_copy(q_hbm.at[idst.at[b]], qbuf.at[b], semg[b])

        def wait_gather(b):
            pltpu.make_async_copy(kv_hbm.at[isrc.at[b]], kvbuf.at[b], semg[b]).wait()
            pltpu.make_async_copy(q_hbm.at[idst.at[b]], qbuf.at[b], semg[b]).wait()

        def comp_rel(b):
            for g in range(NG):
                sl = pl.ds(g * 16, 16)
                luv = plsc.load_gather(lubuf, [isrc[b, sl]])
                relbuf[b, sl] = luv - tbuf[b, sl]

        def fire_write(c, b):
            off = base + c * CH
            pltpu.async_copy(kvbuf.at[b], kv_o.at[pl.ds(off, CH)], semw[b])
            pltpu.async_copy(qbuf.at[b], q_o.at[pl.ds(off, CH)], semw[b])
            pltpu.async_copy(relbuf.at[b], rel_o.at[pl.ds(off, CH)], semw[b])

        def wait_write(b):
            pltpu.make_async_copy(kvbuf.at[b], kv_o.at[pl.ds(0, CH)], semw[b]).wait()
            pltpu.make_async_copy(qbuf.at[b], q_o.at[pl.ds(0, CH)], semw[b]).wait()
            pltpu.make_async_copy(relbuf.at[b], rel_o.at[pl.ds(0, CH)], semw[b]).wait()

        fire_idx(0, 0)
        fire_idx(1, 1)
        wait_idx(0)
        fire_gather(0)
        comp_rel(0)
        wait_idx(1)
        fire_gather(1)
        comp_rel(1)
        wait_gather(0)
        fire_write(0, 0)
        fire_idx(2, 0)
        wait_gather(1)
        fire_write(1, 1)
        fire_idx(3, 1)

        @pl.loop(1, (NCH - 1) // 2)
        def _(k):
            a = 2 * k
            wait_idx(0)
            wait_write(0)
            fire_gather(0)
            comp_rel(0)
            wait_idx(1)
            wait_write(1)
            fire_gather(1)
            comp_rel(1)
            wait_gather(0)
            fire_write(a, 0)
            fire_idx(a + 2, 0)
            wait_gather(1)
            fire_write(a + 1, 1)
            fire_idx(a + 3, 1)

        wait_idx(0)
        wait_write(0)
        fire_gather(0)
        comp_rel(0)
        wait_idx(1)
        wait_write(1)
        wait_gather(0)
        fire_write(NCH - 1, 0)
        wait_write(0)

    return gather_kernel(kv, q_all, last_update, src, dst, t)


_INV2PI = 0.15915493667125702
_COS_C = (9.9999999229e-01, -1.9739205554e+01, 6.4939172239e+01,
          -8.5451165912e+01, 6.0176231390e+01, -2.6000532120e+01,
          6.5756180224e+00)


def _fast_cos(xarg):
    u0 = xarg * _INV2PI
    u = u0 - jnp.floor(u0 + 0.5)
    z = u * u
    p = jnp.float32(_COS_C[6])
    for c in (_COS_C[5], _COS_C[4], _COS_C[3], _COS_C[2], _COS_C[1], _COS_C[0]):
        p = p * z + jnp.float32(c)
    return p


def _edge_body(kv_ref, q_ref, rel_ref, msg_ref, wet, wem, wt, bt_r, hm, hb,
               msg_o, ea_o):
    k = kv_ref[:, 0:HD]
    v = kv_ref[:, HD:2 * HD]
    rel = rel_ref[...]
    enc = _fast_cos(rel * wt[...] + bt_r[...])
    e = (jnp.dot(enc, wet[...], preferred_element_type=jnp.float32)
         + jnp.dot(msg_ref[...], wem[...], preferred_element_type=jnp.float32))
    af = q_ref[...] * (k + e)
    alpha = jnp.dot(af, hm[...], preferred_element_type=jnp.float32) * (1.0 / 8.0)
    ea = jnp.exp(alpha)
    w = jnp.dot(ea, hb[...], preferred_element_type=jnp.float32)
    msg_o[...] = w * (v + e)
    ea_o[...] = jnp.concatenate([ea, jnp.zeros((EB, 6), jnp.float32)], axis=1)


def _edge(kv_g, q_g, rel_col, msg, wet, wem, wt, bt_r, hm, hb):
    return pl.pallas_call(
        _edge_body,
        grid=(E // EB,),
        in_specs=[pl.BlockSpec((EB, KV), lambda i: (i, 0)),
                  pl.BlockSpec((EB, HD), lambda i: (i, 0)),
                  pl.BlockSpec((EB, 1), lambda i: (i, 0)),
                  pl.BlockSpec((EB, MSG), lambda i: (i, 0)),
                  pl.BlockSpec((TDIM, HD), lambda i: (0, 0)),
                  pl.BlockSpec((MSG, HD), lambda i: (0, 0)),
                  pl.BlockSpec((1, TDIM), lambda i: (0, 0)),
                  pl.BlockSpec((1, TDIM), lambda i: (0, 0)),
                  pl.BlockSpec((HD, 2), lambda i: (0, 0)),
                  pl.BlockSpec((2, HD), lambda i: (0, 0))],
        out_specs=[pl.BlockSpec((EB, HD), lambda i: (i, 0)),
                   pl.BlockSpec((EB, 8), lambda i: (i, 0))],
        out_shape=[jax.ShapeDtypeStruct((E, HD), jnp.float32),
                   jax.ShapeDtypeStruct((E, 8), jnp.float32)],
    )(kv_g, q_g, rel_col, msg, wet, wem, wt, bt_r, hm, hb)


def _sc_scatter(contrib, ea_pair, dst, zeros):
    mesh = plsc.VectorSubcoreMesh(core_axis_name="c", subcore_axis_name="s")
    rpt = NP // 16
    drpt = DN // 16

    @functools.partial(
        pl.kernel,
        mesh=mesh,
        out_type=[jax.ShapeDtypeStruct((2, NP, HD), jnp.float32),
                  jax.ShapeDtypeStruct((2, DN, HD), jnp.float32)],
        scratch_types=[pltpu.VMEM((2, CH), jnp.int32),
                       pltpu.VMEM((CH,), jnp.int32),
                       pltpu.VMEM((2, CH, HD), jnp.float32),
                       pltpu.VMEM((2, CH * 8), jnp.float32),
                       pltpu.VMEM((CH, HD), jnp.float32),
                       pltpu.VMEM_SHARED((NP, HD), jnp.float32),
                       pltpu.VMEM_SHARED((DN, HD), jnp.float32),
                       pltpu.SemaphoreType.DMA,
                       pltpu.SemaphoreType.DMA,
                       pltpu.SemaphoreType.DMA,
                       pltpu.SemaphoreType.DMA],
        compiler_params=pltpu.CompilerParams(needs_layout_passes=False),
    )
    def scatter_kernel(contrib_hbm, ea_hbm, dst_hbm, zeros_hbm,
                       part_o, dpart_o, idx, idx64, rows, eabuf, dbuf, acc, dacc,
                       sl0, sl1, sa0, sa1):
        cid = lax.axis_index("c")
        sid = lax.axis_index("s")
        wid = sid * 2 + cid
        base = wid * BPW
        row0 = sid * rpt
        drow0 = sid * drpt
        seml = (sl0, sl1)
        sema = (sa0, sa1)
        fz = jnp.zeros((16,), jnp.float32)
        pltpu.sync_copy(zeros_hbm.at[pl.ds(row0, rpt)], acc.at[pl.ds(row0, rpt)])
        pltpu.sync_copy(zeros_hbm.at[pl.ds(drow0, drpt)], dacc.at[pl.ds(drow0, drpt)])

        @pl.loop(0, CH)
        def _(r):
            for cc in range(HD // 16):
                dbuf[r, pl.ds(cc * 16, 16)] = fz

        plsc.subcore_barrier()

        def fire_loads(c, b):
            off = jnp.minimum(base + c * CH, E - CH)
            pltpu.async_copy(dst_hbm.at[pl.ds(off, CH)], idx.at[b], seml[b])
            pltpu.async_copy(contrib_hbm.at[pl.ds(off, CH)], rows.at[b], seml[b])
            pltpu.async_copy(ea_hbm.at[pl.ds(off * 8, CH * 8)], eabuf.at[b], seml[b])

        def wait_loads(b):
            pltpu.make_async_copy(dst_hbm.at[pl.ds(0, CH)], idx.at[b], seml[b]).wait()
            pltpu.make_async_copy(contrib_hbm.at[pl.ds(0, CH)], rows.at[b], seml[b]).wait()
            pltpu.make_async_copy(ea_hbm.at[pl.ds(0, CH * 8)], eabuf.at[b], seml[b]).wait()

        def build(b):
            for g in range(NG):
                sl = pl.ds(g * 16, 16)
                d = idx[b, sl]
                r16 = lax.iota(jnp.int32, 16) + g * 16
                c0 = lax.shift_left(d & 63, 1)
                r8 = lax.shift_left(r16, 3)
                b16 = lax.iota(jnp.int32, 16) * 0 + b
                ea0v = plsc.load_gather(eabuf, [b16, r8])
                ea1v = plsc.load_gather(eabuf, [b16, r8 + 1])
                plsc.store_scatter(dbuf, [r16, c0], ea0v)
                plsc.store_scatter(dbuf, [r16, c0 + 1], ea1v)
                idx64[sl] = lax.shift_right_logical(d, 6)

        def clear(b):
            for g in range(NG):
                sl = pl.ds(g * 16, 16)
                d = idx[b, sl]
                r16 = lax.iota(jnp.int32, 16) + g * 16
                c0 = lax.shift_left(d & 63, 1)
                plsc.store_scatter(dbuf, [r16, c0], fz)
                plsc.store_scatter(dbuf, [r16, c0 + 1], fz)

        def process(b):
            wait_loads(b)
            build(b)
            pltpu.sync_copy(rows.at[b], acc.at[idx.at[b]], add=True)
            pltpu.sync_copy(dbuf, dacc.at[idx64], add=True)
            clear(b)

        fire_loads(0, 0)
        fire_loads(1, 1)
        process(0)

        @pl.loop(1, (NCH - 1) // 2)
        def _(k):
            a = 2 * k
            fire_loads(a, 0)
            process(1)
            fire_loads(a + 1, 1)
            process(0)

        fire_loads(NCH - 1, 0)
        process(1)
        process(0)

        plsc.subcore_barrier()
        pltpu.sync_copy(acc.at[pl.ds(row0, rpt)], part_o.at[cid, pl.ds(row0, rpt)])
        pltpu.sync_copy(dacc.at[pl.ds(drow0, drpt)],
                        dpart_o.at[cid, pl.ds(drow0, drpt)])

    return scatter_kernel(contrib, ea_pair, dst, zeros)


def _final_body(p_ref, den_ref, skip_ref, out_ref):
    num = p_ref[0, :, :] + p_ref[1, :, :]
    d0 = den_ref[:, 0:1]
    d1 = den_ref[:, 1:2]
    lane = lax.broadcasted_iota(jnp.int32, (NB, HD), 1)
    den = jnp.where(lane < DH, d0, d1) + 1e-16
    out_ref[...] = num / den + skip_ref[...]


def _final(parts, den, skip):
    return pl.pallas_call(
        _final_body,
        grid=(N // NB,),
        in_specs=[pl.BlockSpec((2, NB, HD), lambda i: (0, i, 0)),
                  pl.BlockSpec((NB, 2), lambda i: (i, 0)),
                  pl.BlockSpec((NB, HD), lambda i: (i, 0))],
        out_specs=pl.BlockSpec((NB, HD), lambda i: (i, 0)),
        out_shape=jax.ShapeDtypeStruct((N, HD), jnp.float32),
    )(parts, den, skip)


def kernel(x, last_update, edge_index, t, msg, Wq, bq, Wk, bk, Wv, bv, We, Ws, bs, Wt, bt):
    q_all, k_all, v_all, skip = _proj(
        x, Wq.T, bq[None, :], Wk.T, bk[None, :], Wv.T, bv[None, :], Ws.T, bs[None, :])
    kv = jnp.concatenate([k_all, v_all], axis=1)
    src = edge_index[0]
    dst = edge_index[1]
    kv_g, q_g, rel_g = _sc_gather(kv, q_all, last_update, src, dst, t)
    WeT = We.T
    lane = jnp.arange(HD)
    hm = jnp.stack([(lane < DH).astype(jnp.float32),
                    (lane >= DH).astype(jnp.float32)], axis=1)
    contrib, ea_pair = _edge(kv_g, q_g, rel_g[:, None], msg,
                             WeT[:TDIM], WeT[TDIM:], Wt[:, 0][None, :],
                             bt[None, :], hm, hm.T)
    parts, dparts = _sc_scatter(contrib, ea_pair.reshape(-1), dst,
                                jnp.zeros((NP, HD), jnp.float32))
    parts = parts[:, :N]
    den = (dparts[0] + dparts[1]).reshape(-1)[:2 * N].reshape(N, 2)
    return _final(parts, den, skip)

# --- scband reference (transcript-rebuilt; emitter-appended) ---
"""Pipeline reference for scband-graph-attention-embedding-26379689132034 (READ-ONLY COPY).

The authoritative reference and input builder live on the scoring server;
editing this copy changes nothing except your own understanding.
"""

import jax, jax.numpy as jnp
import numpy as np

N = 10000
E = 320000
D = 128
MSG = 16
TDIM = 100
H = 2
DH = 64
EDGE_DIM = MSG + TDIM


def setup_inputs(seed: int = 0) -> dict:
    key = jax.random.key(seed)
    ks = jax.random.split(key, 18)
    s = 0.05
    x = jax.random.normal(ks[0], (N, D), dtype=jnp.float32)
    last_update = jax.random.uniform(ks[1], (N,), dtype=jnp.float32) * 1000.0
    edge_index = jax.random.randint(ks[2], (2, E), 0, N, dtype=jnp.int32)
    t = jax.random.uniform(ks[3], (E,), dtype=jnp.float32) * 1000.0
    msg = jax.random.normal(ks[4], (E, MSG), dtype=jnp.float32)
    Wq = jax.random.normal(ks[5], (H * DH, D), dtype=jnp.float32) * s
    bq = jax.random.normal(ks[6], (H * DH,), dtype=jnp.float32) * s
    Wk = jax.random.normal(ks[7], (H * DH, D), dtype=jnp.float32) * s
    bk = jax.random.normal(ks[8], (H * DH,), dtype=jnp.float32) * s
    Wv = jax.random.normal(ks[9], (H * DH, D), dtype=jnp.float32) * s
    bv = jax.random.normal(ks[10], (H * DH,), dtype=jnp.float32) * s
    We = jax.random.normal(ks[11], (H * DH, EDGE_DIM), dtype=jnp.float32) * s
    Ws = jax.random.normal(ks[12], (H * DH, D), dtype=jnp.float32) * s
    bs = jax.random.normal(ks[13], (H * DH,), dtype=jnp.float32) * s
    Wt = jax.random.normal(ks[14], (TDIM, 1), dtype=jnp.float32) * s
    bt = jax.random.normal(ks[15], (TDIM,), dtype=jnp.float32) * s
    return {"x": x, "last_update": last_update, "edge_index": edge_index, "t": t,
            "msg": msg, "Wq": Wq, "bq": bq, "Wk": Wk, "bk": bk, "Wv": Wv, "bv": bv,
            "We": We, "Ws": Ws, "bs": bs, "Wt": Wt, "bt": bt}


def reference(x, last_update, edge_index, t, msg, Wq, bq, Wk, bk, Wv, bv, We, Ws, bs, Wt, bt):
    src = edge_index[0]
    dst = edge_index[1]
    # TimeEncoder: cos(Linear(1 -> TDIM)(rel_t))
    rel_t = last_update[src] - t
    rel_t_enc = jnp.cos(rel_t[:, None] * Wt[:, 0][None, :] + bt[None, :])  # [E, TDIM]
    edge_attr = jnp.concatenate([rel_t_enc, msg], axis=-1)  # [E, EDGE_DIM]
    # TransformerConv(in=D, out=DH, heads=H, edge_dim=EDGE_DIM), dropout off (eval)
    q_all = x @ Wq.T + bq
    k_all = x @ Wk.T + bk
    v_all = x @ Wv.T + bv
    q = q_all[dst].reshape(E, H, DH)
    k = k_all[src].reshape(E, H, DH)
    v = v_all[src].reshape(E, H, DH)
    e = (edge_attr @ We.T).reshape(E, H, DH)  # lin_edge has no bias in PyG
    k = k + e
    alpha = (q * k).sum(-1) / jnp.sqrt(float(DH))  # [E, H]
    m = jax.ops.segment_max(alpha, dst, num_segments=N)
    m = jnp.where(jnp.isfinite(m), m, 0.0)
    ea = jnp.exp(alpha - m[dst])
    denom = jax.ops.segment_sum(ea, dst, num_segments=N)
    attn = ea / (denom[dst] + 1e-16)
    out_msgs = (attn[..., None] * (v + e)).reshape(E, H * DH)
    out = jax.ops.segment_sum(out_msgs, dst, num_segments=N)  # [N, H*DH]
    # root/skip connection (root_weight=True, beta=False)
    out = out + x @ Ws.T + bs
    return out

if __name__ == "__main__":
    import jax
    _d = setup_inputs()
    print(jax.jit(kernel)(*tuple(_d.values())))

</pallas_src>

<mosaic_0001>
#map = affine_map<(d0, d1) -> (0, 0)>
#map1 = affine_map<(d0, d1) -> (0)>
#map2 = affine_map<(d0, d1) -> (0, 0, 0)>
module attributes {stable_mosaic.version = 14 : i64} {
  func.func @scatter_kernel(%arg0: i32, %arg1: i32, %arg2: memref<320000x128xf32, #tpu.memory_space<hbm>>, %arg3: memref<2560000xf32, #tpu.memory_space<hbm>>, %arg4: memref<320000xi32, #tpu.memory_space<hbm>>, %arg5: memref<10240x128xf32, #tpu.memory_space<hbm>>, %arg6: memref<2x10240x128xf32, #tpu.memory_space<hbm>>, %arg7: memref<2x256x128xf32, #tpu.memory_space<hbm>>, %arg8: memref<2x80xi32, #tpu.memory_space<vmem>>, %arg9: memref<80xi32, #tpu.memory_space<vmem>>, %arg10: memref<2x80x128xf32, #tpu.memory_space<vmem>>, %arg11: memref<2x640xf32, #tpu.memory_space<vmem>>, %arg12: memref<80x128xf32, #tpu.memory_space<vmem>>, %arg13: memref<10240x128xf32, #tpu.memory_space<vmem_shared>>, %arg14: memref<256x128xf32, #tpu.memory_space<vmem_shared>>, %arg15: memref<!tpu.dma_semaphore, #tpu.memory_space<semaphore_mem>>, %arg16: memref<!tpu.dma_semaphore, #tpu.memory_space<semaphore_mem>>, %arg17: memref<!tpu.dma_semaphore, #tpu.memory_space<semaphore_mem>>, %arg18: memref<!tpu.dma_semaphore, #tpu.memory_space<semaphore_mem>>) attributes {dimension_semantics = [#tpu.dimension_semantics<core_parallel>, #tpu.dimension_semantics<subcore_parallel>], iteration_bounds = array<i64: 2, 16>, scalar_prefetch = 0 : i64, scratch_operands = 11 : i64, tpu.core_type = #tpu.core_type<sc_vector_subcore>, window_params = [{transform_indices = #map}, {transform_indices = #map1}, {transform_indices = #map1}, {transform_indices = #map}, {transform_indices = #map2}, {transform_indices = #map2}]} {
    %mul3A = arith.constant 2 : i32
    %mul3A_0 = arith.muli %arg1, %mul3A : i32
    %add3A = arith.addi %mul3A_0, %arg0 : i32
    %mul3A_1 = arith.constant 10000 : i32
    %mul3A_2 = arith.muli %add3A, %mul3A_1 : i32
    %mul3A_3 = arith.constant 640 : i32
    %mul3A_4 = arith.muli %arg1, %mul3A_3 : i32
    %mul3A_5 = arith.constant 16 : i32
    %mul3A_6 = arith.muli %arg1, %mul3A_5 : i32
    %broadcast_in_dim3A = arith.constant 0.000000e+00 : f32
    %broadcast_in_dim3A_7 = vector.broadcast %broadcast_in_dim3A : f32 to vector<16xf32>
    "tpu.region"() ({
      %run_scoped3A_1045 = tpu.sem_alloc : memref<!tpu.dma_semaphore, #tpu.memory_space<semaphore_mem>>
      %dma_start3A_1046 = arith.constant 0 : i32
      %dma_start3A_1047 = tpu.memref_slice %arg13[%mul3A_4, %dma_start3A_1046] : memref<10240x128xf32, #tpu.memory_space<vmem_shared>> -> memref<640x128xf32, #tpu.memory_space<vmem_shared>>
      %dma_start3A_1048 = arith.constant 0 : i32
      %dma_start3A_1049 = tpu.memref_slice %arg5[%mul3A_4, %dma_start3A_1048] : memref<10240x128xf32, #tpu.memory_space<hbm>> -> memref<640x128xf32, #tpu.memory_space<hbm>>
      tpu.enqueue_dma source(%dma_start3A_1049 : memref<640x128xf32, #tpu.memory_space<hbm>>) target(%dma_start3A_1047 : memref<640x128xf32, #tpu.memory_space<vmem_shared>>) target_semaphore(%run_scoped3A_1045 : memref<!tpu.dma_semaphore, #tpu.memory_space<semaphore_mem>>)
      %dma_wait3A_1050 = arith.constant 0 : i32
      %dma_wait3A_1051 = tpu.memref_slice %arg13[%mul3A_4, %dma_wait3A_1050] : memref<10240x128xf32, #tpu.memory_space<vmem_shared>> -> memref<640x128xf32, #tpu.memory_space<vmem_shared>>
      %dma_wait3A_1052 = arith.constant 0 : i32
      %dma_wait3A_1053 = tpu.memref_slice %arg5[%mul3A_4, %dma_wait3A_1052] : memref<10240x128xf32, #tpu.memory_space<hbm>> -> memref<640x128xf32, #tpu.memory_space<hbm>>
      tpu.wait_dma2 semaphore(%run_scoped3A_1045 : memref<!tpu.dma_semaphore, #tpu.memory_space<semaphore_mem>>) src(%dma_wait3A_1053 : memref<640x128xf32, #tpu.memory_space<hbm>>) dst(%dma_wait3A_1051 : memref<640x128xf32, #tpu.memory_space<vmem_shared>>)
      tpu.yield
    }) : () -> ()
    "tpu.region"() ({
      %run_scoped3A_1045 = tpu.sem_alloc : memref<!tpu.dma_semaphore, #tpu.memory_space<semaphore_mem>>
      %dma_start3A_1046 = arith.constant 0 : i32
      %dma_start3A_1047 = tpu.memref_slice %arg14[%mul3A_6, %dma_start3A_1046] : memref<256x128xf32, #tpu.memory_space<vmem_shared>> -> memref<16x128xf32, #tpu.memory_space<vmem_shared>>
      %dma_start3A_1048 = arith.constant 0 : i32
      %dma_start3A_1049 = tpu.memref_slice %arg5[%mul3A_6, %dma_start3A_1048] : memref<10240x128xf32, #tpu.memory_space<hbm>> -> memref<16x128xf32, #tpu.memory_space<hbm>>
      tpu.enqueue_dma source(%dma_start3A_1049 : memref<16x128xf32, #tpu.memory_space<hbm>>) target(%dma_start3A_1047 : memref<16x128xf32, #tpu.memory_space<vmem_shared>>) target_semaphore(%run_scoped3A_1045 : memref<!tpu.dma_semaphore, #tpu.memory_space<semaphore_mem>>)
      %dma_wait3A_1050 = arith.constant 0 : i32
      %dma_wait3A_1051 = tpu.memref_slice %arg14[%mul3A_6, %dma_wait3A_1050] : memref<256x128xf32, #tpu.memory_space<vmem_shared>> -> memref<16x128xf32, #tpu.memory_space<vmem_shared>>
      %dma_wait3A_1052 = arith.constant 0 : i32
      %dma_wait3A_1053 = tpu.memref_slice %arg5[%mul3A_6, %dma_wait3A_1052] : memref<10240x128xf32, #tpu.memory_space<hbm>> -> memref<16x128xf32, #tpu.memory_space<hbm>>
      tpu.wait_dma2 semaphore(%run_scoped3A_1045 : memref<!tpu.dma_semaphore, #tpu.memory_space<semaphore_mem>>) src(%dma_wait3A_1053 : memref<16x128xf32, #tpu.memory_space<hbm>>) dst(%dma_wait3A_1051 : memref<16x128xf32, #tpu.memory_space<vmem_shared>>)
      tpu.yield
    }) : () -> ()
    %scan3A = arith.constant 0 : i32
    %scan3A_8 = arith.constant 80 : i32
    %scan3A_9 = arith.addi %scan3A, %scan3A_8 : i32
    %scan3A_10 = arith.constant 1 : i32
    scf.for %scan3A_1045 = %scan3A to %scan3A_9 step %scan3A_10  : i32 {
      %mul3A_1046 = arith.constant 1 : i32
      %mul3A_1047 = arith.muli %scan3A_1045, %mul3A_1046 : i32
      %add3A_1048 = arith.constant 0 : i32
      %add3A_1049 = arith.addi %add3A_1048, %mul3A_1047 : i32
      %swap3A_1050 = arith.index_cast %add3A_1049 : i32 to index
      %swap3A_1051 = arith.constant 0 : index
      %swap3A_1052 = tpu.vector_load %arg12[%swap3A_1050, %swap3A_1051] {strides = array<i32>} : memref<80x128xf32, #tpu.memory_space<vmem>>, vector<16xf32>,
      tpu.vector_store %arg12[%swap3A_1050, %swap3A_1051], %broadcast_in_dim3A_7 {strides = array<i32>} : memref<80x128xf32, #tpu.memory_space<vmem>>, vector<16xf32>,
      %swap3A_1053 = arith.index_cast %add3A_1049 : i32 to index
      %swap3A_1054 = arith.constant 16 : index
      %swap3A_1055 = tpu.vector_load %arg12[%swap3A_1053, %swap3A_1054] {strides = array<i32>} : memref<80x128xf32, #tpu.memory_space<vmem>>, vector<16xf32>,
      tpu.vector_store %arg12[%swap3A_1053, %swap3A_1054], %broadcast_in_dim3A_7 {strides = array<i32>} : memref<80x128xf32, #tpu.memory_space<vmem>>, vector<16xf32>,
      %swap3A_1056 = arith.index_cast %add3A_1049 : i32 to index
      %swap3A_1057 = arith.constant 32 : index
      %swap3A_1058 = tpu.vector_load %arg12[%swap3A_1056, %swap3A_1057] {strides = array<i32>} : memref<80x128xf32, #tpu.memory_space<vmem>>, vector<16xf32>,
      tpu.vector_store %arg12[%swap3A_1056, %swap3A_1057], %broadcast_in_dim3A_7 {strides = array<i32>} : memref<80x128xf32, #tpu.memory_space<vmem>>, vector<16xf32>,
      %swap3A_1059 = arith.index_cast %add3A_1049 : i32 to index
      %swap3A_1060 = arith.constant 48 : index
      %swap3A_1061 = tpu.vector_load %arg12[%swap3A_1059, %swap3A_1060] {strides = array<i32>} : memref<80x128xf32, #tpu.memory_space<vmem>>, vector<16xf32>,
      tpu.vector_store %arg12[%swap3A_1059, %swap3A_1060], %broadcast_in_dim3A_7 {strides = array<i32>} : memref<80x128xf32, #tpu.memory_space<vmem>>, vector<16xf32>,
      %swap3A_1062 = arith.index_cast %add3A_1049 : i32 to index
      %swap3A_1063 = arith.constant 64 : index
      %swap3A_1064 = tpu.vector_load %arg12[%swap3A_1062, %swap3A_1063] {strides = array<i32>} : memref<80x128xf32, #tpu.memory_space<vmem>>, vector<16xf32>,
      tpu.vector_store %arg12[%swap3A_1062, %swap3A_1063], %broadcast_in_dim3A_7 {strides = array<i32>} : memref<80x128xf32, #tpu.memory_space<vmem>>, vector<16xf32>,
      %swap3A_1065 = arith.index_cast %add3A_1049 : i32 to index
      %swap3A_1066 = arith.constant 80 : index
      %swap3A_1067 = tpu.vector_load %arg12[%swap3A_1065, %swap3A_1066] {strides = array<i32>} : memref<80x128xf32, #tpu.memory_space<vmem>>, vector<16xf32>,
      tpu.vector_store %arg12[%swap3A_1065, %swap3A_1066], %broadcast_in_dim3A_7 {strides = array<i32>} : memref<80x128xf32, #tpu.memory_space<vmem>>, vector<16xf32>,
      %swap3A_1068 = arith.index_cast %add3A_1049 : i32 to index
      %swap3A_1069 = arith.constant 96 : index
      %swap3A_1070 = tpu.vector_load %arg12[%swap3A_1068, %swap3A_1069] {strides = array<i32>} : memref<80x128xf32, #tpu.memory_space<vmem>>, vector<16xf32>,
      tpu.vector_store %arg12[%swap3A_1068, %swap3A_1069], %broadcast_in_dim3A_7 {strides = array<i32>} : memref<80x128xf32, #tpu.memory_space<vmem>>, vector<16xf32>,
      %swap3A_1071 = arith.index_cast %add3A_1049 : i32 to index
      %swap3A_1072 = arith.constant 112 : index
      %swap3A_1073 = tpu.vector_load %arg12[%swap3A_1071, %swap3A_1072] {strides = array<i32>} : memref<80x128xf32, #tpu.memory_space<vmem>>, vector<16xf32>,
      tpu.vector_store %arg12[%swap3A_1071, %swap3A_1072], %broadcast_in_dim3A_7 {strides = array<i32>} : memref<80x128xf32, #tpu.memory_space<vmem>>, vector<16xf32>,
    }
    %scan3A_11 = arith.constant 80 : i32
    %barrier3A = arith.constant 0 : index
    tpu.barrier barrier_id(%barrier3A)
    %add3A_12 = arith.constant 0 : i32
    %add3A_13 = arith.addi %mul3A_2, %add3A_12 : i32
    %min3A = arith.constant 319920 : i32
    %min3A_14 = arith.minsi %add3A_13, %min3A : i32
    %dma_start3A = arith.constant 0 : i32
    %dma_start3A_15 = arith.constant 0 : i32
    %dma_start3A_16 = tpu.memref_slice %arg8[%dma_start3A, %dma_start3A_15] : memref<2x80xi32, #tpu.memory_space<vmem>> -> memref<1x80xi32, #tpu.memory_space<vmem>>
    %dma_start3A_17 = tpu.memref_squeeze %dma_start3A_16 : memref<1x80xi32, #tpu.memory_space<vmem>> -> memref<80xi32, #tpu.memory_space<vmem>>
    %dma_start3A_18 = tpu.memref_slice %arg4[%min3A_14] : memref<320000xi32, #tpu.memory_space<hbm>> -> memref<80xi32, #tpu.memory_space<hbm>>
    %dma_start3A_19 = arith.constant 0 : i32
    %dma_start3A_20 = tpu.memref_slice %arg8[%dma_start3A, %dma_start3A_19] : memref<2x80xi32, #tpu.memory_space<vmem>> -> memref<1x80xi32, #tpu.memory_space<vmem>>
    %dma_start3A_21 = tpu.memref_squeeze %dma_start3A_20 : memref<1x80xi32, #tpu.memory_space<vmem>> -> memref<80xi32, #tpu.memory_space<vmem>>
    %dma_start3A_22 = tpu.memref_slice %arg4[%min3A_14] : memref<320000xi32, #tpu.memory_space<hbm>> -> memref<80xi32, #tpu.memory_space<hbm>>
    tpu.enqueue_dma source(%dma_start3A_22 : memref<80xi32, #tpu.memory_space<hbm>>) target(%dma_start3A_21 : memref<80xi32, #tpu.memory_space<vmem>>) target_semaphore(%arg15 : memref<!tpu.dma_semaphore, #tpu.memory_space<semaphore_mem>>)
    %dma_start3A_23 = arith.constant 0 : i32
    %dma_start3A_24 = arith.constant 0 : i32
    %dma_start3A_25 = arith.constant 0 : i32
    %dma_start3A_26 = tpu.memref_slice %arg10[%dma_start3A_23, %dma_start3A_24, %dma_start3A_25] : memref<2x80x128xf32, #tpu.memory_space<vmem>> -> memref<1x80x128xf32, #tpu.memory_space<vmem>>
    %dma_start3A_27 = tpu.memref_squeeze %dma_start3A_26 : memref<1x80x128xf32, #tpu.memory_space<vmem>> -> memref<80x128xf32, #tpu.memory_space<vmem>>
    %dma_start3A_28 = arith.constant 0 : i32
    %dma_start3A_29 = tpu.memref_slice %arg2[%min3A_14, %dma_start3A_28] : memref<320000x128xf32, #tpu.memory_space<hbm>> -> memref<80x128xf32, #tpu.memory_space<hbm>>
    %dma_start3A_30 = arith.constant 0 : i32
    %dma_start3A_31 = arith.constant 0 : i32
    %dma_start3A_32 = tpu.memref_slice %arg10[%dma_start3A_23, %dma_start3A_30, %dma_start3A_31] : memref<2x80x128xf32, #tpu.memory_space<vmem>> -> memref<1x80x128xf32, #tpu.memory_space<vmem>>
    %dma_start3A_33 = tpu.memref_squeeze %dma_start3A_32 : memref<1x80x128xf32, #tpu.memory_space<vmem>> -> memref<80x128xf32, #tpu.memory_space<vmem>>
    %dma_start3A_34 = arith.constant 0 : i32
    %dma_start3A_35 = tpu.memref_slice %arg2[%min3A_14, %dma_start3A_34] : memref<320000x128xf32, #tpu.memory_space<hbm>> -> memref<80x128xf32, #tpu.memory_space<hbm>>
    tpu.enqueue_dma source(%dma_start3A_35 : memref<80x128xf32, #tpu.memory_space<hbm>>) target(%dma_start3A_33 : memref<80x128xf32, #tpu.memory_space<vmem>>) target_semaphore(%arg15 : memref<!tpu.dma_semaphore, #tpu.memory_space<semaphore_mem>>)
    %mul3A_36 = arith.constant 8 : i32
    %mul3A_37 = arith.muli %min3A_14, %mul3A_36 : i32
    %dma_start3A_38 = arith.constant 0 : i32
    %dma_start3A_39 = arith.constant 0 : i32
    %dma_start3A_40 = tpu.memref_slice %arg11[%dma_start3A_38, %dma_start3A_39] : memref<2x640xf32, #tpu.memory_space<vmem>> -> memref<1x640xf32, #tpu.memory_space<vmem>>
    %dma_start3A_41 = tpu.memref_squeeze %dma_start3A_40 : memref<1x640xf32, #tpu.memory_space<vmem>> -> memref<640xf32, #tpu.memory_space<vmem>>
    %dma_start3A_42 = tpu.memref_slice %arg3[%mul3A_37] : memref<2560000xf32, #tpu.memory_space<hbm>> -> memref<640xf32, #tpu.memory_space<hbm>>
    %dma_start3A_43 = arith.constant 0 : i32
    %dma_start3A_44 = tpu.memref_slice %arg11[%dma_start3A_38, %dma_start3A_43] : memref<2x640xf32, #tpu.memory_space<vmem>> -> memref<1x640xf32, #tpu.memory_space<vmem>>
    %dma_start3A_45 = tpu.memref_squeeze %dma_start3A_44 : memref<1x640xf32, #tpu.memory_space<vmem>> -> memref<640xf32, #tpu.memory_space<vmem>>
    %dma_start3A_46 = tpu.memref_slice %arg3[%mul3A_37] : memref<2560000xf32, #tpu.memory_space<hbm>> -> memref<640xf32, #tpu.memory_space<hbm>>
    tpu.enqueue_dma source(%dma_start3A_46 : memref<640xf32, #tpu.memory_space<hbm>>) target(%dma_start3A_45 : memref<640xf32, #tpu.memory_space<vmem>>) target_semaphore(%arg15 : memref<!tpu.dma_semaphore, #tpu.memory_space<semaphore_mem>>)
    %add3A_47 = arith.constant 80 : i32
    %add3A_48 = arith.addi %mul3A_2, %add3A_47 : i32
    %min3A_49 = arith.constant 319920 : i32
    %min3A_50 = arith.minsi %add3A_48, %min3A_49 : i32
    %dma_start3A_51 = arith.constant 1 : i32
    %dma_start3A_52 = arith.constant 0 : i32
    %dma_start3A_53 = tpu.memref_slice %arg8[%dma_start3A_51, %dma_start3A_52] : memref<2x80xi32, #tpu.memory_space<vmem>> -> memref<1x80xi32, #tpu.memory_space<vmem>>
    %dma_start3A_54 = tpu.memref_squeeze %dma_start3A_53 : memref<1x80xi32, #tpu.memory_space<vmem>> -> memref<80xi32, #tpu.memory_space<vmem>>
    %dma_start3A_55 = tpu.memref_slice %arg4[%min3A_50] : memref<320000xi32, #tpu.memory_space<hbm>> -> memref<80xi32, #tpu.memory_space<hbm>>
    %dma_start3A_56 = arith.constant 0 : i32
    %dma_start3A_57 = tpu.memref_slice %arg8[%dma_start3A_51, %dma_start3A_56] : memref<2x80xi32, #tpu.memory_space<vmem>> -> memref<1x80xi32, #tpu.memory_space<vmem>>
    %dma_start3A_58 = tpu.memref_squeeze %dma_start3A_57 : memref<1x80xi32, #tpu.memory_space<vmem>> -> memref<80xi32, #tpu.memory_space<vmem>>
    %dma_start3A_59 = tpu.memref_slice %arg4[%min3A_50] : memref<320000xi32, #tpu.memory_space<hbm>> -> memref<80xi32, #tpu.memory_space<hbm>>
    tpu.enqueue_dma source(%dma_start3A_59 : memref<80xi32, #tpu.memory_space<hbm>>) target(%dma_start3A_58 : memref<80xi32, #tpu.memory_space<vmem>>) target_semaphore(%arg16 : memref<!tpu.dma_semaphore, #tpu.memory_space<semaphore_mem>>)
    %dma_start3A_60 = arith.constant 1 : i32
    %dma_start3A_61 = arith.constant 0 : i32
    %dma_start3A_62 = arith.constant 0 : i32
    %dma_start3A_63 = tpu.memref_slice %arg10[%dma_start3A_60, %dma_start3A_61, %dma_start3A_62] : memref<2x80x128xf32, #tpu.memory_space<vmem>> -> memref<1x80x128xf32, #tpu.memory_space<vmem>>
    %dma_start3A_64 = tpu.memref_squeeze %dma_start3A_63 : memref<1x80x128xf32, #tpu.memory_space<vmem>> -> memref<80x128xf32, #tpu.memory_space<vmem>>
    %dma_start3A_65 = arith.constant 0 : i32
    %dma_start3A_66 = tpu.memref_slice %arg2[%min3A_50, %dma_start3A_65] : memref<320000x128xf32, #tpu.memory_space<hbm>> -> memref<80x128xf32, #tpu.memory_space<hbm>>
    %dma_start3A_67 = arith.constant 0 : i32
    %dma_start3A_68 = arith.constant 0 : i32
    %dma_start3A_69 = tpu.memref_slice %arg10[%dma_start3A_60, %dma_start3A_67, %dma_start3A_68] : memref<2x80x128xf32, #tpu.memory_space<vmem>> -> memref<1x80x128xf32, #tpu.memory_space<vmem>>
    %dma_start3A_70 = tpu.memref_squeeze %dma_start3A_69 : memref<1x80x128xf32, #tpu.memory_space<vmem>> -> memref<80x128xf32, #tpu.memory_space<vmem>>
    %dma_start3A_71 = arith.constant 0 : i32
    %dma_start3A_72 = tpu.memref_slice %arg2[%min3A_50, %dma_start3A_71] : memref<320000x128xf32, #tpu.memory_space<hbm>> -> memref<80x128xf32, #tpu.memory_space<hbm>>
    tpu.enqueue_dma source(%dma_start3A_72 : memref<80x128xf32, #tpu.memory_space<hbm>>) target(%dma_start3A_70 : memref<80x128xf32, #tpu.memory_space<vmem>>) target_semaphore(%arg16 : memref<!tpu.dma_semaphore, #tpu.memory_space<semaphore_mem>>)
    %mul3A_73 = arith.constant 8 : i32
    %mul3A_74 = arith.muli %min3A_50, %mul3A_73 : i32
    %dma_start3A_75 = arith.constant 1 : i32
    %dma_start3A_76 = arith.constant 0 : i32
    %dma_start3A_77 = tpu.memref_slice %arg11[%dma_start3A_75, %dma_start3A_76] : memref<2x640xf32, #tpu.memory_space<vmem>> -> memref<1x640xf32, #tpu.memory_space<vmem>>
    %dma_start3A_78 = tpu.memref_squeeze %dma_start3A_77 : memref<1x640xf32, #tpu.memory_space<vmem>> -> memref<640xf32, #tpu.memory_space<vmem>>
    %dma_start3A_79 = tpu.memref_slice %arg3[%mul3A_74] : memref<2560000xf32, #tpu.memory_space<hbm>> -> memref<640xf32, #tpu.memory_space<hbm>>
    %dma_start3A_80 = arith.constant 0 : i32
    %dma_start3A_81 = tpu.memref_slice %arg11[%dma_start3A_75, %dma_start3A_80] : memref<2x640xf32, #tpu.memory_space<vmem>> -> memref<1x640xf32, #tpu.memory_space<vmem>>
    %dma_start3A_82 = tpu.memref_squeeze %dma_start3A_81 : memref<1x640xf32, #tpu.memory_space<vmem>> -> memref<640xf32, #tpu.memory_space<vmem>>
    %dma_start3A_83 = tpu.memref_slice %arg3[%mul3A_74] : memref<2560000xf32, #tpu.memory_space<hbm>> -> memref<640xf32, #tpu.memory_space<hbm>>
    tpu.enqueue_dma source(%dma_start3A_83 : memref<640xf32, #tpu.memory_space<hbm>>) target(%dma_start3A_82 : memref<640xf32, #tpu.memory_space<vmem>>) target_semaphore(%arg16 : memref<!tpu.dma_semaphore, #tpu.memory_space<semaphore_mem>>)
    %dma_wait3A = arith.constant 0 : i32
    %dma_wait3A_84 = arith.constant 0 : i32
    %dma_wait3A_85 = tpu.memref_slice %arg8[%dma_wait3A, %dma_wait3A_84] : memref<2x80xi32, #tpu.memory_space<vmem>> -> memref<1x80xi32, #tpu.memory_space<vmem>>
    %dma_wait3A_86 = tpu.memref_squeeze %dma_wait3A_85 : memref<1x80xi32, #tpu.memory_space<vmem>> -> memref<80xi32, #tpu.memory_space<vmem>>
    %dma_wait3A_87 = arith.constant 0 : i32
    %dma_wait3A_88 = tpu.memref_slice %arg4[%dma_wait3A_87] : memref<320000xi32, #tpu.memory_space<hbm>> -> memref<80xi32, #tpu.memory_space<hbm>>
    %dma_wait3A_89 = arith.constant 0 : i32
    %dma_wait3A_90 = tpu.memref_slice %arg8[%dma_wait3A, %dma_wait3A_89] : memref<2x80xi32, #tpu.memory_space<vmem>> -> memref<1x80xi32, #tpu.memory_space<vmem>>
    %dma_wait3A_91 = tpu.memref_squeeze %dma_wait3A_90 : memref<1x80xi32, #tpu.memory_space<vmem>> -> memref<80xi32, #tpu.memory_space<vmem>>
    %dma_wait3A_92 = arith.constant 0 : i32
    %dma_wait3A_93 = tpu.memref_slice %arg4[%dma_wait3A_92] : memref<320000xi32, #tpu.memory_space<hbm>> -> memref<80xi32, #tpu.memory_space<hbm>>
    tpu.wait_dma2 semaphore(%arg15 : memref<!tpu.dma_semaphore, #tpu.memory_space<semaphore_mem>>) src(%dma_wait3A_93 : memref<80xi32, #tpu.memory_space<hbm>>) dst(%dma_wait3A_91 : memref<80xi32, #tpu.memory_space<vmem>>)
    %dma_wait3A_94 = arith.constant 0 : i32
    %dma_wait3A_95 = arith.constant 0 : i32
    %dma_wait3A_96 = arith.constant 0 : i32
    %dma_wait3A_97 = tpu.memref_slice %arg10[%dma_wait3A_94, %dma_wait3A_95, %dma_wait3A_96] : memref<2x80x128xf32, #tpu.memory_space<vmem>> -> memref<1x80x128xf32, #tpu.memory_space<vmem>>
    %dma_wait3A_98 = tpu.memref_squeeze %dma_wait3A_97 : memref<1x80x128xf32, #tpu.memory_space<vmem>> -> memref<80x128xf32, #tpu.memory_space<vmem>>
    %dma_wait3A_99 = arith.constant 0 : i32
    %dma_wait3A_100 = arith.constant 0 : i32
    %dma_wait3A_101 = tpu.memref_slice %arg2[%dma_wait3A_99, %dma_wait3A_100] : memref<320000x128xf32, #tpu.memory_space<hbm>> -> memref<80x128xf32, #tpu.memory_space<hbm>>
    %dma_wait3A_102 = arith.constant 0 : i32
    %dma_wait3A_103 = arith.constant 0 : i32
    %dma_wait3A_104 = tpu.memref_slice %arg10[%dma_wait3A_94, %dma_wait3A_102, %dma_wait3A_103] : memref<2x80x128xf32, #tpu.memory_space<vmem>> -> memref<1x80x128xf32, #tpu.memory_space<vmem>>
    %dma_wait3A_105 = tpu.memref_squeeze %dma_wait3A_104 : memref<1x80x128xf32, #tpu.memory_space<vmem>> -> memref<80x128xf32, #tpu.memory_space<vmem>>
    %dma_wait3A_106 = arith.constant 0 : i32
    %dma_wait3A_107 = arith.constant 0 : i32
    %dma_wait3A_108 = tpu.memref_slice %arg2[%dma_wait3A_106, %dma_wait3A_107] : memref<320000x128xf32, #tpu.memory_space<hbm>> -> memref<80x128xf32, #tpu.memory_space<hbm>>
    tpu.wait_dma2 semaphore(%arg15 : memref<!tpu.dma_semaphore, #tpu.memory_space<semaphore_mem>>) src(%dma_wait3A_108 : memref<80x128xf32, #tpu.memory_space<hbm>>) dst(%dma_wait3A_105 : memref<80x128xf32, #tpu.memory_space<vmem>>)
    %dma_wait3A_109 = arith.constant 0 : i32
    %dma_wait3A_110 = arith.constant 0 : i32
    %dma_wait3A_111 = tpu.memref_slice %arg11[%dma_wait3A_109, %dma_wait3A_110] : memref<2x640xf32, #tpu.memory_space<vmem>> -> memref<1x640xf32, #tpu.memory_space<vmem>>
    %dma_wait3A_112 = tpu.memref_squeeze %dma_wait3A_111 : memref<1x640xf32, #tpu.memory_space<vmem>> -> memref<640xf32, #tpu.memory_space<vmem>>
    %dma_wait3A_113 = arith.constant 0 : i32
    %dma_wait3A_114 = tpu.memref_slice %arg3[%dma_wait3A_113] : memref<2560000xf32, #tpu.memory_space<hbm>> -> memref<640xf32, #tpu.memory_space<hbm>>
    %dma_wait3A_115 = arith.constant 0 : i32
    %dma_wait3A_116 = tpu.memref_slice %arg11[%dma_wait3A_109, %dma_wait3A_115] : memref<2x640xf32, #tpu.memory_space<vmem>> -> memref<1x640xf32, #tpu.memory_space<vmem>>
    %dma_wait3A_117 = tpu.memref_squeeze %dma_wait3A_116 : memref<1x640xf32, #tpu.memory_space<vmem>> -> memref<640xf32, #tpu.memory_space<vmem>>
    %dma_wait3A_118 = arith.constant 0 : i32
    %dma_wait3A_119 = tpu.memref_slice %arg3[%dma_wait3A_118] : memref<2560000xf32, #tpu.memory_space<hbm>> -> memref<640xf32, #tpu.memory_space<hbm>>
    tpu.wait_dma2 semaphore(%arg15 : memref<!tpu.dma_semaphore, #tpu.memory_space<semaphore_mem>>) src(%dma_wait3A_119 : memref<640xf32, #tpu.memory_space<hbm>>) dst(%dma_wait3A_117 : memref<640xf32, #tpu.memory_space<vmem>>)
    %get3A = arith.constant 0 : i32
    %get3A_120 = arith.index_cast %get3A : i32 to index
    %get3A_121 = arith.constant 0 : index
    %get3A_122 = tpu.vector_load %arg8[%get3A_120, %get3A_121] {strides = array<i32>} : memref<2x80xi32, #tpu.memory_space<vmem>>, vector<16xi32>,
    %iota3A = tpu.iota {dimensions = array<i32: 0>} : vector<16xi32>
    %add3A_123 = arith.constant 0 : i32
    %add3A_124 = vector.broadcast %add3A_123 : i32 to vector<16xi32>
    %add3A_125 = arith.addi %iota3A, %add3A_124 : vector<16xi32>
    %and3A = arith.constant 63 : i32
    %and3A_126 = vector.broadcast %and3A : i32 to vector<16xi32>
    %and3A_127 = arith.andi %get3A_122, %and3A_126 : vector<16xi32>
    %shift_left3A = arith.constant 1 : i32
    %shift_left3A_128 = vector.broadcast %shift_left3A : i32 to vector<16xi32>
    %shift_left3A_129 = arith.shli %and3A_127, %shift_left3A_128 : vector<16xi32>
    %shift_left3A_130 = arith.constant 3 : i32
    %shift_left3A_131 = vector.broadcast %shift_left3A_130 : i32 to vector<16xi32>
    %shift_left3A_132 = arith.shli %add3A_125, %shift_left3A_131 : vector<16xi32>
    %iota3A_133 = tpu.iota {dimensions = array<i32: 0>} : vector<16xi32>
    %mul3A_134 = arith.constant 0 : i32
    %mul3A_135 = vector.broadcast %mul3A_134 : i32 to vector<16xi32>
    %mul3A_136 = arith.muli %iota3A_133, %mul3A_135 : vector<16xi32>
    %add3A_137 = arith.constant 0 : i32
    %add3A_138 = vector.broadcast %add3A_137 : i32 to vector<16xi32>
    %add3A_139 = arith.addi %mul3A_136, %add3A_138 : vector<16xi32>
    %gather3A = tpu.vector_load_idx %arg11[%add3A_139, %shift_left3A_132] : memref<2x640xf32, #tpu.memory_space<vmem>>[vector<16xi32>, vector<16xi32>], vector<16xf32>,
    %add3A_140 = arith.constant 1 : i32
    %add3A_141 = vector.broadcast %add3A_140 : i32 to vector<16xi32>
    %add3A_142 = arith.addi %shift_left3A_132, %add3A_141 : vector<16xi32>
    %gather3A_143 = tpu.vector_load_idx %arg11[%add3A_139, %add3A_142] : memref<2x640xf32, #tpu.memory_space<vmem>>[vector<16xi32>, vector<16xi32>], vector<16xf32>,
    tpu.vector_store_idx %arg12[%add3A_125, %shift_left3A_129], %gather3A : memref<80x128xf32, #tpu.memory_space<vmem>>[vector<16xi32>, vector<16xi32>], vector<16xf32>,
    %add3A_144 = arith.constant 1 : i32
    %add3A_145 = vector.broadcast %add3A_144 : i32 to vector<16xi32>
    %add3A_146 = arith.addi %shift_left3A_129, %add3A_145 : vector<16xi32>
    tpu.vector_store_idx %arg12[%add3A_125, %add3A_146], %gather3A_143 : memref<80x128xf32, #tpu.memory_space<vmem>>[vector<16xi32>, vector<16xi32>], vector<16xf32>,
    %shift_right_logical3A = arith.constant 6 : i32
    %shift_right_logical3A_147 = vector.broadcast %shift_right_logical3A : i32 to vector<16xi32>
    %shift_right_logical3A_148 = arith.shrui %get3A_122, %shift_right_logical3A_147 : vector<16xi32>
    %swap3A = arith.constant 0 : index
    %swap3A_149 = tpu.vector_load %arg9[%swap3A] {strides = array<i32>} : memref<80xi32, #tpu.memory_space<vmem>>, vector<16xi32>,
    tpu.vector_store %arg9[%swap3A], %shift_right_logical3A_148 {strides = array<i32>} : memref<80xi32, #tpu.memory_space<vmem>>, vector<16xi32>,
    %get3A_150 = arith.constant 0 : i32
    %get3A_151 = arith.index_cast %get3A_150 : i32 to index
    %get3A_152 = arith.constant 16 : index
    %get3A_153 = tpu.vector_load %arg8[%get3A_151, %get3A_152] {strides = array<i32>} : memref<2x80xi32, #tpu.memory_space<vmem>>, vector<16xi32>,
    %iota3A_154 = tpu.iota {dimensions = array<i32: 0>} : vector<16xi32>
    %add3A_155 = arith.constant 16 : i32
    %add3A_156 = vector.broadcast %add3A_155 : i32 to vector<16xi32>
    %add3A_157 = arith.addi %iota3A_154, %add3A_156 : vector<16xi32>
    %and3A_158 = arith.constant 63 : i32
    %and3A_159 = vector.broadcast %and3A_158 : i32 to vector<16xi32>
    %and3A_160 = arith.andi %get3A_153, %and3A_159 : vector<16xi32>
    %shift_left3A_161 = arith.constant 1 : i32
    %shift_left3A_162 = vector.broadcast %shift_left3A_161 : i32 to vector<16xi32>
    %shift_left3A_163 = arith.shli %and3A_160, %shift_left3A_162 : vector<16xi32>
    %shift_left3A_164 = arith.constant 3 : i32
    %shift_left3A_165 = vector.broadcast %shift_left3A_164 : i32 to vector<16xi32>
    %shift_left3A_166 = arith.shli %add3A_157, %shift_left3A_165 : vector<16xi32>
    %iota3A_167 = tpu.iota {dimensions = array<i32: 0>} : vector<16xi32>
    %mul3A_168 = arith.constant 0 : i32
    %mul3A_169 = vector.broadcast %mul3A_168 : i32 to vector<16xi32>
    %mul3A_170 = arith.muli %iota3A_167, %mul3A_169 : vector<16xi32>
    %add3A_171 = arith.constant 0 : i32
    %add3A_172 = vector.broadcast %add3A_171 : i32 to vector<16xi32>
    %add3A_173 = arith.addi %mul3A_170, %add3A_172 : vector<16xi32>
    %gather3A_174 = tpu.vector_load_idx %arg11[%add3A_173, %shift_left3A_166] : memref<2x640xf32, #tpu.memory_space<vmem>>[vector<16xi32>, vector<16xi32>], vector<16xf32>,
    %add3A_175 = arith.constant 1 : i32
    %add3A_176 = vector.broadcast %add3A_175 : i32 to vector<16xi32>
    %add3A_177 = arith.addi %shift_left3A_166, %add3A_176 : vector<16xi32>
    %gather3A_178 = tpu.vector_load_idx %arg11[%add3A_173, %add3A_177] : memref<2x640xf32, #tpu.memory_space<vmem>>[vector<16xi32>, vector<16xi32>], vector<16xf32>,
    tpu.vector_store_idx %arg12[%add3A_157, %shift_left3A_163], %gather3A_174 : memref<80x128xf32, #tpu.memory_space<vmem>>[vector<16xi32>, vector<16xi32>], vector<16xf32>,
    %add3A_179 = arith.constant 1 : i32
    %add3A_180 = vector.broadcast %add3A_179 : i32 to vector<16xi32>
    %add3A_181 = arith.addi %shift_left3A_163, %add3A_180 : vector<16xi32>
    tpu.vector_store_idx %arg12[%add3A_157, %add3A_181], %gather3A_178 : memref<80x128xf32, #tpu.memory_space<vmem>>[vector<16xi32>, vector<16xi32>], vector<16xf32>,
    %shift_right_logical3A_182 = arith.constant 6 : i32
    %shift_right_logical3A_183 = vector.broadcast %shift_right_logical3A_182 : i32 to vector<16xi32>
    %shift_right_logical3A_184 = arith.shrui %get3A_153, %shift_right_logical3A_183 : vector<16xi32>
    %swap3A_185 = arith.constant 16 : index
    %swap3A_186 = tpu.vector_load %arg9[%swap3A_185] {strides = array<i32>} : memref<80xi32, #tpu.memory_space<vmem>>, vector<16xi32>,
    tpu.vector_store %arg9[%swap3A_185], %shift_right_logical3A_184 {strides = array<i32>} : memref<80xi32, #tpu.memory_space<vmem>>, vector<16xi32>,
    %get3A_187 = arith.constant 0 : i32
    %get3A_188 = arith.index_cast %get3A_187 : i32 to index
    %get3A_189 = arith.constant 32 : index
    %get3A_190 = tpu.vector_load %arg8[%get3A_188, %get3A_189] {strides = array<i32>} : memref<2x80xi32, #tpu.memory_space<vmem>>, vector<16xi32>,
    %iota3A_191 = tpu.iota {dimensions = array<i32: 0>} : vector<16xi32>
    %add3A_192 = arith.constant 32 : i32
    %add3A_193 = vector.broadcast %add3A_192 : i32 to vector<16xi32>
    %add3A_194 = arith.addi %iota3A_191, %add3A_193 : vector<16xi32>
    %and3A_195 = arith.constant 63 : i32
    %and3A_196 = vector.broadcast %and3A_195 : i32 to vector<16xi32>
    %and3A_197 = arith.andi %get3A_190, %and3A_196 : vector<16xi32>
    %shift_left3A_198 = arith.constant 1 : i32
    %shift_left3A_199 = vector.broadcast %shift_left3A_198 : i32 to vector<16xi32>
    %shift_left3A_200 = arith.shli %and3A_197, %shift_left3A_199 : vector<16xi32>
    %shift_left3A_201 = arith.constant 3 : i32
    %shift_left3A_202 = vector.broadcast %shift_left3A_201 : i32 to vector<16xi32>
    %shift_left3A_203 = arith.shli %add3A_194, %shift_left3A_202 : vector<16xi32>
    %iota3A_204 = tpu.iota {dimensions = array<i32: 0>} : vector<16xi32>
    %mul3A_205 = arith.constant 0 : i32
    %mul3A_206 = vector.broadcast %mul3A_205 : i32 to vector<16xi32>
    %mul3A_207 = arith.muli %iota3A_204, %mul3A_206 : vector<16xi32>
    %add3A_208 = arith.constant 0 : i32
    %add3A_209 = vector.broadcast %add3A_208 : i32 to vector<16xi32>
    %add3A_210 = arith.addi %mul3A_207, %add3A_209 : vector<16xi32>
    %gather3A_211 = tpu.vector_load_idx %arg11[%add3A_210, %shift_left3A_203] : memref<2x640xf32, #tpu.memory_space<vmem>>[vector<16xi32>, vector<16xi32>], vector<16xf32>,
    %add3A_212 = arith.constant 1 : i32
    %add3A_213 = vector.broadcast %add3A_212 : i32 to vector<16xi32>
    %add3A_214 = arith.addi %shift_left3A_203, %add3A_213 : vector<16xi32>
    %gather3A_215 = tpu.vector_load_idx %arg11[%add3A_210, %add3A_214] : memref<2x640xf32, #tpu.memory_space<vmem>>[vector<16xi32>, vector<16xi32>], vector<16xf32>,
    tpu.vector_store_idx %arg12[%add3A_194, %shift_left3A_200], %gather3A_211 : memref<80x128xf32, #tpu.memory_space<vmem>>[vector<16xi32>, vector<16xi32>], vector<16xf32>,
    %add3A_216 = arith.constant 1 : i32
    %add3A_217 = vector.broadcast %add3A_216 : i32 to vector<16xi32>
    %add3A_218 = arith.addi %shift_left3A_200, %add3A_217 : vector<16xi32>
    tpu.vector_store_idx %arg12[%add3A_194, %add3A_218], %gather3A_215 : memref<80x128xf32, #tpu.memory_space<vmem>>[vector<16xi32>, vector<16xi32>], vector<16xf32>,
    %shift_right_logical3A_219 = arith.constant 6 : i32
    %shift_right_logical3A_220 = vector.broadcast %shift_right_logical3A_219 : i32 to vector<16xi32>
    %shift_right_logical3A_221 = arith.shrui %get3A_190, %shift_right_logical3A_220 : vector<16xi32>
    %swap3A_222 = arith.constant 32 : index
    %swap3A_223 = tpu.vector_load %arg9[%swap3A_222] {strides = array<i32>} : memref<80xi32, #tpu.memory_space<vmem>>, vector<16xi32>,
    tpu.vector_store %arg9[%swap3A_222], %shift_right_logical3A_221 {strides = array<i32>} : memref<80xi32, #tpu.memory_space<vmem>>, vector<16xi32>,
    %get3A_224 = arith.constant 0 : i32
    %get3A_225 = arith.index_cast %get3A_224 : i32 to index
    %get3A_226 = arith.constant 48 : index
    %get3A_227 = tpu.vector_load %arg8[%get3A_225, %get3A_226] {strides = array<i32>} : memref<2x80xi32, #tpu.memory_space<vmem>>, vector<16xi32>,
    %iota3A_228 = tpu.iota {dimensions = array<i32: 0>} : vector<16xi32>
    %add3A_229 = arith.constant 48 : i32
    %add3A_230 = vector.broadcast %add3A_229 : i32 to vector<16xi32>
    %add3A_231 = arith.addi %iota3A_228, %add3A_230 : vector<16xi32>
    %and3A_232 = arith.constant 63 : i32
    %and3A_233 = vector.broadcast %and3A_232 : i32 to vector<16xi32>
    %and3A_234 = arith.andi %get3A_227, %and3A_233 : vector<16xi32>
    %shift_left3A_235 = arith.constant 1 : i32
    %shift_left3A_236 = vector.broadcast %shift_left3A_235 : i32 to vector<16xi32>
    %shift_left3A_237 = arith.shli %and3A_234, %shift_left3A_236 : vector<16xi32>
    %shift_left3A_238 = arith.constant 3 : i32
    %shift_left3A_239 = vector.broadcast %shift_left3A_238 : i32 to vector<16xi32>
    %shift_left3A_240 = arith.shli %add3A_231, %shift_left3A_239 : vector<16xi32>
    %iota3A_241 = tpu.iota {dimensions = array<i32: 0>} : vector<16xi32>
    %mul3A_242 = arith.constant 0 : i32
    %mul3A_243 = vector.broadcast %mul3A_242 : i32 to vector<16xi32>
    %mul3A_244 = arith.muli %iota3A_241, %mul3A_243 : vector<16xi32>
    %add3A_245 = arith.constant 0 : i32
    %add3A_246 = vector.broadcast %add3A_245 : i32 to vector<16xi32>
    %add3A_247 = arith.addi %mul3A_244, %add3A_246 : vector<16xi32>
    %gather3A_248 = tpu.vector_load_idx %arg11[%add3A_247, %shift_left3A_240] : memref<2x640xf32, #tpu.memory_space<vmem>>[vector<16xi32>, vector<16xi32>], vector<16xf32>,
    %add3A_249 = arith.constant 1 : i32
    %add3A_250 = vector.broadcast %add3A_249 : i32 to vector<16xi32>
    %add3A_251 = arith.addi %shift_left3A_240, %add3A_250 : vector<16xi32>
    %gather3A_252 = tpu.vector_load_idx %arg11[%add3A_247, %add3A_251] : memref<2x640xf32, #tpu.memory_space<vmem>>[vector<16xi32>, vector<16xi32>], vector<16xf32>,
    tpu.vector_store_idx %arg12[%add3A_231, %shift_left3A_237], %gather3A_248 : memref<80x128xf32, #tpu.memory_space<vmem>>[vector<16xi32>, vector<16xi32>], vector<16xf32>,
    %add3A_253 = arith.constant 1 : i32
    %add3A_254 = vector.broadcast %add3A_253 : i32 to vector<16xi32>
    %add3A_255 = arith.addi %shift_left3A_237, %add3A_254 : vector<16xi32>
    tpu.vector_store_idx %arg12[%add3A_231, %add3A_255], %gather3A_252 : memref<80x128xf32, #tpu.memory_space<vmem>>[vector<16xi32>, vector<16xi32>], vector<16xf32>,
    %shift_right_logical3A_256 = arith.constant 6 : i32
    %shift_right_logical3A_257 = vector.broadcast %shift_right_logical3A_256 : i32 to vector<16xi32>
    %shift_right_logical3A_258 = arith.shrui %get3A_227, %shift_right_logical3A_257 : vector<16xi32>
    %swap3A_259 = arith.constant 48 : index
    %swap3A_260 = tpu.vector_load %arg9[%swap3A_259] {strides = array<i32>} : memref<80xi32, #tpu.memory_space<vmem>>, vector<16xi32>,
    tpu.vector_store %arg9[%swap3A_259], %shift_right_logical3A_258 {strides = array<i32>} : memref<80xi32, #tpu.memory_space<vmem>>, vector<16xi32>,
    %get3A_261 = arith.constant 0 : i32
    %get3A_262 = arith.index_cast %get3A_261 : i32 to index
    %get3A_263 = arith.constant 64 : index
    %get3A_264 = tpu.vector_load %arg8[%get3A_262, %get3A_263] {strides = array<i32>} : memref<2x80xi32, #tpu.memory_space<vmem>>, vector<16xi32>,
    %iota3A_265 = tpu.iota {dimensions = array<i32: 0>} : vector<16xi32>
    %add3A_266 = arith.constant 64 : i32
    %add3A_267 = vector.broadcast %add3A_266 : i32 to vector<16xi32>
    %add3A_268 = arith.addi %iota3A_265, %add3A_267 : vector<16xi32>
    %and3A_269 = arith.constant 63 : i32
    %and3A_270 = vector.broadcast %and3A_269 : i32 to vector<16xi32>
    %and3A_271 = arith.andi %get3A_264, %and3A_270 : vector<16xi32>
    %shift_left3A_272 = arith.constant 1 : i32
    %shift_left3A_273 = vector.broadcast %shift_left3A_272 : i32 to vector<16xi32>
    %shift_left3A_274 = arith.shli %and3A_271, %shift_left3A_273 : vector<16xi32>
    %shift_left3A_275 = arith.constant 3 : i32
    %shift_left3A_276 = vector.broadcast %shift_left3A_275 : i32 to vector<16xi32>
    %shift_left3A_277 = arith.shli %add3A_268, %shift_left3A_276 : vector<16xi32>
    %iota3A_278 = tpu.iota {dimensions = array<i32: 0>} : vector<16xi32>
    %mul3A_279 = arith.constant 0 : i32
    %mul3A_280 = vector.broadcast %mul3A_279 : i32 to vector<16xi32>
    %mul3A_281 = arith.muli %iota3A_278, %mul3A_280 : vector<16xi32>
    %add3A_282 = arith.constant 0 : i32
    %add3A_283 = vector.broadcast %add3A_282 : i32 to vector<16xi32>
    %add3A_284 = arith.addi %mul3A_281, %add3A_283 : vector<16xi32>
    %gather3A_285 = tpu.vector_load_idx %arg11[%add3A_284, %shift_left3A_277] : memref<2x640xf32, #tpu.memory_space<vmem>>[vector<16xi32>, vector<16xi32>], vector<16xf32>,
    %add3A_286 = arith.constant 1 : i32
    %add3A_287 = vector.broadcast %add3A_286 : i32 to vector<16xi32>
    %add3A_288 = arith.addi %shift_left3A_277, %add3A_287 : vector<16xi32>
    %gather3A_289 = tpu.vector_load_idx %arg11[%add3A_284, %add3A_288] : memref<2x640xf32, #tpu.memory_space<vmem>>[vector<16xi32>, vector<16xi32>], vector<16xf32>,
    tpu.vector_store_idx %arg12[%add3A_268, %shift_left3A_274], %gather3A_285 : memref<80x128xf32, #tpu.memory_space<vmem>>[vector<16xi32>, vector<16xi32>], vector<16xf32>,
    %add3A_290 = arith.constant 1 : i32
    %add3A_291 = vector.broadcast %add3A_290 : i32 to vector<16xi32>
    %add3A_292 = arith.addi %shift_left3A_274, %add3A_291 : vector<16xi32>
    tpu.vector_store_idx %arg12[%add3A_268, %add3A_292], %gather3A_289 : memref<80x128xf32, #tpu.memory_space<vmem>>[vector<16xi32>, vector<16xi32>], vector<16xf32>,
    %shift_right_logical3A_293 = arith.constant 6 : i32
    %shift_right_logical3A_294 = vector.broadcast %shift_right_logical3A_293 : i32 to vector<16xi32>
    %shift_right_logical3A_295 = arith.shrui %get3A_264, %shift_right_logical3A_294 : vector<16xi32>
    %swap3A_296 = arith.constant 64 : index
    %swap3A_297 = tpu.vector_load %arg9[%swap3A_296] {strides = array<i32>} : memref<80xi32, #tpu.memory_space<vmem>>, vector<16xi32>,
    tpu.vector_store %arg9[%swap3A_296], %shift_right_logical3A_295 {strides = array<i32>} : memref<80xi32, #tpu.memory_space<vmem>>, vector<16xi32>,
    %run_scoped3A = arith.constant 0 : i32
    %run_scoped3A_298 = arith.constant 0 : i32
    "tpu.region"() ({
      %run_scoped3A_1045 = tpu.sem_alloc : memref<!tpu.dma_semaphore, #tpu.memory_space<semaphore_mem>>
      %dma_start3A_1046 = arith.constant 0 : i32
      %dma_start3A_1047 = arith.constant 0 : i32
      %dma_start3A_1048 = tpu.memref_slice %arg10[%run_scoped3A, %dma_start3A_1046, %dma_start3A_1047] : memref<2x80x128xf32, #tpu.memory_space<vmem>> -> memref<1x80x128xf32, #tpu.memory_space<vmem>>
      %dma_start3A_1049 = tpu.memref_squeeze %dma_start3A_1048 : memref<1x80x128xf32, #tpu.memory_space<vmem>> -> memref<80x128xf32, #tpu.memory_space<vmem>>
      %dma_start3A_1050 = arith.constant 0 : i32
      %dma_start3A_1051 = tpu.memref_slice %arg8[%run_scoped3A_298, %dma_start3A_1050] : memref<2x80xi32, #tpu.memory_space<vmem>> -> memref<1x80xi32, #tpu.memory_space<vmem>>
      %dma_start3A_1052 = tpu.memref_squeeze %dma_start3A_1051 : memref<1x80xi32, #tpu.memory_space<vmem>> -> memref<80xi32, #tpu.memory_space<vmem>>
      %dma_start3A_1053 = arith.constant 0 : i32
      %dma_start3A_1054 = arith.constant 0 : i32
      %dma_start3A_1055 = tpu.memref_slice %arg13[%dma_start3A_1053, %dma_start3A_1054] : memref<10240x128xf32, #tpu.memory_space<vmem_shared>> -> memref<10240x128xf32, #tpu.memory_space<vmem_shared>>
      tpu.enqueue_indirect_dma source(%dma_start3A_1049 : memref<80x128xf32, #tpu.memory_space<vmem>>) target(%dma_start3A_1055 : memref<10240x128xf32, #tpu.memory_space<vmem_shared>>) offsets(%dma_start3A_1052 : memref<80xi32, #tpu.memory_space<vmem>>) semaphore(%run_scoped3A_1045 : memref<!tpu.dma_semaphore, #tpu.memory_space<semaphore_mem>>) {add = true}
      %dma_wait3A_1056 = arith.constant 0 : i32
      %dma_wait3A_1057 = arith.constant 0 : i32
      %dma_wait3A_1058 = tpu.memref_slice %arg10[%run_scoped3A, %dma_wait3A_1056, %dma_wait3A_1057] : memref<2x80x128xf32, #tpu.memory_space<vmem>> -> memref<1x80x128xf32, #tpu.memory_space<vmem>>
      %dma_wait3A_1059 = tpu.memref_squeeze %dma_wait3A_1058 : memref<1x80x128xf32, #tpu.memory_space<vmem>> -> memref<80x128xf32, #tpu.memory_space<vmem>>
      %dma_wait3A_1060 = arith.constant 0 : i32
      %dma_wait3A_1061 = tpu.memref_slice %arg8[%run_scoped3A_298, %dma_wait3A_1060] : memref<2x80xi32, #tpu.memory_space<vmem>> -> memref<1x80xi32, #tpu.memory_space<vmem>>
      %dma_wait3A_1062 = tpu.memref_squeeze %dma_wait3A_1061 : memref<1x80xi32, #tpu.memory_space<vmem>> -> memref<80xi32, #tpu.memory_space<vmem>>
      %dma_wait3A_1063 = arith.constant 0 : i32
      %dma_wait3A_1064 = arith.constant 0 : i32
      %dma_wait3A_1065 = tpu.memref_slice %arg13[%dma_wait3A_1063, %dma_wait3A_1064] : memref<10240x128xf32, #tpu.memory_space<vmem_shared>> -> memref<10240x128xf32, #tpu.memory_space<vmem_shared>>
      tpu.wait_indirect_dma semaphore(%run_scoped3A_1045 : memref<!tpu.dma_semaphore, #tpu.memory_space<semaphore_mem>>) src(%dma_wait3A_1059 : memref<80x128xf32, #tpu.memory_space<vmem>>) dst(%dma_wait3A_1065 : memref<10240x128xf32, #tpu.memory_space<vmem_shared>>)
      tpu.yield
    }) : () -> ()
    "tpu.region"() ({
      %run_scoped3A_1045 = tpu.sem_alloc : memref<!tpu.dma_semaphore, #tpu.memory_space<semaphore_mem>>
      %dma_start3A_1046 = arith.constant 0 : i32
      %dma_start3A_1047 = arith.constant 0 : i32
      %dma_start3A_1048 = tpu.memref_slice %arg14[%dma_start3A_1046, %dma_start3A_1047] : memref<256x128xf32, #tpu.memory_space<vmem_shared>> -> memref<256x128xf32, #tpu.memory_space<vmem_shared>>
      tpu.enqueue_indirect_dma source(%arg12 : memref<80x128xf32, #tpu.memory_space<vmem>>) target(%dma_start3A_1048 : memref<256x128xf32, #tpu.memory_space<vmem_shared>>) offsets(%arg9 : memref<80xi32, #tpu.memory_space<vmem>>) semaphore(%run_scoped3A_1045 : memref<!tpu.dma_semaphore, #tpu.memory_space<semaphore_mem>>) {add = true}
      %dma_wait3A_1049 = arith.constant 0 : i32
      %dma_wait3A_1050 = arith.constant 0 : i32
      %dma_wait3A_1051 = tpu.memref_slice %arg14[%dma_wait3A_1049, %dma_wait3A_1050] : memref<256x128xf32, #tpu.memory_space<vmem_shared>> -> memref<256x128xf32, #tpu.memory_space<vmem_shared>>
      tpu.wait_indirect_dma semaphore(%run_scoped3A_1045 : memref<!tpu.dma_semaphore, #tpu.memory_space<semaphore_mem>>) src(%arg12 : memref<80x128xf32, #tpu.memory_space<vmem>>) dst(%dma_wait3A_1051 : memref<256x128xf32, #tpu.memory_space<vmem_shared>>)
      tpu.yield
    }) : () -> ()
    %get3A_299 = arith.constant 0 : i32
    %get3A_300 = arith.index_cast %get3A_299 : i32 to index
    %get3A_301 = arith.constant 0 : index
    %get3A_302 = tpu.vector_load %arg8[%get3A_300, %get3A_301] {strides = array<i32>} : memref<2x80xi32, #tpu.memory_space<vmem>>, vector<16xi32>,
    %iota3A_303 = tpu.iota {dimensions = array<i32: 0>} : vector<16xi32>
    %add3A_304 = arith.constant 0 : i32
    %add3A_305 = vector.broadcast %add3A_304 : i32 to vector<16xi32>
    %add3A_306 = arith.addi %iota3A_303, %add3A_305 : vector<16xi32>
    %and3A_307 = arith.constant 63 : i32
    %and3A_308 = vector.broadcast %and3A_307 : i32 to vector<16xi32>
    %and3A_309 = arith.andi %get3A_302, %and3A_308 : vector<16xi32>
    %shift_left3A_310 = arith.constant 1 : i32
    %shift_left3A_311 = vector.broadcast %shift_left3A_310 : i32 to vector<16xi32>
    %shift_left3A_312 = arith.shli %and3A_309, %shift_left3A_311 : vector<16xi32>
    tpu.vector_store_idx %arg12[%add3A_306, %shift_left3A_312], %broadcast_in_dim3A_7 : memref<80x128xf32, #tpu.memory_space<vmem>>[vector<16xi32>, vector<16xi32>], vector<16xf32>,
    %add3A_313 = arith.constant 1 : i32
    %add3A_314 = vector.broadcast %add3A_313 : i32 to vector<16xi32>
    %add3A_315 = arith.addi %shift_left3A_312, %add3A_314 : vector<16xi32>
    tpu.vector_store_idx %arg12[%add3A_306, %add3A_315], %broadcast_in_dim3A_7 : memref<80x128xf32, #tpu.memory_space<vmem>>[vector<16xi32>, vector<16xi32>], vector<16xf32>,
    %get3A_316 = arith.constant 0 : i32
    %get3A_317 = arith.index_cast %get3A_316 : i32 to index
    %get3A_318 = arith.constant 16 : index
    %get3A_319 = tpu.vector_load %arg8[%get3A_317, %get3A_318] {strides = array<i32>} : memref<2x80xi32, #tpu.memory_space<vmem>>, vector<16xi32>,
    %iota3A_320 = tpu.iota {dimensions = array<i32: 0>} : vector<16xi32>
    %add3A_321 = arith.constant 16 : i32
    %add3A_322 = vector.broadcast %add3A_321 : i32 to vector<16xi32>
    %add3A_323 = arith.addi %iota3A_320, %add3A_322 : vector<16xi32>
    %and3A_324 = arith.constant 63 : i32
    %and3A_325 = vector.broadcast %and3A_324 : i32 to vector<16xi32>
    %and3A_326 = arith.andi %get3A_319, %and3A_325 : vector<16xi32>
    %shift_left3A_327 = arith.constant 1 : i32
    %shift_left3A_328 = vector.broadcast %shift_left3A_327 : i32 to vector<16xi32>
    %shift_left3A_329 = arith.shli %and3A_326, %shift_left3A_328 : vector<16xi32>
    tpu.vector_store_idx %arg12[%add3A_323, %shift_left3A_329], %broadcast_in_dim3A_7 : memref<80x128xf32, #tpu.memory_space<vmem>>[vector<16xi32>, vector<16xi32>], vector<16xf32>,
    %add3A_330 = arith.constant 1 : i32
    %add3A_331 = vector.broadcast %add3A_330 : i32 to vector<16xi32>
    %add3A_332 = arith.addi %shift_left3A_329, %add3A_331 : vector<16xi32>
    tpu.vector_store_idx %arg12[%add3A_323, %add3A_332], %broadcast_in_dim3A_7 : memref<80x128xf32, #tpu.memory_space<vmem>>[vector<16xi32>, vector<16xi32>], vector<16xf32>,
    %get3A_333 = arith.constant 0 : i32
    %get3A_334 = arith.index_cast %get3A_333 : i32 to index
    %get3A_335 = arith.constant 32 : index
    %get3A_336 = tpu.vector_load %arg8[%get3A_334, %get3A_335] {strides = array<i32>} : memref<2x80xi32, #tpu.memory_space<vmem>>, vector<16xi32>,
    %iota3A_337 = tpu.iota {dimensions = array<i32: 0>} : vector<16xi32>
    %add3A_338 = arith.constant 32 : i32
    %add3A_339 = vector.broadcast %add3A_338 : i32 to vector<16xi32>
    %add3A_340 = arith.addi %iota3A_337, %add3A_339 : vector<16xi32>
    %and3A_341 = arith.constant 63 : i32
    %and3A_342 = vector.broadcast %and3A_341 : i32 to vector<16xi32>
    %and3A_343 = arith.andi %get3A_336, %and3A_342 : vector<16xi32>
    %shift_left3A_344 = arith.constant 1 : i32
    %shift_left3A_345 = vector.broadcast %shift_left3A_344 : i32 to vector<16xi32>
    %shift_left3A_346 = arith.shli %and3A_343, %shift_left3A_345 : vector<16xi32>
    tpu.vector_store_idx %arg12[%add3A_340, %shift_left3A_346], %broadcast_in_dim3A_7 : memref<80x128xf32, #tpu.memory_space<vmem>>[vector<16xi32>, vector<16xi32>], vector<16xf32>,
    %add3A_347 = arith.constant 1 : i32
    %add3A_348 = vector.broadcast %add3A_347 : i32 to vector<16xi32>
    %add3A_349 = arith.addi %shift_left3A_346, %add3A_348 : vector<16xi32>
    tpu.vector_store_idx %arg12[%add3A_340, %add3A_349], %broadcast_in_dim3A_7 : memref<80x128xf32, #tpu.memory_space<vmem>>[vector<16xi32>, vector<16xi32>], vector<16xf32>,
    %get3A_350 = arith.constant 0 : i32
    %get3A_351 = arith.index_cast %get3A_350 : i32 to index
    %get3A_352 = arith.constant 48 : index
    %get3A_353 = tpu.vector_load %arg8[%get3A_351, %get3A_352] {strides = array<i32>} : memref<2x80xi32, #tpu.memory_space<vmem>>, vector<16xi32>,
    %iota3A_354 = tpu.iota {dimensions = array<i32: 0>} : vector<16xi32>
    %add3A_355 = arith.constant 48 : i32
    %add3A_356 = vector.broadcast %add3A_355 : i32 to vector<16xi32>
    %add3A_357 = arith.addi %iota3A_354, %add3A_356 : vector<16xi32>
    %and3A_358 = arith.constant 63 : i32
    %and3A_359 = vector.broadcast %and3A_358 : i32 to vector<16xi32>
    %and3A_360 = arith.andi %get3A_353, %and3A_359 : vector<16xi32>
    %shift_left3A_361 = arith.constant 1 : i32
    %shift_left3A_362 = vector.broadcast %shift_left3A_361 : i32 to vector<16xi32>
    %shift_left3A_363 = arith.shli %and3A_360, %shift_left3A_362 : vector<16xi32>
    tpu.vector_store_idx %arg12[%add3A_357, %shift_left3A_363], %broadcast_in_dim3A_7 : memref<80x128xf32, #tpu.memory_space<vmem>>[vector<16xi32>, vector<16xi32>], vector<16xf32>,
    %add3A_364 = arith.constant 1 : i32
    %add3A_365 = vector.broadcast %add3A_364 : i32 to vector<16xi32>
    %add3A_366 = arith.addi %shift_left3A_363, %add3A_365 : vector<16xi32>
    tpu.vector_store_idx %arg12[%add3A_357, %add3A_366], %broadcast_in_dim3A_7 : memref<80x128xf32, #tpu.memory_space<vmem>>[vector<16xi32>, vector<16xi32>], vector<16xf32>,
    %get3A_367 = arith.constant 0 : i32
    %get3A_368 = arith.index_cast %get3A_367 : i32 to index
    %get3A_369 = arith.constant 64 : index
    %get3A_370 = tpu.vector_load %arg8[%get3A_368, %get3A_369] {strides = array<i32>} : memref<2x80xi32, #tpu.memory_space<vmem>>, vector<16xi32>,
    %iota3A_371 = tpu.iota {dimensions = array<i32: 0>} : vector<16xi32>
    %add3A_372 = arith.constant 64 : i32
    %add3A_373 = vector.broadcast %add3A_372 : i32 to vector<16xi32>
    %add3A_374 = arith.addi %iota3A_371, %add3A_373 : vector<16xi32>
    %and3A_375 = arith.constant 63 : i32
    %and3A_376 = vector.broadcast %and3A_375 : i32 to vector<16xi32>
    %and3A_377 = arith.andi %get3A_370, %and3A_376 : vector<16xi32>
    %shift_left3A_378 = arith.constant 1 : i32
    %shift_left3A_379 = vector.broadcast %shift_left3A_378 : i32 to vector<16xi32>
    %shift_left3A_380 = arith.shli %and3A_377, %shift_left3A_379 : vector<16xi32>
    tpu.vector_store_idx %arg12[%add3A_374, %shift_left3A_380], %broadcast_in_dim3A_7 : memref<80x128xf32, #tpu.memory_space<vmem>>[vector<16xi32>, vector<16xi32>], vector<16xf32>,
    %add3A_381 = arith.constant 1 : i32
    %add3A_382 = vector.broadcast %add3A_381 : i32 to vector<16xi32>
    %add3A_383 = arith.addi %shift_left3A_380, %add3A_382 : vector<16xi32>
    tpu.vector_store_idx %arg12[%add3A_374, %add3A_383], %broadcast_in_dim3A_7 : memref<80x128xf32, #tpu.memory_space<vmem>>[vector<16xi32>, vector<16xi32>], vector<16xf32>,
    %scan3A_384 = arith.constant 0 : i32
    %scan3A_385 = arith.constant 61 : i32
    %scan3A_386 = arith.addi %scan3A_384, %scan3A_385 : i32
    %scan3A_387 = arith.constant 1 : i32
    scf.for %scan3A_1045 = %scan3A_384 to %scan3A_386 step %scan3A_387  : i32 {
      %mul3A_1046 = arith.constant 1 : i32
      %mul3A_1047 = arith.muli %scan3A_1045, %mul3A_1046 : i32
      %add3A_1048 = arith.constant 1 : i32
      %add3A_1049 = arith.addi %add3A_1048, %mul3A_1047 : i32
      %mul3A_1050 = arith.constant 2 : i32
      %mul3A_1051 = arith.muli %mul3A_1050, %add3A_1049 : i32
      %mul3A_1052 = arith.constant 80 : i32
      %mul3A_1053 = arith.muli %mul3A_1051, %mul3A_1052 : i32
      %add3A_1054 = arith.addi %mul3A_2, %mul3A_1053 : i32
      %min3A_1055 = arith.constant 319920 : i32
      %min3A_1056 = arith.minsi %add3A_1054, %min3A_1055 : i32
      %dma_start3A_1057 = arith.constant 0 : i32
      %dma_start3A_1058 = arith.constant 0 : i32
      %dma_start3A_1059 = tpu.memref_slice %arg8[%dma_start3A_1057, %dma_start3A_1058] : memref<2x80xi32, #tpu.memory_space<vmem>> -> memref<1x80xi32, #tpu.memory_space<vmem>>
      %dma_start3A_1060 = tpu.memref_squeeze %dma_start3A_1059 : memref<1x80xi32, #tpu.memory_space<vmem>> -> memref<80xi32, #tpu.memory_space<vmem>>
      %dma_start3A_1061 = tpu.memref_slice %arg4[%min3A_1056] : memref<320000xi32, #tpu.memory_space<hbm>> -> memref<80xi32, #tpu.memory_space<hbm>>
      %dma_start3A_1062 = arith.constant 0 : i32
      %dma_start3A_1063 = tpu.memref_slice %arg8[%dma_start3A_1057, %dma_start3A_1062] : memref<2x80xi32, #tpu.memory_space<vmem>> -> memref<1x80xi32, #tpu.memory_space<vmem>>
      %dma_start3A_1064 = tpu.memref_squeeze %dma_start3A_1063 : memref<1x80xi32, #tpu.memory_space<vmem>> -> memref<80xi32, #tpu.memory_space<vmem>>
      %dma_start3A_1065 = tpu.memref_slice %arg4[%min3A_1056] : memref<320000xi32, #tpu.memory_space<hbm>> -> memref<80xi32, #tpu.memory_space<hbm>>
      tpu.enqueue_dma source(%dma_start3A_1065 : memref<80xi32, #tpu.memory_space<hbm>>) target(%dma_start3A_1064 : memref<80xi32, #tpu.memory_space<vmem>>) target_semaphore(%arg15 : memref<!tpu.dma_semaphore, #tpu.memory_space<semaphore_mem>>)
      %dma_start3A_1066 = arith.constant 0 : i32
      %dma_start3A_1067 = arith.constant 0 : i32
      %dma_start3A_1068 = arith.constant 0 : i32
      %dma_start3A_1069 = tpu.memref_slice %arg10[%dma_start3A_1066, %dma_start3A_1067, %dma_start3A_1068] : memref<2x80x128xf32, #tpu.memory_space<vmem>> -> memref<1x80x128xf32, #tpu.memory_space<vmem>>
      %dma_start3A_1070 = tpu.memref_squeeze %dma_start3A_1069 : memref<1x80x128xf32, #tpu.memory_space<vmem>> -> memref<80x128xf32, #tpu.memory_space<vmem>>
      %dma_start3A_1071 = arith.constant 0 : i32
      %dma_start3A_1072 = tpu.memref_slice %arg2[%min3A_1056, %dma_start3A_1071] : memref<320000x128xf32, #tpu.memory_space<hbm>> -> memref<80x128xf32, #tpu.memory_space<hbm>>
      %dma_start3A_1073 = arith.constant 0 : i32
      %dma_start3A_1074 = arith.constant 0 : i32
      %dma_start3A_1075 = tpu.memref_slice %arg10[%dma_start3A_1066, %dma_start3A_1073, %dma_start3A_1074] : memref<2x80x128xf32, #tpu.memory_space<vmem>> -> memref<1x80x128xf32, #tpu.memory_space<vmem>>
      %dma_start3A_1076 = tpu.memref_squeeze %dma_start3A_1075 : memref<1x80x128xf32, #tpu.memory_space<vmem>> -> memref<80x128xf32, #tpu.memory_space<vmem>>
      %dma_start3A_1077 = arith.constant 0 : i32
      %dma_start3A_1078 = tpu.memref_slice %arg2[%min3A_1056, %dma_start3A_1077] : memref<320000x128xf32, #tpu.memory_space<hbm>> -> memref<80x128xf32, #tpu.memory_space<hbm>>
      tpu.enqueue_dma source(%dma_start3A_1078 : memref<80x128xf32, #tpu.memory_space<hbm>>) target(%dma_start3A_1076 : memref<80x128xf32, #tpu.memory_space<vmem>>) target_semaphore(%arg15 : memref<!tpu.dma_semaphore, #tpu.memory_space<semaphore_mem>>)
      %mul3A_1079 = arith.constant 8 : i32
      %mul3A_1080 = arith.muli %min3A_1056, %mul3A_1079 : i32
      %dma_start3A_1081 = arith.constant 0 : i32
      %dma_start3A_1082 = arith.constant 0 : i32
      %dma_start3A_1083 = tpu.memref_slice %arg11[%dma_start3A_1081, %dma_start3A_1082] : memref<2x640xf32, #tpu.memory_space<vmem>> -> memref<1x640xf32, #tpu.memory_space<vmem>>
      %dma_start3A_1084 = tpu.memref_squeeze %dma_start3A_1083 : memref<1x640xf32, #tpu.memory_space<vmem>> -> memref<640xf32, #tpu.memory_space<vmem>>
      %dma_start3A_1085 = tpu.memref_slice %arg3[%mul3A_1080] : memref<2560000xf32, #tpu.memory_space<hbm>> -> memref<640xf32, #tpu.memory_space<hbm>>
      %dma_start3A_1086 = arith.constant 0 : i32
      %dma_start3A_1087 = tpu.memref_slice %arg11[%dma_start3A_1081, %dma_start3A_1086] : memref<2x640xf32, #tpu.memory_space<vmem>> -> memref<1x640xf32, #tpu.memory_space<vmem>>
      %dma_start3A_1088 = tpu.memref_squeeze %dma_start3A_1087 : memref<1x640xf32, #tpu.memory_space<vmem>> -> memref<640xf32, #tpu.memory_space<vmem>>
      %dma_start3A_1089 = tpu.memref_slice %arg3[%mul3A_1080] : memref<2560000xf32, #tpu.memory_space<hbm>> -> memref<640xf32, #tpu.memory_space<hbm>>
      tpu.enqueue_dma source(%dma_start3A_1089 : memref<640xf32, #tpu.memory_space<hbm>>) target(%dma_start3A_1088 : memref<640xf32, #tpu.memory_space<vmem>>) target_semaphore(%arg15 : memref<!tpu.dma_semaphore, #tpu.memory_space<semaphore_mem>>)
      %dma_wait3A_1090 = arith.constant 1 : i32
      %dma_wait3A_1091 = arith.constant 0 : i32
      %dma_wait3A_1092 = tpu.memref_slice %arg8[%dma_wait3A_1090, %dma_wait3A_1091] : memref<2x80xi32, #tpu.memory_space<vmem>> -> memref<1x80xi32, #tpu.memory_space<vmem>>
      %dma_wait3A_1093 = tpu.memref_squeeze %dma_wait3A_1092 : memref<1x80xi32, #tpu.memory_space<vmem>> -> memref<80xi32, #tpu.memory_space<vmem>>
      %dma_wait3A_1094 = arith.constant 0 : i32
      %dma_wait3A_1095 = tpu.memref_slice %arg4[%dma_wait3A_1094] : memref<320000xi32, #tpu.memory_space<hbm>> -> memref<80xi32, #tpu.memory_space<hbm>>
      %dma_wait3A_1096 = arith.constant 0 : i32
      %dma_wait3A_1097 = tpu.memref_slice %arg8[%dma_wait3A_1090, %dma_wait3A_1096] : memref<2x80xi32, #tpu.memory_space<vmem>> -> memref<1x80xi32, #tpu.memory_space<vmem>>
      %dma_wait3A_1098 = tpu.memref_squeeze %dma_wait3A_1097 : memref<1x80xi32, #tpu.memory_space<vmem>> -> memref<80xi32, #tpu.memory_space<vmem>>
      %dma_wait3A_1099 = arith.constant 0 : i32
      %dma_wait3A_1100 = tpu.memref_slice %arg4[%dma_wait3A_1099] : memref<320000xi32, #tpu.memory_space<hbm>> -> memref<80xi32, #tpu.memory_space<hbm>>
      tpu.wait_dma2 semaphore(%arg16 : memref<!tpu.dma_semaphore, #tpu.memory_space<semaphore_mem>>) src(%dma_wait3A_1100 : memref<80xi32, #tpu.memory_space<hbm>>) dst(%dma_wait3A_1098 : memref<80xi32, #tpu.memory_space<vmem>>)
      %dma_wait3A_1101 = arith.constant 1 : i32
      %dma_wait3A_1102 = arith.constant 0 : i32
      %dma_wait3A_1103 = arith.constant 0 : i32
      %dma_wait3A_1104 = tpu.memref_slice %arg10[%dma_wait3A_1101, %dma_wait3A_1102, %dma_wait3A_1103] : memref<2x80x128xf32, #tpu.memory_space<vmem>> -> memref<1x80x128xf32, #tpu.memory_space<vmem>>
      %dma_wait3A_1105 = tpu.memref_squeeze %dma_wait3A_1104 : memref<1x80x128xf32, #tpu.memory_space<vmem>> -> memref<80x128xf32, #tpu.memory_space<vmem>>
      %dma_wait3A_1106 = arith.constant 0 : i32
      %dma_wait3A_1107 = arith.constant 0 : i32
      %dma_wait3A_1108 = tpu.memref_slice %arg2[%dma_wait3A_1106, %dma_wait3A_1107] : memref<320000x128xf32, #tpu.memory_space<hbm>> -> memref<80x128xf32, #tpu.memory_space<hbm>>
      %dma_wait3A_1109 = arith.constant 0 : i32
      %dma_wait3A_1110 = arith.constant 0 : i32
      %dma_wait3A_1111 = tpu.memref_slice %arg10[%dma_wait3A_1101, %dma_wait3A_1109, %dma_wait3A_1110] : memref<2x80x128xf32, #tpu.memory_space<vmem>> -> memref<1x80x128xf32, #tpu.memory_space<vmem>>
      %dma_wait3A_1112 = tpu.memref_squeeze %dma_wait3A_1111 : memref<1x80x128xf32, #tpu.memory_space<vmem>> -> memref<80x128xf32, #tpu.memory_space<vmem>>
      %dma_wait3A_1113 = arith.constant 0 : i32
      %dma_wait3A_1114 = arith.constant 0 : i32
      %dma_wait3A_1115 = tpu.memref_slice %arg2[%dma_wait3A_1113, %dma_wait3A_1114] : memref<320000x128xf32, #tpu.memory_space<hbm>> -> memref<80x128xf32, #tpu.memory_space<hbm>>
      tpu.wait_dma2 semaphore(%arg16 : memref<!tpu.dma_semaphore, #tpu.memory_space<semaphore_mem>>) src(%dma_wait3A_1115 : memref<80x128xf32, #tpu.memory_space<hbm>>) dst(%dma_wait3A_1112 : memref<80x128xf32, #tpu.memory_space<vmem>>)
      %dma_wait3A_1116 = arith.constant 1 : i32
      %dma_wait3A_1117 = arith.constant 0 : i32
      %dma_wait3A_1118 = tpu.memref_slice %arg11[%dma_wait3A_1116, %dma_wait3A_1117] : memref<2x640xf32, #tpu.memory_space<vmem>> -> memref<1x640xf32, #tpu.memory_space<vmem>>
      %dma_wait3A_1119 = tpu.memref_squeeze %dma_wait3A_1118 : memref<1x640xf32, #tpu.memory_space<vmem>> -> memref<640xf32, #tpu.memory_space<vmem>>
      %dma_wait3A_1120 = arith.constant 0 : i32
      %dma_wait3A_1121 = tpu.memref_slice %arg3[%dma_wait3A_1120] : memref<2560000xf32, #tpu.memory_space<hbm>> -> memref<640xf32, #tpu.memory_space<hbm>>
      %dma_wait3A_1122 = arith.constant 0 : i32
      %dma_wait3A_1123 = tpu.memref_slice %arg11[%dma_wait3A_1116, %dma_wait3A_1122] : memref<2x640xf32, #tpu.memory_space<vmem>> -> memref<1x640xf32, #tpu.memory_space<vmem>>
      %dma_wait3A_1124 = tpu.memref_squeeze %dma_wait3A_1123 : memref<1x640xf32, #tpu.memory_space<vmem>> -> memref<640xf32, #tpu.memory_space<vmem>>
      %dma_wait3A_1125 = arith.constant 0 : i32
      %dma_wait3A_1126 = tpu.memref_slice %arg3[%dma_wait3A_1125] : memref<2560000xf32, #tpu.memory_space<hbm>> -> memref<640xf32, #tpu.memory_space<hbm>>
      tpu.wait_dma2 semaphore(%arg16 : memref<!tpu.dma_semaphore, #tpu.memory_space<semaphore_mem>>) src(%dma_wait3A_1126 : memref<640xf32, #tpu.memory_space<hbm>>) dst(%dma_wait3A_1124 : memref<640xf32, #tpu.memory_space<vmem>>)
      %get3A_1127 = arith.constant 1 : i32
      %get3A_1128 = arith.index_cast %get3A_1127 : i32 to index
      %get3A_1129 = arith.constant 0 : index
      %get3A_1130 = tpu.vector_load %arg8[%get3A_1128, %get3A_1129] {strides = array<i32>} : memref<2x80xi32, #tpu.memory_space<vmem>>, vector<16xi32>,
      %iota3A_1131 = tpu.iota {dimensions = array<i32: 0>} : vector<16xi32>
      %add3A_1132 = arith.constant 0 : i32
      %add3A_1133 = vector.broadcast %add3A_1132 : i32 to vector<16xi32>
      %add3A_1134 = arith.addi %iota3A_1131, %add3A_1133 : vector<16xi32>
      %and3A_1135 = arith.constant 63 : i32
      %and3A_1136 = vector.broadcast %and3A_1135 : i32 to vector<16xi32>
      %and3A_1137 = arith.andi %get3A_1130, %and3A_1136 : vector<16xi32>
      %shift_left3A_1138 = arith.constant 1 : i32
      %shift_left3A_1139 = vector.broadcast %shift_left3A_1138 : i32 to vector<16xi32>
      %shift_left3A_1140 = arith.shli %and3A_1137, %shift_left3A_1139 : vector<16xi32>
      %shift_left3A_1141 = arith.constant 3 : i32
      %shift_left3A_1142 = vector.broadcast %shift_left3A_1141 : i32 to vector<16xi32>
      %shift_left3A_1143 = arith.shli %add3A_1134, %shift_left3A_1142 : vector<16xi32>
      %iota3A_1144 = tpu.iota {dimensions = array<i32: 0>} : vector<16xi32>
      %mul3A_1145 = arith.constant 0 : i32
      %mul3A_1146 = vector.broadcast %mul3A_1145 : i32 to vector<16xi32>
      %mul3A_1147 = arith.muli %iota3A_1144, %mul3A_1146 : vector<16xi32>
      %add3A_1148 = arith.constant 1 : i32
      %add3A_1149 = vector.broadcast %add3A_1148 : i32 to vector<16xi32>
      %add3A_1150 = arith.addi %mul3A_1147, %add3A_1149 : vector<16xi32>
      %gather3A_1151 = tpu.vector_load_idx %arg11[%add3A_1150, %shift_left3A_1143] : memref<2x640xf32, #tpu.memory_space<vmem>>[vector<16xi32>, vector<16xi32>], vector<16xf32>,
      %add3A_1152 = arith.constant 1 : i32
      %add3A_1153 = vector.broadcast %add3A_1152 : i32 to vector<16xi32>
      %add3A_1154 = arith.addi %shift_left3A_1143, %add3A_1153 : vector<16xi32>
      %gather3A_1155 = tpu.vector_load_idx %arg11[%add3A_1150, %add3A_1154] : memref<2x640xf32, #tpu.memory_space<vmem>>[vector<16xi32>, vector<16xi32>], vector<16xf32>,
      tpu.vector_store_idx %arg12[%add3A_1134, %shift_left3A_1140], %gather3A_1151 : memref<80x128xf32, #tpu.memory_space<vmem>>[vector<16xi32>, vector<16xi32>], vector<16xf32>,
      %add3A_1156 = arith.constant 1 : i32
      %add3A_1157 = vector.broadcast %add3A_1156 : i32 to vector<16xi32>
      %add3A_1158 = arith.addi %shift_left3A_1140, %add3A_1157 : vector<16xi32>
      tpu.vector_store_idx %arg12[%add3A_1134, %add3A_1158], %gather3A_1155 : memref<80x128xf32, #tpu.memory_space<vmem>>[vector<16xi32>, vector<16xi32>], vector<16xf32>,
      %shift_right_logical3A_1159 = arith.constant 6 : i32
      %shift_right_logical3A_1160 = vector.broadcast %shift_right_logical3A_1159 : i32 to vector<16xi32>
      %shift_right_logical3A_1161 = arith.shrui %get3A_1130, %shift_right_logical3A_1160 : vector<16xi32>
      %swap3A_1162 = arith.constant 0 : index
      %swap3A_1163 = tpu.vector_load %arg9[%swap3A_1162] {strides = array<i32>} : memref<80xi32, #tpu.memory_space<vmem>>, vector<16xi32>,
      tpu.vector_store %arg9[%swap3A_1162], %shift_right_logical3A_1161 {strides = array<i32>} : memref<80xi32, #tpu.memory_space<vmem>>, vector<16xi32>,
      %get3A_1164 = arith.constant 1 : i32
      %get3A_1165 = arith.index_cast %get3A_1164 : i32 to index
      %get3A_1166 = arith.constant 16 : index
      %get3A_1167 = tpu.vector_load %arg8[%get3A_1165, %get3A_1166] {strides = array<i32>} : memref<2x80xi32, #tpu.memory_space<vmem>>, vector<16xi32>,
      %iota3A_1168 = tpu.iota {dimensions = array<i32: 0>} : vector<16xi32>
      %add3A_1169 = arith.constant 16 : i32
      %add3A_1170 = vector.broadcast %add3A_1169 : i32 to vector<16xi32>
      %add3A_1171 = arith.addi %iota3A_1168, %add3A_1170 : vector<16xi32>
      %and3A_1172 = arith.constant 63 : i32
      %and3A_1173 = vector.broadcast %and3A_1172 : i32 to vector<16xi32>
      %and3A_1174 = arith.andi %get3A_1167, %and3A_1173 : vector<16xi32>
      %shift_left3A_1175 = arith.constant 1 : i32
      %shift_left3A_1176 = vector.broadcast %shift_left3A_1175 : i32 to vector<16xi32>
      %shift_left3A_1177 = arith.shli %and3A_1174, %shift_left3A_1176 : vector<16xi32>
      %shift_left3A_1178 = arith.constant 3 : i32
      %shift_left3A_1179 = vector.broadcast %shift_left3A_1178 : i32 to vector<16xi32>
      %shift_left3A_1180 = arith.shli %add3A_1171, %shift_left3A_1179 : vector<16xi32>
      %iota3A_1181 = tpu.iota {dimensions = array<i32: 0>} : vector<16xi32>
      %mul3A_1182 = arith.constant 0 : i32
      %mul3A_1183 = vector.broadcast %mul3A_1182 : i32 to vector<16xi32>
      %mul3A_1184 = arith.muli %iota3A_1181, %mul3A_1183 : vector<16xi32>
      %add3A_1185 = arith.constant 1 : i32
      %add3A_1186 = vector.broadcast %add3A_1185 : i32 to vector<16xi32>
      %add3A_1187 = arith.addi %mul3A_1184, %add3A_1186 : vector<16xi32>
      %gather3A_1188 = tpu.vector_load_idx %arg11[%add3A_1187, %shift_left3A_1180] : memref<2x640xf32, #tpu.memory_space<vmem>>[vector<16xi32>, vector<16xi32>], vector<16xf32>,
      %add3A_1189 = arith.constant 1 : i32
      %add3A_1190 = vector.broadcast %add3A_1189 : i32 to vector<16xi32>
      %add3A_1191 = arith.addi %shift_left3A_1180, %add3A_1190 : vector<16xi32>
      %gather3A_1192 = tpu.vector_load_idx %arg11[%add3A_1187, %add3A_1191] : memref<2x640xf32, #tpu.memory_space<vmem>>[vector<16xi32>, vector<16xi32>], vector<16xf32>,
      tpu.vector_store_idx %arg12[%add3A_1171, %shift_left3A_1177], %gather3A_1188 : memref<80x128xf32, #tpu.memory_space<vmem>>[vector<16xi32>, vector<16xi32>], vector<16xf32>,
      %add3A_1193 = arith.constant 1 : i32
      %add3A_1194 = vector.broadcast %add3A_1193 : i32 to vector<16xi32>
      %add3A_1195 = arith.addi %shift_left3A_1177, %add3A_1194 : vector<16xi32>
      tpu.vector_store_idx %arg12[%add3A_1171, %add3A_1195], %gather3A_1192 : memref<80x128xf32, #tpu.memory_space<vmem>>[vector<16xi32>, vector<16xi32>], vector<16xf32>,
      %shift_right_logical3A_1196 = arith.constant 6 : i32
      %shift_right_logical3A_1197 = vector.broadcast %shift_right_logical3A_1196 : i32 to vector<16xi32>
      %shift_right_logical3A_1198 = arith.shrui %get3A_1167, %shift_right_logical3A_1197 : vector<16xi32>
      %swap3A_1199 = arith.constant 16 : index
      %swap3A_1200 = tpu.vector_load %arg9[%swap3A_1199] {strides = array<i32>} : memref<80xi32, #tpu.memory_space<vmem>>, vector<16xi32>,
      tpu.vector_store %arg9[%swap3A_1199], %shift_right_logical3A_1198 {strides = array<i32>} : memref<80xi32, #tpu.memory_space<vmem>>, vector<16xi32>,
      %get3A_1201 = arith.constant 1 : i32
      %get3A_1202 = arith.index_cast %get3A_1201 : i32 to index
      %get3A_1203 = arith.constant 32 : index
      %get3A_1204 = tpu.vector_load %arg8[%get3A_1202, %get3A_1203] {strides = array<i32>} : memref<2x80xi32, #tpu.memory_space<vmem>>, vector<16xi32>,
      %iota3A_1205 = tpu.iota {dimensions = array<i32: 0>} : vector<16xi32>
      %add3A_1206 = arith.constant 32 : i32
      %add3A_1207 = vector.broadcast %add3A_1206 : i32 to vector<16xi32>
      %add3A_1208 = arith.addi %iota3A_1205, %add3A_1207 : vector<16xi32>
      %and3A_1209 = arith.constant 63 : i32
      %and3A_1210 = vector.broadcast %and3A_1209 : i32 to vector<16xi32>
      %and3A_1211 = arith.andi %get3A_1204, %and3A_1210 : vector<16xi32>
      %shift_left3A_1212 = arith.constant 1 : i32
      %shift_left3A_1213 = vector.broadcast %shift_left3A_1212 : i32 to vector<16xi32>
      %shift_left3A_1214 = arith.shli %and3A_1211, %shift_left3A_1213 : vector<16xi32>
      %shift_left3A_1215 = arith.constant 3 : i32
      %shift_left3A_1216 = vector.broadcast %shift_left3A_1215 : i32 to vector<16xi32>
      %shift_left3A_1217 = arith.shli %add3A_1208, %shift_left3A_1216 : vector<16xi32>
      %iota3A_1218 = tpu.iota {dimensions = array<i32: 0>} : vector<16xi32>
      %mul3A_1219 = arith.constant 0 : i32
      %mul3A_1220 = vector.broadcast %mul3A_1219 : i32 to vector<16xi32>
      %mul3A_1221 = arith.muli %iota3A_1218, %mul3A_1220 : vector<16xi32>
      %add3A_1222 = arith.constant 1 : i32
      %add3A_1223 = vector.broadcast %add3A_1222 : i32 to vector<16xi32>
      %add3A_1224 = arith.addi %mul3A_1221, %add3A_1223 : vector<16xi32>
      %gather3A_1225 = tpu.vector_load_idx %arg11[%add3A_1224, %shift_left3A_1217] : memref<2x640xf32, #tpu.memory_space<vmem>>[vector<16xi32>, vector<16xi32>], vector<16xf32>,
      %add3A_1226 = arith.constant 1 : i32
      %add3A_1227 = vector.broadcast %add3A_1226 : i32 to vector<16xi32>
      %add3A_1228 = arith.addi %shift_left3A_1217, %add3A_1227 : vector<16xi32>
      %gather3A_1229 = tpu.vector_load_idx %arg11[%add3A_1224, %add3A_1228] : memref<2x640xf32, #tpu.memory_space<vmem>>[vector<16xi32>, vector<16xi32>], vector<16xf32>,
      tpu.vector_store_idx %arg12[%add3A_1208, %shift_left3A_1214], %gather3A_1225 : memref<80x128xf32, #tpu.memory_space<vmem>>[vector<16xi32>, vector<16xi32>], vector<16xf32>,
      %add3A_1230 = arith.constant 1 : i32
      %add3A_1231 = vector.broadcast %add3A_1230 : i32 to vector<16xi32>
      %add3A_1232 = arith.addi %shift_left3A_1214, %add3A_1231 : vector<16xi32>
      tpu.vector_store_idx %arg12[%add3A_1208, %add3A_1232], %gather3A_1229 : memref<80x128xf32, #tpu.memory_space<vmem>>[vector<16xi32>, vector<16xi32>], vector<16xf32>,
      %shift_right_logical3A_1233 = arith.constant 6 : i32
      %shift_right_logical3A_1234 = vector.broadcast %shift_right_logical3A_1233 : i32 to vector<16xi32>
      %shift_right_logical3A_1235 = arith.shrui %get3A_1204, %shift_right_logical3A_1234 : vector<16xi32>
      %swap3A_1236 = arith.constant 32 : index
      %swap3A_1237 = tpu.vector_load %arg9[%swap3A_1236] {strides = array<i32>} : memref<80xi32, #tpu.memory_space<vmem>>, vector<16xi32>,
      tpu.vector_store %arg9[%swap3A_1236], %shift_right_logical3A_1235 {strides = array<i32>} : memref<80xi32, #tpu.memory_space<vmem>>, vector<16xi32>,
      %get3A_1238 = arith.constant 1 : i32
      %get3A_1239 = arith.index_cast %get3A_1238 : i32 to index
      %get3A_1240 = arith.constant 48 : index
      %get3A_1241 = tpu.vector_load %arg8[%get3A_1239, %get3A_1240] {strides = array<i32>} : memref<2x80xi32, #tpu.memory_space<vmem>>, vector<16xi32>,
      %iota3A_1242 = tpu.iota {dimensions = array<i32: 0>} : vector<16xi32>
      %add3A_1243 = arith.constant 48 : i32
      %add3A_1244 = vector.broadcast %add3A_1243 : i32 to vector<16xi32>
      %add3A_1245 = arith.addi %iota3A_1242, %add3A_1244 : vector<16xi32>
      %and3A_1246 = arith.constant 63 : i32
      %and3A_1247 = vector.broadcast %and3A_1246 : i32 to vector<16xi32>
      %and3A_1248 = arith.andi %get3A_1241, %and3A_1247 : vector<16xi32>
      %shift_left3A_1249 = arith.constant 1 : i32
      %shift_left3A_1250 = vector.broadcast %shift_left3A_1249 : i32 to vector<16xi32>
      %shift_left3A_1251 = arith.shli %and3A_1248, %shift_left3A_1250 : vector<16xi32>
      %shift_left3A_1252 = arith.constant 3 : i32
      %shift_left3A_1253 = vector.broadcast %shift_left3A_1252 : i32 to vector<16xi32>
      %shift_left3A_1254 = arith.shli %add3A_1245, %shift_left3A_1253 : vector<16xi32>
      %iota3A_1255 = tpu.iota {dimensions = array<i32: 0>} : vector<16xi32>
      %mul3A_1256 = arith.constant 0 : i32
      %mul3A_1257 = vector.broadcast %mul3A_1256 : i32 to vector<16xi32>
      %mul3A_1258 = arith.muli %iota3A_1255, %mul3A_1257 : vector<16xi32>
      %add3A_1259 = arith.constant 1 : i32
      %add3A_1260 = vector.broadcast %add3A_1259 : i32 to vector<16xi32>
      %add3A_1261 = arith.addi %mul3A_1258, %add3A_1260 : vector<16xi32>
      %gather3A_1262 = tpu.vector_load_idx %arg11[%add3A_1261, %shift_left3A_1254] : memref<2x640xf32, #tpu.memory_space<vmem>>[vector<16xi32>, vector<16xi32>], vector<16xf32>,
      %add3A_1263 = arith.constant 1 : i32
      %add3A_1264 = vector.broadcast %add3A_1263 : i32 to vector<16xi32>
      %add3A_1265 = arith.addi %shift_left3A_1254, %add3A_1264 : vector<16xi32>
      %gather3A_1266 = tpu.vector_load_idx %arg11[%add3A_1261, %add3A_1265] : memref<2x640xf32, #tpu.memory_space<vmem>>[vector<16xi32>, vector<16xi32>], vector<16xf32>,
      tpu.vector_store_idx %arg12[%add3A_1245, %shift_left3A_1251], %gather3A_1262 : memref<80x128xf32, #tpu.memory_space<vmem>>[vector<16xi32>, vector<16xi32>], vector<16xf32>,
      %add3A_1267 = arith.constant 1 : i32
      %add3A_1268 = vector.broadcast %add3A_1267 : i32 to vector<16xi32>
      %add3A_1269 = arith.addi %shift_left3A_1251, %add3A_1268 : vector<16xi32>
      tpu.vector_store_idx %arg12[%add3A_1245, %add3A_1269], %gather3A_1266 : memref<80x128xf32, #tpu.memory_space<vmem>>[vector<16xi32>, vector<16xi32>], vector<16xf32>,
      %shift_right_logical3A_1270 = arith.constant 6 : i32
      %shift_right_logical3A_1271 = vector.broadcast %shift_right_logical3A_1270 : i32 to vector<16xi32>
      %shift_right_logical3A_1272 = arith.shrui %get3A_1241, %shift_right_logical3A_1271 : vector<16xi32>
      %swap3A_1273 = arith.constant 48 : index
      %swap3A_1274 = tpu.vector_load %arg9[%swap3A_1273] {strides = array<i32>} : memref<80xi32, #tpu.memory_space<vmem>>, vector<16xi32>,
      tpu.vector_store %arg9[%swap3A_1273], %shift_right_logical3A_1272 {strides = array<i32>} : memref<80xi32, #tpu.memory_space<vmem>>, vector<16xi32>,
      %get3A_1275 = arith.constant 1 : i32
      %get3A_1276 = arith.index_cast %get3A_1275 : i32 to index
      %get3A_1277 = arith.constant 64 : index
      %get3A_1278 = tpu.vector_load %arg8[%get3A_1276, %get3A_1277] {strides = array<i32>} : memref<2x80xi32, #tpu.memory_space<vmem>>, vector<16xi32>,
      %iota3A_1279 = tpu.iota {dimensions = array<i32: 0>} : vector<16xi32>
      %add3A_1280 = arith.constant 64 : i32
      %add3A_1281 = vector.broadcast %add3A_1280 : i32 to vector<16xi32>
      %add3A_1282 = arith.addi %iota3A_1279, %add3A_1281 : vector<16xi32>
      %and3A_1283 = arith.constant 63 : i32
      %and3A_1284 = vector.broadcast %and3A_1283 : i32 to vector<16xi32>
      %and3A_1285 = arith.andi %get3A_1278, %and3A_1284 : vector<16xi32>
      %shift_left3A_1286 = arith.constant 1 : i32
      %shift_left3A_1287 = vector.broadcast %shift_left3A_1286 : i32 to vector<16xi32>
      %shift_left3A_1288 = arith.shli %and3A_1285, %shift_left3A_1287 : vector<16xi32>
      %shift_left3A_1289 = arith.constant 3 : i32
      %shift_left3A_1290 = vector.broadcast %shift_left3A_1289 : i32 to vector<16xi32>
      %shift_left3A_1291 = arith.shli %add3A_1282, %shift_left3A_1290 : vector<16xi32>
      %iota3A_1292 = tpu.iota {dimensions = array<i32: 0>} : vector<16xi32>
      %mul3A_1293 = arith.constant 0 : i32
      %mul3A_1294 = vector.broadcast %mul3A_1293 : i32 to vector<16xi32>
      %mul3A_1295 = arith.muli %iota3A_1292, %mul3A_1294 : vector<16xi32>
      %add3A_1296 = arith.constant 1 : i32
      %add3A_1297 = vector.broadcast %add3A_1296 : i32 to vector<16xi32>
      %add3A_1298 = arith.addi %mul3A_1295, %add3A_1297 : vector<16xi32>
      %gather3A_1299 = tpu.vector_load_idx %arg11[%add3A_1298, %shift_left3A_1291] : memref<2x640xf32, #tpu.memory_space<vmem>>[vector<16xi32>, vector<16xi32>], vector<16xf32>,
      %add3A_1300 = arith.constant 1 : i32
      %add3A_1301 = vector.broadcast %add3A_1300 : i32 to vector<16xi32>
      %add3A_1302 = arith.addi %shift_left3A_1291, %add3A_1301 : vector<16xi32>
      %gather3A_1303 = tpu.vector_load_idx %arg11[%add3A_1298, %add3A_1302] : memref<2x640xf32, #tpu.memory_space<vmem>>[vector<16xi32>, vector<16xi32>], vector<16xf32>,
      tpu.vector_store_idx %arg12[%add3A_1282, %shift_left3A_1288], %gather3A_1299 : memref<80x128xf32, #tpu.memory_space<vmem>>[vector<16xi32>, vector<16xi32>], vector<16xf32>,
      %add3A_1304 = arith.constant 1 : i32
      %add3A_1305 = vector.broadcast %add3A_1304 : i32 to vector<16xi32>
      %add3A_1306 = arith.addi %shift_left3A_1288, %add3A_1305 : vector<16xi32>
      tpu.vector_store_idx %arg12[%add3A_1282, %add3A_1306], %gather3A_1303 : memref<80x128xf32, #tpu.memory_space<vmem>>[vector<16xi32>, vector<16xi32>], vector<16xf32>,
      %shift_right_logical3A_1307 = arith.constant 6 : i32
      %shift_right_logical3A_1308 = vector.broadcast %shift_right_logical3A_1307 : i32 to vector<16xi32>
      %shift_right_logical3A_1309 = arith.shrui %get3A_1278, %shift_right_logical3A_1308 : vector<16xi32>
      %swap3A_1310 = arith.constant 64 : index
      %swap3A_1311 = tpu.vector_load %arg9[%swap3A_1310] {strides = array<i32>} : memref<80xi32, #tpu.memory_space<vmem>>, vector<16xi32>,
      tpu.vector_store %arg9[%swap3A_1310], %shift_right_logical3A_1309 {strides = array<i32>} : memref<80xi32, #tpu.memory_space<vmem>>, vector<16xi32>,
      %run_scoped3A_1312 = arith.constant 1 : i32
      %run_scoped3A_1313 = arith.constant 1 : i32
      "tpu.region"() ({
        %run_scoped3A_1748 = tpu.sem_alloc : memref<!tpu.dma_semaphore, #tpu.memory_space<semaphore_mem>>
        %dma_start3A_1749 = arith.constant 0 : i32
        %dma_start3A_1750 = arith.constant 0 : i32
        %dma_start3A_1751 = tpu.memref_slice %arg10[%run_scoped3A_1312, %dma_start3A_1749, %dma_start3A_1750] : memref<2x80x128xf32, #tpu.memory_space<vmem>> -> memref<1x80x128xf32, #tpu.memory_space<vmem>>
        %dma_start3A_1752 = tpu.memref_squeeze %dma_start3A_1751 : memref<1x80x128xf32, #tpu.memory_space<vmem>> -> memref<80x128xf32, #tpu.memory_space<vmem>>
        %dma_start3A_1753 = arith.constant 0 : i32
        %dma_start3A_1754 = tpu.memref_slice %arg8[%run_scoped3A_1313, %dma_start3A_1753] : memref<2x80xi32, #tpu.memory_space<vmem>> -> memref<1x80xi32, #tpu.memory_space<vmem>>
        %dma_start3A_1755 = tpu.memref_squeeze %dma_start3A_1754 : memref<1x80xi32, #tpu.memory_space<vmem>> -> memref<80xi32, #tpu.memory_space<vmem>>
        %dma_start3A_1756 = arith.constant 0 : i32
        %dma_start3A_1757 = arith.constant 0 : i32
        %dma_start3A_1758 = tpu.memref_slice %arg13[%dma_start3A_1756, %dma_start3A_1757] : memref<10240x128xf32, #tpu.memory_space<vmem_shared>> -> memref<10240x128xf32, #tpu.memory_space<vmem_shared>>
        tpu.enqueue_indirect_dma source(%dma_start3A_1752 : memref<80x128xf32, #tpu.memory_space<vmem>>) target(%dma_start3A_1758 : memref<10240x128xf32, #tpu.memory_space<vmem_shared>>) offsets(%dma_start3A_1755 : memref<80xi32, #tpu.memory_space<vmem>>) semaphore(%run_scoped3A_1748 : memref<!tpu.dma_semaphore, #tpu.memory_space<semaphore_mem>>) {add = true}
        %dma_wait3A_1759 = arith.constant 0 : i32
        %dma_wait3A_1760 = arith.constant 0 : i32
        %dma_wait3A_1761 = tpu.memref_slice %arg10[%run_scoped3A_1312, %dma_wait3A_1759, %dma_wait3A_1760] : memref<2x80x128xf32, #tpu.memory_space<vmem>> -> memref<1x80x128xf32, #tpu.memory_space<vmem>>
        %dma_wait3A_1762 = tpu.memref_squeeze %dma_wait3A_1761 : memref<1x80x128xf32, #tpu.memory_space<vmem>> -> memref<80x128xf32, #tpu.memory_space<vmem>>
        %dma_wait3A_1763 = arith.constant 0 : i32
        %dma_wait3A_1764 = tpu.memref_slice %arg8[%run_scoped3A_1313, %dma_wait3A_1763] : memref<2x80xi32, #tpu.memory_space<vmem>> -> memref<1x80xi32, #tpu.memory_space<vmem>>
        %dma_wait3A_1765 = tpu.memref_squeeze %dma_wait3A_1764 : memref<1x80xi32, #tpu.memory_space<vmem>> -> memref<80xi32, #tpu.memory_space<vmem>>
        %dma_wait3A_1766 = arith.constant 0 : i32
        %dma_wait3A_1767 = arith.constant 0 : i32
        %dma_wait3A_1768 = tpu.memref_slice %arg13[%dma_wait3A_1766, %dma_wait3A_1767] : memref<10240x128xf32, #tpu.memory_space<vmem_shared>> -> memref<10240x128xf32, #tpu.memory_space<vmem_shared>>
        tpu.wait_indirect_dma semaphore(%run_scoped3A_1748 : memref<!tpu.dma_semaphore, #tpu.memory_space<semaphore_mem>>) src(%dma_wait3A_1762 : memref<80x128xf32, #tpu.memory_space<vmem>>) dst(%dma_wait3A_1768 : memref<10240x128xf32, #tpu.memory_space<vmem_shared>>)
        tpu.yield
      }) : () -> ()
      "tpu.region"() ({
        %run_scoped3A_1748 = tpu.sem_alloc : memref<!tpu.dma_semaphore, #tpu.memory_space<semaphore_mem>>
        %dma_start3A_1749 = arith.constant 0 : i32
        %dma_start3A_1750 = arith.constant 0 : i32
        %dma_start3A_1751 = tpu.memref_slice %arg14[%dma_start3A_1749, %dma_start3A_1750] : memref<256x128xf32, #tpu.memory_space<vmem_shared>> -> memref<256x128xf32, #tpu.memory_space<vmem_shared>>
        tpu.enqueue_indirect_dma source(%arg12 : memref<80x128xf32, #tpu.memory_space<vmem>>) target(%dma_start3A_1751 : memref<256x128xf32, #tpu.memory_space<vmem_shared>>) offsets(%arg9 : memref<80xi32, #tpu.memory_space<vmem>>) semaphore(%run_scoped3A_1748 : memref<!tpu.dma_semaphore, #tpu.memory_space<semaphore_mem>>) {add = true}
        %dma_wait3A_1752 = arith.constant 0 : i32
        %dma_wait3A_1753 = arith.constant 0 : i32
        %dma_wait3A_1754 = tpu.memref_slice %arg14[%dma_wait3A_1752, %dma_wait3A_1753] : memref<256x128xf32, #tpu.memory_space<vmem_shared>> -> memref<256x128xf32, #tpu.memory_space<vmem_shared>>
        tpu.wait_indirect_dma semaphore(%run_scoped3A_1748 : memref<!tpu.dma_semaphore, #tpu.memory_space<semaphore_mem>>) src(%arg12 : memref<80x128xf32, #tpu.memory_space<vmem>>) dst(%dma_wait3A_1754 : memref<256x128xf32, #tpu.memory_space<vmem_shared>>)
        tpu.yield
      }) : () -> ()
      %get3A_1314 = arith.constant 1 : i32
      %get3A_1315 = arith.index_cast %get3A_1314 : i32 to index
      %get3A_1316 = arith.constant 0 : index
      %get3A_1317 = tpu.vector_load %arg8[%get3A_1315, %get3A_1316] {strides = array<i32>} : memref<2x80xi32, #tpu.memory_space<vmem>>, vector<16xi32>,
      %iota3A_1318 = tpu.iota {dimensions = array<i32: 0>} : vector<16xi32>
      %add3A_1319 = arith.constant 0 : i32
      %add3A_1320 = vector.broadcast %add3A_1319 : i32 to vector<16xi32>
      %add3A_1321 = arith.addi %iota3A_1318, %add3A_1320 : vector<16xi32>
      %and3A_1322 = arith.constant 63 : i32
      %and3A_1323 = vector.broadcast %and3A_1322 : i32 to vector<16xi32>
      %and3A_1324 = arith.andi %get3A_1317, %and3A_1323 : vector<16xi32>
      %shift_left3A_1325 = arith.constant 1 : i32
      %shift_left3A_1326 = vector.broadcast %shift_left3A_1325 : i32 to vector<16xi32>
      %shift_left3A_1327 = arith.shli %and3A_1324, %shift_left3A_1326 : vector<16xi32>
      tpu.vector_store_idx %arg12[%add3A_1321, %shift_left3A_1327], %broadcast_in_dim3A_7 : memref<80x128xf32, #tpu.memory_space<vmem>>[vector<16xi32>, vector<16xi32>], vector<16xf32>,
      %add3A_1328 = arith.constant 1 : i32
      %add3A_1329 = vector.broadcast %add3A_1328 : i32 to vector<16xi32>
      %add3A_1330 = arith.addi %shift_left3A_1327, %add3A_1329 : vector<16xi32>
      tpu.vector_store_idx %arg12[%add3A_1321, %add3A_1330], %broadcast_in_dim3A_7 : memref<80x128xf32, #tpu.memory_space<vmem>>[vector<16xi32>, vector<16xi32>], vector<16xf32>,
      %get3A_1331 = arith.constant 1 : i32
      %get3A_1332 = arith.index_cast %get3A_1331 : i32 to index
      %get3A_1333 = arith.constant 16 : index
      %get3A_1334 = tpu.vector_load %arg8[%get3A_1332, %get3A_1333] {strides = array<i32>} : memref<2x80xi32, #tpu.memory_space<vmem>>, vector<16xi32>,
      %iota3A_1335 = tpu.iota {dimensions = array<i32: 0>} : vector<16xi32>
      %add3A_1336 = arith.constant 16 : i32
      %add3A_1337 = vector.broadcast %add3A_1336 : i32 to vector<16xi32>
      %add3A_1338 = arith.addi %iota3A_1335, %add3A_1337 : vector<16xi32>
      %and3A_1339 = arith.constant 63 : i32
      %and3A_1340 = vector.broadcast %and3A_1339 : i32 to vector<16xi32>
      %and3A_1341 = arith.andi %get3A_1334, %and3A_1340 : vector<16xi32>
      %shift_left3A_1342 = arith.constant 1 : i32
      %shift_left3A_1343 = vector.broadcast %shift_left3A_1342 : i32 to vector<16xi32>
      %shift_left3A_1344 = arith.shli %and3A_1341, %shift_left3A_1343 : vector<16xi32>
      tpu.vector_store_idx %arg12[%add3A_1338, %shift_left3A_1344], %broadcast_in_dim3A_7 : memref<80x128xf32, #tpu.memory_space<vmem>>[vector<16xi32>, vector<16xi32>], vector<16xf32>,
      %add3A_1345 = arith.constant 1 : i32
      %add3A_1346 = vector.broadcast %add3A_1345 : i32 to vector<16xi32>
      %add3A_1347 = arith.addi %shift_left3A_1344, %add3A_1346 : vector<16xi32>
      tpu.vector_store_idx %arg12[%add3A_1338, %add3A_1347], %broadcast_in_dim3A_7 : memref<80x128xf32, #tpu.memory_space<vmem>>[vector<16xi32>, vector<16xi32>], vector<16xf32>,
      %get3A_1348 = arith.constant 1 : i32
      %get3A_1349 = arith.index_cast %get3A_1348 : i32 to index
      %get3A_1350 = arith.constant 32 : index
      %get3A_1351 = tpu.vector_load %arg8[%get3A_1349, %get3A_1350] {strides = array<i32>} : memref<2x80xi32, #tpu.memory_space<vmem>>, vector<16xi32>,
      %iota3A_1352 = tpu.iota {dimensions = array<i32: 0>} : vector<16xi32>
      %add3A_1353 = arith.constant 32 : i32
      %add3A_1354 = vector.broadcast %add3A_1353 : i32 to vector<16xi32>
      %add3A_1355 = arith.addi %iota3A_1352, %add3A_1354 : vector<16xi32>
      %and3A_1356 = arith.constant 63 : i32
      %and3A_1357 = vector.broadcast %and3A_1356 : i32 to vector<16xi32>
      %and3A_1358 = arith.andi %get3A_1351, %and3A_1357 : vector<16xi32>
      %shift_left3A_1359 = arith.constant 1 : i32
      %shift_left3A_1360 = vector.broadcast %shift_left3A_1359 : i32 to vector<16xi32>
      %shift_left3A_1361 = arith.shli %and3A_1358, %shift_left3A_1360 : vector<16xi32>
      tpu.vector_store_idx %arg12[%add3A_1355, %shift_left3A_1361], %broadcast_in_dim3A_7 : memref<80x128xf32, #tpu.memory_space<vmem>>[vector<16xi32>, vector<16xi32>], vector<16xf32>,
      %add3A_1362 = arith.constant 1 : i32
      %add3A_1363 = vector.broadcast %add3A_1362 : i32 to vector<16xi32>
      %add3A_1364 = arith.addi %shift_left3A_1361, %add3A_1363 : vector<16xi32>
      tpu.vector_store_idx %arg12[%add3A_1355, %add3A_1364], %broadcast_in_dim3A_7 : memref<80x128xf32, #tpu.memory_space<vmem>>[vector<16xi32>, vector<16xi32>], vector<16xf32>,
      %get3A_1365 = arith.constant 1 : i32
      %get3A_1366 = arith.index_cast %get3A_1365 : i32 to index
      %get3A_1367 = arith.constant 48 : index
      %get3A_1368 = tpu.vector_load %arg8[%get3A_1366, %get3A_1367] {strides = array<i32>} : memref<2x80xi32, #tpu.memory_space<vmem>>, vector<16xi32>,
      %iota3A_1369 = tpu.iota {dimensions = array<i32: 0>} : vector<16xi32>
      %add3A_1370 = arith.constant 48 : i32
      %add3A_1371 = vector.broadcast %add3A_1370 : i32 to vector<16xi32>
      %add3A_1372 = arith.addi %iota3A_1369, %add3A_1371 : vector<16xi32>
      %and3A_1373 = arith.constant 63 : i32
      %and3A_1374 = vector.broadcast %and3A_1373 : i32 to vector<16xi32>
      %and3A_1375 = arith.andi %get3A_1368, %and3A_1374 : vector<16xi32>
      %shift_left3A_1376 = arith.constant 1 : i32
      %shift_left3A_1377 = vector.broadcast %shift_left3A_1376 : i32 to vector<16xi32>
      %shift_left3A_1378 = arith.shli %and3A_1375, %shift_left3A_1377 : vector<16xi32>
      tpu.vector_store_idx %arg12[%add3A_1372, %shift_left3A_1378], %broadcast_in_dim3A_7 : memref<80x128xf32, #tpu.memory_space<vmem>>[vector<16xi32>, vector<16xi32>], vector<16xf32>,
      %add3A_1379 = arith.constant 1 : i32
      %add3A_1380 = vector.broadcast %add3A_1379 : i32 to vector<16xi32>
      %add3A_1381 = arith.addi %shift_left3A_1378, %add3A_1380 : vector<16xi32>
      tpu.vector_store_idx %arg12[%add3A_1372, %add3A_1381], %broadcast_in_dim3A_7 : memref<80x128xf32, #tpu.memory_space<vmem>>[vector<16xi32>, vector<16xi32>], vector<16xf32>,
      %get3A_1382 = arith.constant 1 : i32
      %get3A_1383 = arith.index_cast %get3A_1382 : i32 to index
      %get3A_1384 = arith.constant 64 : index
      %get3A_1385 = tpu.vector_load %arg8[%get3A_1383, %get3A_1384] {strides = array<i32>} : memref<2x80xi32, #tpu.memory_space<vmem>>, vector<16xi32>,
      %iota3A_1386 = tpu.iota {dimensions = array<i32: 0>} : vector<16xi32>
      %add3A_1387 = arith.constant 64 : i32
      %add3A_1388 = vector.broadcast %add3A_1387 : i32 to vector<16xi32>
      %add3A_1389 = arith.addi %iota3A_1386, %add3A_1388 : vector<16xi32>
      %and3A_1390 = arith.constant 63 : i32
      %and3A_1391 = vector.broadcast %and3A_1390 : i32 to vector<16xi32>
      %and3A_1392 = arith.andi %get3A_1385, %and3A_1391 : vector<16xi32>
      %shift_left3A_1393 = arith.constant 1 : i32
      %shift_left3A_1394 = vector.broadcast %shift_left3A_1393 : i32 to vector<16xi32>
      %shift_left3A_1395 = arith.shli %and3A_1392, %shift_left3A_1394 : vector<16xi32>
      tpu.vector_store_idx %arg12[%add3A_1389, %shift_left3A_1395], %broadcast_in_dim3A_7 : memref<80x128xf32, #tpu.memory_space<vmem>>[vector<16xi32>, vector<16xi32>], vector<16xf32>,
      %add3A_1396 = arith.constant 1 : i32
      %add3A_1397 = vector.broadcast %add3A_1396 : i32 to vector<16xi32>
      %add3A_1398 = arith.addi %shift_left3A_1395, %add3A_1397 : vector<16xi32>
      tpu.vector_store_idx %arg12[%add3A_1389, %add3A_1398], %broadcast_in_dim3A_7 : memref<80x128xf32, #tpu.memory_space<vmem>>[vector<16xi32>, vector<16xi32>], vector<16xf32>,
      %add3A_1399 = arith.constant 1 : i32
      %add3A_1400 = arith.addi %mul3A_1051, %add3A_1399 : i32
      %mul3A_1401 = arith.constant 80 : i32
      %mul3A_1402 = arith.muli %add3A_1400, %mul3A_1401 : i32
      %add3A_1403 = arith.addi %mul3A_2, %mul3A_1402 : i32
      %min3A_1404 = arith.constant 319920 : i32
      %min3A_1405 = arith.minsi %add3A_1403, %min3A_1404 : i32
      %dma_start3A_1406 = arith.constant 1 : i32
      %dma_start3A_1407 = arith.constant 0 : i32
      %dma_start3A_1408 = tpu.memref_slice %arg8[%dma_start3A_1406, %dma_start3A_1407] : memref<2x80xi32, #tpu.memory_space<vmem>> -> memref<1x80xi32, #tpu.memory_space<vmem>>
      %dma_start3A_1409 = tpu.memref_squeeze %dma_start3A_1408 : memref<1x80xi32, #tpu.memory_space<vmem>> -> memref<80xi32, #tpu.memory_space<vmem>>
      %dma_start3A_1410 = tpu.memref_slice %arg4[%min3A_1405] : memref<320000xi32, #tpu.memory_space<hbm>> -> memref<80xi32, #tpu.memory_space<hbm>>
      %dma_start3A_1411 = arith.constant 0 : i32
      %dma_start3A_1412 = tpu.memref_slice %arg8[%dma_start3A_1406, %dma_start3A_1411] : memref<2x80xi32, #tpu.memory_space<vmem>> -> memref<1x80xi32, #tpu.memory_space<vmem>>
      %dma_start3A_1413 = tpu.memref_squeeze %dma_start3A_1412 : memref<1x80xi32, #tpu.memory_space<vmem>> -> memref<80xi32, #tpu.memory_space<vmem>>
      %dma_start3A_1414 = tpu.memref_slice %arg4[%min3A_1405] : memref<320000xi32, #tpu.memory_space<hbm>> -> memref<80xi32, #tpu.memory_space<hbm>>
      tpu.enqueue_dma source(%dma_start3A_1414 : memref<80xi32, #tpu.memory_space<hbm>>) target(%dma_start3A_1413 : memref<80xi32, #tpu.memory_space<vmem>>) target_semaphore(%arg16 : memref<!tpu.dma_semaphore, #tpu.memory_space<semaphore_mem>>)
      %dma_start3A_1415 = arith.constant 1 : i32
      %dma_start3A_1416 = arith.constant 0 : i32
      %dma_start3A_1417 = arith.constant 0 : i32
      %dma_start3A_1418 = tpu.memref_slice %arg10[%dma_start3A_1415, %dma_start3A_1416, %dma_start3A_1417] : memref<2x80x128xf32, #tpu.memory_space<vmem>> -> memref<1x80x128xf32, #tpu.memory_space<vmem>>
      %dma_start3A_1419 = tpu.memref_squeeze %dma_start3A_1418 : memref<1x80x128xf32, #tpu.memory_space<vmem>> -> memref<80x128xf32, #tpu.memory_space<vmem>>
      %dma_start3A_1420 = arith.constant 0 : i32
      %dma_start3A_1421 = tpu.memref_slice %arg2[%min3A_1405, %dma_start3A_1420] : memref<320000x128xf32, #tpu.memory_space<hbm>> -> memref<80x128xf32, #tpu.memory_space<hbm>>
      %dma_start3A_1422 = arith.constant 0 : i32
      %dma_start3A_1423 = arith.constant 0 : i32
      %dma_start3A_1424 = tpu.memref_slice %arg10[%dma_start3A_1415, %dma_start3A_1422, %dma_start3A_1423] : memref<2x80x128xf32, #tpu.memory_space<vmem>> -> memref<1x80x128xf32, #tpu.memory_space<vmem>>
      %dma_start3A_1425 = tpu.memref_squeeze %dma_start3A_1424 : memref<1x80x128xf32, #tpu.memory_space<vmem>> -> memref<80x128xf32, #tpu.memory_space<vmem>>
      %dma_start3A_1426 = arith.constant 0 : i32
      %dma_start3A_1427 = tpu.memref_slice %arg2[%min3A_1405, %dma_start3A_1426] : memref<320000x128xf32, #tpu.memory_space<hbm>> -> memref<80x128xf32, #tpu.memory_space<hbm>>
      tpu.enqueue_dma source(%dma_start3A_1427 : memref<80x128xf32, #tpu.memory_space<hbm>>) target(%dma_start3A_1425 : memref<80x128xf32, #tpu.memory_space<vmem>>) target_semaphore(%arg16 : memref<!tpu.dma_semaphore, #tpu.memory_space<semaphore_mem>>)
      %mul3A_1428 = arith.constant 8 : i32
      %mul3A_1429 = arith.muli %min3A_1405, %mul3A_1428 : i32
      %dma_start3A_1430 = arith.constant 1 : i32
      %dma_start3A_1431 = arith.constant 0 : i32
      %dma_start3A_1432 = tpu.memref_slice %arg11[%dma_start3A_1430, %dma_start3A_1431] : memref<2x640xf32, #tpu.memory_space<vmem>> -> memref<1x640xf32, #tpu.memory_space<vmem>>
      %dma_start3A_1433 = tpu.memref_squeeze %dma_start3A_1432 : memref<1x640xf32, #tpu.memory_space<vmem>> -> memref<640xf32, #tpu.memory_space<vmem>>
      %dma_start3A_1434 = tpu.memref_slice %arg3[%mul3A_1429] : memref<2560000xf32, #tpu.memory_space<hbm>> -> memref<640xf32, #tpu.memory_space<hbm>>
      %dma_start3A_1435 = arith.constant 0 : i32
      %dma_start3A_1436 = tpu.memref_slice %arg11[%dma_start3A_1430, %dma_start3A_1435] : memref<2x640xf32, #tpu.memory_space<vmem>> -> memref<1x640xf32, #tpu.memory_space<vmem>>
      %dma_start3A_1437 = tpu.memref_squeeze %dma_start3A_1436 : memref<1x640xf32, #tpu.memory_space<vmem>> -> memref<640xf32, #tpu.memory_space<vmem>>
      %dma_start3A_1438 = tpu.memref_slice %arg3[%mul3A_1429] : memref<2560000xf32, #tpu.memory_space<hbm>> -> memref<640xf32, #tpu.memory_space<hbm>>
      tpu.enqueue_dma source(%dma_start3A_1438 : memref<640xf32, #tpu.memory_space<hbm>>) target(%dma_start3A_1437 : memref<640xf32, #tpu.memory_space<vmem>>) target_semaphore(%arg16 : memref<!tpu.dma_semaphore, #tpu.memory_space<semaphore_mem>>)
      %dma_wait3A_1439 = arith.constant 0 : i32
      %dma_wait3A_1440 = arith.constant 0 : i32
      %dma_wait3A_1441 = tpu.memref_slice %arg8[%dma_wait3A_1439, %dma_wait3A_1440] : memref<2x80xi32, #tpu.memory_space<vmem>> -> memref<1x80xi32, #tpu.memory_space<vmem>>
      %dma_wait3A_1442 = tpu.memref_squeeze %dma_wait3A_1441 : memref<1x80xi32, #tpu.memory_space<vmem>> -> memref<80xi32, #tpu.memory_space<vmem>>
      %dma_wait3A_1443 = arith.constant 0 : i32
      %dma_wait3A_1444 = tpu.memref_slice %arg4[%dma_wait3A_1443] : memref<320000xi32, #tpu.memory_space<hbm>> -> memref<80xi32, #tpu.memory_space<hbm>>
      %dma_wait3A_1445 = arith.constant 0 : i32
      %dma_wait3A_1446 = tpu.memref_slice %arg8[%dma_wait3A_1439, %dma_wait3A_1445] : memref<2x80xi32, #tpu.memory_space<vmem>> -> memref<1x80xi32, #tpu.memory_space<vmem>>
      %dma_wait3A_1447 = tpu.memref_squeeze %dma_wait3A_1446 : memref<1x80xi32, #tpu.memory_space<vmem>> -> memref<80xi32, #tpu.memory_space<vmem>>
      %dma_wait3A_1448 = arith.constant 0 : i32
      %dma_wait3A_1449 = tpu.memref_slice %arg4[%dma_wait3A_1448] : memref<320000xi32, #tpu.memory_space<hbm>> -> memref<80xi32, #tpu.memory_space<hbm>>
      tpu.wait_dma2 semaphore(%arg15 : memref<!tpu.dma_semaphore, #tpu.memory_space<semaphore_mem>>) src(%dma_wait3A_1449 : memref<80xi32, #tpu.memory_space<hbm>>) dst(%dma_wait3A_1447 : memref<80xi32, #tpu.memory_space<vmem>>)
      %dma_wait3A_1450 = arith.constant 0 : i32
      %dma_wait3A_1451 = arith.constant 0 : i32
      %dma_wait3A_1452 = arith.constant 0 : i32
      %dma_wait3A_1453 = tpu.memref_slice %arg10[%dma_wait3A_1450, %dma_wait3A_1451, %dma_wait3A_1452] : memref<2x80x128xf32, #tpu.memory_space<vmem>> -> memref<1x80x128xf32, #tpu.memory_space<vmem>>
      %dma_wait3A_1454 = tpu.memref_squeeze %dma_wait3A_1453 : memref<1x80x128xf32, #tpu.memory_space<vmem>> -> memref<80x128xf32, #tpu.memory_space<vmem>>
      %dma_wait3A_1455 = arith.constant 0 : i32
      %dma_wait3A_1456 = arith.constant 0 : i32
      %dma_wait3A_1457 = tpu.memref_slice %arg2[%dma_wait3A_1455, %dma_wait3A_1456] : memref<320000x128xf32, #tpu.memory_space<hbm>> -> memref<80x128xf32, #tpu.memory_space<hbm>>
      %dma_wait3A_1458 = arith.constant 0 : i32
      %dma_wait3A_1459 = arith.constant 0 : i32
      %dma_wait3A_1460 = tpu.memref_slice %arg10[%dma_wait3A_1450, %dma_wait3A_1458, %dma_wait3A_1459] : memref<2x80x128xf32, #tpu.memory_space<vmem>> -> memref<1x80x128xf32, #tpu.memory_space<vmem>>
      %dma_wait3A_1461 = tpu.memref_squeeze %dma_wait3A_1460 : memref<1x80x128xf32, #tpu.memory_space<vmem>> -> memref<80x128xf32, #tpu.memory_space<vmem>>
      %dma_wait3A_1462 = arith.constant 0 : i32
      %dma_wait3A_1463 = arith.constant 0 : i32
      %dma_wait3A_1464 = tpu.memref_slice %arg2[%dma_wait3A_1462, %dma_wait3A_1463] : memref<320000x128xf32, #tpu.memory_space<hbm>> -> memref<80x128xf32, #tpu.memory_space<hbm>>
      tpu.wait_dma2 semaphore(%arg15 : memref<!tpu.dma_semaphore, #tpu.memory_space<semaphore_mem>>) src(%dma_wait3A_1464 : memref<80x128xf32, #tpu.memory_space<hbm>>) dst(%dma_wait3A_1461 : memref<80x128xf32, #tpu.memory_space<vmem>>)
      %dma_wait3A_1465 = arith.constant 0 : i32
      %dma_wait3A_1466 = arith.constant 0 : i32
      %dma_wait3A_1467 = tpu.memref_slice %arg11[%dma_wait3A_1465, %dma_wait3A_1466] : memref<2x640xf32, #tpu.memory_space<vmem>> -> memref<1x640xf32, #tpu.memory_space<vmem>>
      %dma_wait3A_1468 = tpu.memref_squeeze %dma_wait3A_1467 : memref<1x640xf32, #tpu.memory_space<vmem>> -> memref<640xf32, #tpu.memory_space<vmem>>
      %dma_wait3A_1469 = arith.constant 0 : i32
      %dma_wait3A_1470 = tpu.memref_slice %arg3[%dma_wait3A_1469] : memref<2560000xf32, #tpu.memory_space<hbm>> -> memref<640xf32, #tpu.memory_space<hbm>>
      %dma_wait3A_1471 = arith.constant 0 : i32
      %dma_wait3A_1472 = tpu.memref_slice %arg11[%dma_wait3A_1465, %dma_wait3A_1471] : memref<2x640xf32, #tpu.memory_space<vmem>> -> memref<1x640xf32, #tpu.memory_space<vmem>>
      %dma_wait3A_1473 = tpu.memref_squeeze %dma_wait3A_1472 : memref<1x640xf32, #tpu.memory_space<vmem>> -> memref<640xf32, #tpu.memory_space<vmem>>
      %dma_wait3A_1474 = arith.constant 0 : i32
      %dma_wait3A_1475 = tpu.memref_slice %arg3[%dma_wait3A_1474] : memref<2560000xf32, #tpu.memory_space<hbm>> -> memref<640xf32, #tpu.memory_space<hbm>>
      tpu.wait_dma2 semaphore(%arg15 : memref<!tpu.dma_semaphore, #tpu.memory_space<semaphore_mem>>) src(%dma_wait3A_1475 : memref<640xf32, #tpu.memory_space<hbm>>) dst(%dma_wait3A_1473 : memref<640xf32, #tpu.memory_space<vmem>>)
      %get3A_1476 = arith.constant 0 : i32
      %get3A_1477 = arith.index_cast %get3A_1476 : i32 to index
      %get3A_1478 = arith.constant 0 : index
      %get3A_1479 = tpu.vector_load %arg8[%get3A_1477, %get3A_1478] {strides = array<i32>} : memref<2x80xi32, #tpu.memory_space<vmem>>, vector<16xi32>,
      %iota3A_1480 = tpu.iota {dimensions = array<i32: 0>} : vector<16xi32>
      %add3A_1481 = arith.constant 0 : i32
      %add3A_1482 = vector.broadcast %add3A_1481 : i32 to vector<16xi32>
      %add3A_1483 = arith.addi %iota3A_1480, %add3A_1482 : vector<16xi32>
      %and3A_1484 = arith.constant 63 : i32
      %and3A_1485 = vector.broadcast %and3A_1484 : i32 to vector<16xi32>
      %and3A_1486 = arith.andi %get3A_1479, %and3A_1485 : vector<16xi32>
      %shift_left3A_1487 = arith.constant 1 : i32
      %shift_left3A_1488 = vector.broadcast %shift_left3A_1487 : i32 to vector<16xi32>
      %shift_left3A_1489 = arith.shli %and3A_1486, %shift_left3A_1488 : vector<16xi32>
      %shift_left3A_1490 = arith.constant 3 : i32
      %shift_left3A_1491 = vector.broadcast %shift_left3A_1490 : i32 to vector<16xi32>
      %shift_left3A_1492 = arith.shli %add3A_1483, %shift_left3A_1491 : vector<16xi32>
      %iota3A_1493 = tpu.iota {dimensions = array<i32: 0>} : vector<16xi32>
      %mul3A_1494 = arith.constant 0 : i32
      %mul3A_1495 = vector.broadcast %mul3A_1494 : i32 to vector<16xi32>
      %mul3A_1496 = arith.muli %iota3A_1493, %mul3A_1495 : vector<16xi32>
      %add3A_1497 = arith.constant 0 : i32
      %add3A_1498 = vector.broadcast %add3A_1497 : i32 to vector<16xi32>
      %add3A_1499 = arith.addi %mul3A_1496, %add3A_1498 : vector<16xi32>
      %gather3A_1500 = tpu.vector_load_idx %arg11[%add3A_1499, %shift_left3A_1492] : memref<2x640xf32, #tpu.memory_space<vmem>>[vector<16xi32>, vector<16xi32>], vector<16xf32>,
      %add3A_1501 = arith.constant 1 : i32
      %add3A_1502 = vector.broadcast %add3A_1501 : i32 to vector<16xi32>
      %add3A_1503 = arith.addi %shift_left3A_1492, %add3A_1502 : vector<16xi32>
      %gather3A_1504 = tpu.vector_load_idx %arg11[%add3A_1499, %add3A_1503] : memref<2x640xf32, #tpu.memory_space<vmem>>[vector<16xi32>, vector<16xi32>], vector<16xf32>,
      tpu.vector_store_idx %arg12[%add3A_1483, %shift_left3A_1489], %gather3A_1500 : memref<80x128xf32, #tpu.memory_space<vmem>>[vector<16xi32>, vector<16xi32>], vector<16xf32>,
      %add3A_1505 = arith.constant 1 : i32
      %add3A_1506 = vector.broadcast %add3A_1505 : i32 to vector<16xi32>
      %add3A_1507 = arith.addi %shift_left3A_1489, %add3A_1506 : vector<16xi32>
      tpu.vector_store_idx %arg12[%add3A_1483, %add3A_1507], %gather3A_1504 : memref<80x128xf32, #tpu.memory_space<vmem>>[vector<16xi32>, vector<16xi32>], vector<16xf32>,
      %shift_right_logical3A_1508 = arith.constant 6 : i32
      %shift_right_logical3A_1509 = vector.broadcast %shift_right_logical3A_1508 : i32 to vector<16xi32>
      %shift_right_logical3A_1510 = arith.shrui %get3A_1479, %shift_right_logical3A_1509 : vector<16xi32>
      %swap3A_1511 = arith.constant 0 : index
      %swap3A_1512 = tpu.vector_load %arg9[%swap3A_1511] {strides = array<i32>} : memref<80xi32, #tpu.memory_space<vmem>>, vector<16xi32>,
      tpu.vector_store %arg9[%swap3A_1511], %shift_right_logical3A_1510 {strides = array<i32>} : memref<80xi32, #tpu.memory_space<vmem>>, vector<16xi32>,
      %get3A_1513 = arith.constant 0 : i32
      %get3A_1514 = arith.index_cast %get3A_1513 : i32 to index
      %get3A_1515 = arith.constant 16 : index
      %get3A_1516 = tpu.vector_load %arg8[%get3A_1514, %get3A_1515] {strides = array<i32>} : memref<2x80xi32, #tpu.memory_space<vmem>>, vector<16xi32>,
      %iota3A_1517 = tpu.iota {dimensions = array<i32: 0>} : vector<16xi32>
      %add3A_1518 = arith.constant 16 : i32
      %add3A_1519 = vector.broadcast %add3A_1518 : i32 to vector<16xi32>
      %add3A_1520 = arith.addi %iota3A_1517, %add3A_1519 : vector<16xi32>
      %and3A_1521 = arith.constant 63 : i32
      %and3A_1522 = vector.broadcast %and3A_1521 : i32 to vector<16xi32>
      %and3A_1523 = arith.andi %get3A_1516, %and3A_1522 : vector<16xi32>
      %shift_left3A_1524 = arith.constant 1 : i32
      %shift_left3A_1525 = vector.broadcast %shift_left3A_1524 : i32 to vector<16xi32>
      %shift_left3A_1526 = arith.shli %and3A_1523, %shift_left3A_1525 : vector<16xi32>
      %shift_left3A_1527 = arith.constant 3 : i32
      %shift_left3A_1528 = vector.broadcast %shift_left3A_1527 : i32 to vector<16xi32>
      %shift_left3A_1529 = arith.shli %add3A_1520, %shift_left3A_1528 : vector<16xi32>
      %iota3A_1530 = tpu.iota {dimensions = array<i32: 0>} : vector<16xi32>
      %mul3A_1531 = arith.constant 0 : i32
      %mul3A_1532 = vector.broadcast %mul3A_1531 : i32 to vector<16xi32>
      %mul3A_1533 = arith.muli %iota3A_1530, %mul3A_1532 : vector<16xi32>
      %add3A_1534 = arith.constant 0 : i32
      %add3A_1535 = vector.broadcast %add3A_1534 : i32 to vector<16xi32>
      %add3A_1536 = arith.addi %mul3A_1533, %add3A_1535 : vector<16xi32>
      %gather3A_1537 = tpu.vector_load_idx %arg11[%add3A_1536, %shift_left3A_1529] : memref<2x640xf32, #tpu.memory_space<vmem>>[vector<16xi32>, vector<16xi32>], vector<16xf32>,
      %add3A_1538 = arith.constant 1 : i32
      %add3A_1539 = vector.broadcast %add3A_1538 : i32 to vector<16xi32>
      %add3A_1540 = arith.addi %shift_left3A_1529, %add3A_1539 : vector<16xi32>
      %gather3A_1541 = tpu.vector_load_idx %arg11[%add3A_1536, %add3A_1540] : memref<2x640xf32, #tpu.memory_space<vmem>>[vector<16xi32>, vector<16xi32>], vector<16xf32>,
      tpu.vector_store_idx %arg12[%add3A_1520, %shift_left3A_1526], %gather3A_1537 : memref<80x128xf32, #tpu.memory_space<vmem>>[vector<16xi32>, vector<16xi32>], vector<16xf32>,
      %add3A_1542 = arith.constant 1 : i32
      %add3A_1543 = vector.broadcast %add3A_1542 : i32 to vector<16xi32>
      %add3A_1544 = arith.addi %shift_left3A_1526, %add3A_1543 : vector<16xi32>
      tpu.vector_store_idx %arg12[%add3A_1520, %add3A_1544], %gather3A_1541 : memref<80x128xf32, #tpu.memory_space<vmem>>[vector<16xi32>, vector<16xi32>], vector<16xf32>,
      %shift_right_logical3A_1545 = arith.constant 6 : i32
      %shift_right_logical3A_1546 = vector.broadcast %shift_right_logical3A_1545 : i32 to vector<16xi32>
      %shift_right_logical3A_1547 = arith.shrui %get3A_1516, %shift_right_logical3A_1546 : vector<16xi32>
      %swap3A_1548 = arith.constant 16 : index
      %swap3A_1549 = tpu.vector_load %arg9[%swap3A_1548] {strides = array<i32>} : memref<80xi32, #tpu.memory_space<vmem>>, vector<16xi32>,
      tpu.vector_store %arg9[%swap3A_1548], %shift_right_logical3A_1547 {strides = array<i32>} : memref<80xi32, #tpu.memory_space<vmem>>, vector<16xi32>,
      %get3A_1550 = arith.constant 0 : i32
      %get3A_1551 = arith.index_cast %get3A_1550 : i32 to index
      %get3A_1552 = arith.constant 32 : index
      %get3A_1553 = tpu.vector_load %arg8[%get3A_1551, %get3A_1552] {strides = array<i32>} : memref<2x80xi32, #tpu.memory_space<vmem>>, vector<16xi32>,
      %iota3A_1554 = tpu.iota {dimensions = array<i32: 0>} : vector<16xi32>
      %add3A_1555 = arith.constant 32 : i32
      %add3A_1556 = vector.broadcast %add3A_1555 : i32 to vector<16xi32>
      %add3A_1557 = arith.addi %iota3A_1554, %add3A_1556 : vector<16xi32>
      %and3A_1558 = arith.constant 63 : i32
      %and3A_1559 = vector.broadcast %and3A_1558 : i32 to vector<16xi32>
      %and3A_1560 = arith.andi %get3A_1553, %and3A_1559 : vector<16xi32>
      %shift_left3A_1561 = arith.constant 1 : i32
      %shift_left3A_1562 = vector.broadcast %shift_left3A_1561 : i32 to vector<16xi32>
      %shift_left3A_1563 = arith.shli %and3A_1560, %shift_left3A_1562 : vector<16xi32>
      %shift_left3A_1564 = arith.constant 3 : i32
      %shift_left3A_1565 = vector.broadcast %shift_left3A_1564 : i32 to vector<16xi32>
      %shift_left3A_1566 = arith.shli %add3A_1557, %shift_left3A_1565 : vector<16xi32>
      %iota3A_1567 = tpu.iota {dimensions = array<i32: 0>} : vector<16xi32>
      %mul3A_1568 = arith.constant 0 : i32
      %mul3A_1569 = vector.broadcast %mul3A_1568 : i32 to vector<16xi32>
      %mul3A_1570 = arith.muli %iota3A_1567, %mul3A_1569 : vector<16xi32>
      %add3A_1571 = arith.constant 0 : i32
      %add3A_1572 = vector.broadcast %add3A_1571 : i32 to vector<16xi32>
      %add3A_1573 = arith.addi %mul3A_1570, %add3A_1572 : vector<16xi32>
      %gather3A_1574 = tpu.vector_load_idx %arg11[%add3A_1573, %shift_left3A_1566] : memref<2x640xf32, #tpu.memory_space<vmem>>[vector<16xi32>, vector<16xi32>], vector<16xf32>,
      %add3A_1575 = arith.constant 1 : i32
      %add3A_1576 = vector.broadcast %add3A_1575 : i32 to vector<16xi32>
      %add3A_1577 = arith.addi %shift_left3A_1566, %add3A_1576 : vector<16xi32>
      %gather3A_1578 = tpu.vector_load_idx %arg11[%add3A_1573, %add3A_1577] : memref<2x640xf32, #tpu.memory_space<vmem>>[vector<16xi32>, vector<16xi32>], vector<16xf32>,
      tpu.vector_store_idx %arg12[%add3A_1557, %shift_left3A_1563], %gather3A_1574 : memref<80x128xf32, #tpu.memory_space<vmem>>[vector<16xi32>, vector<16xi32>], vector<16xf32>,
      %add3A_1579 = arith.constant 1 : i32
      %add3A_1580 = vector.broadcast %add3A_1579 : i32 to vector<16xi32>
      %add3A_1581 = arith.addi %shift_left3A_1563, %add3A_1580 : vector<16xi32>
      tpu.vector_store_idx %arg12[%add3A_1557, %add3A_1581], %gather3A_1578 : memref<80x128xf32, #tpu.memory_space<vmem>>[vector<16xi32>, vector<16xi32>], vector<16xf32>,
      %shift_right_logical3A_1582 = arith.constant 6 : i32
      %shift_right_logical3A_1583 = vector.broadcast %shift_right_logical3A_1582 : i32 to vector<16xi32>
      %shift_right_logical3A_1584 = arith.shrui %get3A_1553, %shift_right_logical3A_1583 : vector<16xi32>
      %swap3A_1585 = arith.constant 32 : index
      %swap3A_1586 = tpu.vector_load %arg9[%swap3A_1585] {strides = array<i32>} : memref<80xi32, #tpu.memory_space<vmem>>, vector<16xi32>,
      tpu.vector_store %arg9[%swap3A_1585], %shift_right_logical3A_1584 {strides = array<i32>} : memref<80xi32, #tpu.memory_space<vmem>>, vector<16xi32>,
      %get3A_1587 = arith.constant 0 : i32
      %get3A_1588 = arith.index_cast %get3A_1587 : i32 to index
      %get3A_1589 = arith.constant 48 : index
      %get3A_1590 = tpu.vector_load %arg8[%get3A_1588, %get3A_1589] {strides = array<i32>} : memref<2x80xi32, #tpu.memory_space<vmem>>, vector<16xi32>,
      %iota3A_1591 = tpu.iota {dimensions = array<i32: 0>} : vector<16xi32>
      %add3A_1592 = arith.constant 48 : i32
      %add3A_1593 = vector.broadcast %add3A_1592 : i32 to vector<16xi32>
      %add3A_1594 = arith.addi %iota3A_1591, %add3A_1593 : vector<16xi32>
      %and3A_1595 = arith.constant 63 : i32
      %and3A_1596 = vector.broadcast %and3A_1595 : i32 to vector<16xi32>
      %and3A_1597 = arith.andi %get3A_1590, %and3A_1596 : vector<16xi32>
      %shift_left3A_1598 = arith.constant 1 : i32
      %shift_left3A_1599 = vector.broadcast %shift_left3A_1598 : i32 to vector<16xi32>
      %shift_left3A_1600 = arith.shli %and3A_1597, %shift_left3A_1599 : vector<16xi32>
      %shift_left3A_1601 = arith.constant 3 : i32
      %shift_left3A_1602 = vector.broadcast %shift_left3A_1601 : i32 to vector<16xi32>
      %shift_left3A_1603 = arith.shli %add3A_1594, %shift_left3A_1602 : vector<16xi32>
      %iota3A_1604 = tpu.iota {dimensions = array<i32: 0>} : vector<16xi32>
      %mul3A_1605 = arith.constant 0 : i32
      %mul3A_1606 = vector.broadcast %mul3A_1605 : i32 to vector<16xi32>
      %mul3A_1607 = arith.muli %iota3A_1604, %mul3A_1606 : vector<16xi32>
      %add3A_1608 = arith.constant 0 : i32
      %add3A_1609 = vector.broadcast %add3A_1608 : i32 to vector<16xi32>
      %add3A_1610 = arith.addi %mul3A_1607, %add3A_1609 : vector<16xi32>
      %gather3A_1611 = tpu.vector_load_idx %arg11[%add3A_1610, %shift_left3A_1603] : memref<2x640xf32, #tpu.memory_space<vmem>>[vector<16xi32>, vector<16xi32>], vector<16xf32>,
      %add3A_1612 = arith.constant 1 : i32
      %add3A_1613 = vector.broadcast %add3A_1612 : i32 to vector<16xi32>
      %add3A_1614 = arith.addi %shift_left3A_1603, %add3A_1613 : vector<16xi32>
      %gather3A_1615 = tpu.vector_load_idx %arg11[%add3A_1610, %add3A_1614] : memref<2x640xf32, #tpu.memory_space<vmem>>[vector<16xi32>, vector<16xi32>], vector<16xf32>,
      tpu.vector_store_idx %arg12[%add3A_1594, %shift_left3A_1600], %gather3A_1611 : memref<80x128xf32, #tpu.memory_space<vmem>>[vector<16xi32>, vector<16xi32>], vector<16xf32>,
      %add3A_1616 = arith.constant 1 : i32
      %add3A_1617 = vector.broadcast %add3A_1616 : i32 to vector<16xi32>
      %add3A_1618 = arith.addi %shift_left3A_1600, %add3A_1617 : vector<16xi32>
      tpu.vector_store_idx %arg12[%add3A_1594, %add3A_1618], %gather3A_1615 : memref<80x128xf32, #tpu.memory_space<vmem>>[vector<16xi32>, vector<16xi32>], vector<16xf32>,
      %shift_right_logical3A_1619 = arith.constant 6 : i32
      %shift_right_logical3A_1620 = vector.broadcast %shift_right_logical3A_1619 : i32 to vector<16xi32>
      %shift_right_logical3A_1621 = arith.shrui %get3A_1590, %shift_right_logical3A_1620 : vector<16xi32>
      %swap3A_1622 = arith.constant 48 : index
      %swap3A_1623 = tpu.vector_load %arg9[%swap3A_1622] {strides = array<i32>} : memref<80xi32, #tpu.memory_space<vmem>>, vector<16xi32>,
      tpu.vector_store %arg9[%swap3A_1622], %shift_right_logical3A_1621 {strides = array<i32>} : memref<80xi32, #tpu.memory_space<vmem>>, vector<16xi32>,
      %get3A_1624 = arith.constant 0 : i32
      %get3A_1625 = arith.index_cast %get3A_1624 : i32 to index
      %get3A_1626 = arith.constant 64 : index
      %get3A_1627 = tpu.vector_load %arg8[%get3A_1625, %get3A_1626] {strides = array<i32>} : memref<2x80xi32, #tpu.memory_space<vmem>>, vector<16xi32>,
      %iota3A_1628 = tpu.iota {dimensions = array<i32: 0>} : vector<16xi32>
      %add3A_1629 = arith.constant 64 : i32
      %add3A_1630 = vector.broadcast %add3A_1629 : i32 to vector<16xi32>
      %add3A_1631 = arith.addi %iota3A_1628, %add3A_1630 : vector<16xi32>
      %and3A_1632 = arith.constant 63 : i32
      %and3A_1633 = vector.broadcast %and3A_1632 : i32 to vector<16xi32>
      %and3A_1634 = arith.andi %get3A_1627, %and3A_1633 : vector<16xi32>
      %shift_left3A_1635 = arith.constant 1 : i32
      %shift_left3A_1636 = vector.broadcast %shift_left3A_1635 : i32 to vector<16xi32>
      %shift_left3A_1637 = arith.shli %and3A_1634, %shift_left3A_1636 : vector<16xi32>
      %shift_left3A_1638 = arith.constant 3 : i32
      %shift_left3A_1639 = vector.broadcast %shift_left3A_1638 : i32 to vector<16xi32>
      %shift_left3A_1640 = arith.shli %add3A_1631, %shift_left3A_1639 : vector<16xi32>
      %iota3A_1641 = tpu.iota {dimensions = array<i32: 0>} : vector<16xi32>
      %mul3A_1642 = arith.constant 0 : i32
      %mul3A_1643 = vector.broadcast %mul3A_1642 : i32 to vector<16xi32>
      %mul3A_1644 = arith.muli %iota3A_1641, %mul3A_1643 : vector<16xi32>
      %add3A_1645 = arith.constant 0 : i32
      %add3A_1646 = vector.broadcast %add3A_1645 : i32 to vector<16xi32>
      %add3A_1647 = arith.addi %mul3A_1644, %add3A_1646 : vector<16xi32>
      %gather3A_1648 = tpu.vector_load_idx %arg11[%add3A_1647, %shift_left3A_1640] : memref<2x640xf32, #tpu.memory_space<vmem>>[vector<16xi32>, vector<16xi32>], vector<16xf32>,
      %add3A_1649 = arith.constant 1 : i32
      %add3A_1650 = vector.broadcast %add3A_1649 : i32 to vector<16xi32>
      %add3A_1651 = arith.addi %shift_left3A_1640, %add3A_1650 : vector<16xi32>
      %gather3A_1652 = tpu.vector_load_idx %arg11[%add3A_1647, %add3A_1651] : memref<2x640xf32, #tpu.memory_space<vmem>>[vector<16xi32>, vector<16xi32>], vector<16xf32>,
      tpu.vector_store_idx %arg12[%add3A_1631, %shift_left3A_1637], %gather3A_1648 : memref<80x128xf32, #tpu.memory_space<vmem>>[vector<16xi32>, vector<16xi32>], vector<16xf32>,
      %add3A_1653 = arith.constant 1 : i32
      %add3A_1654 = vector.broadcast %add3A_1653 : i32 to vector<16xi32>
      %add3A_1655 = arith.addi %shift_left3A_1637, %add3A_1654 : vector<16xi32>
      tpu.vector_store_idx %arg12[%add3A_1631, %add3A_1655], %gather3A_1652 : memref<80x128xf32, #tpu.memory_space<vmem>>[vector<16xi32>, vector<16xi32>], vector<16xf32>,
      %shift_right_logical3A_1656 = arith.constant 6 : i32
      %shift_right_logical3A_1657 = vector.broadcast %shift_right_logical3A_1656 : i32 to vector<16xi32>
      %shift_right_logical3A_1658 = arith.shrui %get3A_1627, %shift_right_logical3A_1657 : vector<16xi32>
      %swap3A_1659 = arith.constant 64 : index
      %swap3A_1660 = tpu.vector_load %arg9[%swap3A_1659] {strides = array<i32>} : memref<80xi32, #tpu.memory_space<vmem>>, vector<16xi32>,
      tpu.vector_store %arg9[%swap3A_1659], %shift_right_logical3A_1658 {strides = array<i32>} : memref<80xi32, #tpu.memory_space<vmem>>, vector<16xi32>,
      %run_scoped3A_1661 = arith.constant 0 : i32
      %run_scoped3A_1662 = arith.constant 0 : i32
      "tpu.region"() ({
        %run_scoped3A_1748 = tpu.sem_alloc : memref<!tpu.dma_semaphore, #tpu.memory_space<semaphore_mem>>
        %dma_start3A_1749 = arith.constant 0 : i32
        %dma_start3A_1750 = arith.constant 0 : i32
        %dma_start3A_1751 = tpu.memref_slice %arg10[%run_scoped3A_1661, %dma_start3A_1749, %dma_start3A_1750] : memref<2x80x128xf32, #tpu.memory_space<vmem>> -> memref<1x80x128xf32, #tpu.memory_space<vmem>>
        %dma_start3A_1752 = tpu.memref_squeeze %dma_start3A_1751 : memref<1x80x128xf32, #tpu.memory_space<vmem>> -> memref<80x128xf32, #tpu.memory_space<vmem>>
        %dma_start3A_1753 = arith.constant 0 : i32
        %dma_start3A_1754 = tpu.memref_slice %arg8[%run_scoped3A_1662, %dma_start3A_1753] : memref<2x80xi32, #tpu.memory_space<vmem>> -> memref<1x80xi32, #tpu.memory_space<vmem>>
        %dma_start3A_1755 = tpu.memref_squeeze %dma_start3A_1754 : memref<1x80xi32, #tpu.memory_space<vmem>> -> memref<80xi32, #tpu.memory_space<vmem>>
        %dma_start3A_1756 = arith.constant 0 : i32
        %dma_start3A_1757 = arith.constant 0 : i32
        %dma_start3A_1758 = tpu.memref_slice %arg13[%dma_start3A_1756, %dma_start3A_1757] : memref<10240x128xf32, #tpu.memory_space<vmem_shared>> -> memref<10240x128xf32, #tpu.memory_space<vmem_shared>>
        tpu.enqueue_indirect_dma source(%dma_start3A_1752 : memref<80x128xf32, #tpu.memory_space<vmem>>) target(%dma_start3A_1758 : memref<10240x128xf32, #tpu.memory_space<vmem_shared>>) offsets(%dma_start3A_1755 : memref<80xi32, #tpu.memory_space<vmem>>) semaphore(%run_scoped3A_1748 : memref<!tpu.dma_semaphore, #tpu.memory_space<semaphore_mem>>) {add = true}
        %dma_wait3A_1759 = arith.constant 0 : i32
        %dma_wait3A_1760 = arith.constant 0 : i32
        %dma_wait3A_1761 = tpu.memref_slice %arg10[%run_scoped3A_1661, %dma_wait3A_1759, %dma_wait3A_1760] : memref<2x80x128xf32, #tpu.memory_space<vmem>> -> memref<1x80x128xf32, #tpu.memory_space<vmem>>
        %dma_wait3A_1762 = tpu.memref_squeeze %dma_wait3A_1761 : memref<1x80x128xf32, #tpu.memory_space<vmem>> -> memref<80x128xf32, #tpu.memory_space<vmem>>
        %dma_wait3A_1763 = arith.constant 0 : i32
        %dma_wait3A_1764 = tpu.memref_slice %arg8[%run_scoped3A_1662, %dma_wait3A_1763] : memref<2x80xi32, #tpu.memory_space<vmem>> -> memref<1x80xi32, #tpu.memory_space<vmem>>
        %dma_wait3A_1765 = tpu.memref_squeeze %dma_wait3A_1764 : memref<1x80xi32, #tpu.memory_space<vmem>> -> memref<80xi32, #tpu.memory_space<vmem>>
        %dma_wait3A_1766 = arith.constant 0 : i32
        %dma_wait3A_1767 = arith.constant 0 : i32
        %dma_wait3A_1768 = tpu.memref_slice %arg13[%dma_wait3A_1766, %dma_wait3A_1767] : memref<10240x128xf32, #tpu.memory_space<vmem_shared>> -> memref<10240x128xf32, #tpu.memory_space<vmem_shared>>
        tpu.wait_indirect_dma semaphore(%run_scoped3A_1748 : memref<!tpu.dma_semaphore, #tpu.memory_space<semaphore_mem>>) src(%dma_wait3A_1762 : memref<80x128xf32, #tpu.memory_space<vmem>>) dst(%dma_wait3A_1768 : memref<10240x128xf32, #tpu.memory_space<vmem_shared>>)
        tpu.yield
      }) : () -> ()
      "tpu.region"() ({
        %run_scoped3A_1748 = tpu.sem_alloc : memref<!tpu.dma_semaphore, #tpu.memory_space<semaphore_mem>>
        %dma_start3A_1749 = arith.constant 0 : i32
        %dma_start3A_1750 = arith.constant 0 : i32
        %dma_start3A_1751 = tpu.memref_slice %arg14[%dma_start3A_1749, %dma_start3A_1750] : memref<256x128xf32, #tpu.memory_space<vmem_shared>> -> memref<256x128xf32, #tpu.memory_space<vmem_shared>>
        tpu.enqueue_indirect_dma source(%arg12 : memref<80x128xf32, #tpu.memory_space<vmem>>) target(%dma_start3A_1751 : memref<256x128xf32, #tpu.memory_space<vmem_shared>>) offsets(%arg9 : memref<80xi32, #tpu.memory_space<vmem>>) semaphore(%run_scoped3A_1748 : memref<!tpu.dma_semaphore, #tpu.memory_space<semaphore_mem>>) {add = true}
        %dma_wait3A_1752 = arith.constant 0 : i32
        %dma_wait3A_1753 = arith.constant 0 : i32
        %dma_wait3A_1754 = tpu.memref_slice %arg14[%dma_wait3A_1752, %dma_wait3A_1753] : memref<256x128xf32, #tpu.memory_space<vmem_shared>> -> memref<256x128xf32, #tpu.memory_space<vmem_shared>>
        tpu.wait_indirect_dma semaphore(%run_scoped3A_1748 : memref<!tpu.dma_semaphore, #tpu.memory_space<semaphore_mem>>) src(%arg12 : memref<80x128xf32, #tpu.memory_space<vmem>>) dst(%dma_wait3A_1754 : memref<256x128xf32, #tpu.memory_space<vmem_shared>>)
        tpu.yield
      }) : () -> ()
      %get3A_1663 = arith.constant 0 : i32
      %get3A_1664 = arith.index_cast %get3A_1663 : i32 to index
      %get3A_1665 = arith.constant 0 : index
      %get3A_1666 = tpu.vector_load %arg8[%get3A_1664, %get3A_1665] {strides = array<i32>} : memref<2x80xi32, #tpu.memory_space<vmem>>, vector<16xi32>,
      %iota3A_1667 = tpu.iota {dimensions = array<i32: 0>} : vector<16xi32>
      %add3A_1668 = arith.constant 0 : i32
      %add3A_1669 = vector.broadcast %add3A_1668 : i32 to vector<16xi32>
      %add3A_1670 = arith.addi %iota3A_1667, %add3A_1669 : vector<16xi32>
      %and3A_1671 = arith.constant 63 : i32
      %and3A_1672 = vector.broadcast %and3A_1671 : i32 to vector<16xi32>
      %and3A_1673 = arith.andi %get3A_1666, %and3A_1672 : vector<16xi32>
      %shift_left3A_1674 = arith.constant 1 : i32
      %shift_left3A_1675 = vector.broadcast %shift_left3A_1674 : i32 to vector<16xi32>
      %shift_left3A_1676 = arith.shli %and3A_1673, %shift_left3A_1675 : vector<16xi32>
      tpu.vector_store_idx %arg12[%add3A_1670, %shift_left3A_1676], %broadcast_in_dim3A_7 : memref<80x128xf32, #tpu.memory_space<vmem>>[vector<16xi32>, vector<16xi32>], vector<16xf32>,
      %add3A_1677 = arith.constant 1 : i32
      %add3A_1678 = vector.broadcast %add3A_1677 : i32 to vector<16xi32>
      %add3A_1679 = arith.addi %shift_left3A_1676, %add3A_1678 : vector<16xi32>
      tpu.vector_store_idx %arg12[%add3A_1670, %add3A_1679], %broadcast_in_dim3A_7 : memref<80x128xf32, #tpu.memory_space<vmem>>[vector<16xi32>, vector<16xi32>], vector<16xf32>,
      %get3A_1680 = arith.constant 0 : i32
      %get3A_1681 = arith.index_cast %get3A_1680 : i32 to index
      %get3A_1682 = arith.constant 16 : index
      %get3A_1683 = tpu.vector_load %arg8[%get3A_1681, %get3A_1682] {strides = array<i32>} : memref<2x80xi32, #tpu.memory_space<vmem>>, vector<16xi32>,
      %iota3A_1684 = tpu.iota {dimensions = array<i32: 0>} : vector<16xi32>
      %add3A_1685 = arith.constant 16 : i32
      %add3A_1686 = vector.broadcast %add3A_1685 : i32 to vector<16xi32>
      %add3A_1687 = arith.addi %iota3A_1684, %add3A_1686 : vector<16xi32>
      %and3A_1688 = arith.constant 63 : i32
      %and3A_1689 = vector.broadcast %and3A_1688 : i32 to vector<16xi32>
      %and3A_1690 = arith.andi %get3A_1683, %and3A_1689 : vector<16xi32>
      %shift_left3A_1691 = arith.constant 1 : i32
      %shift_left3A_1692 = vector.broadcast %shift_left3A_1691 : i32 to vector<16xi32>
      %shift_left3A_1693 = arith.shli %and3A_1690, %shift_left3A_1692 : vector<16xi32>
      tpu.vector_store_idx %arg12[%add3A_1687, %shift_left3A_1693], %broadcast_in_dim3A_7 : memref<80x128xf32, #tpu.memory_space<vmem>>[vector<16xi32>, vector<16xi32>], vector<16xf32>,
      %add3A_1694 = arith.constant 1 : i32
      %add3A_1695 = vector.broadcast %add3A_1694 : i32 to vector<16xi32>
      %add3A_1696 = arith.addi %shift_left3A_1693, %add3A_1695 : vector<16xi32>
      tpu.vector_store_idx %arg12[%add3A_1687, %add3A_1696], %broadcast_in_dim3A_7 : memref<80x128xf32, #tpu.memory_space<vmem>>[vector<16xi32>, vector<16xi32>], vector<16xf32>,
      %get3A_1697 = arith.constant 0 : i32
      %get3A_1698 = arith.index_cast %get3A_1697 : i32 to index
      %get3A_1699 = arith.constant 32 : index
      %get3A_1700 = tpu.vector_load %arg8[%get3A_1698, %get3A_1699] {strides = array<i32>} : memref<2x80xi32, #tpu.memory_space<vmem>>, vector<16xi32>,
      %iota3A_1701 = tpu.iota {dimensions = array<i32: 0>} : vector<16xi32>
      %add3A_1702 = arith.constant 32 : i32
      %add3A_1703 = vector.broadcast %add3A_1702 : i32 to vector<16xi32>
      %add3A_1704 = arith.addi %iota3A_1701, %add3A_1703 : vector<16xi32>
      %and3A_1705 = arith.constant 63 : i32
      %and3A_1706 = vector.broadcast %and3A_1705 : i32 to vector<16xi32>
      %and3A_1707 = arith.andi %get3A_1700, %and3A_1706 : vector<16xi32>
      %shift_left3A_1708 = arith.constant 1 : i32
      %shift_left3A_1709 = vector.broadcast %shift_left3A_1708 : i32 to vector<16xi32>
      %shift_left3A_1710 = arith.shli %and3A_1707, %shift_left3A_1709 : vector<16xi32>
      tpu.vector_store_idx %arg12[%add3A_1704, %shift_left3A_1710], %broadcast_in_dim3A_7 : memref<80x128xf32, #tpu.memory_space<vmem>>[vector<16xi32>, vector<16xi32>], vector<16xf32>,
      %add3A_1711 = arith.constant 1 : i32
      %add3A_1712 = vector.broadcast %add3A_1711 : i32 to vector<16xi32>
      %add3A_1713 = arith.addi %shift_left3A_1710, %add3A_1712 : vector<16xi32>
      tpu.vector_store_idx %arg12[%add3A_1704, %add3A_1713], %broadcast_in_dim3A_7 : memref<80x128xf32, #tpu.memory_space<vmem>>[vector<16xi32>, vector<16xi32>], vector<16xf32>,
      %get3A_1714 = arith.constant 0 : i32
      %get3A_1715 = arith.index_cast %get3A_1714 : i32 to index
      %get3A_1716 = arith.constant 48 : index
      %get3A_1717 = tpu.vector_load %arg8[%get3A_1715, %get3A_1716] {strides = array<i32>} : memref<2x80xi32, #tpu.memory_space<vmem>>, vector<16xi32>,
      %iota3A_1718 = tpu.iota {dimensions = array<i32: 0>} : vector<16xi32>
      %add3A_1719 = arith.constant 48 : i32
      %add3A_1720 = vector.broadcast %add3A_1719 : i32 to vector<16xi32>
      %add3A_1721 = arith.addi %iota3A_1718, %add3A_1720 : vector<16xi32>
      %and3A_1722 = arith.constant 63 : i32
      %and3A_1723 = vector.broadcast %and3A_1722 : i32 to vector<16xi32>
      %and3A_1724 = arith.andi %get3A_1717, %and3A_1723 : vector<16xi32>
      %shift_left3A_1725 = arith.constant 1 : i32
      %shift_left3A_1726 = vector.broadcast %shift_left3A_1725 : i32 to vector<16xi32>
      %shift_left3A_1727 = arith.shli %and3A_1724, %shift_left3A_1726 : vector<16xi32>
      tpu.vector_store_idx %arg12[%add3A_1721, %shift_left3A_1727], %broadcast_in_dim3A_7 : memref<80x128xf32, #tpu.memory_space<vmem>>[vector<16xi32>, vector<16xi32>], vector<16xf32>,
      %add3A_1728 = arith.constant 1 : i32
      %add3A_1729 = vector.broadcast %add3A_1728 : i32 to vector<16xi32>
      %add3A_1730 = arith.addi %shift_left3A_1727, %add3A_1729 : vector<16xi32>
      tpu.vector_store_idx %arg12[%add3A_1721, %add3A_1730], %broadcast_in_dim3A_7 : memref<80x128xf32, #tpu.memory_space<vmem>>[vector<16xi32>, vector<16xi32>], vector<16xf32>,
      %get3A_1731 = arith.constant 0 : i32
      %get3A_1732 = arith.index_cast %get3A_1731 : i32 to index
      %get3A_1733 = arith.constant 64 : index
      %get3A_1734 = tpu.vector_load %arg8[%get3A_1732, %get3A_1733] {strides = array<i32>} : memref<2x80xi32, #tpu.memory_space<vmem>>, vector<16xi32>,
      %iota3A_1735 = tpu.iota {dimensions = array<i32: 0>} : vector<16xi32>
      %add3A_1736 = arith.constant 64 : i32
      %add3A_1737 = vector.broadcast %add3A_1736 : i32 to vector<16xi32>
      %add3A_1738 = arith.addi %iota3A_1735, %add3A_1737 : vector<16xi32>
      %and3A_1739 = arith.constant 63 : i32
      %and3A_1740 = vector.broadcast %and3A_1739 : i32 to vector<16xi32>
      %and3A_1741 = arith.andi %get3A_1734, %and3A_1740 : vector<16xi32>
      %shift_left3A_1742 = arith.constant 1 : i32
      %shift_left3A_1743 = vector.broadcast %shift_left3A_1742 : i32 to vector<16xi32>
      %shift_left3A_1744 = arith.shli %and3A_1741, %shift_left3A_1743 : vector<16xi32>
      tpu.vector_store_idx %arg12[%add3A_1738, %shift_left3A_1744], %broadcast_in_dim3A_7 : memref<80x128xf32, #tpu.memory_space<vmem>>[vector<16xi32>, vector<16xi32>], vector<16xf32>,
      %add3A_1745 = arith.constant 1 : i32
      %add3A_1746 = vector.broadcast %add3A_1745 : i32 to vector<16xi32>
      %add3A_1747 = arith.addi %shift_left3A_1744, %add3A_1746 : vector<16xi32>
      tpu.vector_store_idx %arg12[%add3A_1738, %add3A_1747], %broadcast_in_dim3A_7 : memref<80x128xf32, #tpu.memory_space<vmem>>[vector<16xi32>, vector<16xi32>], vector<16xf32>,
    }
    %scan3A_388 = arith.constant 61 : i32
    %add3A_389 = arith.constant 9920 : i32
    %add3A_390 = arith.addi %mul3A_2, %add3A_389 : i32
    %min3A_391 = arith.constant 319920 : i32
    %min3A_392 = arith.minsi %add3A_390, %min3A_391 : i32
    %dma_start3A_393 = arith.constant 0 : i32
    %dma_start3A_394 = arith.constant 0 : i32
    %dma_start3A_395 = tpu.memref_slice %arg8[%dma_start3A_393, %dma_start3A_394] : memref<2x80xi32, #tpu.memory_space<vmem>> -> memref<1x80xi32, #tpu.memory_space<vmem>>
    %dma_start3A_396 = tpu.memref_squeeze %dma_start3A_395 : memref<1x80xi32, #tpu.memory_space<vmem>> -> memref<80xi32, #tpu.memory_space<vmem>>
    %dma_start3A_397 = tpu.memref_slice %arg4[%min3A_392] : memref<320000xi32, #tpu.memory_space<hbm>> -> memref<80xi32, #tpu.memory_space<hbm>>
    %dma_start3A_398 = arith.constant 0 : i32
    %dma_start3A_399 = tpu.memref_slice %arg8[%dma_start3A_393, %dma_start3A_398] : memref<2x80xi32, #tpu.memory_space<vmem>> -> memref<1x80xi32, #tpu.memory_space<vmem>>
    %dma_start3A_400 = tpu.memref_squeeze %dma_start3A_399 : memref<1x80xi32, #tpu.memory_space<vmem>> -> memref<80xi32, #tpu.memory_space<vmem>>
    %dma_start3A_401 = tpu.memref_slice %arg4[%min3A_392] : memref<320000xi32, #tpu.memory_space<hbm>> -> memref<80xi32, #tpu.memory_space<hbm>>
    tpu.enqueue_dma source(%dma_start3A_401 : memref<80xi32, #tpu.memory_space<hbm>>) target(%dma_start3A_400 : memref<80xi32, #tpu.memory_space<vmem>>) target_semaphore(%arg15 : memref<!tpu.dma_semaphore, #tpu.memory_space<semaphore_mem>>)
    %dma_start3A_402 = arith.constant 0 : i32
    %dma_start3A_403 = arith.constant 0 : i32
    %dma_start3A_404 = arith.constant 0 : i32
    %dma_start3A_405 = tpu.memref_slice %arg10[%dma_start3A_402, %dma_start3A_403, %dma_start3A_404] : memref<2x80x128xf32, #tpu.memory_space<vmem>> -> memref<1x80x128xf32, #tpu.memory_space<vmem>>
    %dma_start3A_406 = tpu.memref_squeeze %dma_start3A_405 : memref<1x80x128xf32, #tpu.memory_space<vmem>> -> memref<80x128xf32, #tpu.memory_space<vmem>>
    %dma_start3A_407 = arith.constant 0 : i32
    %dma_start3A_408 = tpu.memref_slice %arg2[%min3A_392, %dma_start3A_407] : memref<320000x128xf32, #tpu.memory_space<hbm>> -> memref<80x128xf32, #tpu.memory_space<hbm>>
    %dma_start3A_409 = arith.constant 0 : i32
    %dma_start3A_410 = arith.constant 0 : i32
    %dma_start3A_411 = tpu.memref_slice %arg10[%dma_start3A_402, %dma_start3A_409, %dma_start3A_410] : memref<2x80x128xf32, #tpu.memory_space<vmem>> -> memref<1x80x128xf32, #tpu.memory_space<vmem>>
    %dma_start3A_412 = tpu.memref_squeeze %dma_start3A_411 : memref<1x80x128xf32, #tpu.memory_space<vmem>> -> memref<80x128xf32, #tpu.memory_space<vmem>>
    %dma_start3A_413 = arith.constant 0 : i32
    %dma_start3A_414 = tpu.memref_slice %arg2[%min3A_392, %dma_start3A_413] : memref<320000x128xf32, #tpu.memory_space<hbm>> -> memref<80x128xf32, #tpu.memory_space<hbm>>
    tpu.enqueue_dma source(%dma_start3A_414 : memref<80x128xf32, #tpu.memory_space<hbm>>) target(%dma_start3A_412 : memref<80x128xf32, #tpu.memory_space<vmem>>) target_semaphore(%arg15 : memref<!tpu.dma_semaphore, #tpu.memory_space<semaphore_mem>>)
    %mul3A_415 = arith.constant 8 : i32
    %mul3A_416 = arith.muli %min3A_392, %mul3A_415 : i32
    %dma_start3A_417 = arith.constant 0 : i32
    %dma_start3A_418 = arith.constant 0 : i32
    %dma_start3A_419 = tpu.memref_slice %arg11[%dma_start3A_417, %dma_start3A_418] : memref<2x640xf32, #tpu.memory_space<vmem>> -> memref<1x640xf32, #tpu.memory_space<vmem>>
    %dma_start3A_420 = tpu.memref_squeeze %dma_start3A_419 : memref<1x640xf32, #tpu.memory_space<vmem>> -> memref<640xf32, #tpu.memory_space<vmem>>
    %dma_start3A_421 = tpu.memref_slice %arg3[%mul3A_416] : memref<2560000xf32, #tpu.memory_space<hbm>> -> memref<640xf32, #tpu.memory_space<hbm>>
    %dma_start3A_422 = arith.constant 0 : i32
    %dma_start3A_423 = tpu.memref_slice %arg11[%dma_start3A_417, %dma_start3A_422] : memref<2x640xf32, #tpu.memory_space<vmem>> -> memref<1x640xf32, #tpu.memory_space<vmem>>
    %dma_start3A_424 = tpu.memref_squeeze %dma_start3A_423 : memref<1x640xf32, #tpu.memory_space<vmem>> -> memref<640xf32, #tpu.memory_space<vmem>>
    %dma_start3A_425 = tpu.memref_slice %arg3[%mul3A_416] : memref<2560000xf32, #tpu.memory_space<hbm>> -> memref<640xf32, #tpu.memory_space<hbm>>
    tpu.enqueue_dma source(%dma_start3A_425 : memref<640xf32, #tpu.memory_space<hbm>>) target(%dma_start3A_424 : memref<640xf32, #tpu.memory_space<vmem>>) target_semaphore(%arg15 : memref<!tpu.dma_semaphore, #tpu.memory_space<semaphore_mem>>)
    %dma_wait3A_426 = arith.constant 1 : i32
    %dma_wait3A_427 = arith.constant 0 : i32
    %dma_wait3A_428 = tpu.memref_slice %arg8[%dma_wait3A_426, %dma_wait3A_427] : memref<2x80xi32, #tpu.memory_space<vmem>> -> memref<1x80xi32, #tpu.memory_space<vmem>>
    %dma_wait3A_429 = tpu.memref_squeeze %dma_wait3A_428 : memref<1x80xi32, #tpu.memory_space<vmem>> -> memref<80xi32, #tpu.memory_space<vmem>>
    %dma_wait3A_430 = arith.constant 0 : i32
    %dma_wait3A_431 = tpu.memref_slice %arg4[%dma_wait3A_430] : memref<320000xi32, #tpu.memory_space<hbm>> -> memref<80xi32, #tpu.memory_space<hbm>>
    %dma_wait3A_432 = arith.constant 0 : i32
    %dma_wait3A_433 = tpu.memref_slice %arg8[%dma_wait3A_426, %dma_wait3A_432] : memref<2x80xi32, #tpu.memory_space<vmem>> -> memref<1x80xi32, #tpu.memory_space<vmem>>
    %dma_wait3A_434 = tpu.memref_squeeze %dma_wait3A_433 : memref<1x80xi32, #tpu.memory_space<vmem>> -> memref<80xi32, #tpu.memory_space<vmem>>
    %dma_wait3A_435 = arith.constant 0 : i32
    %dma_wait3A_436 = tpu.memref_slice %arg4[%dma_wait3A_435] : memref<320000xi32, #tpu.memory_space<hbm>> -> memref<80xi32, #tpu.memory_space<hbm>>
    tpu.wait_dma2 semaphore(%arg16 : memref<!tpu.dma_semaphore, #tpu.memory_space<semaphore_mem>>) src(%dma_wait3A_436 : memref<80xi32, #tpu.memory_space<hbm>>) dst(%dma_wait3A_434 : memref<80xi32, #tpu.memory_space<vmem>>)
    %dma_wait3A_437 = arith.constant 1 : i32
    %dma_wait3A_438 = arith.constant 0 : i32
    %dma_wait3A_439 = arith.constant 0 : i32
    %dma_wait3A_440 = tpu.memref_slice %arg10[%dma_wait3A_437, %dma_wait3A_438, %dma_wait3A_439] : memref<2x80x128xf32, #tpu.memory_space<vmem>> -> memref<1x80x128xf32, #tpu.memory_space<vmem>>
    %dma_wait3A_441 = tpu.memref_squeeze %dma_wait3A_440 : memref<1x80x128xf32, #tpu.memory_space<vmem>> -> memref<80x128xf32, #tpu.memory_space<vmem>>
    %dma_wait3A_442 = arith.constant 0 : i32
    %dma_wait3A_443 = arith.constant 0 : i32
    %dma_wait3A_444 = tpu.memref_slice %arg2[%dma_wait3A_442, %dma_wait3A_443] : memref<320000x128xf32, #tpu.memory_space<hbm>> -> memref<80x128xf32, #tpu.memory_space<hbm>>
    %dma_wait3A_445 = arith.constant 0 : i32
    %dma_wait3A_446 = arith.constant 0 : i32
    %dma_wait3A_447 = tpu.memref_slice %arg10[%dma_wait3A_437, %dma_wait3A_445, %dma_wait3A_446] : memref<2x80x128xf32, #tpu.memory_space<vmem>> -> memref<1x80x128xf32, #tpu.memory_space<vmem>>
    %dma_wait3A_448 = tpu.memref_squeeze %dma_wait3A_447 : memref<1x80x128xf32, #tpu.memory_space<vmem>> -> memref<80x128xf32, #tpu.memory_space<vmem>>
    %dma_wait3A_449 = arith.constant 0 : i32
    %dma_wait3A_450 = arith.constant 0 : i32
    %dma_wait3A_451 = tpu.memref_slice %arg2[%dma_wait3A_449, %dma_wait3A_450] : memref<320000x128xf32, #tpu.memory_space<hbm>> -> memref<80x128xf32, #tpu.memory_space<hbm>>
    tpu.wait_dma2 semaphore(%arg16 : memref<!tpu.dma_semaphore, #tpu.memory_space<semaphore_mem>>) src(%dma_wait3A_451 : memref<80x128xf32, #tpu.memory_space<hbm>>) dst(%dma_wait3A_448 : memref<80x128xf32, #tpu.memory_space<vmem>>)
    %dma_wait3A_452 = arith.constant 1 : i32
    %dma_wait3A_453 = arith.constant 0 : i32
    %dma_wait3A_454 = tpu.memref_slice %arg11[%dma_wait3A_452, %dma_wait3A_453] : memref<2x640xf32, #tpu.memory_space<vmem>> -> memref<1x640xf32, #tpu.memory_space<vmem>>
    %dma_wait3A_455 = tpu.memref_squeeze %dma_wait3A_454 : memref<1x640xf32, #tpu.memory_space<vmem>> -> memref<640xf32, #tpu.memory_space<vmem>>
    %dma_wait3A_456 = arith.constant 0 : i32
    %dma_wait3A_457 = tpu.memref_slice %arg3[%dma_wait3A_456] : memref<2560000xf32, #tpu.memory_space<hbm>> -> memref<640xf32, #tpu.memory_space<hbm>>
    %dma_wait3A_458 = arith.constant 0 : i32
    %dma_wait3A_459 = tpu.memref_slice %arg11[%dma_wait3A_452, %dma_wait3A_458] : memref<2x640xf32, #tpu.memory_space<vmem>> -> memref<1x640xf32, #tpu.memory_space<vmem>>
    %dma_wait3A_460 = tpu.memref_squeeze %dma_wait3A_459 : memref<1x640xf32, #tpu.memory_space<vmem>> -> memref<640xf32, #tpu.memory_space<vmem>>
    %dma_wait3A_461 = arith.constant 0 : i32
    %dma_wait3A_462 = tpu.memref_slice %arg3[%dma_wait3A_461] : memref<2560000xf32, #tpu.memory_space<hbm>> -> memref<640xf32, #tpu.memory_space<hbm>>
    tpu.wait_dma2 semaphore(%arg16 : memref<!tpu.dma_semaphore, #tpu.memory_space<semaphore_mem>>) src(%dma_wait3A_462 : memref<640xf32, #tpu.memory_space<hbm>>) dst(%dma_wait3A_460 : memref<640xf32, #tpu.memory_space<vmem>>)
    %get3A_463 = arith.constant 1 : i32
    %get3A_464 = arith.index_cast %get3A_463 : i32 to index
    %get3A_465 = arith.constant 0 : index
    %get3A_466 = tpu.vector_load %arg8[%get3A_464, %get3A_465] {strides = array<i32>} : memref<2x80xi32, #tpu.memory_space<vmem>>, vector<16xi32>,
    %iota3A_467 = tpu.iota {dimensions = array<i32: 0>} : vector<16xi32>
    %add3A_468 = arith.constant 0 : i32
    %add3A_469 = vector.broadcast %add3A_468 : i32 to vector<16xi32>
    %add3A_470 = arith.addi %iota3A_467, %add3A_469 : vector<16xi32>
    %and3A_471 = arith.constant 63 : i32
    %and3A_472 = vector.broadcast %and3A_471 : i32 to vector<16xi32>
    %and3A_473 = arith.andi %get3A_466, %and3A_472 : vector<16xi32>
    %shift_left3A_474 = arith.constant 1 : i32
    %shift_left3A_475 = vector.broadcast %shift_left3A_474 : i32 to vector<16xi32>
    %shift_left3A_476 = arith.shli %and3A_473, %shift_left3A_475 : vector<16xi32>
    %shift_left3A_477 = arith.constant 3 : i32
    %shift_left3A_478 = vector.broadcast %shift_left3A_477 : i32 to vector<16xi32>
    %shift_left3A_479 = arith.shli %add3A_470, %shift_left3A_478 : vector<16xi32>
    %iota3A_480 = tpu.iota {dimensions = array<i32: 0>} : vector<16xi32>
    %mul3A_481 = arith.constant 0 : i32
    %mul3A_482 = vector.broadcast %mul3A_481 : i32 to vector<16xi32>
    %mul3A_483 = arith.muli %iota3A_480, %mul3A_482 : vector<16xi32>
    %add3A_484 = arith.constant 1 : i32
    %add3A_485 = vector.broadcast %add3A_484 : i32 to vector<16xi32>
    %add3A_486 = arith.addi %mul3A_483, %add3A_485 : vector<16xi32>
    %gather3A_487 = tpu.vector_load_idx %arg11[%add3A_486, %shift_left3A_479] : memref<2x640xf32, #tpu.memory_space<vmem>>[vector<16xi32>, vector<16xi32>], vector<16xf32>,
    %add3A_488 = arith.constant 1 : i32
    %add3A_489 = vector.broadcast %add3A_488 : i32 to vector<16xi32>
    %add3A_490 = arith.addi %shift_left3A_479, %add3A_489 : vector<16xi32>
    %gather3A_491 = tpu.vector_load_idx %arg11[%add3A_486, %add3A_490] : memref<2x640xf32, #tpu.memory_space<vmem>>[vector<16xi32>, vector<16xi32>], vector<16xf32>,
    tpu.vector_store_idx %arg12[%add3A_470, %shift_left3A_476], %gather3A_487 : memref<80x128xf32, #tpu.memory_space<vmem>>[vector<16xi32>, vector<16xi32>], vector<16xf32>,
    %add3A_492 = arith.constant 1 : i32
    %add3A_493 = vector.broadcast %add3A_492 : i32 to vector<16xi32>
    %add3A_494 = arith.addi %shift_left3A_476, %add3A_493 : vector<16xi32>
    tpu.vector_store_idx %arg12[%add3A_470, %add3A_494], %gather3A_491 : memref<80x128xf32, #tpu.memory_space<vmem>>[vector<16xi32>, vector<16xi32>], vector<16xf32>,
    %shift_right_logical3A_495 = arith.constant 6 : i32
    %shift_right_logical3A_496 = vector.broadcast %shift_right_logical3A_495 : i32 to vector<16xi32>
    %shift_right_logical3A_497 = arith.shrui %get3A_466, %shift_right_logical3A_496 : vector<16xi32>
    %swap3A_498 = arith.constant 0 : index
    %swap3A_499 = tpu.vector_load %arg9[%swap3A_498] {strides = array<i32>} : memref<80xi32, #tpu.memory_space<vmem>>, vector<16xi32>,
    tpu.vector_store %arg9[%swap3A_498], %shift_right_logical3A_497 {strides = array<i32>} : memref<80xi32, #tpu.memory_space<vmem>>, vector<16xi32>,
    %get3A_500 = arith.constant 1 : i32
    %get3A_501 = arith.index_cast %get3A_500 : i32 to index
    %get3A_502 = arith.constant 16 : index
    %get3A_503 = tpu.vector_load %arg8[%get3A_501, %get3A_502] {strides = array<i32>} : memref<2x80xi32, #tpu.memory_space<vmem>>, vector<16xi32>,
    %iota3A_504 = tpu.iota {dimensions = array<i32: 0>} : vector<16xi32>
    %add3A_505 = arith.constant 16 : i32
    %add3A_506 = vector.broadcast %add3A_505 : i32 to vector<16xi32>
    %add3A_507 = arith.addi %iota3A_504, %add3A_506 : vector<16xi32>
    %and3A_508 = arith.constant 63 : i32
    %and3A_509 = vector.broadcast %and3A_508 : i32 to vector<16xi32>
    %and3A_510 = arith.andi %get3A_503, %and3A_509 : vector<16xi32>
    %shift_left3A_511 = arith.constant 1 : i32
    %shift_left3A_512 = vector.broadcast %shift_left3A_511 : i32 to vector<16xi32>
    %shift_left3A_513 = arith.shli %and3A_510, %shift_left3A_512 : vector<16xi32>
    %shift_left3A_514 = arith.constant 3 : i32
    %shift_left3A_515 = vector.broadcast %shift_left3A_514 : i32 to vector<16xi32>
    %shift_left3A_516 = arith.shli %add3A_507, %shift_left3A_515 : vector<16xi32>
    %iota3A_517 = tpu.iota {dimensions = array<i32: 0>} : vector<16xi32>
    %mul3A_518 = arith.constant 0 : i32
    %mul3A_519 = vector.broadcast %mul3A_518 : i32 to vector<16xi32>
    %mul3A_520 = arith.muli %iota3A_517, %mul3A_519 : vector<16xi32>
    %add3A_521 = arith.constant 1 : i32
    %add3A_522 = vector.broadcast %add3A_521 : i32 to vector<16xi32>
    %add3A_523 = arith.addi %mul3A_520, %add3A_522 : vector<16xi32>
    %gather3A_524 = tpu.vector_load_idx %arg11[%add3A_523, %shift_left3A_516] : memref<2x640xf32, #tpu.memory_space<vmem>>[vector<16xi32>, vector<16xi32>], vector<16xf32>,
    %add3A_525 = arith.constant 1 : i32
    %add3A_526 = vector.broadcast %add3A_525 : i32 to vector<16xi32>
    %add3A_527 = arith.addi %shift_left3A_516, %add3A_526 : vector<16xi32>
    %gather3A_528 = tpu.vector_load_idx %arg11[%add3A_523, %add3A_527] : memref<2x640xf32, #tpu.memory_space<vmem>>[vector<16xi32>, vector<16xi32>], vector<16xf32>,
    tpu.vector_store_idx %arg12[%add3A_507, %shift_left3A_513], %gather3A_524 : memref<80x128xf32, #tpu.memory_space<vmem>>[vector<16xi32>, vector<16xi32>], vector<16xf32>,
    %add3A_529 = arith.constant 1 : i32
    %add3A_530 = vector.broadcast %add3A_529 : i32 to vector<16xi32>
    %add3A_531 = arith.addi %shift_left3A_513, %add3A_530 : vector<16xi32>
    tpu.vector_store_idx %arg12[%add3A_507, %add3A_531], %gather3A_528 : memref<80x128xf32, #tpu.memory_space<vmem>>[vector<16xi32>, vector<16xi32>], vector<16xf32>,
    %shift_right_logical3A_532 = arith.constant 6 : i32
    %shift_right_logical3A_533 = vector.broadcast %shift_right_logical3A_532 : i32 to vector<16xi32>
    %shift_right_logical3A_534 = arith.shrui %get3A_503, %shift_right_logical3A_533 : vector<16xi32>
    %swap3A_535 = arith.constant 16 : index
    %swap3A_536 = tpu.vector_load %arg9[%swap3A_535] {strides = array<i32>} : memref<80xi32, #tpu.memory_space<vmem>>, vector<16xi32>,
    tpu.vector_store %arg9[%swap3A_535], %shift_right_logical3A_534 {strides = array<i32>} : memref<80xi32, #tpu.memory_space<vmem>>, vector<16xi32>,
    %get3A_537 = arith.constant 1 : i32
    %get3A_538 = arith.index_cast %get3A_537 : i32 to index
    %get3A_539 = arith.constant 32 : index
    %get3A_540 = tpu.vector_load %arg8[%get3A_538, %get3A_539] {strides = array<i32>} : memref<2x80xi32, #tpu.memory_space<vmem>>, vector<16xi32>,
    %iota3A_541 = tpu.iota {dimensions = array<i32: 0>} : vector<16xi32>
    %add3A_542 = arith.constant 32 : i32
    %add3A_543 = vector.broadcast %add3A_542 : i32 to vector<16xi32>
    %add3A_544 = arith.addi %iota3A_541, %add3A_543 : vector<16xi32>
    %and3A_545 = arith.constant 63 : i32
    %and3A_546 = vector.broadcast %and3A_545 : i32 to vector<16xi32>
    %and3A_547 = arith.andi %get3A_540, %and3A_546 : vector<16xi32>
    %shift_left3A_548 = arith.constant 1 : i32
    %shift_left3A_549 = vector.broadcast %shift_left3A_548 : i32 to vector<16xi32>
    %shift_left3A_550 = arith.shli %and3A_547, %shift_left3A_549 : vector<16xi32>
    %shift_left3A_551 = arith.constant 3 : i32
    %shift_left3A_552 = vector.broadcast %shift_left3A_551 : i32 to vector<16xi32>
    %shift_left3A_553 = arith.shli %add3A_544, %shift_left3A_552 : vector<16xi32>
    %iota3A_554 = tpu.iota {dimensions = array<i32: 0>} : vector<16xi32>
    %mul3A_555 = arith.constant 0 : i32
    %mul3A_556 = vector.broadcast %mul3A_555 : i32 to vector<16xi32>
    %mul3A_557 = arith.muli %iota3A_554, %mul3A_556 : vector<16xi32>
    %add3A_558 = arith.constant 1 : i32
    %add3A_559 = vector.broadcast %add3A_558 : i32 to vector<16xi32>
    %add3A_560 = arith.addi %mul3A_557, %add3A_559 : vector<16xi32>
    %gather3A_561 = tpu.vector_load_idx %arg11[%add3A_560, %shift_left3A_553] : memref<2x640xf32, #tpu.memory_space<vmem>>[vector<16xi32>, vector<16xi32>], vector<16xf32>,
    %add3A_562 = arith.constant 1 : i32
    %add3A_563 = vector.broadcast %add3A_562 : i32 to vector<16xi32>
    %add3A_564 = arith.addi %shift_left3A_553, %add3A_563 : vector<16xi32>
    %gather3A_565 = tpu.vector_load_idx %arg11[%add3A_560, %add3A_564] : memref<2x640xf32, #tpu.memory_space<vmem>>[vector<16xi32>, vector<16xi32>], vector<16xf32>,
    tpu.vector_store_idx %arg12[%add3A_544, %shift_left3A_550], %gather3A_561 : memref<80x128xf32, #tpu.memory_space<vmem>>[vector<16xi32>, vector<16xi32>], vector<16xf32>,
    %add3A_566 = arith.constant 1 : i32
    %add3A_567 = vector.broadcast %add3A_566 : i32 to vector<16xi32>
    %add3A_568 = arith.addi %shift_left3A_550, %add3A_567 : vector<16xi32>
    tpu.vector_store_idx %arg12[%add3A_544, %add3A_568], %gather3A_565 : memref<80x128xf32, #tpu.memory_space<vmem>>[vector<16xi32>, vector<16xi32>], vector<16xf32>,
    %shift_right_logical3A_569 = arith.constant 6 : i32
    %shift_right_logical3A_570 = vector.broadcast %shift_right_logical3A_569 : i32 to vector<16xi32>
    %shift_right_logical3A_571 = arith.shrui %get3A_540, %shift_right_logical3A_570 : vector<16xi32>
    %swap3A_572 = arith.constant 32 : index
    %swap3A_573 = tpu.vector_load %arg9[%swap3A_572] {strides = array<i32>} : memref<80xi32, #tpu.memory_space<vmem>>, vector<16xi32>,
    tpu.vector_store %arg9[%swap3A_572], %shift_right_logical3A_571 {strides = array<i32>} : memref<80xi32, #tpu.memory_space<vmem>>, vector<16xi32>,
    %get3A_574 = arith.constant 1 : i32
    %get3A_575 = arith.index_cast %get3A_574 : i32 to index
    %get3A_576 = arith.constant 48 : index
    %get3A_577 = tpu.vector_load %arg8[%get3A_575, %get3A_576] {strides = array<i32>} : memref<2x80xi32, #tpu.memory_space<vmem>>, vector<16xi32>,
    %iota3A_578 = tpu.iota {dimensions = array<i32: 0>} : vector<16xi32>
    %add3A_579 = arith.constant 48 : i32
    %add3A_580 = vector.broadcast %add3A_579 : i32 to vector<16xi32>
    %add3A_581 = arith.addi %iota3A_578, %add3A_580 : vector<16xi32>
    %and3A_582 = arith.constant 63 : i32
    %and3A_583 = vector.broadcast %and3A_582 : i32 to vector<16xi32>
    %and3A_584 = arith.andi %get3A_577, %and3A_583 : vector<16xi32>
    %shift_left3A_585 = arith.constant 1 : i32
    %shift_left3A_586 = vector.broadcast %shift_left3A_585 : i32 to vector<16xi32>
    %shift_left3A_587 = arith.shli %and3A_584, %shift_left3A_586 : vector<16xi32>
    %shift_left3A_588 = arith.constant 3 : i32
    %shift_left3A_589 = vector.broadcast %shift_left3A_588 : i32 to vector<16xi32>
    %shift_left3A_590 = arith.shli %add3A_581, %shift_left3A_589 : vector<16xi32>
    %iota3A_591 = tpu.iota {dimensions = array<i32: 0>} : vector<16xi32>
    %mul3A_592 = arith.constant 0 : i32
    %mul3A_593 = vector.broadcast %mul3A_592 : i32 to vector<16xi32>
    %mul3A_594 = arith.muli %iota3A_591, %mul3A_593 : vector<16xi32>
    %add3A_595 = arith.constant 1 : i32
    %add3A_596 = vector.broadcast %add3A_595 : i32 to vector<16xi32>
    %add3A_597 = arith.addi %mul3A_594, %add3A_596 : vector<16xi32>
    %gather3A_598 = tpu.vector_load_idx %arg11[%add3A_597, %shift_left3A_590] : memref<2x640xf32, #tpu.memory_space<vmem>>[vector<16xi32>, vector<16xi32>], vector<16xf32>,
    %add3A_599 = arith.constant 1 : i32
    %add3A_600 = vector.broadcast %add3A_599 : i32 to vector<16xi32>
    %add3A_601 = arith.addi %shift_left3A_590, %add3A_600 : vector<16xi32>
    %gather3A_602 = tpu.vector_load_idx %arg11[%add3A_597, %add3A_601] : memref<2x640xf32, #tpu.memory_space<vmem>>[vector<16xi32>, vector<16xi32>], vector<16xf32>,
    tpu.vector_store_idx %arg12[%add3A_581, %shift_left3A_587], %gather3A_598 : memref<80x128xf32, #tpu.memory_space<vmem>>[vector<16xi32>, vector<16xi32>], vector<16xf32>,
    %add3A_603 = arith.constant 1 : i32
    %add3A_604 = vector.broadcast %add3A_603 : i32 to vector<16xi32>
    %add3A_605 = arith.addi %shift_left3A_587, %add3A_604 : vector<16xi32>
    tpu.vector_store_idx %arg12[%add3A_581, %add3A_605], %gather3A_602 : memref<80x128xf32, #tpu.memory_space<vmem>>[vector<16xi32>, vector<16xi32>], vector<16xf32>,
    %shift_right_logical3A_606 = arith.constant 6 : i32
    %shift_right_logical3A_607 = vector.broadcast %shift_right_logical3A_606 : i32 to vector<16xi32>
    %shift_right_logical3A_608 = arith.shrui %get3A_577, %shift_right_logical3A_607 : vector<16xi32>
    %swap3A_609 = arith.constant 48 : index
    %swap3A_610 = tpu.vector_load %arg9[%swap3A_609] {strides = array<i32>} : memref<80xi32, #tpu.memory_space<vmem>>, vector<16xi32>,
    tpu.vector_store %arg9[%swap3A_609], %shift_right_logical3A_608 {strides = array<i32>} : memref<80xi32, #tpu.memory_space<vmem>>, vector<16xi32>,
    %get3A_611 = arith.constant 1 : i32
    %get3A_612 = arith.index_cast %get3A_611 : i32 to index
    %get3A_613 = arith.constant 64 : index
    %get3A_614 = tpu.vector_load %arg8[%get3A_612, %get3A_613] {strides = array<i32>} : memref<2x80xi32, #tpu.memory_space<vmem>>, vector<16xi32>,
    %iota3A_615 = tpu.iota {dimensions = array<i32: 0>} : vector<16xi32>
    %add3A_616 = arith.constant 64 : i32
    %add3A_617 = vector.broadcast %add3A_616 : i32 to vector<16xi32>
    %add3A_618 = arith.addi %iota3A_615, %add3A_617 : vector<16xi32>
    %and3A_619 = arith.constant 63 : i32
    %and3A_620 = vector.broadcast %and3A_619 : i32 to vector<16xi32>
    %and3A_621 = arith.andi %get3A_614, %and3A_620 : vector<16xi32>
    %shift_left3A_622 = arith.constant 1 : i32
    %shift_left3A_623 = vector.broadcast %shift_left3A_622 : i32 to vector<16xi32>
    %shift_left3A_624 = arith.shli %and3A_621, %shift_left3A_623 : vector<16xi32>
    %shift_left3A_625 = arith.constant 3 : i32
    %shift_left3A_626 = vector.broadcast %shift_left3A_625 : i32 to vector<16xi32>
    %shift_left3A_627 = arith.shli %add3A_618, %shift_left3A_626 : vector<16xi32>
    %iota3A_628 = tpu.iota {dimensions = array<i32: 0>} : vector<16xi32>
    %mul3A_629 = arith.constant 0 : i32
    %mul3A_630 = vector.broadcast %mul3A_629 : i32 to vector<16xi32>
    %mul3A_631 = arith.muli %iota3A_628, %mul3A_630 : vector<16xi32>
    %add3A_632 = arith.constant 1 : i32
    %add3A_633 = vector.broadcast %add3A_632 : i32 to vector<16xi32>
    %add3A_634 = arith.addi %mul3A_631, %add3A_633 : vector<16xi32>
    %gather3A_635 = tpu.vector_load_idx %arg11[%add3A_634, %shift_left3A_627] : memref<2x640xf32, #tpu.memory_space<vmem>>[vector<16xi32>, vector<16xi32>], vector<16xf32>,
    %add3A_636 = arith.constant 1 : i32
    %add3A_637 = vector.broadcast %add3A_636 : i32 to vector<16xi32>
    %add3A_638 = arith.addi %shift_left3A_627, %add3A_637 : vector<16xi32>
    %gather3A_639 = tpu.vector_load_idx %arg11[%add3A_634, %add3A_638] : memref<2x640xf32, #tpu.memory_space<vmem>>[vector<16xi32>, vector<16xi32>], vector<16xf32>,
    tpu.vector_store_idx %arg12[%add3A_618, %shift_left3A_624], %gather3A_635 : memref<80x128xf32, #tpu.memory_space<vmem>>[vector<16xi32>, vector<16xi32>], vector<16xf32>,
    %add3A_640 = arith.constant 1 : i32
    %add3A_641 = vector.broadcast %add3A_640 : i32 to vector<16xi32>
    %add3A_642 = arith.addi %shift_left3A_624, %add3A_641 : vector<16xi32>
    tpu.vector_store_idx %arg12[%add3A_618, %add3A_642], %gather3A_639 : memref<80x128xf32, #tpu.memory_space<vmem>>[vector<16xi32>, vector<16xi32>], vector<16xf32>,
    %shift_right_logical3A_643 = arith.constant 6 : i32
    %shift_right_logical3A_644 = vector.broadcast %shift_right_logical3A_643 : i32 to vector<16xi32>
    %shift_right_logical3A_645 = arith.shrui %get3A_614, %shift_right_logical3A_644 : vector<16xi32>
    %swap3A_646 = arith.constant 64 : index
    %swap3A_647 = tpu.vector_load %arg9[%swap3A_646] {strides = array<i32>} : memref<80xi32, #tpu.memory_space<vmem>>, vector<16xi32>,
    tpu.vector_store %arg9[%swap3A_646], %shift_right_logical3A_645 {strides = array<i32>} : memref<80xi32, #tpu.memory_space<vmem>>, vector<16xi32>,
    %run_scoped3A_648 = arith.constant 1 : i32
    %run_scoped3A_649 = arith.constant 1 : i32
    "tpu.region"() ({
      %run_scoped3A_1045 = tpu.sem_alloc : memref<!tpu.dma_semaphore, #tpu.memory_space<semaphore_mem>>
      %dma_start3A_1046 = arith.constant 0 : i32
      %dma_start3A_1047 = arith.constant 0 : i32
      %dma_start3A_1048 = tpu.memref_slice %arg10[%run_scoped3A_648, %dma_start3A_1046, %dma_start3A_1047] : memref<2x80x128xf32, #tpu.memory_space<vmem>> -> memref<1x80x128xf32, #tpu.memory_space<vmem>>
      %dma_start3A_1049 = tpu.memref_squeeze %dma_start3A_1048 : memref<1x80x128xf32, #tpu.memory_space<vmem>> -> memref<80x128xf32, #tpu.memory_space<vmem>>
      %dma_start3A_1050 = arith.constant 0 : i32
      %dma_start3A_1051 = tpu.memref_slice %arg8[%run_scoped3A_649, %dma_start3A_1050] : memref<2x80xi32, #tpu.memory_space<vmem>> -> memref<1x80xi32, #tpu.memory_space<vmem>>
      %dma_start3A_1052 = tpu.memref_squeeze %dma_start3A_1051 : memref<1x80xi32, #tpu.memory_space<vmem>> -> memref<80xi32, #tpu.memory_space<vmem>>
      %dma_start3A_1053 = arith.constant 0 : i32
      %dma_start3A_1054 = arith.constant 0 : i32
      %dma_start3A_1055 = tpu.memref_slice %arg13[%dma_start3A_1053, %dma_start3A_1054] : memref<10240x128xf32, #tpu.memory_space<vmem_shared>> -> memref<10240x128xf32, #tpu.memory_space<vmem_shared>>
      tpu.enqueue_indirect_dma source(%dma_start3A_1049 : memref<80x128xf32, #tpu.memory_space<vmem>>) target(%dma_start3A_1055 : memref<10240x128xf32, #tpu.memory_space<vmem_shared>>) offsets(%dma_start3A_1052 : memref<80xi32, #tpu.memory_space<vmem>>) semaphore(%run_scoped3A_1045 : memref<!tpu.dma_semaphore, #tpu.memory_space<semaphore_mem>>) {add = true}
      %dma_wait3A_1056 = arith.constant 0 : i32
      %dma_wait3A_1057 = arith.constant 0 : i32
      %dma_wait3A_1058 = tpu.memref_slice %arg10[%run_scoped3A_648, %dma_wait3A_1056, %dma_wait3A_1057] : memref<2x80x128xf32, #tpu.memory_space<vmem>> -> memref<1x80x128xf32, #tpu.memory_space<vmem>>
      %dma_wait3A_1059 = tpu.memref_squeeze %dma_wait3A_1058 : memref<1x80x128xf32, #tpu.memory_space<vmem>> -> memref<80x128xf32, #tpu.memory_space<vmem>>
      %dma_wait3A_1060 = arith.constant 0 : i32
      %dma_wait3A_1061 = tpu.memref_slice %arg8[%run_scoped3A_649, %dma_wait3A_1060] : memref<2x80xi32, #tpu.memory_space<vmem>> -> memref<1x80xi32, #tpu.memory_space<vmem>>
      %dma_wait3A_1062 = tpu.memref_squeeze %dma_wait3A_1061 : memref<1x80xi32, #tpu.memory_space<vmem>> -> memref<80xi32, #tpu.memory_space<vmem>>
      %dma_wait3A_1063 = arith.constant 0 : i32
      %dma_wait3A_1064 = arith.constant 0 : i32
      %dma_wait3A_1065 = tpu.memref_slice %arg13[%dma_wait3A_1063, %dma_wait3A_1064] : memref<10240x128xf32, #tpu.memory_space<vmem_shared>> -> memref<10240x128xf32, #tpu.memory_space<vmem_shared>>
      tpu.wait_indirect_dma semaphore(%run_scoped3A_1045 : memref<!tpu.dma_semaphore, #tpu.memory_space<semaphore_mem>>) src(%dma_wait3A_1059 : memref<80x128xf32, #tpu.memory_space<vmem>>) dst(%dma_wait3A_1065 : memref<10240x128xf32, #tpu.memory_space<vmem_shared>>)
      tpu.yield
    }) : () -> ()
    "tpu.region"() ({
      %run_scoped3A_1045 = tpu.sem_alloc : memref<!tpu.dma_semaphore, #tpu.memory_space<semaphore_mem>>
      %dma_start3A_1046 = arith.constant 0 : i32
      %dma_start3A_1047 = arith.constant 0 : i32
      %dma_start3A_1048 = tpu.memref_slice %arg14[%dma_start3A_1046, %dma_start3A_1047] : memref<256x128xf32, #tpu.memory_space<vmem_shared>> -> memref<256x128xf32, #tpu.memory_space<vmem_shared>>
      tpu.enqueue_indirect_dma source(%arg12 : memref<80x128xf32, #tpu.memory_space<vmem>>) target(%dma_start3A_1048 : memref<256x128xf32, #tpu.memory_space<vmem_shared>>) offsets(%arg9 : memref<80xi32, #tpu.memory_space<vmem>>) semaphore(%run_scoped3A_1045 : memref<!tpu.dma_semaphore, #tpu.memory_space<semaphore_mem>>) {add = true}
      %dma_wait3A_1049 = arith.constant 0 : i32
      %dma_wait3A_1050 = arith.constant 0 : i32
      %dma_wait3A_1051 = tpu.memref_slice %arg14[%dma_wait3A_1049, %dma_wait3A_1050] : memref<256x128xf32, #tpu.memory_space<vmem_shared>> -> memref<256x128xf32, #tpu.memory_space<vmem_shared>>
      tpu.wait_indirect_dma semaphore(%run_scoped3A_1045 : memref<!tpu.dma_semaphore, #tpu.memory_space<semaphore_mem>>) src(%arg12 : memref<80x128xf32, #tpu.memory_space<vmem>>) dst(%dma_wait3A_1051 : memref<256x128xf32, #tpu.memory_space<vmem_shared>>)
      tpu.yield
    }) : () -> ()
    %get3A_650 = arith.constant 1 : i32
    %get3A_651 = arith.index_cast %get3A_650 : i32 to index
    %get3A_652 = arith.constant 0 : index
    %get3A_653 = tpu.vector_load %arg8[%get3A_651, %get3A_652] {strides = array<i32>} : memref<2x80xi32, #tpu.memory_space<vmem>>, vector<16xi32>,
    %iota3A_654 = tpu.iota {dimensions = array<i32: 0>} : vector<16xi32>
    %add3A_655 = arith.constant 0 : i32
    %add3A_656 = vector.broadcast %add3A_655 : i32 to vector<16xi32>
    %add3A_657 = arith.addi %iota3A_654, %add3A_656 : vector<16xi32>
    %and3A_658 = arith.constant 63 : i32
    %and3A_659 = vector.broadcast %and3A_658 : i32 to vector<16xi32>
    %and3A_660 = arith.andi %get3A_653, %and3A_659 : vector<16xi32>
    %shift_left3A_661 = arith.constant 1 : i32
    %shift_left3A_662 = vector.broadcast %shift_left3A_661 : i32 to vector<16xi32>
    %shift_left3A_663 = arith.shli %and3A_660, %shift_left3A_662 : vector<16xi32>
    tpu.vector_store_idx %arg12[%add3A_657, %shift_left3A_663], %broadcast_in_dim3A_7 : memref<80x128xf32, #tpu.memory_space<vmem>>[vector<16xi32>, vector<16xi32>], vector<16xf32>,
    %add3A_664 = arith.constant 1 : i32
    %add3A_665 = vector.broadcast %add3A_664 : i32 to vector<16xi32>
    %add3A_666 = arith.addi %shift_left3A_663, %add3A_665 : vector<16xi32>
    tpu.vector_store_idx %arg12[%add3A_657, %add3A_666], %broadcast_in_dim3A_7 : memref<80x128xf32, #tpu.memory_space<vmem>>[vector<16xi32>, vector<16xi32>], vector<16xf32>,
    %get3A_667 = arith.constant 1 : i32
    %get3A_668 = arith.index_cast %get3A_667 : i32 to index
    %get3A_669 = arith.constant 16 : index
    %get3A_670 = tpu.vector_load %arg8[%get3A_668, %get3A_669] {strides = array<i32>} : memref<2x80xi32, #tpu.memory_space<vmem>>, vector<16xi32>,
    %iota3A_671 = tpu.iota {dimensions = array<i32: 0>} : vector<16xi32>
    %add3A_672 = arith.constant 16 : i32
    %add3A_673 = vector.broadcast %add3A_672 : i32 to vector<16xi32>
    %add3A_674 = arith.addi %iota3A_671, %add3A_673 : vector<16xi32>
    %and3A_675 = arith.constant 63 : i32
    %and3A_676 = vector.broadcast %and3A_675 : i32 to vector<16xi32>
    %and3A_677 = arith.andi %get3A_670, %and3A_676 : vector<16xi32>
    %shift_left3A_678 = arith.constant 1 : i32
    %shift_left3A_679 = vector.broadcast %shift_left3A_678 : i32 to vector<16xi32>
    %shift_left3A_680 = arith.shli %and3A_677, %shift_left3A_679 : vector<16xi32>
    tpu.vector_store_idx %arg12[%add3A_674, %shift_left3A_680], %broadcast_in_dim3A_7 : memref<80x128xf32, #tpu.memory_space<vmem>>[vector<16xi32>, vector<16xi32>], vector<16xf32>,
    %add3A_681 = arith.constant 1 : i32
    %add3A_682 = vector.broadcast %add3A_681 : i32 to vector<16xi32>
    %add3A_683 = arith.addi %shift_left3A_680, %add3A_682 : vector<16xi32>
    tpu.vector_store_idx %arg12[%add3A_674, %add3A_683], %broadcast_in_dim3A_7 : memref<80x128xf32, #tpu.memory_space<vmem>>[vector<16xi32>, vector<16xi32>], vector<16xf32>,
    %get3A_684 = arith.constant 1 : i32
    %get3A_685 = arith.index_cast %get3A_684 : i32 to index
    %get3A_686 = arith.constant 32 : index
    %get3A_687 = tpu.vector_load %arg8[%get3A_685, %get3A_686] {strides = array<i32>} : memref<2x80xi32, #tpu.memory_space<vmem>>, vector<16xi32>,
    %iota3A_688 = tpu.iota {dimensions = array<i32: 0>} : vector<16xi32>
    %add3A_689 = arith.constant 32 : i32
    %add3A_690 = vector.broadcast %add3A_689 : i32 to vector<16xi32>
    %add3A_691 = arith.addi %iota3A_688, %add3A_690 : vector<16xi32>
    %and3A_692 = arith.constant 63 : i32
    %and3A_693 = vector.broadcast %and3A_692 : i32 to vector<16xi32>
    %and3A_694 = arith.andi %get3A_687, %and3A_693 : vector<16xi32>
    %shift_left3A_695 = arith.constant 1 : i32
    %shift_left3A_696 = vector.broadcast %shift_left3A_695 : i32 to vector<16xi32>
    %shift_left3A_697 = arith.shli %and3A_694, %shift_left3A_696 : vector<16xi32>
    tpu.vector_store_idx %arg12[%add3A_691, %shift_left3A_697], %broadcast_in_dim3A_7 : memref<80x128xf32, #tpu.memory_space<vmem>>[vector<16xi32>, vector<16xi32>], vector<16xf32>,
    %add3A_698 = arith.constant 1 : i32
    %add3A_699 = vector.broadcast %add3A_698 : i32 to vector<16xi32>
    %add3A_700 = arith.addi %shift_left3A_697, %add3A_699 : vector<16xi32>
    tpu.vector_store_idx %arg12[%add3A_691, %add3A_700], %broadcast_in_dim3A_7 : memref<80x128xf32, #tpu.memory_space<vmem>>[vector<16xi32>, vector<16xi32>], vector<16xf32>,
    %get3A_701 = arith.constant 1 : i32
    %get3A_702 = arith.index_cast %get3A_701 : i32 to index
    %get3A_703 = arith.constant 48 : index
    %get3A_704 = tpu.vector_load %arg8[%get3A_702, %get3A_703] {strides = array<i32>} : memref<2x80xi32, #tpu.memory_space<vmem>>, vector<16xi32>,
    %iota3A_705 = tpu.iota {dimensions = array<i32: 0>} : vector<16xi32>
    %add3A_706 = arith.constant 48 : i32
    %add3A_707 = vector.broadcast %add3A_706 : i32 to vector<16xi32>
    %add3A_708 = arith.addi %iota3A_705, %add3A_707 : vector<16xi32>
    %and3A_709 = arith.constant 63 : i32
    %and3A_710 = vector.broadcast %and3A_709 : i32 to vector<16xi32>
    %and3A_711 = arith.andi %get3A_704, %and3A_710 : vector<16xi32>
    %shift_left3A_712 = arith.constant 1 : i32
    %shift_left3A_713 = vector.broadcast %shift_left3A_712 : i32 to vector<16xi32>
    %shift_left3A_714 = arith.shli %and3A_711, %shift_left3A_713 : vector<16xi32>
    tpu.vector_store_idx %arg12[%add3A_708, %shift_left3A_714], %broadcast_in_dim3A_7 : memref<80x128xf32, #tpu.memory_space<vmem>>[vector<16xi32>, vector<16xi32>], vector<16xf32>,
    %add3A_715 = arith.constant 1 : i32
    %add3A_716 = vector.broadcast %add3A_715 : i32 to vector<16xi32>
    %add3A_717 = arith.addi %shift_left3A_714, %add3A_716 : vector<16xi32>
    tpu.vector_store_idx %arg12[%add3A_708, %add3A_717], %broadcast_in_dim3A_7 : memref<80x128xf32, #tpu.memory_space<vmem>>[vector<16xi32>, vector<16xi32>], vector<16xf32>,
    %get3A_718 = arith.constant 1 : i32
    %get3A_719 = arith.index_cast %get3A_718 : i32 to index
    %get3A_720 = arith.constant 64 : index
    %get3A_721 = tpu.vector_load %arg8[%get3A_719, %get3A_720] {strides = array<i32>} : memref<2x80xi32, #tpu.memory_space<vmem>>, vector<16xi32>,
    %iota3A_722 = tpu.iota {dimensions = array<i32: 0>} : vector<16xi32>
    %add3A_723 = arith.constant 64 : i32
    %add3A_724 = vector.broadcast %add3A_723 : i32 to vector<16xi32>
    %add3A_725 = arith.addi %iota3A_722, %add3A_724 : vector<16xi32>
    %and3A_726 = arith.constant 63 : i32
    %and3A_727 = vector.broadcast %and3A_726 : i32 to vector<16xi32>
    %and3A_728 = arith.andi %get3A_721, %and3A_727 : vector<16xi32>
    %shift_left3A_729 = arith.constant 1 : i32
    %shift_left3A_730 = vector.broadcast %shift_left3A_729 : i32 to vector<16xi32>
    %shift_left3A_731 = arith.shli %and3A_728, %shift_left3A_730 : vector<16xi32>
    tpu.vector_store_idx %arg12[%add3A_725, %shift_left3A_731], %broadcast_in_dim3A_7 : memref<80x128xf32, #tpu.memory_space<vmem>>[vector<16xi32>, vector<16xi32>], vector<16xf32>,
    %add3A_732 = arith.constant 1 : i32
    %add3A_733 = vector.broadcast %add3A_732 : i32 to vector<16xi32>
    %add3A_734 = arith.addi %shift_left3A_731, %add3A_733 : vector<16xi32>
    tpu.vector_store_idx %arg12[%add3A_725, %add3A_734], %broadcast_in_dim3A_7 : memref<80x128xf32, #tpu.memory_space<vmem>>[vector<16xi32>, vector<16xi32>], vector<16xf32>,
    %dma_wait3A_735 = arith.constant 0 : i32
    %dma_wait3A_736 = arith.constant 0 : i32
    %dma_wait3A_737 = tpu.memref_slice %arg8[%dma_wait3A_735, %dma_wait3A_736] : memref<2x80xi32, #tpu.memory_space<vmem>> -> memref<1x80xi32, #tpu.memory_space<vmem>>
    %dma_wait3A_738 = tpu.memref_squeeze %dma_wait3A_737 : memref<1x80xi32, #tpu.memory_space<vmem>> -> memref<80xi32, #tpu.memory_space<vmem>>
    %dma_wait3A_739 = arith.constant 0 : i32
    %dma_wait3A_740 = tpu.memref_slice %arg4[%dma_wait3A_739] : memref<320000xi32, #tpu.memory_space<hbm>> -> memref<80xi32, #tpu.memory_space<hbm>>
    %dma_wait3A_741 = arith.constant 0 : i32
    %dma_wait3A_742 = tpu.memref_slice %arg8[%dma_wait3A_735, %dma_wait3A_741] : memref<2x80xi32, #tpu.memory_space<vmem>> -> memref<1x80xi32, #tpu.memory_space<vmem>>
    %dma_wait3A_743 = tpu.memref_squeeze %dma_wait3A_742 : memref<1x80xi32, #tpu.memory_space<vmem>> -> memref<80xi32, #tpu.memory_space<vmem>>
    %dma_wait3A_744 = arith.constant 0 : i32
    %dma_wait3A_745 = tpu.memref_slice %arg4[%dma_wait3A_744] : memref<320000xi32, #tpu.memory_space<hbm>> -> memref<80xi32, #tpu.memory_space<hbm>>
    tpu.wait_dma2 semaphore(%arg15 : memref<!tpu.dma_semaphore, #tpu.memory_space<semaphore_mem>>) src(%dma_wait3A_745 : memref<80xi32, #tpu.memory_space<hbm>>) dst(%dma_wait3A_743 : memref<80xi32, #tpu.memory_space<vmem>>)
    %dma_wait3A_746 = arith.constant 0 : i32
    %dma_wait3A_747 = arith.constant 0 : i32
    %dma_wait3A_748 = arith.constant 0 : i32
    %dma_wait3A_749 = tpu.memref_slice %arg10[%dma_wait3A_746, %dma_wait3A_747, %dma_wait3A_748] : memref<2x80x128xf32, #tpu.memory_space<vmem>> -> memref<1x80x128xf32, #tpu.memory_space<vmem>>
    %dma_wait3A_750 = tpu.memref_squeeze %dma_wait3A_749 : memref<1x80x128xf32, #tpu.memory_space<vmem>> -> memref<80x128xf32, #tpu.memory_space<vmem>>
    %dma_wait3A_751 = arith.constant 0 : i32
    %dma_wait3A_752 = arith.constant 0 : i32
    %dma_wait3A_753 = tpu.memref_slice %arg2[%dma_wait3A_751, %dma_wait3A_752] : memref<320000x128xf32, #tpu.memory_space<hbm>> -> memref<80x128xf32, #tpu.memory_space<hbm>>
    %dma_wait3A_754 = arith.constant 0 : i32
    %dma_wait3A_755 = arith.constant 0 : i32
    %dma_wait3A_756 = tpu.memref_slice %arg10[%dma_wait3A_746, %dma_wait3A_754, %dma_wait3A_755] : memref<2x80x128xf32, #tpu.memory_space<vmem>> -> memref<1x80x128xf32, #tpu.memory_space<vmem>>
    %dma_wait3A_757 = tpu.memref_squeeze %dma_wait3A_756 : memref<1x80x128xf32, #tpu.memory_space<vmem>> -> memref<80x128xf32, #tpu.memory_space<vmem>>
    %dma_wait3A_758 = arith.constant 0 : i32
    %dma_wait3A_759 = arith.constant 0 : i32
    %dma_wait3A_760 = tpu.memref_slice %arg2[%dma_wait3A_758, %dma_wait3A_759] : memref<320000x128xf32, #tpu.memory_space<hbm>> -> memref<80x128xf32, #tpu.memory_space<hbm>>
    tpu.wait_dma2 semaphore(%arg15 : memref<!tpu.dma_semaphore, #tpu.memory_space<semaphore_mem>>) src(%dma_wait3A_760 : memref<80x128xf32, #tpu.memory_space<hbm>>) dst(%dma_wait3A_757 : memref<80x128xf32, #tpu.memory_space<vmem>>)
    %dma_wait3A_761 = arith.constant 0 : i32
    %dma_wait3A_762 = arith.constant 0 : i32
    %dma_wait3A_763 = tpu.memref_slice %arg11[%dma_wait3A_761, %dma_wait3A_762] : memref<2x640xf32, #tpu.memory_space<vmem>> -> memref<1x640xf32, #tpu.memory_space<vmem>>
    %dma_wait3A_764 = tpu.memref_squeeze %dma_wait3A_763 : memref<1x640xf32, #tpu.memory_space<vmem>> -> memref<640xf32, #tpu.memory_space<vmem>>
    %dma_wait3A_765 = arith.constant 0 : i32
    %dma_wait3A_766 = tpu.memref_slice %arg3[%dma_wait3A_765] : memref<2560000xf32, #tpu.memory_space<hbm>> -> memref<640xf32, #tpu.memory_space<hbm>>
    %dma_wait3A_767 = arith.constant 0 : i32
    %dma_wait3A_768 = tpu.memref_slice %arg11[%dma_wait3A_761, %dma_wait3A_767] : memref<2x640xf32, #tpu.memory_space<vmem>> -> memref<1x640xf32, #tpu.memory_space<vmem>>
    %dma_wait3A_769 = tpu.memref_squeeze %dma_wait3A_768 : memref<1x640xf32, #tpu.memory_space<vmem>> -> memref<640xf32, #tpu.memory_space<vmem>>
    %dma_wait3A_770 = arith.constant 0 : i32
    %dma_wait3A_771 = tpu.memref_slice %arg3[%dma_wait3A_770] : memref<2560000xf32, #tpu.memory_space<hbm>> -> memref<640xf32, #tpu.memory_space<hbm>>
    tpu.wait_dma2 semaphore(%arg15 : memref<!tpu.dma_semaphore, #tpu.memory_space<semaphore_mem>>) src(%dma_wait3A_771 : memref<640xf32, #tpu.memory_space<hbm>>) dst(%dma_wait3A_769 : memref<640xf32, #tpu.memory_space<vmem>>)
    %get3A_772 = arith.constant 0 : i32
    %get3A_773 = arith.index_cast %get3A_772 : i32 to index
    %get3A_774 = arith.constant 0 : index
    %get3A_775 = tpu.vector_load %arg8[%get3A_773, %get3A_774] {strides = array<i32>} : memref<2x80xi32, #tpu.memory_space<vmem>>, vector<16xi32>,
    %iota3A_776 = tpu.iota {dimensions = array<i32: 0>} : vector<16xi32>
    %add3A_777 = arith.constant 0 : i32
    %add3A_778 = vector.broadcast %add3A_777 : i32 to vector<16xi32>
    %add3A_779 = arith.addi %iota3A_776, %add3A_778 : vector<16xi32>
    %and3A_780 = arith.constant 63 : i32
    %and3A_781 = vector.broadcast %and3A_780 : i32 to vector<16xi32>
    %and3A_782 = arith.andi %get3A_775, %and3A_781 : vector<16xi32>
    %shift_left3A_783 = arith.constant 1 : i32
    %shift_left3A_784 = vector.broadcast %shift_left3A_783 : i32 to vector<16xi32>
    %shift_left3A_785 = arith.shli %and3A_782, %shift_left3A_784 : vector<16xi32>
    %shift_left3A_786 = arith.constant 3 : i32
    %shift_left3A_787 = vector.broadcast %shift_left3A_786 : i32 to vector<16xi32>
    %shift_left3A_788 = arith.shli %add3A_779, %shift_left3A_787 : vector<16xi32>
    %iota3A_789 = tpu.iota {dimensions = array<i32: 0>} : vector<16xi32>
    %mul3A_790 = arith.constant 0 : i32
    %mul3A_791 = vector.broadcast %mul3A_790 : i32 to vector<16xi32>
    %mul3A_792 = arith.muli %iota3A_789, %mul3A_791 : vector<16xi32>
    %add3A_793 = arith.constant 0 : i32
    %add3A_794 = vector.broadcast %add3A_793 : i32 to vector<16xi32>
    %add3A_795 = arith.addi %mul3A_792, %add3A_794 : vector<16xi32>
    %gather3A_796 = tpu.vector_load_idx %arg11[%add3A_795, %shift_left3A_788] : memref<2x640xf32, #tpu.memory_space<vmem>>[vector<16xi32>, vector<16xi32>], vector<16xf32>,
    %add3A_797 = arith.constant 1 : i32
    %add3A_798 = vector.broadcast %add3A_797 : i32 to vector<16xi32>
    %add3A_799 = arith.addi %shift_left3A_788, %add3A_798 : vector<16xi32>
    %gather3A_800 = tpu.vector_load_idx %arg11[%add3A_795, %add3A_799] : memref<2x640xf32, #tpu.memory_space<vmem>>[vector<16xi32>, vector<16xi32>], vector<16xf32>,
    tpu.vector_store_idx %arg12[%add3A_779, %shift_left3A_785], %gather3A_796 : memref<80x128xf32, #tpu.memory_space<vmem>>[vector<16xi32>, vector<16xi32>], vector<16xf32>,
    %add3A_801 = arith.constant 1 : i32
    %add3A_802 = vector.broadcast %add3A_801 : i32 to vector<16xi32>
    %add3A_803 = arith.addi %shift_left3A_785, %add3A_802 : vector<16xi32>
    tpu.vector_store_idx %arg12[%add3A_779, %add3A_803], %gather3A_800 : memref<80x128xf32, #tpu.memory_space<vmem>>[vector<16xi32>, vector<16xi32>], vector<16xf32>,
    %shift_right_logical3A_804 = arith.constant 6 : i32
    %shift_right_logical3A_805 = vector.broadcast %shift_right_logical3A_804 : i32 to vector<16xi32>
    %shift_right_logical3A_806 = arith.shrui %get3A_775, %shift_right_logical3A_805 : vector<16xi32>
    %swap3A_807 = arith.constant 0 : index
    %swap3A_808 = tpu.vector_load %arg9[%swap3A_807] {strides = array<i32>} : memref<80xi32, #tpu.memory_space<vmem>>, vector<16xi32>,
    tpu.vector_store %arg9[%swap3A_807], %shift_right_logical3A_806 {strides = array<i32>} : memref<80xi32, #tpu.memory_space<vmem>>, vector<16xi32>,
    %get3A_809 = arith.constant 0 : i32
    %get3A_810 = arith.index_cast %get3A_809 : i32 to index
    %get3A_811 = arith.constant 16 : index
    %get3A_812 = tpu.vector_load %arg8[%get3A_810, %get3A_811] {strides = array<i32>} : memref<2x80xi32, #tpu.memory_space<vmem>>, vector<16xi32>,
    %iota3A_813 = tpu.iota {dimensions = array<i32: 0>} : vector<16xi32>
    %add3A_814 = arith.constant 16 : i32
    %add3A_815 = vector.broadcast %add3A_814 : i32 to vector<16xi32>
    %add3A_816 = arith.addi %iota3A_813, %add3A_815 : vector<16xi32>
    %and3A_817 = arith.constant 63 : i32
    %and3A_818 = vector.broadcast %and3A_817 : i32 to vector<16xi32>
    %and3A_819 = arith.andi %get3A_812, %and3A_818 : vector<16xi32>
    %shift_left3A_820 = arith.constant 1 : i32
    %shift_left3A_821 = vector.broadcast %shift_left3A_820 : i32 to vector<16xi32>
    %shift_left3A_822 = arith.shli %and3A_819, %shift_left3A_821 : vector<16xi32>
    %shift_left3A_823 = arith.constant 3 : i32
    %shift_left3A_824 = vector.broadcast %shift_left3A_823 : i32 to vector<16xi32>
    %shift_left3A_825 = arith.shli %add3A_816, %shift_left3A_824 : vector<16xi32>
    %iota3A_826 = tpu.iota {dimensions = array<i32: 0>} : vector<16xi32>
    %mul3A_827 = arith.constant 0 : i32
    %mul3A_828 = vector.broadcast %mul3A_827 : i32 to vector<16xi32>
    %mul3A_829 = arith.muli %iota3A_826, %mul3A_828 : vector<16xi32>
    %add3A_830 = arith.constant 0 : i32
    %add3A_831 = vector.broadcast %add3A_830 : i32 to vector<16xi32>
    %add3A_832 = arith.addi %mul3A_829, %add3A_831 : vector<16xi32>
    %gather3A_833 = tpu.vector_load_idx %arg11[%add3A_832, %shift_left3A_825] : memref<2x640xf32, #tpu.memory_space<vmem>>[vector<16xi32>, vector<16xi32>], vector<16xf32>,
    %add3A_834 = arith.constant 1 : i32
    %add3A_835 = vector.broadcast %add3A_834 : i32 to vector<16xi32>
    %add3A_836 = arith.addi %shift_left3A_825, %add3A_835 : vector<16xi32>
    %gather3A_837 = tpu.vector_load_idx %arg11[%add3A_832, %add3A_836] : memref<2x640xf32, #tpu.memory_space<vmem>>[vector<16xi32>, vector<16xi32>], vector<16xf32>,
    tpu.vector_store_idx %arg12[%add3A_816, %shift_left3A_822], %gather3A_833 : memref<80x128xf32, #tpu.memory_space<vmem>>[vector<16xi32>, vector<16xi32>], vector<16xf32>,
    %add3A_838 = arith.constant 1 : i32
    %add3A_839 = vector.broadcast %add3A_838 : i32 to vector<16xi32>
    %add3A_840 = arith.addi %shift_left3A_822, %add3A_839 : vector<16xi32>
    tpu.vector_store_idx %arg12[%add3A_816, %add3A_840], %gather3A_837 : memref<80x128xf32, #tpu.memory_space<vmem>>[vector<16xi32>, vector<16xi32>], vector<16xf32>,
    %shift_right_logical3A_841 = arith.constant 6 : i32
    %shift_right_logical3A_842 = vector.broadcast %shift_right_logical3A_841 : i32 to vector<16xi32>
    %shift_right_logical3A_843 = arith.shrui %get3A_812, %shift_right_logical3A_842 : vector<16xi32>
    %swap3A_844 = arith.constant 16 : index
    %swap3A_845 = tpu.vector_load %arg9[%swap3A_844] {strides = array<i32>} : memref<80xi32, #tpu.memory_space<vmem>>, vector<16xi32>,
    tpu.vector_store %arg9[%swap3A_844], %shift_right_logical3A_843 {strides = array<i32>} : memref<80xi32, #tpu.memory_space<vmem>>, vector<16xi32>,
    %get3A_846 = arith.constant 0 : i32
    %get3A_847 = arith.index_cast %get3A_846 : i32 to index
    %get3A_848 = arith.constant 32 : index
    %get3A_849 = tpu.vector_load %arg8[%get3A_847, %get3A_848] {strides = array<i32>} : memref<2x80xi32, #tpu.memory_space<vmem>>, vector<16xi32>,
    %iota3A_850 = tpu.iota {dimensions = array<i32: 0>} : vector<16xi32>
    %add3A_851 = arith.constant 32 : i32
    %add3A_852 = vector.broadcast %add3A_851 : i32 to vector<16xi32>
    %add3A_853 = arith.addi %iota3A_850, %add3A_852 : vector<16xi32>
    %and3A_854 = arith.constant 63 : i32
    %and3A_855 = vector.broadcast %and3A_854 : i32 to vector<16xi32>
    %and3A_856 = arith.andi %get3A_849, %and3A_855 : vector<16xi32>
    %shift_left3A_857 = arith.constant 1 : i32
    %shift_left3A_858 = vector.broadcast %shift_left3A_857 : i32 to vector<16xi32>
    %shift_left3A_859 = arith.shli %and3A_856, %shift_left3A_858 : vector<16xi32>
    %shift_left3A_860 = arith.constant 3 : i32
    %shift_left3A_861 = vector.broadcast %shift_left3A_860 : i32 to vector<16xi32>
    %shift_left3A_862 = arith.shli %add3A_853, %shift_left3A_861 : vector<16xi32>
    %iota3A_863 = tpu.iota {dimensions = array<i32: 0>} : vector<16xi32>
    %mul3A_864 = arith.constant 0 : i32
    %mul3A_865 = vector.broadcast %mul3A_864 : i32 to vector<16xi32>
    %mul3A_866 = arith.muli %iota3A_863, %mul3A_865 : vector<16xi32>
    %add3A_867 = arith.constant 0 : i32
    %add3A_868 = vector.broadcast %add3A_867 : i32 to vector<16xi32>
    %add3A_869 = arith.addi %mul3A_866, %add3A_868 : vector<16xi32>
    %gather3A_870 = tpu.vector_load_idx %arg11[%add3A_869, %shift_left3A_862] : memref<2x640xf32, #tpu.memory_space<vmem>>[vector<16xi32>, vector<16xi32>], vector<16xf32>,
    %add3A_871 = arith.constant 1 : i32
    %add3A_872 = vector.broadcast %add3A_871 : i32 to vector<16xi32>
    %add3A_873 = arith.addi %shift_left3A_862, %add3A_872 : vector<16xi32>
    %gather3A_874 = tpu.vector_load_idx %arg11[%add3A_869, %add3A_873] : memref<2x640xf32, #tpu.memory_space<vmem>>[vector<16xi32>, vector<16xi32>], vector<16xf32>,
    tpu.vector_store_idx %arg12[%add3A_853, %shift_left3A_859], %gather3A_870 : memref<80x128xf32, #tpu.memory_space<vmem>>[vector<16xi32>, vector<16xi32>], vector<16xf32>,
    %add3A_875 = arith.constant 1 : i32
    %add3A_876 = vector.broadcast %add3A_875 : i32 to vector<16xi32>
    %add3A_877 = arith.addi %shift_left3A_859, %add3A_876 : vector<16xi32>
    tpu.vector_store_idx %arg12[%add3A_853, %add3A_877], %gather3A_874 : memref<80x128xf32, #tpu.memory_space<vmem>>[vector<16xi32>, vector<16xi32>], vector<16xf32>,
    %shift_right_logical3A_878 = arith.constant 6 : i32
    %shift_right_logical3A_879 = vector.broadcast %shift_right_logical3A_878 : i32 to vector<16xi32>
    %shift_right_logical3A_880 = arith.shrui %get3A_849, %shift_right_logical3A_879 : vector<16xi32>
    %swap3A_881 = arith.constant 32 : index
    %swap3A_882 = tpu.vector_load %arg9[%swap3A_881] {strides = array<i32>} : memref<80xi32, #tpu.memory_space<vmem>>, vector<16xi32>,
    tpu.vector_store %arg9[%swap3A_881], %shift_right_logical3A_880 {strides = array<i32>} : memref<80xi32, #tpu.memory_space<vmem>>, vector<16xi32>,
    %get3A_883 = arith.constant 0 : i32
    %get3A_884 = arith.index_cast %get3A_883 : i32 to index
    %get3A_885 = arith.constant 48 : index
    %get3A_886 = tpu.vector_load %arg8[%get3A_884, %get3A_885] {strides = array<i32>} : memref<2x80xi32, #tpu.memory_space<vmem>>, vector<16xi32>,
    %iota3A_887 = tpu.iota {dimensions = array<i32: 0>} : vector<16xi32>
    %add3A_888 = arith.constant 48 : i32
    %add3A_889 = vector.broadcast %add3A_888 : i32 to vector<16xi32>
    %add3A_890 = arith.addi %iota3A_887, %add3A_889 : vector<16xi32>
    %and3A_891 = arith.constant 63 : i32
    %and3A_892 = vector.broadcast %and3A_891 : i32 to vector<16xi32>
    %and3A_893 = arith.andi %get3A_886, %and3A_892 : vector<16xi32>
    %shift_left3A_894 = arith.constant 1 : i32
    %shift_left3A_895 = vector.broadcast %shift_left3A_894 : i32 to vector<16xi32>
    %shift_left3A_896 = arith.shli %and3A_893, %shift_left3A_895 : vector<16xi32>
    %shift_left3A_897 = arith.constant 3 : i32
    %shift_left3A_898 = vector.broadcast %shift_left3A_897 : i32 to vector<16xi32>
    %shift_left3A_899 = arith.shli %add3A_890, %shift_left3A_898 : vector<16xi32>
    %iota3A_900 = tpu.iota {dimensions = array<i32: 0>} : vector<16xi32>
    %mul3A_901 = arith.constant 0 : i32
    %mul3A_902 = vector.broadcast %mul3A_901 : i32 to vector<16xi32>
    %mul3A_903 = arith.muli %iota3A_900, %mul3A_902 : vector<16xi32>
    %add3A_904 = arith.constant 0 : i32
    %add3A_905 = vector.broadcast %add3A_904 : i32 to vector<16xi32>
    %add3A_906 = arith.addi %mul3A_903, %add3A_905 : vector<16xi32>
    %gather3A_907 = tpu.vector_load_idx %arg11[%add3A_906, %shift_left3A_899] : memref<2x640xf32, #tpu.memory_space<vmem>>[vector<16xi32>, vector<16xi32>], vector<16xf32>,
    %add3A_908 = arith.constant 1 : i32
    %add3A_909 = vector.broadcast %add3A_908 : i32 to vector<16xi32>
    %add3A_910 = arith.addi %shift_left3A_899, %add3A_909 : vector<16xi32>
    %gather3A_911 = tpu.vector_load_idx %arg11[%add3A_906, %add3A_910] : memref<2x640xf32, #tpu.memory_space<vmem>>[vector<16xi32>, vector<16xi32>], vector<16xf32>,
    tpu.vector_store_idx %arg12[%add3A_890, %shift_left3A_896], %gather3A_907 : memref<80x128xf32, #tpu.memory_space<vmem>>[vector<16xi32>, vector<16xi32>], vector<16xf32>,
    %add3A_912 = arith.constant 1 : i32
    %add3A_913 = vector.broadcast %add3A_912 : i32 to vector<16xi32>
    %add3A_914 = arith.addi %shift_left3A_896, %add3A_913 : vector<16xi32>
    tpu.vector_store_idx %arg12[%add3A_890, %add3A_914], %gather3A_911 : memref<80x128xf32, #tpu.memory_space<vmem>>[vector<16xi32>, vector<16xi32>], vector<16xf32>,
    %shift_right_logical3A_915 = arith.constant 6 : i32
    %shift_right_logical3A_916 = vector.broadcast %shift_right_logical3A_915 : i32 to vector<16xi32>
    %shift_right_logical3A_917 = arith.shrui %get3A_886, %shift_right_logical3A_916 : vector<16xi32>
    %swap3A_918 = arith.constant 48 : index
    %swap3A_919 = tpu.vector_load %arg9[%swap3A_918] {strides = array<i32>} : memref<80xi32, #tpu.memory_space<vmem>>, vector<16xi32>,
    tpu.vector_store %arg9[%swap3A_918], %shift_right_logical3A_917 {strides = array<i32>} : memref<80xi32, #tpu.memory_space<vmem>>, vector<16xi32>,
    %get3A_920 = arith.constant 0 : i32
    %get3A_921 = arith.index_cast %get3A_920 : i32 to index
    %get3A_922 = arith.constant 64 : index
    %get3A_923 = tpu.vector_load %arg8[%get3A_921, %get3A_922] {strides = array<i32>} : memref<2x80xi32, #tpu.memory_space<vmem>>, vector<16xi32>,
    %iota3A_924 = tpu.iota {dimensions = array<i32: 0>} : vector<16xi32>
    %add3A_925 = arith.constant 64 : i32
    %add3A_926 = vector.broadcast %add3A_925 : i32 to vector<16xi32>
    %add3A_927 = arith.addi %iota3A_924, %add3A_926 : vector<16xi32>
    %and3A_928 = arith.constant 63 : i32
    %and3A_929 = vector.broadcast %and3A_928 : i32 to vector<16xi32>
    %and3A_930 = arith.andi %get3A_923, %and3A_929 : vector<16xi32>
    %shift_left3A_931 = arith.constant 1 : i32
    %shift_left3A_932 = vector.broadcast %shift_left3A_931 : i32 to vector<16xi32>
    %shift_left3A_933 = arith.shli %and3A_930, %shift_left3A_932 : vector<16xi32>
    %shift_left3A_934 = arith.constant 3 : i32
    %shift_left3A_935 = vector.broadcast %shift_left3A_934 : i32 to vector<16xi32>
    %shift_left3A_936 = arith.shli %add3A_927, %shift_left3A_935 : vector<16xi32>
    %iota3A_937 = tpu.iota {dimensions = array<i32: 0>} : vector<16xi32>
    %mul3A_938 = arith.constant 0 : i32
    %mul3A_939 = vector.broadcast %mul3A_938 : i32 to vector<16xi32>
    %mul3A_940 = arith.muli %iota3A_937, %mul3A_939 : vector<16xi32>
    %add3A_941 = arith.constant 0 : i32
    %add3A_942 = vector.broadcast %add3A_941 : i32 to vector<16xi32>
    %add3A_943 = arith.addi %mul3A_940, %add3A_942 : vector<16xi32>
    %gather3A_944 = tpu.vector_load_idx %arg11[%add3A_943, %shift_left3A_936] : memref<2x640xf32, #tpu.memory_space<vmem>>[vector<16xi32>, vector<16xi32>], vector<16xf32>,
    %add3A_945 = arith.constant 1 : i32
    %add3A_946 = vector.broadcast %add3A_945 : i32 to vector<16xi32>
    %add3A_947 = arith.addi %shift_left3A_936, %add3A_946 : vector<16xi32>
    %gather3A_948 = tpu.vector_load_idx %arg11[%add3A_943, %add3A_947] : memref<2x640xf32, #tpu.memory_space<vmem>>[vector<16xi32>, vector<16xi32>], vector<16xf32>,
    tpu.vector_store_idx %arg12[%add3A_927, %shift_left3A_933], %gather3A_944 : memref<80x128xf32, #tpu.memory_space<vmem>>[vector<16xi32>, vector<16xi32>], vector<16xf32>,
    %add3A_949 = arith.constant 1 : i32
    %add3A_950 = vector.broadcast %add3A_949 : i32 to vector<16xi32>
    %add3A_951 = arith.addi %shift_left3A_933, %add3A_950 : vector<16xi32>
    tpu.vector_store_idx %arg12[%add3A_927, %add3A_951], %gather3A_948 : memref<80x128xf32, #tpu.memory_space<vmem>>[vector<16xi32>, vector<16xi32>], vector<16xf32>,
    %shift_right_logical3A_952 = arith.constant 6 : i32
    %shift_right_logical3A_953 = vector.broadcast %shift_right_logical3A_952 : i32 to vector<16xi32>
    %shift_right_logical3A_954 = arith.shrui %get3A_923, %shift_right_logical3A_953 : vector<16xi32>
    %swap3A_955 = arith.constant 64 : index
    %swap3A_956 = tpu.vector_load %arg9[%swap3A_955] {strides = array<i32>} : memref<80xi32, #tpu.memory_space<vmem>>, vector<16xi32>,
    tpu.vector_store %arg9[%swap3A_955], %shift_right_logical3A_954 {strides = array<i32>} : memref<80xi32, #tpu.memory_space<vmem>>, vector<16xi32>,
    %run_scoped3A_957 = arith.constant 0 : i32
    %run_scoped3A_958 = arith.constant 0 : i32
    "tpu.region"() ({
      %run_scoped3A_1045 = tpu.sem_alloc : memref<!tpu.dma_semaphore, #tpu.memory_space<semaphore_mem>>
      %dma_start3A_1046 = arith.constant 0 : i32
      %dma_start3A_1047 = arith.constant 0 : i32
      %dma_start3A_1048 = tpu.memref_slice %arg10[%run_scoped3A_957, %dma_start3A_1046, %dma_start3A_1047] : memref<2x80x128xf32, #tpu.memory_space<vmem>> -> memref<1x80x128xf32, #tpu.memory_space<vmem>>
      %dma_start3A_1049 = tpu.memref_squeeze %dma_start3A_1048 : memref<1x80x128xf32, #tpu.memory_space<vmem>> -> memref<80x128xf32, #tpu.memory_space<vmem>>
      %dma_start3A_1050 = arith.constant 0 : i32
      %dma_start3A_1051 = tpu.memref_slice %arg8[%run_scoped3A_958, %dma_start3A_1050] : memref<2x80xi32, #tpu.memory_space<vmem>> -> memref<1x80xi32, #tpu.memory_space<vmem>>
      %dma_start3A_1052 = tpu.memref_squeeze %dma_start3A_1051 : memref<1x80xi32, #tpu.memory_space<vmem>> -> memref<80xi32, #tpu.memory_space<vmem>>
      %dma_start3A_1053 = arith.constant 0 : i32
      %dma_start3A_1054 = arith.constant 0 : i32
      %dma_start3A_1055 = tpu.memref_slice %arg13[%dma_start3A_1053, %dma_start3A_1054] : memref<10240x128xf32, #tpu.memory_space<vmem_shared>> -> memref<10240x128xf32, #tpu.memory_space<vmem_shared>>
      tpu.enqueue_indirect_dma source(%dma_start3A_1049 : memref<80x128xf32, #tpu.memory_space<vmem>>) target(%dma_start3A_1055 : memref<10240x128xf32, #tpu.memory_space<vmem_shared>>) offsets(%dma_start3A_1052 : memref<80xi32, #tpu.memory_space<vmem>>) semaphore(%run_scoped3A_1045 : memref<!tpu.dma_semaphore, #tpu.memory_space<semaphore_mem>>) {add = true}
      %dma_wait3A_1056 = arith.constant 0 : i32
      %dma_wait3A_1057 = arith.constant 0 : i32
      %dma_wait3A_1058 = tpu.memref_slice %arg10[%run_scoped3A_957, %dma_wait3A_1056, %dma_wait3A_1057] : memref<2x80x128xf32, #tpu.memory_space<vmem>> -> memref<1x80x128xf32, #tpu.memory_space<vmem>>
      %dma_wait3A_1059 = tpu.memref_squeeze %dma_wait3A_1058 : memref<1x80x128xf32, #tpu.memory_space<vmem>> -> memref<80x128xf32, #tpu.memory_space<vmem>>
      %dma_wait3A_1060 = arith.constant 0 : i32
      %dma_wait3A_1061 = tpu.memref_slice %arg8[%run_scoped3A_958, %dma_wait3A_1060] : memref<2x80xi32, #tpu.memory_space<vmem>> -> memref<1x80xi32, #tpu.memory_space<vmem>>
      %dma_wait3A_1062 = tpu.memref_squeeze %dma_wait3A_1061 : memref<1x80xi32, #tpu.memory_space<vmem>> -> memref<80xi32, #tpu.memory_space<vmem>>
      %dma_wait3A_1063 = arith.constant 0 : i32
      %dma_wait3A_1064 = arith.constant 0 : i32
      %dma_wait3A_1065 = tpu.memref_slice %arg13[%dma_wait3A_1063, %dma_wait3A_1064] : memref<10240x128xf32, #tpu.memory_space<vmem_shared>> -> memref<10240x128xf32, #tpu.memory_space<vmem_shared>>
      tpu.wait_indirect_dma semaphore(%run_scoped3A_1045 : memref<!tpu.dma_semaphore, #tpu.memory_space<semaphore_mem>>) src(%dma_wait3A_1059 : memref<80x128xf32, #tpu.memory_space<vmem>>) dst(%dma_wait3A_1065 : memref<10240x128xf32, #tpu.memory_space<vmem_shared>>)
      tpu.yield
    }) : () -> ()
    "tpu.region"() ({
      %run_scoped3A_1045 = tpu.sem_alloc : memref<!tpu.dma_semaphore, #tpu.memory_space<semaphore_mem>>
      %dma_start3A_1046 = arith.constant 0 : i32
      %dma_start3A_1047 = arith.constant 0 : i32
      %dma_start3A_1048 = tpu.memref_slice %arg14[%dma_start3A_1046, %dma_start3A_1047] : memref<256x128xf32, #tpu.memory_space<vmem_shared>> -> memref<256x128xf32, #tpu.memory_space<vmem_shared>>
      tpu.enqueue_indirect_dma source(%arg12 : memref<80x128xf32, #tpu.memory_space<vmem>>) target(%dma_start3A_1048 : memref<256x128xf32, #tpu.memory_space<vmem_shared>>) offsets(%arg9 : memref<80xi32, #tpu.memory_space<vmem>>) semaphore(%run_scoped3A_1045 : memref<!tpu.dma_semaphore, #tpu.memory_space<semaphore_mem>>) {add = true}
      %dma_wait3A_1049 = arith.constant 0 : i32
      %dma_wait3A_1050 = arith.constant 0 : i32
      %dma_wait3A_1051 = tpu.memref_slice %arg14[%dma_wait3A_1049, %dma_wait3A_1050] : memref<256x128xf32, #tpu.memory_space<vmem_shared>> -> memref<256x128xf32, #tpu.memory_space<vmem_shared>>
      tpu.wait_indirect_dma semaphore(%run_scoped3A_1045 : memref<!tpu.dma_semaphore, #tpu.memory_space<semaphore_mem>>) src(%arg12 : memref<80x128xf32, #tpu.memory_space<vmem>>) dst(%dma_wait3A_1051 : memref<256x128xf32, #tpu.memory_space<vmem_shared>>)
      tpu.yield
    }) : () -> ()
    %get3A_959 = arith.constant 0 : i32
    %get3A_960 = arith.index_cast %get3A_959 : i32 to index
    %get3A_961 = arith.constant 0 : index
    %get3A_962 = tpu.vector_load %arg8[%get3A_960, %get3A_961] {strides = array<i32>} : memref<2x80xi32, #tpu.memory_space<vmem>>, vector<16xi32>,
    %iota3A_963 = tpu.iota {dimensions = array<i32: 0>} : vector<16xi32>
    %add3A_964 = arith.constant 0 : i32
    %add3A_965 = vector.broadcast %add3A_964 : i32 to vector<16xi32>
    %add3A_966 = arith.addi %iota3A_963, %add3A_965 : vector<16xi32>
    %and3A_967 = arith.constant 63 : i32
    %and3A_968 = vector.broadcast %and3A_967 : i32 to vector<16xi32>
    %and3A_969 = arith.andi %get3A_962, %and3A_968 : vector<16xi32>
    %shift_left3A_970 = arith.constant 1 : i32
    %shift_left3A_971 = vector.broadcast %shift_left3A_970 : i32 to vector<16xi32>
    %shift_left3A_972 = arith.shli %and3A_969, %shift_left3A_971 : vector<16xi32>
    tpu.vector_store_idx %arg12[%add3A_966, %shift_left3A_972], %broadcast_in_dim3A_7 : memref<80x128xf32, #tpu.memory_space<vmem>>[vector<16xi32>, vector<16xi32>], vector<16xf32>,
    %add3A_973 = arith.constant 1 : i32
    %add3A_974 = vector.broadcast %add3A_973 : i32 to vector<16xi32>
    %add3A_975 = arith.addi %shift_left3A_972, %add3A_974 : vector<16xi32>
    tpu.vector_store_idx %arg12[%add3A_966, %add3A_975], %broadcast_in_dim3A_7 : memref<80x128xf32, #tpu.memory_space<vmem>>[vector<16xi32>, vector<16xi32>], vector<16xf32>,
    %get3A_976 = arith.constant 0 : i32
    %get3A_977 = arith.index_cast %get3A_976 : i32 to index
    %get3A_978 = arith.constant 16 : index
    %get3A_979 = tpu.vector_load %arg8[%get3A_977, %get3A_978] {strides = array<i32>} : memref<2x80xi32, #tpu.memory_space<vmem>>, vector<16xi32>,
    %iota3A_980 = tpu.iota {dimensions = array<i32: 0>} : vector<16xi32>
    %add3A_981 = arith.constant 16 : i32
    %add3A_982 = vector.broadcast %add3A_981 : i32 to vector<16xi32>
    %add3A_983 = arith.addi %iota3A_980, %add3A_982 : vector<16xi32>
    %and3A_984 = arith.constant 63 : i32
    %and3A_985 = vector.broadcast %and3A_984 : i32 to vector<16xi32>
    %and3A_986 = arith.andi %get3A_979, %and3A_985 : vector<16xi32>
    %shift_left3A_987 = arith.constant 1 : i32
    %shift_left3A_988 = vector.broadcast %shift_left3A_987 : i32 to vector<16xi32>
    %shift_left3A_989 = arith.shli %and3A_986, %shift_left3A_988 : vector<16xi32>
    tpu.vector_store_idx %arg12[%add3A_983, %shift_left3A_989], %broadcast_in_dim3A_7 : memref<80x128xf32, #tpu.memory_space<vmem>>[vector<16xi32>, vector<16xi32>], vector<16xf32>,
    %add3A_990 = arith.constant 1 : i32
    %add3A_991 = vector.broadcast %add3A_990 : i32 to vector<16xi32>
    %add3A_992 = arith.addi %shift_left3A_989, %add3A_991 : vector<16xi32>
    tpu.vector_store_idx %arg12[%add3A_983, %add3A_992], %broadcast_in_dim3A_7 : memref<80x128xf32, #tpu.memory_space<vmem>>[vector<16xi32>, vector<16xi32>], vector<16xf32>,
    %get3A_993 = arith.constant 0 : i32
    %get3A_994 = arith.index_cast %get3A_993 : i32 to index
    %get3A_995 = arith.constant 32 : index
    %get3A_996 = tpu.vector_load %arg8[%get3A_994, %get3A_995] {strides = array<i32>} : memref<2x80xi32, #tpu.memory_space<vmem>>, vector<16xi32>,
    %iota3A_997 = tpu.iota {dimensions = array<i32: 0>} : vector<16xi32>
    %add3A_998 = arith.constant 32 : i32
    %add3A_999 = vector.broadcast %add3A_998 : i32 to vector<16xi32>
    %add3A_1000 = arith.addi %iota3A_997, %add3A_999 : vector<16xi32>
    %and3A_1001 = arith.constant 63 : i32
    %and3A_1002 = vector.broadcast %and3A_1001 : i32 to vector<16xi32>
    %and3A_1003 = arith.andi %get3A_996, %and3A_1002 : vector<16xi32>
    %shift_left3A_1004 = arith.constant 1 : i32
    %shift_left3A_1005 = vector.broadcast %shift_left3A_1004 : i32 to vector<16xi32>
    %shift_left3A_1006 = arith.shli %and3A_1003, %shift_left3A_1005 : vector<16xi32>
    tpu.vector_store_idx %arg12[%add3A_1000, %shift_left3A_1006], %broadcast_in_dim3A_7 : memref<80x128xf32, #tpu.memory_space<vmem>>[vector<16xi32>, vector<16xi32>], vector<16xf32>,
    %add3A_1007 = arith.constant 1 : i32
    %add3A_1008 = vector.broadcast %add3A_1007 : i32 to vector<16xi32>
    %add3A_1009 = arith.addi %shift_left3A_1006, %add3A_1008 : vector<16xi32>
    tpu.vector_store_idx %arg12[%add3A_1000, %add3A_1009], %broadcast_in_dim3A_7 : memref<80x128xf32, #tpu.memory_space<vmem>>[vector<16xi32>, vector<16xi32>], vector<16xf32>,
    %get3A_1010 = arith.constant 0 : i32
    %get3A_1011 = arith.index_cast %get3A_1010 : i32 to index
    %get3A_1012 = arith.constant 48 : index
    %get3A_1013 = tpu.vector_load %arg8[%get3A_1011, %get3A_1012] {strides = array<i32>} : memref<2x80xi32, #tpu.memory_space<vmem>>, vector<16xi32>,
    %iota3A_1014 = tpu.iota {dimensions = array<i32: 0>} : vector<16xi32>
    %add3A_1015 = arith.constant 48 : i32
    %add3A_1016 = vector.broadcast %add3A_1015 : i32 to vector<16xi32>
    %add3A_1017 = arith.addi %iota3A_1014, %add3A_1016 : vector<16xi32>
    %and3A_1018 = arith.constant 63 : i32
    %and3A_1019 = vector.broadcast %and3A_1018 : i32 to vector<16xi32>
    %and3A_1020 = arith.andi %get3A_1013, %and3A_1019 : vector<16xi32>
    %shift_left3A_1021 = arith.constant 1 : i32
    %shift_left3A_1022 = vector.broadcast %shift_left3A_1021 : i32 to vector<16xi32>
    %shift_left3A_1023 = arith.shli %and3A_1020, %shift_left3A_1022 : vector<16xi32>
    tpu.vector_store_idx %arg12[%add3A_1017, %shift_left3A_1023], %broadcast_in_dim3A_7 : memref<80x128xf32, #tpu.memory_space<vmem>>[vector<16xi32>, vector<16xi32>], vector<16xf32>,
    %add3A_1024 = arith.constant 1 : i32
    %add3A_1025 = vector.broadcast %add3A_1024 : i32 to vector<16xi32>
    %add3A_1026 = arith.addi %shift_left3A_1023, %add3A_1025 : vector<16xi32>
    tpu.vector_store_idx %arg12[%add3A_1017, %add3A_1026], %broadcast_in_dim3A_7 : memref<80x128xf32, #tpu.memory_space<vmem>>[vector<16xi32>, vector<16xi32>], vector<16xf32>,
    %get3A_1027 = arith.constant 0 : i32
    %get3A_1028 = arith.index_cast %get3A_1027 : i32 to index
    %get3A_1029 = arith.constant 64 : index
    %get3A_1030 = tpu.vector_load %arg8[%get3A_1028, %get3A_1029] {strides = array<i32>} : memref<2x80xi32, #tpu.memory_space<vmem>>, vector<16xi32>,
    %iota3A_1031 = tpu.iota {dimensions = array<i32: 0>} : vector<16xi32>
    %add3A_1032 = arith.constant 64 : i32
    %add3A_1033 = vector.broadcast %add3A_1032 : i32 to vector<16xi32>
    %add3A_1034 = arith.addi %iota3A_1031, %add3A_1033 : vector<16xi32>
    %and3A_1035 = arith.constant 63 : i32
    %and3A_1036 = vector.broadcast %and3A_1035 : i32 to vector<16xi32>
    %and3A_1037 = arith.andi %get3A_1030, %and3A_1036 : vector<16xi32>
    %shift_left3A_1038 = arith.constant 1 : i32
    %shift_left3A_1039 = vector.broadcast %shift_left3A_1038 : i32 to vector<16xi32>
    %shift_left3A_1040 = arith.shli %and3A_1037, %shift_left3A_1039 : vector<16xi32>
    tpu.vector_store_idx %arg12[%add3A_1034, %shift_left3A_1040], %broadcast_in_dim3A_7 : memref<80x128xf32, #tpu.memory_space<vmem>>[vector<16xi32>, vector<16xi32>], vector<16xf32>,
    %add3A_1041 = arith.constant 1 : i32
    %add3A_1042 = vector.broadcast %add3A_1041 : i32 to vector<16xi32>
    %add3A_1043 = arith.addi %shift_left3A_1040, %add3A_1042 : vector<16xi32>
    tpu.vector_store_idx %arg12[%add3A_1034, %add3A_1043], %broadcast_in_dim3A_7 : memref<80x128xf32, #tpu.memory_space<vmem>>[vector<16xi32>, vector<16xi32>], vector<16xf32>,
    %barrier3A_1044 = arith.constant 0 : index
    tpu.barrier barrier_id(%barrier3A_1044)
    "tpu.region"() ({
      %run_scoped3A_1045 = tpu.sem_alloc : memref<!tpu.dma_semaphore, #tpu.memory_space<semaphore_mem>>
      %dma_start3A_1046 = arith.constant 0 : i32
      %dma_start3A_1047 = tpu.memref_slice %arg6[%arg0, %mul3A_4, %dma_start3A_1046] : memref<2x10240x128xf32, #tpu.memory_space<hbm>> -> memref<1x640x128xf32, #tpu.memory_space<hbm>>
      %dma_start3A_1048 = tpu.memref_squeeze %dma_start3A_1047 : memref<1x640x128xf32, #tpu.memory_space<hbm>> -> memref<640x128xf32, #tpu.memory_space<hbm>>
      %dma_start3A_1049 = arith.constant 0 : i32
      %dma_start3A_1050 = tpu.memref_slice %arg13[%mul3A_4, %dma_start3A_1049] : memref<10240x128xf32, #tpu.memory_space<vmem_shared>> -> memref<640x128xf32, #tpu.memory_space<vmem_shared>>
      tpu.enqueue_dma source(%dma_start3A_1050 : memref<640x128xf32, #tpu.memory_space<vmem_shared>>) target(%dma_start3A_1048 : memref<640x128xf32, #tpu.memory_space<hbm>>) target_semaphore(%run_scoped3A_1045 : memref<!tpu.dma_semaphore, #tpu.memory_space<semaphore_mem>>)
      %dma_wait3A_1051 = arith.constant 0 : i32
      %dma_wait3A_1052 = tpu.memref_slice %arg6[%arg0, %mul3A_4, %dma_wait3A_1051] : memref<2x10240x128xf32, #tpu.memory_space<hbm>> -> memref<1x640x128xf32, #tpu.memory_space<hbm>>
      %dma_wait3A_1053 = tpu.memref_squeeze %dma_wait3A_1052 : memref<1x640x128xf32, #tpu.memory_space<hbm>> -> memref<640x128xf32, #tpu.memory_space<hbm>>
      %dma_wait3A_1054 = arith.constant 0 : i32
      %dma_wait3A_1055 = tpu.memref_slice %arg13[%mul3A_4, %dma_wait3A_1054] : memref<10240x128xf32, #tpu.memory_space<vmem_shared>> -> memref<640x128xf32, #tpu.memory_space<vmem_shared>>
      tpu.wait_dma2 semaphore(%run_scoped3A_1045 : memref<!tpu.dma_semaphore, #tpu.memory_space<semaphore_mem>>) src(%dma_wait3A_1055 : memref<640x128xf32, #tpu.memory_space<vmem_shared>>) dst(%dma_wait3A_1053 : memref<640x128xf32, #tpu.memory_space<hbm>>)
      tpu.yield
    }) : () -> ()
    "tpu.region"() ({
      %run_scoped3A_1045 = tpu.sem_alloc : memref<!tpu.dma_semaphore, #tpu.memory_space<semaphore_mem>>
      %dma_start3A_1046 = arith.constant 0 : i32
      %dma_start3A_1047 = tpu.memref_slice %arg7[%arg0, %mul3A_6, %dma_start3A_1046] : memref<2x256x128xf32, #tpu.memory_space<hbm>> -> memref<1x16x128xf32, #tpu.memory_space<hbm>>
      %dma_start3A_1048 = tpu.memref_squeeze %dma_start3A_1047 : memref<1x16x128xf32, #tpu.memory_space<hbm>> -> memref<16x128xf32, #tpu.memory_space<hbm>>
      %dma_start3A_1049 = arith.constant 0 : i32
      %dma_start3A_1050 = tpu.memref_slice %arg14[%mul3A_6, %dma_start3A_1049] : memref<256x128xf32, #tpu.memory_space<vmem_shared>> -> memref<16x128xf32, #tpu.memory_space<vmem_shared>>
      tpu.enqueue_dma source(%dma_start3A_1050 : memref<16x128xf32, #tpu.memory_space<vmem_shared>>) target(%dma_start3A_1048 : memref<16x128xf32, #tpu.memory_space<hbm>>) target_semaphore(%run_scoped3A_1045 : memref<!tpu.dma_semaphore, #tpu.memory_space<semaphore_mem>>)
      %dma_wait3A_1051 = arith.constant 0 : i32
      %dma_wait3A_1052 = tpu.memref_slice %arg7[%arg0, %mul3A_6, %dma_wait3A_1051] : memref<2x256x128xf32, #tpu.memory_space<hbm>> -> memref<1x16x128xf32, #tpu.memory_space<hbm>>
      %dma_wait3A_1053 = tpu.memref_squeeze %dma_wait3A_1052 : memref<1x16x128xf32, #tpu.memory_space<hbm>> -> memref<16x128xf32, #tpu.memory_space<hbm>>
      %dma_wait3A_1054 = arith.constant 0 : i32
      %dma_wait3A_1055 = tpu.memref_slice %arg14[%mul3A_6, %dma_wait3A_1054] : memref<256x128xf32, #tpu.memory_space<vmem_shared>> -> memref<16x128xf32, #tpu.memory_space<vmem_shared>>
      tpu.wait_dma2 semaphore(%run_scoped3A_1045 : memref<!tpu.dma_semaphore, #tpu.memory_space<semaphore_mem>>) src(%dma_wait3A_1055 : memref<16x128xf32, #tpu.memory_space<vmem_shared>>) dst(%dma_wait3A_1053 : memref<16x128xf32, #tpu.memory_space<hbm>>)
      tpu.yield
    }) : () -> ()
    return
  }
}

#map = affine_map<(d0, d1) -> (0, 0)>
#map1 = affine_map<(d0, d1) -> (0)>
module attributes {stable_mosaic.version = 14 : i64} {
  func.func @gather_kernel(%arg0: i32, %arg1: i32, %arg2: memref<10000x256xf32, #tpu.memory_space<hbm>>, %arg3: memref<10000x128xf32, #tpu.memory_space<hbm>>, %arg4: memref<10000xf32, #tpu.memory_space<hbm>>, %arg5: memref<320000xi32, #tpu.memory_space<hbm>>, %arg6: memref<320000xi32, #tpu.memory_space<hbm>>, %arg7: memref<320000xf32, #tpu.memory_space<hbm>>, %arg8: memref<320000x256xf32, #tpu.memory_space<hbm>>, %arg9: memref<320000x128xf32, #tpu.memory_space<hbm>>, %arg10: memref<320000xf32, #tpu.memory_space<hbm>>, %arg11: memref<2x80xi32, #tpu.memory_space<vmem>>, %arg12: memref<2x80xi32, #tpu.memory_space<vmem>>, %arg13: memref<2x80xf32, #tpu.memory_space<vmem>>, %arg14: memref<2x80xf32, #tpu.memory_space<vmem>>, %arg15: memref<2x80x256xf32, #tpu.memory_space<vmem>>, %arg16: memref<2x80x128xf32, #tpu.memory_space<vmem>>, %arg17: memref<10000xf32, #tpu.memory_space<vmem>>, %arg18: memref<!tpu.dma_semaphore, #tpu.memory_space<semaphore_mem>>, %arg19: memref<!tpu.dma_semaphore, #tpu.memory_space<semaphore_mem>>, %arg20: memref<!tpu.dma_semaphore, #tpu.memory_space<semaphore_mem>>, %arg21: memref<!tpu.dma_semaphore, #tpu.memory_space<semaphore_mem>>, %arg22: memref<!tpu.dma_semaphore, #tpu.memory_space<semaphore_mem>>, %arg23: memref<!tpu.dma_semaphore, #tpu.memory_space<semaphore_mem>>) attributes {dimension_semantics = [#tpu.dimension_semantics<core_parallel>, #tpu.dimension_semantics<subcore_parallel>], iteration_bounds = array<i64: 2, 16>, scalar_prefetch = 0 : i64, scratch_operands = 13 : i64, tpu.core_type = #tpu.core_type<sc_vector_subcore>, window_params = [{transform_indices = #map}, {transform_indices = #map}, {transform_indices = #map1}, {transform_indices = #map1}, {transform_indices = #map1}, {transform_indices = #map1}, {transform_indices = #map}, {transform_indices = #map}, {transform_indices = #map1}]} {
    %mul3A = arith.constant 2 : i32
    %mul3A_0 = arith.muli %arg1, %mul3A : i32
    %add3A = arith.addi %mul3A_0, %arg0 : i32
    %mul3A_1 = arith.constant 10000 : i32
    %mul3A_2 = arith.muli %add3A, %mul3A_1 : i32
    "tpu.region"() ({
      %run_scoped3A = tpu.sem_alloc : memref<!tpu.dma_semaphore, #tpu.memory_space<semaphore_mem>>
      tpu.enqueue_dma source(%arg4 : memref<10000xf32, #tpu.memory_space<hbm>>) target(%arg17 : memref<10000xf32, #tpu.memory_space<vmem>>) target_semaphore(%run_scoped3A : memref<!tpu.dma_semaphore, #tpu.memory_space<semaphore_mem>>)
      tpu.wait_dma2 semaphore(%run_scoped3A : memref<!tpu.dma_semaphore, #tpu.memory_space<semaphore_mem>>) src(%arg4 : memref<10000xf32, #tpu.memory_space<hbm>>) dst(%arg17 : memref<10000xf32, #tpu.memory_space<vmem>>)
      tpu.yield
    }) : () -> ()
    %add3A_3 = arith.constant 0 : i32
    %add3A_4 = arith.addi %mul3A_2, %add3A_3 : i32
    %min3A = arith.constant 319920 : i32
    %min3A_5 = arith.minsi %add3A_4, %min3A : i32
    %dma_start3A = arith.constant 0 : i32
    %dma_start3A_6 = arith.constant 0 : i32
    %dma_start3A_7 = tpu.memref_slice %arg11[%dma_start3A, %dma_start3A_6] : memref<2x80xi32, #tpu.memory_space<vmem>> -> memref<1x80xi32, #tpu.memory_space<vmem>>
    %dma_start3A_8 = tpu.memref_squeeze %dma_start3A_7 : memref<1x80xi32, #tpu.memory_space<vmem>> -> memref<80xi32, #tpu.memory_space<vmem>>
    %dma_start3A_9 = tpu.memref_slice %arg5[%min3A_5] : memref<320000xi32, #tpu.memory_space<hbm>> -> memref<80xi32, #tpu.memory_space<hbm>>
    %dma_start3A_10 = arith.constant 0 : i32
    %dma_start3A_11 = tpu.memref_slice %arg11[%dma_start3A, %dma_start3A_10] : memref<2x80xi32, #tpu.memory_space<vmem>> -> memref<1x80xi32, #tpu.memory_space<vmem>>
    %dma_start3A_12 = tpu.memref_squeeze %dma_start3A_11 : memref<1x80xi32, #tpu.memory_space<vmem>> -> memref<80xi32, #tpu.memory_space<vmem>>
    %dma_start3A_13 = tpu.memref_slice %arg5[%min3A_5] : memref<320000xi32, #tpu.memory_space<hbm>> -> memref<80xi32, #tpu.memory_space<hbm>>
    tpu.enqueue_dma source(%dma_start3A_13 : memref<80xi32, #tpu.memory_space<hbm>>) target(%dma_start3A_12 : memref<80xi32, #tpu.memory_space<vmem>>) target_semaphore(%arg18 : memref<!tpu.dma_semaphore, #tpu.memory_space<semaphore_mem>>)
    %dma_start3A_14 = arith.constant 0 : i32
    %dma_start3A_15 = arith.constant 0 : i32
    %dma_start3A_16 = tpu.memref_slice %arg12[%dma_start3A_14, %dma_start3A_15] : memref<2x80xi32, #tpu.memory_space<vmem>> -> memref<1x80xi32, #tpu.memory_space<vmem>>
    %dma_start3A_17 = tpu.memref_squeeze %dma_start3A_16 : memref<1x80xi32, #tpu.memory_space<vmem>> -> memref<80xi32, #tpu.memory_space<vmem>>
    %dma_start3A_18 = tpu.memref_slice %arg6[%min3A_5] : memref<320000xi32, #tpu.memory_space<hbm>> -> memref<80xi32, #tpu.memory_space<hbm>>
    %dma_start3A_19 = arith.constant 0 : i32
    %dma_start3A_20 = tpu.memref_slice %arg12[%dma_start3A_14, %dma_start3A_19] : memref<2x80xi32, #tpu.memory_space<vmem>> -> memref<1x80xi32, #tpu.memory_space<vmem>>
    %dma_start3A_21 = tpu.memref_squeeze %dma_start3A_20 : memref<1x80xi32, #tpu.memory_space<vmem>> -> memref<80xi32, #tpu.memory_space<vmem>>
    %dma_start3A_22 = tpu.memref_slice %arg6[%min3A_5] : memref<320000xi32, #tpu.memory_space<hbm>> -> memref<80xi32, #tpu.memory_space<hbm>>
    tpu.enqueue_dma source(%dma_start3A_22 : memref<80xi32, #tpu.memory_space<hbm>>) target(%dma_start3A_21 : memref<80xi32, #tpu.memory_space<vmem>>) target_semaphore(%arg18 : memref<!tpu.dma_semaphore, #tpu.memory_space<semaphore_mem>>)
    %dma_start3A_23 = arith.constant 0 : i32
    %dma_start3A_24 = arith.constant 0 : i32
    %dma_start3A_25 = tpu.memref_slice %arg13[%dma_start3A_23, %dma_start3A_24] : memref<2x80xf32, #tpu.memory_space<vmem>> -> memref<1x80xf32, #tpu.memory_space<vmem>>
    %dma_start3A_26 = tpu.memref_squeeze %dma_start3A_25 : memref<1x80xf32, #tpu.memory_space<vmem>> -> memref<80xf32, #tpu.memory_space<vmem>>
    %dma_start3A_27 = tpu.memref_slice %arg7[%min3A_5] : memref<320000xf32, #tpu.memory_space<hbm>> -> memref<80xf32, #tpu.memory_space<hbm>>
    %dma_start3A_28 = arith.constant 0 : i32
    %dma_start3A_29 = tpu.memref_slice %arg13[%dma_start3A_23, %dma_start3A_28] : memref<2x80xf32, #tpu.memory_space<vmem>> -> memref<1x80xf32, #tpu.memory_space<vmem>>
    %dma_start3A_30 = tpu.memref_squeeze %dma_start3A_29 : memref<1x80xf32, #tpu.memory_space<vmem>> -> memref<80xf32, #tpu.memory_space<vmem>>
    %dma_start3A_31 = tpu.memref_slice %arg7[%min3A_5] : memref<320000xf32, #tpu.memory_space<hbm>> -> memref<80xf32, #tpu.memory_space<hbm>>
    tpu.enqueue_dma source(%dma_start3A_31 : memref<80xf32, #tpu.memory_space<hbm>>) target(%dma_start3A_30 : memref<80xf32, #tpu.memory_space<vmem>>) target_semaphore(%arg18 : memref<!tpu.dma_semaphore, #tpu.memory_space<semaphore_mem>>)
    %add3A_32 = arith.constant 80 : i32
    %add3A_33 = arith.addi %mul3A_2, %add3A_32 : i32
    %min3A_34 = arith.constant 319920 : i32
    %min3A_35 = arith.minsi %add3A_33, %min3A_34 : i32
    %dma_start3A_36 = arith.constant 1 : i32
    %dma_start3A_37 = arith.constant 0 : i32
    %dma_start3A_38 = tpu.memref_slice %arg11[%dma_start3A_36, %dma_start3A_37] : memref<2x80xi32, #tpu.memory_space<vmem>> -> memref<1x80xi32, #tpu.memory_space<vmem>>
    %dma_start3A_39 = tpu.memref_squeeze %dma_start3A_38 : memref<1x80xi32, #tpu.memory_space<vmem>> -> memref<80xi32, #tpu.memory_space<vmem>>
    %dma_start3A_40 = tpu.memref_slice %arg5[%min3A_35] : memref<320000xi32, #tpu.memory_space<hbm>> -> memref<80xi32, #tpu.memory_space<hbm>>
    %dma_start3A_41 = arith.constant 0 : i32
    %dma_start3A_42 = tpu.memref_slice %arg11[%dma_start3A_36, %dma_start3A_41] : memref<2x80xi32, #tpu.memory_space<vmem>> -> memref<1x80xi32, #tpu.memory_space<vmem>>
    %dma_start3A_43 = tpu.memref_squeeze %dma_start3A_42 : memref<1x80xi32, #tpu.memory_space<vmem>> -> memref<80xi32, #tpu.memory_space<vmem>>
    %dma_start3A_44 = tpu.memref_slice %arg5[%min3A_35] : memref<320000xi32, #tpu.memory_space<hbm>> -> memref<80xi32, #tpu.memory_space<hbm>>
    tpu.enqueue_dma source(%dma_start3A_44 : memref<80xi32, #tpu.memory_space<hbm>>) target(%dma_start3A_43 : memref<80xi32, #tpu.memory_space<vmem>>) target_semaphore(%arg19 : memref<!tpu.dma_semaphore, #tpu.memory_space<semaphore_mem>>)
    %dma_start3A_45 = arith.constant 1 : i32
    %dma_start3A_46 = arith.constant 0 : i32
    %dma_start3A_47 = tpu.memref_slice %arg12[%dma_start3A_45, %dma_start3A_46] : memref<2x80xi32, #tpu.memory_space<vmem>> -> memref<1x80xi32, #tpu.memory_space<vmem>>
    %dma_start3A_48 = tpu.memref_squeeze %dma_start3A_47 : memref<1x80xi32, #tpu.memory_space<vmem>> -> memref<80xi32, #tpu.memory_space<vmem>>
    %dma_start3A_49 = tpu.memref_slice %arg6[%min3A_35] : memref<320000xi32, #tpu.memory_space<hbm>> -> memref<80xi32, #tpu.memory_space<hbm>>
    %dma_start3A_50 = arith.constant 0 : i32
    %dma_start3A_51 = tpu.memref_slice %arg12[%dma_start3A_45, %dma_start3A_50] : memref<2x80xi32, #tpu.memory_space<vmem>> -> memref<1x80xi32, #tpu.memory_space<vmem>>
    %dma_start3A_52 = tpu.memref_squeeze %dma_start3A_51 : memref<1x80xi32, #tpu.memory_space<vmem>> -> memref<80xi32, #tpu.memory_space<vmem>>
    %dma_start3A_53 = tpu.memref_slice %arg6[%min3A_35] : memref<320000xi32, #tpu.memory_space<hbm>> -> memref<80xi32, #tpu.memory_space<hbm>>
    tpu.enqueue_dma source(%dma_start3A_53 : memref<80xi32, #tpu.memory_space<hbm>>) target(%dma_start3A_52 : memref<80xi32, #tpu.memory_space<vmem>>) target_semaphore(%arg19 : memref<!tpu.dma_semaphore, #tpu.memory_space<semaphore_mem>>)
    %dma_start3A_54 = arith.constant 1 : i32
    %dma_start3A_55 = arith.constant 0 : i32
    %dma_start3A_56 = tpu.memref_slice %arg13[%dma_start3A_54, %dma_start3A_55] : memref<2x80xf32, #tpu.memory_space<vmem>> -> memref<1x80xf32, #tpu.memory_space<vmem>>
    %dma_start3A_57 = tpu.memref_squeeze %dma_start3A_56 : memref<1x80xf32, #tpu.memory_space<vmem>> -> memref<80xf32, #tpu.memory_space<vmem>>
    %dma_start3A_58 = tpu.memref_slice %arg7[%min3A_35] : memref<320000xf32, #tpu.memory_space<hbm>> -> memref<80xf32, #tpu.memory_space<hbm>>
    %dma_start3A_59 = arith.constant 0 : i32
    %dma_start3A_60 = tpu.memref_slice %arg13[%dma_start3A_54, %dma_start3A_59] : memref<2x80xf32, #tpu.memory_space<vmem>> -> memref<1x80xf32, #tpu.memory_space<vmem>>
    %dma_start3A_61 = tpu.memref_squeeze %dma_start3A_60 : memref<1x80xf32, #tpu.memory_space<vmem>> -> memref<80xf32, #tpu.memory_space<vmem>>
    %dma_start3A_62 = tpu.memref_slice %arg7[%min3A_35] : memref<320000xf32, #tpu.memory_space<hbm>> -> memref<80xf32, #tpu.memory_space<hbm>>
    tpu.enqueue_dma source(%dma_start3A_62 : memref<80xf32, #tpu.memory_space<hbm>>) target(%dma_start3A_61 : memref<80xf32, #tpu.memory_space<vmem>>) target_semaphore(%arg19 : memref<!tpu.dma_semaphore, #tpu.memory_space<semaphore_mem>>)
    %dma_wait3A = arith.constant 0 : i32
    %dma_wait3A_63 = arith.constant 0 : i32
    %dma_wait3A_64 = tpu.memref_slice %arg11[%dma_wait3A, %dma_wait3A_63] : memref<2x80xi32, #tpu.memory_space<vmem>> -> memref<1x80xi32, #tpu.memory_space<vmem>>
    %dma_wait3A_65 = tpu.memref_squeeze %dma_wait3A_64 : memref<1x80xi32, #tpu.memory_space<vmem>> -> memref<80xi32, #tpu.memory_space<vmem>>
    %dma_wait3A_66 = arith.constant 0 : i32
    %dma_wait3A_67 = tpu.memref_slice %arg5[%dma_wait3A_66] : memref<320000xi32, #tpu.memory_space<hbm>> -> memref<80xi32, #tpu.memory_space<hbm>>
    %dma_wait3A_68 = arith.constant 0 : i32
    %dma_wait3A_69 = tpu.memref_slice %arg11[%dma_wait3A, %dma_wait3A_68] : memref<2x80xi32, #tpu.memory_space<vmem>> -> memref<1x80xi32, #tpu.memory_space<vmem>>
    %dma_wait3A_70 = tpu.memref_squeeze %dma_wait3A_69 : memref<1x80xi32, #tpu.memory_space<vmem>> -> memref<80xi32, #tpu.memory_space<vmem>>
    %dma_wait3A_71 = arith.constant 0 : i32
    %dma_wait3A_72 = tpu.memref_slice %arg5[%dma_wait3A_71] : memref<320000xi32, #tpu.memory_space<hbm>> -> memref<80xi32, #tpu.memory_space<hbm>>
    tpu.wait_dma2 semaphore(%arg18 : memref<!tpu.dma_semaphore, #tpu.memory_space<semaphore_mem>>) src(%dma_wait3A_72 : memref<80xi32, #tpu.memory_space<hbm>>) dst(%dma_wait3A_70 : memref<80xi32, #tpu.memory_space<vmem>>)
    %dma_wait3A_73 = arith.constant 0 : i32
    %dma_wait3A_74 = arith.constant 0 : i32
    %dma_wait3A_75 = tpu.memref_slice %arg12[%dma_wait3A_73, %dma_wait3A_74] : memref<2x80xi32, #tpu.memory_space<vmem>> -> memref<1x80xi32, #tpu.memory_space<vmem>>
    %dma_wait3A_76 = tpu.memref_squeeze %dma_wait3A_75 : memref<1x80xi32, #tpu.memory_space<vmem>> -> memref<80xi32, #tpu.memory_space<vmem>>
    %dma_wait3A_77 = arith.constant 0 : i32
    %dma_wait3A_78 = tpu.memref_slice %arg6[%dma_wait3A_77] : memref<320000xi32, #tpu.memory_space<hbm>> -> memref<80xi32, #tpu.memory_space<hbm>>
    %dma_wait3A_79 = arith.constant 0 : i32
    %dma_wait3A_80 = tpu.memref_slice %arg12[%dma_wait3A_73, %dma_wait3A_79] : memref<2x80xi32, #tpu.memory_space<vmem>> -> memref<1x80xi32, #tpu.memory_space<vmem>>
    %dma_wait3A_81 = tpu.memref_squeeze %dma_wait3A_80 : memref<1x80xi32, #tpu.memory_space<vmem>> -> memref<80xi32, #tpu.memory_space<vmem>>
    %dma_wait3A_82 = arith.constant 0 : i32
    %dma_wait3A_83 = tpu.memref_slice %arg6[%dma_wait3A_82] : memref<320000xi32, #tpu.memory_space<hbm>> -> memref<80xi32, #tpu.memory_space<hbm>>
    tpu.wait_dma2 semaphore(%arg18 : memref<!tpu.dma_semaphore, #tpu.memory_space<semaphore_mem>>) src(%dma_wait3A_83 : memref<80xi32, #tpu.memory_space<hbm>>) dst(%dma_wait3A_81 : memref<80xi32, #tpu.memory_space<vmem>>)
    %dma_wait3A_84 = arith.constant 0 : i32
    %dma_wait3A_85 = arith.constant 0 : i32
    %dma_wait3A_86 = tpu.memref_slice %arg13[%dma_wait3A_84, %dma_wait3A_85] : memref<2x80xf32, #tpu.memory_space<vmem>> -> memref<1x80xf32, #tpu.memory_space<vmem>>
    %dma_wait3A_87 = tpu.memref_squeeze %dma_wait3A_86 : memref<1x80xf32, #tpu.memory_space<vmem>> -> memref<80xf32, #tpu.memory_space<vmem>>
    %dma_wait3A_88 = arith.constant 0 : i32
    %dma_wait3A_89 = tpu.memref_slice %arg7[%dma_wait3A_88] : memref<320000xf32, #tpu.memory_space<hbm>> -> memref<80xf32, #tpu.memory_space<hbm>>
    %dma_wait3A_90 = arith.constant 0 : i32
    %dma_wait3A_91 = tpu.memref_slice %arg13[%dma_wait3A_84, %dma_wait3A_90] : memref<2x80xf32, #tpu.memory_space<vmem>> -> memref<1x80xf32, #tpu.memory_space<vmem>>
    %dma_wait3A_92 = tpu.memref_squeeze %dma_wait3A_91 : memref<1x80xf32, #tpu.memory_space<vmem>> -> memref<80xf32, #tpu.memory_space<vmem>>
    %dma_wait3A_93 = arith.constant 0 : i32
    %dma_wait3A_94 = tpu.memref_slice %arg7[%dma_wait3A_93] : memref<320000xf32, #tpu.memory_space<hbm>> -> memref<80xf32, #tpu.memory_space<hbm>>
    tpu.wait_dma2 semaphore(%arg18 : memref<!tpu.dma_semaphore, #tpu.memory_space<semaphore_mem>>) src(%dma_wait3A_94 : memref<80xf32, #tpu.memory_space<hbm>>) dst(%dma_wait3A_92 : memref<80xf32, #tpu.memory_space<vmem>>)
    %dma_start3A_95 = arith.constant 0 : i32
    %dma_start3A_96 = arith.constant 0 : i32
    %dma_start3A_97 = arith.constant 0 : i32
    %dma_start3A_98 = arith.constant 0 : i32
    %dma_start3A_99 = tpu.memref_slice %arg15[%dma_start3A_96, %dma_start3A_97, %dma_start3A_98] : memref<2x80x256xf32, #tpu.memory_space<vmem>> -> memref<1x80x256xf32, #tpu.memory_space<vmem>>
    %dma_start3A_100 = tpu.memref_squeeze %dma_start3A_99 : memref<1x80x256xf32, #tpu.memory_space<vmem>> -> memref<80x256xf32, #tpu.memory_space<vmem>>
    %dma_start3A_101 = arith.constant 0 : i32
    %dma_start3A_102 = tpu.memref_slice %arg11[%dma_start3A_95, %dma_start3A_101] : memref<2x80xi32, #tpu.memory_space<vmem>> -> memref<1x80xi32, #tpu.memory_space<vmem>>
    %dma_start3A_103 = tpu.memref_squeeze %dma_start3A_102 : memref<1x80xi32, #tpu.memory_space<vmem>> -> memref<80xi32, #tpu.memory_space<vmem>>
    %dma_start3A_104 = arith.constant 0 : i32
    %dma_start3A_105 = arith.constant 0 : i32
    %dma_start3A_106 = tpu.memref_slice %arg2[%dma_start3A_104, %dma_start3A_105] : memref<10000x256xf32, #tpu.memory_space<hbm>> -> memref<10000x256xf32, #tpu.memory_space<hbm>>
    tpu.enqueue_indirect_dma source(%dma_start3A_106 : memref<10000x256xf32, #tpu.memory_space<hbm>>) target(%dma_start3A_100 : memref<80x256xf32, #tpu.memory_space<vmem>>) offsets(%dma_start3A_103 : memref<80xi32, #tpu.memory_space<vmem>>) semaphore(%arg20 : memref<!tpu.dma_semaphore, #tpu.memory_space<semaphore_mem>>)
    %dma_start3A_107 = arith.constant 0 : i32
    %dma_start3A_108 = arith.constant 0 : i32
    %dma_start3A_109 = arith.constant 0 : i32
    %dma_start3A_110 = arith.constant 0 : i32
    %dma_start3A_111 = tpu.memref_slice %arg16[%dma_start3A_108, %dma_start3A_109, %dma_start3A_110] : memref<2x80x128xf32, #tpu.memory_space<vmem>> -> memref<1x80x128xf32, #tpu.memory_space<vmem>>
    %dma_start3A_112 = tpu.memref_squeeze %dma_start3A_111 : memref<1x80x128xf32, #tpu.memory_space<vmem>> -> memref<80x128xf32, #tpu.memory_space<vmem>>
    %dma_start3A_113 = arith.constant 0 : i32
    %dma_start3A_114 = tpu.memref_slice %arg12[%dma_start3A_107, %dma_start3A_113] : memref<2x80xi32, #tpu.memory_space<vmem>> -> memref<1x80xi32, #tpu.memory_space<vmem>>
    %dma_start3A_115 = tpu.memref_squeeze %dma_start3A_114 : memref<1x80xi32, #tpu.memory_space<vmem>> -> memref<80xi32, #tpu.memory_space<vmem>>
    %dma_start3A_116 = arith.constant 0 : i32
    %dma_start3A_117 = arith.constant 0 : i32
    %dma_start3A_118 = tpu.memref_slice %arg3[%dma_start3A_116, %dma_start3A_117] : memref<10000x128xf32, #tpu.memory_space<hbm>> -> memref<10000x128xf32, #tpu.memory_space<hbm>>
    tpu.enqueue_indirect_dma source(%dma_start3A_118 : memref<10000x128xf32, #tpu.memory_space<hbm>>) target(%dma_start3A_112 : memref<80x128xf32, #tpu.memory_space<vmem>>) offsets(%dma_start3A_115 : memref<80xi32, #tpu.memory_space<vmem>>) semaphore(%arg20 : memref<!tpu.dma_semaphore, #tpu.memory_space<semaphore_mem>>)
    %get3A = arith.constant 0 : i32
    %get3A_119 = arith.index_cast %get3A : i32 to index
    %get3A_120 = arith.constant 0 : index
    %get3A_121 = tpu.vector_load %arg11[%get3A_119, %get3A_120] {strides = array<i32>} : memref<2x80xi32, #tpu.memory_space<vmem>>, vector<16xi32>,
    %gather3A = tpu.vector_load_idx %arg17[%get3A_121] : memref<10000xf32, #tpu.memory_space<vmem>>[vector<16xi32>], vector<16xf32>,
    %get3A_122 = arith.constant 0 : i32
    %get3A_123 = arith.index_cast %get3A_122 : i32 to index
    %get3A_124 = arith.constant 0 : index
    %get3A_125 = tpu.vector_load %arg13[%get3A_123, %get3A_124] {strides = array<i32>} : memref<2x80xf32, #tpu.memory_space<vmem>>, vector<16xf32>,
    %sub3A = arith.subf %gather3A, %get3A_125 : vector<16xf32>
    %swap3A = arith.constant 0 : i32
    %swap3A_126 = arith.index_cast %swap3A : i32 to index
    %swap3A_127 = arith.constant 0 : index
    %swap3A_128 = tpu.vector_load %arg14[%swap3A_126, %swap3A_127] {strides = array<i32>} : memref<2x80xf32, #tpu.memory_space<vmem>>, vector<16xf32>,
    tpu.vector_store %arg14[%swap3A_126, %swap3A_127], %sub3A {strides = array<i32>} : memref<2x80xf32, #tpu.memory_space<vmem>>, vector<16xf32>,
    %get3A_129 = arith.constant 0 : i32
    %get3A_130 = arith.index_cast %get3A_129 : i32 to index
    %get3A_131 = arith.constant 16 : index
    %get3A_132 = tpu.vector_load %arg11[%get3A_130, %get3A_131] {strides = array<i32>} : memref<2x80xi32, #tpu.memory_space<vmem>>, vector<16xi32>,
    %gather3A_133 = tpu.vector_load_idx %arg17[%get3A_132] : memref<10000xf32, #tpu.memory_space<vmem>>[vector<16xi32>], vector<16xf32>,
    %get3A_134 = arith.constant 0 : i32
    %get3A_135 = arith.index_cast %get3A_134 : i32 to index
    %get3A_136 = arith.constant 16 : index
    %get3A_137 = tpu.vector_load %arg13[%get3A_135, %get3A_136] {strides = array<i32>} : memref<2x80xf32, #tpu.memory_space<vmem>>, vector<16xf32>,
    %sub3A_138 = arith.subf %gather3A_133, %get3A_137 : vector<16xf32>
    %swap3A_139 = arith.constant 0 : i32
    %swap3A_140 = arith.index_cast %swap3A_139 : i32 to index
    %swap3A_141 = arith.constant 16 : index
    %swap3A_142 = tpu.vector_load %arg14[%swap3A_140, %swap3A_141] {strides = array<i32>} : memref<2x80xf32, #tpu.memory_space<vmem>>, vector<16xf32>,
    tpu.vector_store %arg14[%swap3A_140, %swap3A_141], %sub3A_138 {strides = array<i32>} : memref<2x80xf32, #tpu.memory_space<vmem>>, vector<16xf32>,
    %get3A_143 = arith.constant 0 : i32
    %get3A_144 = arith.index_cast %get3A_143 : i32 to index
    %get3A_145 = arith.constant 32 : index
    %get3A_146 = tpu.vector_load %arg11[%get3A_144, %get3A_145] {strides = array<i32>} : memref<2x80xi32, #tpu.memory_space<vmem>>, vector<16xi32>,
    %gather3A_147 = tpu.vector_load_idx %arg17[%get3A_146] : memref<10000xf32, #tpu.memory_space<vmem>>[vector<16xi32>], vector<16xf32>,
    %get3A_148 = arith.constant 0 : i32
    %get3A_149 = arith.index_cast %get3A_148 : i32 to index
    %get3A_150 = arith.constant 32 : index
    %get3A_151 = tpu.vector_load %arg13[%get3A_149, %get3A_150] {strides = array<i32>} : memref<2x80xf32, #tpu.memory_space<vmem>>, vector<16xf32>,
    %sub3A_152 = arith.subf %gather3A_147, %get3A_151 : vector<16xf32>
    %swap3A_153 = arith.constant 0 : i32
    %swap3A_154 = arith.index_cast %swap3A_153 : i32 to index
    %swap3A_155 = arith.constant 32 : index
    %swap3A_156 = tpu.vector_load %arg14[%swap3A_154, %swap3A_155] {strides = array<i32>} : memref<2x80xf32, #tpu.memory_space<vmem>>, vector<16xf32>,
    tpu.vector_store %arg14[%swap3A_154, %swap3A_155], %sub3A_152 {strides = array<i32>} : memref<2x80xf32, #tpu.memory_space<vmem>>, vector<16xf32>,
    %get3A_157 = arith.constant 0 : i32
    %get3A_158 = arith.index_cast %get3A_157 : i32 to index
    %get3A_159 = arith.constant 48 : index
    %get3A_160 = tpu.vector_load %arg11[%get3A_158, %get3A_159] {strides = array<i32>} : memref<2x80xi32, #tpu.memory_space<vmem>>, vector<16xi32>,
    %gather3A_161 = tpu.vector_load_idx %arg17[%get3A_160] : memref<10000xf32, #tpu.memory_space<vmem>>[vector<16xi32>], vector<16xf32>,
    %get3A_162 = arith.constant 0 : i32
    %get3A_163 = arith.index_cast %get3A_162 : i32 to index
    %get3A_164 = arith.constant 48 : index
    %get3A_165 = tpu.vector_load %arg13[%get3A_163, %get3A_164] {strides = array<i32>} : memref<2x80xf32, #tpu.memory_space<vmem>>, vector<16xf32>,
    %sub3A_166 = arith.subf %gather3A_161, %get3A_165 : vector<16xf32>
    %swap3A_167 = arith.constant 0 : i32
    %swap3A_168 = arith.index_cast %swap3A_167 : i32 to index
    %swap3A_169 = arith.constant 48 : index
    %swap3A_170 = tpu.vector_load %arg14[%swap3A_168, %swap3A_169] {strides = array<i32>} : memref<2x80xf32, #tpu.memory_space<vmem>>, vector<16xf32>,
    tpu.vector_store %arg14[%swap3A_168, %swap3A_169], %sub3A_166 {strides = array<i32>} : memref<2x80xf32, #tpu.memory_space<vmem>>, vector<16xf32>,
    %get3A_171 = arith.constant 0 : i32
    %get3A_172 = arith.index_cast %get3A_171 : i32 to index
    %get3A_173 = arith.constant 64 : index
    %get3A_174 = tpu.vector_load %arg11[%get3A_172, %get3A_173] {strides = array<i32>} : memref<2x80xi32, #tpu.memory_space<vmem>>, vector<16xi32>,
    %gather3A_175 = tpu.vector_load_idx %arg17[%get3A_174] : memref<10000xf32, #tpu.memory_space<vmem>>[vector<16xi32>], vector<16xf32>,
    %get3A_176 = arith.constant 0 : i32
    %get3A_177 = arith.index_cast %get3A_176 : i32 to index
    %get3A_178 = arith.constant 64 : index
    %get3A_179 = tpu.vector_load %arg13[%get3A_177, %get3A_178] {strides = array<i32>} : memref<2x80xf32, #tpu.memory_space<vmem>>, vector<16xf32>,
    %sub3A_180 = arith.subf %gather3A_175, %get3A_179 : vector<16xf32>
    %swap3A_181 = arith.constant 0 : i32
    %swap3A_182 = arith.index_cast %swap3A_181 : i32 to index
    %swap3A_183 = arith.constant 64 : index
    %swap3A_184 = tpu.vector_load %arg14[%swap3A_182, %swap3A_183] {strides = array<i32>} : memref<2x80xf32, #tpu.memory_space<vmem>>, vector<16xf32>,
    tpu.vector_store %arg14[%swap3A_182, %swap3A_183], %sub3A_180 {strides = array<i32>} : memref<2x80xf32, #tpu.memory_space<vmem>>, vector<16xf32>,
    %dma_wait3A_185 = arith.constant 1 : i32
    %dma_wait3A_186 = arith.constant 0 : i32
    %dma_wait3A_187 = tpu.memref_slice %arg11[%dma_wait3A_185, %dma_wait3A_186] : memref<2x80xi32, #tpu.memory_space<vmem>> -> memref<1x80xi32, #tpu.memory_space<vmem>>
    %dma_wait3A_188 = tpu.memref_squeeze %dma_wait3A_187 : memref<1x80xi32, #tpu.memory_space<vmem>> -> memref<80xi32, #tpu.memory_space<vmem>>
    %dma_wait3A_189 = arith.constant 0 : i32
    %dma_wait3A_190 = tpu.memref_slice %arg5[%dma_wait3A_189] : memref<320000xi32, #tpu.memory_space<hbm>> -> memref<80xi32, #tpu.memory_space<hbm>>
    %dma_wait3A_191 = arith.constant 0 : i32
    %dma_wait3A_192 = tpu.memref_slice %arg11[%dma_wait3A_185, %dma_wait3A_191] : memref<2x80xi32, #tpu.memory_space<vmem>> -> memref<1x80xi32, #tpu.memory_space<vmem>>
    %dma_wait3A_193 = tpu.memref_squeeze %dma_wait3A_192 : memref<1x80xi32, #tpu.memory_space<vmem>> -> memref<80xi32, #tpu.memory_space<vmem>>
    %dma_wait3A_194 = arith.constant 0 : i32
    %dma_wait3A_195 = tpu.memref_slice %arg5[%dma_wait3A_194] : memref<320000xi32, #tpu.memory_space<hbm>> -> memref<80xi32, #tpu.memory_space<hbm>>
    tpu.wait_dma2 semaphore(%arg19 : memref<!tpu.dma_semaphore, #tpu.memory_space<semaphore_mem>>) src(%dma_wait3A_195 : memref<80xi32, #tpu.memory_space<hbm>>) dst(%dma_wait3A_193 : memref<80xi32, #tpu.memory_space<vmem>>)
    %dma_wait3A_196 = arith.constant 1 : i32
    %dma_wait3A_197 = arith.constant 0 : i32
    %dma_wait3A_198 = tpu.memref_slice %arg12[%dma_wait3A_196, %dma_wait3A_197] : memref<2x80xi32, #tpu.memory_space<vmem>> -> memref<1x80xi32, #tpu.memory_space<vmem>>
    %dma_wait3A_199 = tpu.memref_squeeze %dma_wait3A_198 : memref<1x80xi32, #tpu.memory_space<vmem>> -> memref<80xi32, #tpu.memory_space<vmem>>
    %dma_wait3A_200 = arith.constant 0 : i32
    %dma_wait3A_201 = tpu.memref_slice %arg6[%dma_wait3A_200] : memref<320000xi32, #tpu.memory_space<hbm>> -> memref<80xi32, #tpu.memory_space<hbm>>
    %dma_wait3A_202 = arith.constant 0 : i32
    %dma_wait3A_203 = tpu.memref_slice %arg12[%dma_wait3A_196, %dma_wait3A_202] : memref<2x80xi32, #tpu.memory_space<vmem>> -> memref<1x80xi32, #tpu.memory_space<vmem>>
    %dma_wait3A_204 = tpu.memref_squeeze %dma_wait3A_203 : memref<1x80xi32, #tpu.memory_space<vmem>> -> memref<80xi32, #tpu.memory_space<vmem>>
    %dma_wait3A_205 = arith.constant 0 : i32
    %dma_wait3A_206 = tpu.memref_slice %arg6[%dma_wait3A_205] : memref<320000xi32, #tpu.memory_space<hbm>> -> memref<80xi32, #tpu.memory_space<hbm>>
    tpu.wait_dma2 semaphore(%arg19 : memref<!tpu.dma_semaphore, #tpu.memory_space<semaphore_mem>>) src(%dma_wait3A_206 : memref<80xi32, #tpu.memory_space<hbm>>) dst(%dma_wait3A_204 : memref<80xi32, #tpu.memory_space<vmem>>)
    %dma_wait3A_207 = arith.constant 1 : i32
    %dma_wait3A_208 = arith.constant 0 : i32
    %dma_wait3A_209 = tpu.memref_slice %arg13[%dma_wait3A_207, %dma_wait3A_208] : memref<2x80xf32, #tpu.memory_space<vmem>> -> memref<1x80xf32, #tpu.memory_space<vmem>>
    %dma_wait3A_210 = tpu.memref_squeeze %dma_wait3A_209 : memref<1x80xf32, #tpu.memory_space<vmem>> -> memref<80xf32, #tpu.memory_space<vmem>>
    %dma_wait3A_211 = arith.constant 0 : i32
    %dma_wait3A_212 = tpu.memref_slice %arg7[%dma_wait3A_211] : memref<320000xf32, #tpu.memory_space<hbm>> -> memref<80xf32, #tpu.memory_space<hbm>>
    %dma_wait3A_213 = arith.constant 0 : i32
    %dma_wait3A_214 = tpu.memref_slice %arg13[%dma_wait3A_207, %dma_wait3A_213] : memref<2x80xf32, #tpu.memory_space<vmem>> -> memref<1x80xf32, #tpu.memory_space<vmem>>
    %dma_wait3A_215 = tpu.memref_squeeze %dma_wait3A_214 : memref<1x80xf32, #tpu.memory_space<vmem>> -> memref<80xf32, #tpu.memory_space<vmem>>
    %dma_wait3A_216 = arith.constant 0 : i32
    %dma_wait3A_217 = tpu.memref_slice %arg7[%dma_wait3A_216] : memref<320000xf32, #tpu.memory_space<hbm>> -> memref<80xf32, #tpu.memory_space<hbm>>
    tpu.wait_dma2 semaphore(%arg19 : memref<!tpu.dma_semaphore, #tpu.memory_space<semaphore_mem>>) src(%dma_wait3A_217 : memref<80xf32, #tpu.memory_space<hbm>>) dst(%dma_wait3A_215 : memref<80xf32, #tpu.memory_space<vmem>>)
    %dma_start3A_218 = arith.constant 1 : i32
    %dma_start3A_219 = arith.constant 1 : i32
    %dma_start3A_220 = arith.constant 0 : i32
    %dma_start3A_221 = arith.constant 0 : i32
    %dma_start3A_222 = tpu.memref_slice %arg15[%dma_start3A_219, %dma_start3A_220, %dma_start3A_221] : memref<2x80x256xf32, #tpu.memory_space<vmem>> -> memref<1x80x256xf32, #tpu.memory_space<vmem>>
    %dma_start3A_223 = tpu.memref_squeeze %dma_start3A_222 : memref<1x80x256xf32, #tpu.memory_space<vmem>> -> memref<80x256xf32, #tpu.memory_space<vmem>>
    %dma_start3A_224 = arith.constant 0 : i32
    %dma_start3A_225 = tpu.memref_slice %arg11[%dma_start3A_218, %dma_start3A_224] : memref<2x80xi32, #tpu.memory_space<vmem>> -> memref<1x80xi32, #tpu.memory_space<vmem>>
    %dma_start3A_226 = tpu.memref_squeeze %dma_start3A_225 : memref<1x80xi32, #tpu.memory_space<vmem>> -> memref<80xi32, #tpu.memory_space<vmem>>
    %dma_start3A_227 = arith.constant 0 : i32
    %dma_start3A_228 = arith.constant 0 : i32
    %dma_start3A_229 = tpu.memref_slice %arg2[%dma_start3A_227, %dma_start3A_228] : memref<10000x256xf32, #tpu.memory_space<hbm>> -> memref<10000x256xf32, #tpu.memory_space<hbm>>
    tpu.enqueue_indirect_dma source(%dma_start3A_229 : memref<10000x256xf32, #tpu.memory_space<hbm>>) target(%dma_start3A_223 : memref<80x256xf32, #tpu.memory_space<vmem>>) offsets(%dma_start3A_226 : memref<80xi32, #tpu.memory_space<vmem>>) semaphore(%arg21 : memref<!tpu.dma_semaphore, #tpu.memory_space<semaphore_mem>>)
    %dma_start3A_230 = arith.constant 1 : i32
    %dma_start3A_231 = arith.constant 1 : i32
    %dma_start3A_232 = arith.constant 0 : i32
    %dma_start3A_233 = arith.constant 0 : i32
    %dma_start3A_234 = tpu.memref_slice %arg16[%dma_start3A_231, %dma_start3A_232, %dma_start3A_233] : memref<2x80x128xf32, #tpu.memory_space<vmem>> -> memref<1x80x128xf32, #tpu.memory_space<vmem>>
    %dma_start3A_235 = tpu.memref_squeeze %dma_start3A_234 : memref<1x80x128xf32, #tpu.memory_space<vmem>> -> memref<80x128xf32, #tpu.memory_space<vmem>>
    %dma_start3A_236 = arith.constant 0 : i32
    %dma_start3A_237 = tpu.memref_slice %arg12[%dma_start3A_230, %dma_start3A_236] : memref<2x80xi32, #tpu.memory_space<vmem>> -> memref<1x80xi32, #tpu.memory_space<vmem>>
    %dma_start3A_238 = tpu.memref_squeeze %dma_start3A_237 : memref<1x80xi32, #tpu.memory_space<vmem>> -> memref<80xi32, #tpu.memory_space<vmem>>
    %dma_start3A_239 = arith.constant 0 : i32
    %dma_start3A_240 = arith.constant 0 : i32
    %dma_start3A_241 = tpu.memref_slice %arg3[%dma_start3A_239, %dma_start3A_240] : memref<10000x128xf32, #tpu.memory_space<hbm>> -> memref<10000x128xf32, #tpu.memory_space<hbm>>
    tpu.enqueue_indirect_dma source(%dma_start3A_241 : memref<10000x128xf32, #tpu.memory_space<hbm>>) target(%dma_start3A_235 : memref<80x128xf32, #tpu.memory_space<vmem>>) offsets(%dma_start3A_238 : memref<80xi32, #tpu.memory_space<vmem>>) semaphore(%arg21 : memref<!tpu.dma_semaphore, #tpu.memory_space<semaphore_mem>>)
    %get3A_242 = arith.constant 1 : i32
    %get3A_243 = arith.index_cast %get3A_242 : i32 to index
    %get3A_244 = arith.constant 0 : index
    %get3A_245 = tpu.vector_load %arg11[%get3A_243, %get3A_244] {strides = array<i32>} : memref<2x80xi32, #tpu.memory_space<vmem>>, vector<16xi32>,
    %gather3A_246 = tpu.vector_load_idx %arg17[%get3A_245] : memref<10000xf32, #tpu.memory_space<vmem>>[vector<16xi32>], vector<16xf32>,
    %get3A_247 = arith.constant 1 : i32
    %get3A_248 = arith.index_cast %get3A_247 : i32 to index
    %get3A_249 = arith.constant 0 : index
    %get3A_250 = tpu.vector_load %arg13[%get3A_248, %get3A_249] {strides = array<i32>} : memref<2x80xf32, #tpu.memory_space<vmem>>, vector<16xf32>,
    %sub3A_251 = arith.subf %gather3A_246, %get3A_250 : vector<16xf32>
    %swap3A_252 = arith.constant 1 : i32
    %swap3A_253 = arith.index_cast %swap3A_252 : i32 to index
    %swap3A_254 = arith.constant 0 : index
    %swap3A_255 = tpu.vector_load %arg14[%swap3A_253, %swap3A_254] {strides = array<i32>} : memref<2x80xf32, #tpu.memory_space<vmem>>, vector<16xf32>,
    tpu.vector_store %arg14[%swap3A_253, %swap3A_254], %sub3A_251 {strides = array<i32>} : memref<2x80xf32, #tpu.memory_space<vmem>>, vector<16xf32>,
    %get3A_256 = arith.constant 1 : i32
    %get3A_257 = arith.index_cast %get3A_256 : i32 to index
    %get3A_258 = arith.constant 16 : index
    %get3A_259 = tpu.vector_load %arg11[%get3A_257, %get3A_258] {strides = array<i32>} : memref<2x80xi32, #tpu.memory_space<vmem>>, vector<16xi32>,
    %gather3A_260 = tpu.vector_load_idx %arg17[%get3A_259] : memref<10000xf32, #tpu.memory_space<vmem>>[vector<16xi32>], vector<16xf32>,
    %get3A_261 = arith.constant 1 : i32
    %get3A_262 = arith.index_cast %get3A_261 : i32 to index
    %get3A_263 = arith.constant 16 : index
    %get3A_264 = tpu.vector_load %arg13[%get3A_262, %get3A_263] {strides = array<i32>} : memref<2x80xf32, #tpu.memory_space<vmem>>, vector<16xf32>,
    %sub3A_265 = arith.subf %gather3A_260, %get3A_264 : vector<16xf32>
    %swap3A_266 = arith.constant 1 : i32
    %swap3A_267 = arith.index_cast %swap3A_266 : i32 to index
    %swap3A_268 = arith.constant 16 : index
    %swap3A_269 = tpu.vector_load %arg14[%swap3A_267, %swap3A_268] {strides = array<i32>} : memref<2x80xf32, #tpu.memory_space<vmem>>, vector<16xf32>,
    tpu.vector_store %arg14[%swap3A_267, %swap3A_268], %sub3A_265 {strides = array<i32>} : memref<2x80xf32, #tpu.memory_space<vmem>>, vector<16xf32>,
    %get3A_270 = arith.constant 1 : i32
    %get3A_271 = arith.index_cast %get3A_270 : i32 to index
    %get3A_272 = arith.constant 32 : index
    %get3A_273 = tpu.vector_load %arg11[%get3A_271, %get3A_272] {strides = array<i32>} : memref<2x80xi32, #tpu.memory_space<vmem>>, vector<16xi32>,
    %gather3A_274 = tpu.vector_load_idx %arg17[%get3A_273] : memref<10000xf32, #tpu.memory_space<vmem>>[vector<16xi32>], vector<16xf32>,
    %get3A_275 = arith.constant 1 : i32
    %get3A_276 = arith.index_cast %get3A_275 : i32 to index
    %get3A_277 = arith.constant 32 : index
    %get3A_278 = tpu.vector_load %arg13[%get3A_276, %get3A_277] {strides = array<i32>} : memref<2x80xf32, #tpu.memory_space<vmem>>, vector<16xf32>,
    %sub3A_279 = arith.subf %gather3A_274, %get3A_278 : vector<16xf32>
    %swap3A_280 = arith.constant 1 : i32
    %swap3A_281 = arith.index_cast %swap3A_280 : i32 to index
    %swap3A_282 = arith.constant 32 : index
    %swap3A_283 = tpu.vector_load %arg14[%swap3A_281, %swap3A_282] {strides = array<i32>} : memref<2x80xf32, #tpu.memory_space<vmem>>, vector<16xf32>,
    tpu.vector_store %arg14[%swap3A_281, %swap3A_282], %sub3A_279 {strides = array<i32>} : memref<2x80xf32, #tpu.memory_space<vmem>>, vector<16xf32>,
    %get3A_284 = arith.constant 1 : i32
    %get3A_285 = arith.index_cast %get3A_284 : i32 to index
    %get3A_286 = arith.constant 48 : index
    %get3A_287 = tpu.vector_load %arg11[%get3A_285, %get3A_286] {strides = array<i32>} : memref<2x80xi32, #tpu.memory_space<vmem>>, vector<16xi32>,
    %gather3A_288 = tpu.vector_load_idx %arg17[%get3A_287] : memref<10000xf32, #tpu.memory_space<vmem>>[vector<16xi32>], vector<16xf32>,
    %get3A_289 = arith.constant 1 : i32
    %get3A_290 = arith.index_cast %get3A_289 : i32 to index
    %get3A_291 = arith.constant 48 : index
    %get3A_292 = tpu.vector_load %arg13[%get3A_290, %get3A_291] {strides = array<i32>} : memref<2x80xf32, #tpu.memory_space<vmem>>, vector<16xf32>,
    %sub3A_293 = arith.subf %gather3A_288, %get3A_292 : vector<16xf32>
    %swap3A_294 = arith.constant 1 : i32
    %swap3A_295 = arith.index_cast %swap3A_294 : i32 to index
    %swap3A_296 = arith.constant 48 : index
    %swap3A_297 = tpu.vector_load %arg14[%swap3A_295, %swap3A_296] {strides = array<i32>} : memref<2x80xf32, #tpu.memory_space<vmem>>, vector<16xf32>,
    tpu.vector_store %arg14[%swap3A_295, %swap3A_296], %sub3A_293 {strides = array<i32>} : memref<2x80xf32, #tpu.memory_space<vmem>>, vector<16xf32>,
    %get3A_298 = arith.constant 1 : i32
    %get3A_299 = arith.index_cast %get3A_298 : i32 to index
    %get3A_300 = arith.constant 64 : index
    %get3A_301 = tpu.vector_load %arg11[%get3A_299, %get3A_300] {strides = array<i32>} : memref<2x80xi32, #tpu.memory_space<vmem>>, vector<16xi32>,
    %gather3A_302 = tpu.vector_load_idx %arg17[%get3A_301] : memref<10000xf32, #tpu.memory_space<vmem>>[vector<16xi32>], vector<16xf32>,
    %get3A_303 = arith.constant 1 : i32
    %get3A_304 = arith.index_cast %get3A_303 : i32 to index
    %get3A_305 = arith.constant 64 : index
    %get3A_306 = tpu.vector_load %arg13[%get3A_304, %get3A_305] {strides = array<i32>} : memref<2x80xf32, #tpu.memory_space<vmem>>, vector<16xf32>,
    %sub3A_307 = arith.subf %gather3A_302, %get3A_306 : vector<16xf32>
    %swap3A_308 = arith.constant 1 : i32
    %swap3A_309 = arith.index_cast %swap3A_308 : i32 to index
    %swap3A_310 = arith.constant 64 : index
    %swap3A_311 = tpu.vector_load %arg14[%swap3A_309, %swap3A_310] {strides = array<i32>} : memref<2x80xf32, #tpu.memory_space<vmem>>, vector<16xf32>,
    tpu.vector_store %arg14[%swap3A_309, %swap3A_310], %sub3A_307 {strides = array<i32>} : memref<2x80xf32, #tpu.memory_space<vmem>>, vector<16xf32>,
    %dma_wait3A_312 = arith.constant 0 : i32
    %dma_wait3A_313 = arith.constant 0 : i32
    %dma_wait3A_314 = arith.constant 0 : i32
    %dma_wait3A_315 = arith.constant 0 : i32
    %dma_wait3A_316 = tpu.memref_slice %arg15[%dma_wait3A_313, %dma_wait3A_314, %dma_wait3A_315] : memref<2x80x256xf32, #tpu.memory_space<vmem>> -> memref<1x80x256xf32, #tpu.memory_space<vmem>>
    %dma_wait3A_317 = tpu.memref_squeeze %dma_wait3A_316 : memref<1x80x256xf32, #tpu.memory_space<vmem>> -> memref<80x256xf32, #tpu.memory_space<vmem>>
    %dma_wait3A_318 = arith.constant 0 : i32
    %dma_wait3A_319 = tpu.memref_slice %arg11[%dma_wait3A_312, %dma_wait3A_318] : memref<2x80xi32, #tpu.memory_space<vmem>> -> memref<1x80xi32, #tpu.memory_space<vmem>>
    %dma_wait3A_320 = tpu.memref_squeeze %dma_wait3A_319 : memref<1x80xi32, #tpu.memory_space<vmem>> -> memref<80xi32, #tpu.memory_space<vmem>>
    %dma_wait3A_321 = arith.constant 0 : i32
    %dma_wait3A_322 = arith.constant 0 : i32
    %dma_wait3A_323 = tpu.memref_slice %arg2[%dma_wait3A_321, %dma_wait3A_322] : memref<10000x256xf32, #tpu.memory_space<hbm>> -> memref<10000x256xf32, #tpu.memory_space<hbm>>
    tpu.wait_indirect_dma semaphore(%arg20 : memref<!tpu.dma_semaphore, #tpu.memory_space<semaphore_mem>>) src(%dma_wait3A_323 : memref<10000x256xf32, #tpu.memory_space<hbm>>) dst(%dma_wait3A_317 : memref<80x256xf32, #tpu.memory_space<vmem>>)
    %dma_wait3A_324 = arith.constant 0 : i32
    %dma_wait3A_325 = arith.constant 0 : i32
    %dma_wait3A_326 = arith.constant 0 : i32
    %dma_wait3A_327 = arith.constant 0 : i32
    %dma_wait3A_328 = tpu.memref_slice %arg16[%dma_wait3A_325, %dma_wait3A_326, %dma_wait3A_327] : memref<2x80x128xf32, #tpu.memory_space<vmem>> -> memref<1x80x128xf32, #tpu.memory_space<vmem>>
    %dma_wait3A_329 = tpu.memref_squeeze %dma_wait3A_328 : memref<1x80x128xf32, #tpu.memory_space<vmem>> -> memref<80x128xf32, #tpu.memory_space<vmem>>
    %dma_wait3A_330 = arith.constant 0 : i32
    %dma_wait3A_331 = tpu.memref_slice %arg12[%dma_wait3A_324, %dma_wait3A_330] : memref<2x80xi32, #tpu.memory_space<vmem>> -> memref<1x80xi32, #tpu.memory_space<vmem>>
    %dma_wait3A_332 = tpu.memref_squeeze %dma_wait3A_331 : memref<1x80xi32, #tpu.memory_space<vmem>> -> memref<80xi32, #tpu.memory_space<vmem>>
    %dma_wait3A_333 = arith.constant 0 : i32
    %dma_wait3A_334 = arith.constant 0 : i32
    %dma_wait3A_335 = tpu.memref_slice %arg3[%dma_wait3A_333, %dma_wait3A_334] : memref<10000x128xf32, #tpu.memory_space<hbm>> -> memref<10000x128xf32, #tpu.memory_space<hbm>>
    tpu.wait_indirect_dma semaphore(%arg20 : memref<!tpu.dma_semaphore, #tpu.memory_space<semaphore_mem>>) src(%dma_wait3A_335 : memref<10000x128xf32, #tpu.memory_space<hbm>>) dst(%dma_wait3A_329 : memref<80x128xf32, #tpu.memory_space<vmem>>)
    %add3A_336 = arith.constant 0 : i32
    %add3A_337 = arith.addi %mul3A_2, %add3A_336 : i32
    %dma_start3A_338 = arith.constant 0 : i32
    %dma_start3A_339 = arith.constant 0 : i32
    %dma_start3A_340 = arith.constant 0 : i32
    %dma_start3A_341 = tpu.memref_slice %arg15[%dma_start3A_338, %dma_start3A_339, %dma_start3A_340] : memref<2x80x256xf32, #tpu.memory_space<vmem>> -> memref<1x80x256xf32, #tpu.memory_space<vmem>>
    %dma_start3A_342 = tpu.memref_squeeze %dma_start3A_341 : memref<1x80x256xf32, #tpu.memory_space<vmem>> -> memref<80x256xf32, #tpu.memory_space<vmem>>
    %dma_start3A_343 = arith.constant 0 : i32
    %dma_start3A_344 = tpu.memref_slice %arg8[%add3A_337, %dma_start3A_343] : memref<320000x256xf32, #tpu.memory_space<hbm>> -> memref<80x256xf32, #tpu.memory_space<hbm>>
    %dma_start3A_345 = arith.constant 0 : i32
    %dma_start3A_346 = tpu.memref_slice %arg8[%add3A_337, %dma_start3A_345] : memref<320000x256xf32, #tpu.memory_space<hbm>> -> memref<80x256xf32, #tpu.memory_space<hbm>>
    %dma_start3A_347 = arith.constant 0 : i32
    %dma_start3A_348 = arith.constant 0 : i32
    %dma_start3A_349 = tpu.memref_slice %arg15[%dma_start3A_338, %dma_start3A_347, %dma_start3A_348] : memref<2x80x256xf32, #tpu.memory_space<vmem>> -> memref<1x80x256xf32, #tpu.memory_space<vmem>>
    %dma_start3A_350 = tpu.memref_squeeze %dma_start3A_349 : memref<1x80x256xf32, #tpu.memory_space<vmem>> -> memref<80x256xf32, #tpu.memory_space<vmem>>
    tpu.enqueue_dma source(%dma_start3A_350 : memref<80x256xf32, #tpu.memory_space<vmem>>) target(%dma_start3A_346 : memref<80x256xf32, #tpu.memory_space<hbm>>) target_semaphore(%arg22 : memref<!tpu.dma_semaphore, #tpu.memory_space<semaphore_mem>>)
    %dma_start3A_351 = arith.constant 0 : i32
    %dma_start3A_352 = arith.constant 0 : i32
    %dma_start3A_353 = arith.constant 0 : i32
    %dma_start3A_354 = tpu.memref_slice %arg16[%dma_start3A_351, %dma_start3A_352, %dma_start3A_353] : memref<2x80x128xf32, #tpu.memory_space<vmem>> -> memref<1x80x128xf32, #tpu.memory_space<vmem>>
    %dma_start3A_355 = tpu.memref_squeeze %dma_start3A_354 : memref<1x80x128xf32, #tpu.memory_space<vmem>> -> memref<80x128xf32, #tpu.memory_space<vmem>>
    %dma_start3A_356 = arith.constant 0 : i32
    %dma_start3A_357 = tpu.memref_slice %arg9[%add3A_337, %dma_start3A_356] : memref<320000x128xf32, #tpu.memory_space<hbm>> -> memref<80x128xf32, #tpu.memory_space<hbm>>
    %dma_start3A_358 = arith.constant 0 : i32
    %dma_start3A_359 = tpu.memref_slice %arg9[%add3A_337, %dma_start3A_358] : memref<320000x128xf32, #tpu.memory_space<hbm>> -> memref<80x128xf32, #tpu.memory_space<hbm>>
    %dma_start3A_360 = arith.constant 0 : i32
    %dma_start3A_361 = arith.constant 0 : i32
    %dma_start3A_362 = tpu.memref_slice %arg16[%dma_start3A_351, %dma_start3A_360, %dma_start3A_361] : memref<2x80x128xf32, #tpu.memory_space<vmem>> -> memref<1x80x128xf32, #tpu.memory_space<vmem>>
    %dma_start3A_363 = tpu.memref_squeeze %dma_start3A_362 : memref<1x80x128xf32, #tpu.memory_space<vmem>> -> memref<80x128xf32, #tpu.memory_space<vmem>>
    tpu.enqueue_dma source(%dma_start3A_363 : memref<80x128xf32, #tpu.memory_space<vmem>>) target(%dma_start3A_359 : memref<80x128xf32, #tpu.memory_space<hbm>>) target_semaphore(%arg22 : memref<!tpu.dma_semaphore, #tpu.memory_space<semaphore_mem>>)
    %dma_start3A_364 = arith.constant 0 : i32
    %dma_start3A_365 = arith.constant 0 : i32
    %dma_start3A_366 = tpu.memref_slice %arg14[%dma_start3A_364, %dma_start3A_365] : memref<2x80xf32, #tpu.memory_space<vmem>> -> memref<1x80xf32, #tpu.memory_space<vmem>>
    %dma_start3A_367 = tpu.memref_squeeze %dma_start3A_366 : memref<1x80xf32, #tpu.memory_space<vmem>> -> memref<80xf32, #tpu.memory_space<vmem>>
    %dma_start3A_368 = tpu.memref_slice %arg10[%add3A_337] : memref<320000xf32, #tpu.memory_space<hbm>> -> memref<80xf32, #tpu.memory_space<hbm>>
    %dma_start3A_369 = tpu.memref_slice %arg10[%add3A_337] : memref<320000xf32, #tpu.memory_space<hbm>> -> memref<80xf32, #tpu.memory_space<hbm>>
    %dma_start3A_370 = arith.constant 0 : i32
    %dma_start3A_371 = tpu.memref_slice %arg14[%dma_start3A_364, %dma_start3A_370] : memref<2x80xf32, #tpu.memory_space<vmem>> -> memref<1x80xf32, #tpu.memory_space<vmem>>
    %dma_start3A_372 = tpu.memref_squeeze %dma_start3A_371 : memref<1x80xf32, #tpu.memory_space<vmem>> -> memref<80xf32, #tpu.memory_space<vmem>>
    tpu.enqueue_dma source(%dma_start3A_372 : memref<80xf32, #tpu.memory_space<vmem>>) target(%dma_start3A_369 : memref<80xf32, #tpu.memory_space<hbm>>) target_semaphore(%arg22 : memref<!tpu.dma_semaphore, #tpu.memory_space<semaphore_mem>>)
    %add3A_373 = arith.constant 160 : i32
    %add3A_374 = arith.addi %mul3A_2, %add3A_373 : i32
    %min3A_375 = arith.constant 319920 : i32
    %min3A_376 = arith.minsi %add3A_374, %min3A_375 : i32
    %dma_start3A_377 = arith.constant 0 : i32
    %dma_start3A_378 = arith.constant 0 : i32
    %dma_start3A_379 = tpu.memref_slice %arg11[%dma_start3A_377, %dma_start3A_378] : memref<2x80xi32, #tpu.memory_space<vmem>> -> memref<1x80xi32, #tpu.memory_space<vmem>>
    %dma_start3A_380 = tpu.memref_squeeze %dma_start3A_379 : memref<1x80xi32, #tpu.memory_space<vmem>> -> memref<80xi32, #tpu.memory_space<vmem>>
    %dma_start3A_381 = tpu.memref_slice %arg5[%min3A_376] : memref<320000xi32, #tpu.memory_space<hbm>> -> memref<80xi32, #tpu.memory_space<hbm>>
    %dma_start3A_382 = arith.constant 0 : i32
    %dma_start3A_383 = tpu.memref_slice %arg11[%dma_start3A_377, %dma_start3A_382] : memref<2x80xi32, #tpu.memory_space<vmem>> -> memref<1x80xi32, #tpu.memory_space<vmem>>
    %dma_start3A_384 = tpu.memref_squeeze %dma_start3A_383 : memref<1x80xi32, #tpu.memory_space<vmem>> -> memref<80xi32, #tpu.memory_space<vmem>>
    %dma_start3A_385 = tpu.memref_slice %arg5[%min3A_376] : memref<320000xi32, #tpu.memory_space<hbm>> -> memref<80xi32, #tpu.memory_space<hbm>>
    tpu.enqueue_dma source(%dma_start3A_385 : memref<80xi32, #tpu.memory_space<hbm>>) target(%dma_start3A_384 : memref<80xi32, #tpu.memory_space<vmem>>) target_semaphore(%arg18 : memref<!tpu.dma_semaphore, #tpu.memory_space<semaphore_mem>>)
    %dma_start3A_386 = arith.constant 0 : i32
    %dma_start3A_387 = arith.constant 0 : i32
    %dma_start3A_388 = tpu.memref_slice %arg12[%dma_start3A_386, %dma_start3A_387] : memref<2x80xi32, #tpu.memory_space<vmem>> -> memref<1x80xi32, #tpu.memory_space<vmem>>
    %dma_start3A_389 = tpu.memref_squeeze %dma_start3A_388 : memref<1x80xi32, #tpu.memory_space<vmem>> -> memref<80xi32, #tpu.memory_space<vmem>>
    %dma_start3A_390 = tpu.memref_slice %arg6[%min3A_376] : memref<320000xi32, #tpu.memory_space<hbm>> -> memref<80xi32, #tpu.memory_space<hbm>>
    %dma_start3A_391 = arith.constant 0 : i32
    %dma_start3A_392 = tpu.memref_slice %arg12[%dma_start3A_386, %dma_start3A_391] : memref<2x80xi32, #tpu.memory_space<vmem>> -> memref<1x80xi32, #tpu.memory_space<vmem>>
    %dma_start3A_393 = tpu.memref_squeeze %dma_start3A_392 : memref<1x80xi32, #tpu.memory_space<vmem>> -> memref<80xi32, #tpu.memory_space<vmem>>
    %dma_start3A_394 = tpu.memref_slice %arg6[%min3A_376] : memref<320000xi32, #tpu.memory_space<hbm>> -> memref<80xi32, #tpu.memory_space<hbm>>
    tpu.enqueue_dma source(%dma_start3A_394 : memref<80xi32, #tpu.memory_space<hbm>>) target(%dma_start3A_393 : memref<80xi32, #tpu.memory_space<vmem>>) target_semaphore(%arg18 : memref<!tpu.dma_semaphore, #tpu.memory_space<semaphore_mem>>)
    %dma_start3A_395 = arith.constant 0 : i32
    %dma_start3A_396 = arith.constant 0 : i32
    %dma_start3A_397 = tpu.memref_slice %arg13[%dma_start3A_395, %dma_start3A_396] : memref<2x80xf32, #tpu.memory_space<vmem>> -> memref<1x80xf32, #tpu.memory_space<vmem>>
    %dma_start3A_398 = tpu.memref_squeeze %dma_start3A_397 : memref<1x80xf32, #tpu.memory_space<vmem>> -> memref<80xf32, #tpu.memory_space<vmem>>
    %dma_start3A_399 = tpu.memref_slice %arg7[%min3A_376] : memref<320000xf32, #tpu.memory_space<hbm>> -> memref<80xf32, #tpu.memory_space<hbm>>
    %dma_start3A_400 = arith.constant 0 : i32
    %dma_start3A_401 = tpu.memref_slice %arg13[%dma_start3A_395, %dma_start3A_400] : memref<2x80xf32, #tpu.memory_space<vmem>> -> memref<1x80xf32, #tpu.memory_space<vmem>>
    %dma_start3A_402 = tpu.memref_squeeze %dma_start3A_401 : memref<1x80xf32, #tpu.memory_space<vmem>> -> memref<80xf32, #tpu.memory_space<vmem>>
    %dma_start3A_403 = tpu.memref_slice %arg7[%min3A_376] : memref<320000xf32, #tpu.memory_space<hbm>> -> memref<80xf32, #tpu.memory_space<hbm>>
    tpu.enqueue_dma source(%dma_start3A_403 : memref<80xf32, #tpu.memory_space<hbm>>) target(%dma_start3A_402 : memref<80xf32, #tpu.memory_space<vmem>>) target_semaphore(%arg18 : memref<!tpu.dma_semaphore, #tpu.memory_space<semaphore_mem>>)
    %dma_wait3A_404 = arith.constant 1 : i32
    %dma_wait3A_405 = arith.constant 1 : i32
    %dma_wait3A_406 = arith.constant 0 : i32
    %dma_wait3A_407 = arith.constant 0 : i32
    %dma_wait3A_408 = tpu.memref_slice %arg15[%dma_wait3A_405, %dma_wait3A_406, %dma_wait3A_407] : memref<2x80x256xf32, #tpu.memory_space<vmem>> -> memref<1x80x256xf32, #tpu.memory_space<vmem>>
    %dma_wait3A_409 = tpu.memref_squeeze %dma_wait3A_408 : memref<1x80x256xf32, #tpu.memory_space<vmem>> -> memref<80x256xf32, #tpu.memory_space<vmem>>
    %dma_wait3A_410 = arith.constant 0 : i32
    %dma_wait3A_411 = tpu.memref_slice %arg11[%dma_wait3A_404, %dma_wait3A_410] : memref<2x80xi32, #tpu.memory_space<vmem>> -> memref<1x80xi32, #tpu.memory_space<vmem>>
    %dma_wait3A_412 = tpu.memref_squeeze %dma_wait3A_411 : memref<1x80xi32, #tpu.memory_space<vmem>> -> memref<80xi32, #tpu.memory_space<vmem>>
    %dma_wait3A_413 = arith.constant 0 : i32
    %dma_wait3A_414 = arith.constant 0 : i32
    %dma_wait3A_415 = tpu.memref_slice %arg2[%dma_wait3A_413, %dma_wait3A_414] : memref<10000x256xf32, #tpu.memory_space<hbm>> -> memref<10000x256xf32, #tpu.memory_space<hbm>>
    tpu.wait_indirect_dma semaphore(%arg21 : memref<!tpu.dma_semaphore, #tpu.memory_space<semaphore_mem>>) src(%dma_wait3A_415 : memref<10000x256xf32, #tpu.memory_space<hbm>>) dst(%dma_wait3A_409 : memref<80x256xf32, #tpu.memory_space<vmem>>)
    %dma_wait3A_416 = arith.constant 1 : i32
    %dma_wait3A_417 = arith.constant 1 : i32
    %dma_wait3A_418 = arith.constant 0 : i32
    %dma_wait3A_419 = arith.constant 0 : i32
    %dma_wait3A_420 = tpu.memref_slice %arg16[%dma_wait3A_417, %dma_wait3A_418, %dma_wait3A_419] : memref<2x80x128xf32, #tpu.memory_space<vmem>> -> memref<1x80x128xf32, #tpu.memory_space<vmem>>
    %dma_wait3A_421 = tpu.memref_squeeze %dma_wait3A_420 : memref<1x80x128xf32, #tpu.memory_space<vmem>> -> memref<80x128xf32, #tpu.memory_space<vmem>>
    %dma_wait3A_422 = arith.constant 0 : i32
    %dma_wait3A_423 = tpu.memref_slice %arg12[%dma_wait3A_416, %dma_wait3A_422] : memref<2x80xi32, #tpu.memory_space<vmem>> -> memref<1x80xi32, #tpu.memory_space<vmem>>
    %dma_wait3A_424 = tpu.memref_squeeze %dma_wait3A_423 : memref<1x80xi32, #tpu.memory_space<vmem>> -> memref<80xi32, #tpu.memory_space<vmem>>
    %dma_wait3A_425 = arith.constant 0 : i32
    %dma_wait3A_426 = arith.constant 0 : i32
    %dma_wait3A_427 = tpu.memref_slice %arg3[%dma_wait3A_425, %dma_wait3A_426] : memref<10000x128xf32, #tpu.memory_space<hbm>> -> memref<10000x128xf32, #tpu.memory_space<hbm>>
    tpu.wait_indirect_dma semaphore(%arg21 : memref<!tpu.dma_semaphore, #tpu.memory_space<semaphore_mem>>) src(%dma_wait3A_427 : memref<10000x128xf32, #tpu.memory_space<hbm>>) dst(%dma_wait3A_421 : memref<80x128xf32, #tpu.memory_space<vmem>>)
    %add3A_428 = arith.constant 80 : i32
    %add3A_429 = arith.addi %mul3A_2, %add3A_428 : i32
    %dma_start3A_430 = arith.constant 1 : i32
    %dma_start3A_431 = arith.constant 0 : i32
    %dma_start3A_432 = arith.constant 0 : i32
    %dma_start3A_433 = tpu.memref_slice %arg15[%dma_start3A_430, %dma_start3A_431, %dma_start3A_432] : memref<2x80x256xf32, #tpu.memory_space<vmem>> -> memref<1x80x256xf32, #tpu.memory_space<vmem>>
    %dma_start3A_434 = tpu.memref_squeeze %dma_start3A_433 : memref<1x80x256xf32, #tpu.memory_space<vmem>> -> memref<80x256xf32, #tpu.memory_space<vmem>>
    %dma_start3A_435 = arith.constant 0 : i32
    %dma_start3A_436 = tpu.memref_slice %arg8[%add3A_429, %dma_start3A_435] : memref<320000x256xf32, #tpu.memory_space<hbm>> -> memref<80x256xf32, #tpu.memory_space<hbm>>
    %dma_start3A_437 = arith.constant 0 : i32
    %dma_start3A_438 = tpu.memref_slice %arg8[%add3A_429, %dma_start3A_437] : memref<320000x256xf32, #tpu.memory_space<hbm>> -> memref<80x256xf32, #tpu.memory_space<hbm>>
    %dma_start3A_439 = arith.constant 0 : i32
    %dma_start3A_440 = arith.constant 0 : i32
    %dma_start3A_441 = tpu.memref_slice %arg15[%dma_start3A_430, %dma_start3A_439, %dma_start3A_440] : memref<2x80x256xf32, #tpu.memory_space<vmem>> -> memref<1x80x256xf32, #tpu.memory_space<vmem>>
    %dma_start3A_442 = tpu.memref_squeeze %dma_start3A_441 : memref<1x80x256xf32, #tpu.memory_space<vmem>> -> memref<80x256xf32, #tpu.memory_space<vmem>>
    tpu.enqueue_dma source(%dma_start3A_442 : memref<80x256xf32, #tpu.memory_space<vmem>>) target(%dma_start3A_438 : memref<80x256xf32, #tpu.memory_space<hbm>>) target_semaphore(%arg23 : memref<!tpu.dma_semaphore, #tpu.memory_space<semaphore_mem>>)
    %dma_start3A_443 = arith.constant 1 : i32
    %dma_start3A_444 = arith.constant 0 : i32
    %dma_start3A_445 = arith.constant 0 : i32
    %dma_start3A_446 = tpu.memref_slice %arg16[%dma_start3A_443, %dma_start3A_444, %dma_start3A_445] : memref<2x80x128xf32, #tpu.memory_space<vmem>> -> memref<1x80x128xf32, #tpu.memory_space<vmem>>
    %dma_start3A_447 = tpu.memref_squeeze %dma_start3A_446 : memref<1x80x128xf32, #tpu.memory_space<vmem>> -> memref<80x128xf32, #tpu.memory_space<vmem>>
    %dma_start3A_448 = arith.constant 0 : i32
    %dma_start3A_449 = tpu.memref_slice %arg9[%add3A_429, %dma_start3A_448] : memref<320000x128xf32, #tpu.memory_space<hbm>> -> memref<80x128xf32, #tpu.memory_space<hbm>>
    %dma_start3A_450 = arith.constant 0 : i32
    %dma_start3A_451 = tpu.memref_slice %arg9[%add3A_429, %dma_start3A_450] : memref<320000x128xf32, #tpu.memory_space<hbm>> -> memref<80x128xf32, #tpu.memory_space<hbm>>
    %dma_start3A_452 = arith.constant 0 : i32
    %dma_start3A_453 = arith.constant 0 : i32
    %dma_start3A_454 = tpu.memref_slice %arg16[%dma_start3A_443, %dma_start3A_452, %dma_start3A_453] : memref<2x80x128xf32, #tpu.memory_space<vmem>> -> memref<1x80x128xf32, #tpu.memory_space<vmem>>
    %dma_start3A_455 = tpu.memref_squeeze %dma_start3A_454 : memref<1x80x128xf32, #tpu.memory_space<vmem>> -> memref<80x128xf32, #tpu.memory_space<vmem>>
    tpu.enqueue_dma source(%dma_start3A_455 : memref<80x128xf32, #tpu.memory_space<vmem>>) target(%dma_start3A_451 : memref<80x128xf32, #tpu.memory_space<hbm>>) target_semaphore(%arg23 : memref<!tpu.dma_semaphore, #tpu.memory_space<semaphore_mem>>)
    %dma_start3A_456 = arith.constant 1 : i32
    %dma_start3A_457 = arith.constant 0 : i32
    %dma_start3A_458 = tpu.memref_slice %arg14[%dma_start3A_456, %dma_start3A_457] : memref<2x80xf32, #tpu.memory_space<vmem>> -> memref<1x80xf32, #tpu.memory_space<vmem>>
    %dma_start3A_459 = tpu.memref_squeeze %dma_start3A_458 : memref<1x80xf32, #tpu.memory_space<vmem>> -> memref<80xf32, #tpu.memory_space<vmem>>
    %dma_start3A_460 = tpu.memref_slice %arg10[%add3A_429] : memref<320000xf32, #tpu.memory_space<hbm>> -> memref<80xf32, #tpu.memory_space<hbm>>
    %dma_start3A_461 = tpu.memref_slice %arg10[%add3A_429] : memref<320000xf32, #tpu.memory_space<hbm>> -> memref<80xf32, #tpu.memory_space<hbm>>
    %dma_start3A_462 = arith.constant 0 : i32
    %dma_start3A_463 = tpu.memref_slice %arg14[%dma_start3A_456, %dma_start3A_462] : memref<2x80xf32, #tpu.memory_space<vmem>> -> memref<1x80xf32, #tpu.memory_space<vmem>>
    %dma_start3A_464 = tpu.memref_squeeze %dma_start3A_463 : memref<1x80xf32, #tpu.memory_space<vmem>> -> memref<80xf32, #tpu.memory_space<vmem>>
    tpu.enqueue_dma source(%dma_start3A_464 : memref<80xf32, #tpu.memory_space<vmem>>) target(%dma_start3A_461 : memref<80xf32, #tpu.memory_space<hbm>>) target_semaphore(%arg23 : memref<!tpu.dma_semaphore, #tpu.memory_space<semaphore_mem>>)
    %add3A_465 = arith.constant 240 : i32
    %add3A_466 = arith.addi %mul3A_2, %add3A_465 : i32
    %min3A_467 = arith.constant 319920 : i32
    %min3A_468 = arith.minsi %add3A_466, %min3A_467 : i32
    %dma_start3A_469 = arith.constant 1 : i32
    %dma_start3A_470 = arith.constant 0 : i32
    %dma_start3A_471 = tpu.memref_slice %arg11[%dma_start3A_469, %dma_start3A_470] : memref<2x80xi32, #tpu.memory_space<vmem>> -> memref<1x80xi32, #tpu.memory_space<vmem>>
    %dma_start3A_472 = tpu.memref_squeeze %dma_start3A_471 : memref<1x80xi32, #tpu.memory_space<vmem>> -> memref<80xi32, #tpu.memory_space<vmem>>
    %dma_start3A_473 = tpu.memref_slice %arg5[%min3A_468] : memref<320000xi32, #tpu.memory_space<hbm>> -> memref<80xi32, #tpu.memory_space<hbm>>
    %dma_start3A_474 = arith.constant 0 : i32
    %dma_start3A_475 = tpu.memref_slice %arg11[%dma_start3A_469, %dma_start3A_474] : memref<2x80xi32, #tpu.memory_space<vmem>> -> memref<1x80xi32, #tpu.memory_space<vmem>>
    %dma_start3A_476 = tpu.memref_squeeze %dma_start3A_475 : memref<1x80xi32, #tpu.memory_space<vmem>> -> memref<80xi32, #tpu.memory_space<vmem>>
    %dma_start3A_477 = tpu.memref_slice %arg5[%min3A_468] : memref<320000xi32, #tpu.memory_space<hbm>> -> memref<80xi32, #tpu.memory_space<hbm>>
    tpu.enqueue_dma source(%dma_start3A_477 : memref<80xi32, #tpu.memory_space<hbm>>) target(%dma_start3A_476 : memref<80xi32, #tpu.memory_space<vmem>>) target_semaphore(%arg19 : memref<!tpu.dma_semaphore, #tpu.memory_space<semaphore_mem>>)
    %dma_start3A_478 = arith.constant 1 : i32
    %dma_start3A_479 = arith.constant 0 : i32
    %dma_start3A_480 = tpu.memref_slice %arg12[%dma_start3A_478, %dma_start3A_479] : memref<2x80xi32, #tpu.memory_space<vmem>> -> memref<1x80xi32, #tpu.memory_space<vmem>>
    %dma_start3A_481 = tpu.memref_squeeze %dma_start3A_480 : memref<1x80xi32, #tpu.memory_space<vmem>> -> memref<80xi32, #tpu.memory_space<vmem>>
    %dma_start3A_482 = tpu.memref_slice %arg6[%min3A_468] : memref<320000xi32, #tpu.memory_space<hbm>> -> memref<80xi32, #tpu.memory_space<hbm>>
    %dma_start3A_483 = arith.constant 0 : i32
    %dma_start3A_484 = tpu.memref_slice %arg12[%dma_start3A_478, %dma_start3A_483] : memref<2x80xi32, #tpu.memory_space<vmem>> -> memref<1x80xi32, #tpu.memory_space<vmem>>
    %dma_start3A_485 = tpu.memref_squeeze %dma_start3A_484 : memref<1x80xi32, #tpu.memory_space<vmem>> -> memref<80xi32, #tpu.memory_space<vmem>>
    %dma_start3A_486 = tpu.memref_slice %arg6[%min3A_468] : memref<320000xi32, #tpu.memory_space<hbm>> -> memref<80xi32, #tpu.memory_space<hbm>>
    tpu.enqueue_dma source(%dma_start3A_486 : memref<80xi32, #tpu.memory_space<hbm>>) target(%dma_start3A_485 : memref<80xi32, #tpu.memory_space<vmem>>) target_semaphore(%arg19 : memref<!tpu.dma_semaphore, #tpu.memory_space<semaphore_mem>>)
    %dma_start3A_487 = arith.constant 1 : i32
    %dma_start3A_488 = arith.constant 0 : i32
    %dma_start3A_489 = tpu.memref_slice %arg13[%dma_start3A_487, %dma_start3A_488] : memref<2x80xf32, #tpu.memory_space<vmem>> -> memref<1x80xf32, #tpu.memory_space<vmem>>
    %dma_start3A_490 = tpu.memref_squeeze %dma_start3A_489 : memref<1x80xf32, #tpu.memory_space<vmem>> -> memref<80xf32, #tpu.memory_space<vmem>>
    %dma_start3A_491 = tpu.memref_slice %arg7[%min3A_468] : memref<320000xf32, #tpu.memory_space<hbm>> -> memref<80xf32, #tpu.memory_space<hbm>>
    %dma_start3A_492 = arith.constant 0 : i32
    %dma_start3A_493 = tpu.memref_slice %arg13[%dma_start3A_487, %dma_start3A_492] : memref<2x80xf32, #tpu.memory_space<vmem>> -> memref<1x80xf32, #tpu.memory_space<vmem>>
    %dma_start3A_494 = tpu.memref_squeeze %dma_start3A_493 : memref<1x80xf32, #tpu.memory_space<vmem>> -> memref<80xf32, #tpu.memory_space<vmem>>
    %dma_start3A_495 = tpu.memref_slice %arg7[%min3A_468] : memref<320000xf32, #tpu.memory_space<hbm>> -> memref<80xf32, #tpu.memory_space<hbm>>
    tpu.enqueue_dma source(%dma_start3A_495 : memref<80xf32, #tpu.memory_space<hbm>>) target(%dma_start3A_494 : memref<80xf32, #tpu.memory_space<vmem>>) target_semaphore(%arg19 : memref<!tpu.dma_semaphore, #tpu.memory_space<semaphore_mem>>)
    %scan3A = arith.constant 0 : i32
    %scan3A_496 = arith.constant 61 : i32
    %scan3A_497 = arith.addi %scan3A, %scan3A_496 : i32
    %scan3A_498 = arith.constant 1 : i32
    scf.for %scan3A_844 = %scan3A to %scan3A_497 step %scan3A_498  : i32 {
      %mul3A_845 = arith.constant 1 : i32
      %mul3A_846 = arith.muli %scan3A_844, %mul3A_845 : i32
      %add3A_847 = arith.constant 1 : i32
      %add3A_848 = arith.addi %add3A_847, %mul3A_846 : i32
      %mul3A_849 = arith.constant 2 : i32
      %mul3A_850 = arith.muli %mul3A_849, %add3A_848 : i32
      %dma_wait3A_851 = arith.constant 0 : i32
      %dma_wait3A_852 = arith.constant 0 : i32
      %dma_wait3A_853 = tpu.memref_slice %arg11[%dma_wait3A_851, %dma_wait3A_852] : memref<2x80xi32, #tpu.memory_space<vmem>> -> memref<1x80xi32, #tpu.memory_space<vmem>>
      %dma_wait3A_854 = tpu.memref_squeeze %dma_wait3A_853 : memref<1x80xi32, #tpu.memory_space<vmem>> -> memref<80xi32, #tpu.memory_space<vmem>>
      %dma_wait3A_855 = arith.constant 0 : i32
      %dma_wait3A_856 = tpu.memref_slice %arg5[%dma_wait3A_855] : memref<320000xi32, #tpu.memory_space<hbm>> -> memref<80xi32, #tpu.memory_space<hbm>>
      %dma_wait3A_857 = arith.constant 0 : i32
      %dma_wait3A_858 = tpu.memref_slice %arg11[%dma_wait3A_851, %dma_wait3A_857] : memref<2x80xi32, #tpu.memory_space<vmem>> -> memref<1x80xi32, #tpu.memory_space<vmem>>
      %dma_wait3A_859 = tpu.memref_squeeze %dma_wait3A_858 : memref<1x80xi32, #tpu.memory_space<vmem>> -> memref<80xi32, #tpu.memory_space<vmem>>
      %dma_wait3A_860 = arith.constant 0 : i32
      %dma_wait3A_861 = tpu.memref_slice %arg5[%dma_wait3A_860] : memref<320000xi32, #tpu.memory_space<hbm>> -> memref<80xi32, #tpu.memory_space<hbm>>
      tpu.wait_dma2 semaphore(%arg18 : memref<!tpu.dma_semaphore, #tpu.memory_space<semaphore_mem>>) src(%dma_wait3A_861 : memref<80xi32, #tpu.memory_space<hbm>>) dst(%dma_wait3A_859 : memref<80xi32, #tpu.memory_space<vmem>>)
      %dma_wait3A_862 = arith.constant 0 : i32
      %dma_wait3A_863 = arith.constant 0 : i32
      %dma_wait3A_864 = tpu.memref_slice %arg12[%dma_wait3A_862, %dma_wait3A_863] : memref<2x80xi32, #tpu.memory_space<vmem>> -> memref<1x80xi32, #tpu.memory_space<vmem>>
      %dma_wait3A_865 = tpu.memref_squeeze %dma_wait3A_864 : memref<1x80xi32, #tpu.memory_space<vmem>> -> memref<80xi32, #tpu.memory_space<vmem>>
      %dma_wait3A_866 = arith.constant 0 : i32
      %dma_wait3A_867 = tpu.memref_slice %arg6[%dma_wait3A_866] : memref<320000xi32, #tpu.memory_space<hbm>> -> memref<80xi32, #tpu.memory_space<hbm>>
      %dma_wait3A_868 = arith.constant 0 : i32
      %dma_wait3A_869 = tpu.memref_slice %arg12[%dma_wait3A_862, %dma_wait3A_868] : memref<2x80xi32, #tpu.memory_space<vmem>> -> memref<1x80xi32, #tpu.memory_space<vmem>>
      %dma_wait3A_870 = tpu.memref_squeeze %dma_wait3A_869 : memref<1x80xi32, #tpu.memory_space<vmem>> -> memref<80xi32, #tpu.memory_space<vmem>>
      %dma_wait3A_871 = arith.constant 0 : i32
      %dma_wait3A_872 = tpu.memref_slice %arg6[%dma_wait3A_871] : memref<320000xi32, #tpu.memory_space<hbm>> -> memref<80xi32, #tpu.memory_space<hbm>>
      tpu.wait_dma2 semaphore(%arg18 : memref<!tpu.dma_semaphore, #tpu.memory_space<semaphore_mem>>) src(%dma_wait3A_872 : memref<80xi32, #tpu.memory_space<hbm>>) dst(%dma_wait3A_870 : memref<80xi32, #tpu.memory_space<vmem>>)
      %dma_wait3A_873 = arith.constant 0 : i32
      %dma_wait3A_874 = arith.constant 0 : i32
      %dma_wait3A_875 = tpu.memref_slice %arg13[%dma_wait3A_873, %dma_wait3A_874] : memref<2x80xf32, #tpu.memory_space<vmem>> -> memref<1x80xf32, #tpu.memory_space<vmem>>
      %dma_wait3A_876 = tpu.memref_squeeze %dma_wait3A_875 : memref<1x80xf32, #tpu.memory_space<vmem>> -> memref<80xf32, #tpu.memory_space<vmem>>
      %dma_wait3A_877 = arith.constant 0 : i32
      %dma_wait3A_878 = tpu.memref_slice %arg7[%dma_wait3A_877] : memref<320000xf32, #tpu.memory_space<hbm>> -> memref<80xf32, #tpu.memory_space<hbm>>
      %dma_wait3A_879 = arith.constant 0 : i32
      %dma_wait3A_880 = tpu.memref_slice %arg13[%dma_wait3A_873, %dma_wait3A_879] : memref<2x80xf32, #tpu.memory_space<vmem>> -> memref<1x80xf32, #tpu.memory_space<vmem>>
      %dma_wait3A_881 = tpu.memref_squeeze %dma_wait3A_880 : memref<1x80xf32, #tpu.memory_space<vmem>> -> memref<80xf32, #tpu.memory_space<vmem>>
      %dma_wait3A_882 = arith.constant 0 : i32
      %dma_wait3A_883 = tpu.memref_slice %arg7[%dma_wait3A_882] : memref<320000xf32, #tpu.memory_space<hbm>> -> memref<80xf32, #tpu.memory_space<hbm>>
      tpu.wait_dma2 semaphore(%arg18 : memref<!tpu.dma_semaphore, #tpu.memory_space<semaphore_mem>>) src(%dma_wait3A_883 : memref<80xf32, #tpu.memory_space<hbm>>) dst(%dma_wait3A_881 : memref<80xf32, #tpu.memory_space<vmem>>)
      %dma_wait3A_884 = arith.constant 0 : i32
      %dma_wait3A_885 = arith.constant 0 : i32
      %dma_wait3A_886 = arith.constant 0 : i32
      %dma_wait3A_887 = tpu.memref_slice %arg15[%dma_wait3A_884, %dma_wait3A_885, %dma_wait3A_886] : memref<2x80x256xf32, #tpu.memory_space<vmem>> -> memref<1x80x256xf32, #tpu.memory_space<vmem>>
      %dma_wait3A_888 = tpu.memref_squeeze %dma_wait3A_887 : memref<1x80x256xf32, #tpu.memory_space<vmem>> -> memref<80x256xf32, #tpu.memory_space<vmem>>
      %dma_wait3A_889 = arith.constant 0 : i32
      %dma_wait3A_890 = arith.constant 0 : i32
      %dma_wait3A_891 = tpu.memref_slice %arg8[%dma_wait3A_889, %dma_wait3A_890] : memref<320000x256xf32, #tpu.memory_space<hbm>> -> memref<80x256xf32, #tpu.memory_space<hbm>>
      %dma_wait3A_892 = arith.constant 0 : i32
      %dma_wait3A_893 = arith.constant 0 : i32
      %dma_wait3A_894 = tpu.memref_slice %arg8[%dma_wait3A_892, %dma_wait3A_893] : memref<320000x256xf32, #tpu.memory_space<hbm>> -> memref<80x256xf32, #tpu.memory_space<hbm>>
      %dma_wait3A_895 = arith.constant 0 : i32
      %dma_wait3A_896 = arith.constant 0 : i32
      %dma_wait3A_897 = tpu.memref_slice %arg15[%dma_wait3A_884, %dma_wait3A_895, %dma_wait3A_896] : memref<2x80x256xf32, #tpu.memory_space<vmem>> -> memref<1x80x256xf32, #tpu.memory_space<vmem>>
      %dma_wait3A_898 = tpu.memref_squeeze %dma_wait3A_897 : memref<1x80x256xf32, #tpu.memory_space<vmem>> -> memref<80x256xf32, #tpu.memory_space<vmem>>
      tpu.wait_dma2 semaphore(%arg22 : memref<!tpu.dma_semaphore, #tpu.memory_space<semaphore_mem>>) src(%dma_wait3A_898 : memref<80x256xf32, #tpu.memory_space<vmem>>) dst(%dma_wait3A_894 : memref<80x256xf32, #tpu.memory_space<hbm>>)
      %dma_wait3A_899 = arith.constant 0 : i32
      %dma_wait3A_900 = arith.constant 0 : i32
      %dma_wait3A_901 = arith.constant 0 : i32
      %dma_wait3A_902 = tpu.memref_slice %arg16[%dma_wait3A_899, %dma_wait3A_900, %dma_wait3A_901] : memref<2x80x128xf32, #tpu.memory_space<vmem>> -> memref<1x80x128xf32, #tpu.memory_space<vmem>>
      %dma_wait3A_903 = tpu.memref_squeeze %dma_wait3A_902 : memref<1x80x128xf32, #tpu.memory_space<vmem>> -> memref<80x128xf32, #tpu.memory_space<vmem>>
      %dma_wait3A_904 = arith.constant 0 : i32
      %dma_wait3A_905 = arith.constant 0 : i32
      %dma_wait3A_906 = tpu.memref_slice %arg9[%dma_wait3A_904, %dma_wait3A_905] : memref<320000x128xf32, #tpu.memory_space<hbm>> -> memref<80x128xf32, #tpu.memory_space<hbm>>
      %dma_wait3A_907 = arith.constant 0 : i32
      %dma_wait3A_908 = arith.constant 0 : i32
      %dma_wait3A_909 = tpu.memref_slice %arg9[%dma_wait3A_907, %dma_wait3A_908] : memref<320000x128xf32, #tpu.memory_space<hbm>> -> memref<80x128xf32, #tpu.memory_space<hbm>>
      %dma_wait3A_910 = arith.constant 0 : i32
      %dma_wait3A_911 = arith.constant 0 : i32
      %dma_wait3A_912 = tpu.memref_slice %arg16[%dma_wait3A_899, %dma_wait3A_910, %dma_wait3A_911] : memref<2x80x128xf32, #tpu.memory_space<vmem>> -> memref<1x80x128xf32, #tpu.memory_space<vmem>>
      %dma_wait3A_913 = tpu.memref_squeeze %dma_wait3A_912 : memref<1x80x128xf32, #tpu.memory_space<vmem>> -> memref<80x128xf32, #tpu.memory_space<vmem>>
      tpu.wait_dma2 semaphore(%arg22 : memref<!tpu.dma_semaphore, #tpu.memory_space<semaphore_mem>>) src(%dma_wait3A_913 : memref<80x128xf32, #tpu.memory_space<vmem>>) dst(%dma_wait3A_909 : memref<80x128xf32, #tpu.memory_space<hbm>>)
      %dma_wait3A_914 = arith.constant 0 : i32
      %dma_wait3A_915 = arith.constant 0 : i32
      %dma_wait3A_916 = tpu.memref_slice %arg14[%dma_wait3A_914, %dma_wait3A_915] : memref<2x80xf32, #tpu.memory_space<vmem>> -> memref<1x80xf32, #tpu.memory_space<vmem>>
      %dma_wait3A_917 = tpu.memref_squeeze %dma_wait3A_916 : memref<1x80xf32, #tpu.memory_space<vmem>> -> memref<80xf32, #tpu.memory_space<vmem>>
      %dma_wait3A_918 = arith.constant 0 : i32
      %dma_wait3A_919 = tpu.memref_slice %arg10[%dma_wait3A_918] : memref<320000xf32, #tpu.memory_space<hbm>> -> memref<80xf32, #tpu.memory_space<hbm>>
      %dma_wait3A_920 = arith.constant 0 : i32
      %dma_wait3A_921 = tpu.memref_slice %arg10[%dma_wait3A_920] : memref<320000xf32, #tpu.memory_space<hbm>> -> memref<80xf32, #tpu.memory_space<hbm>>
      %dma_wait3A_922 = arith.constant 0 : i32
      %dma_wait3A_923 = tpu.memref_slice %arg14[%dma_wait3A_914, %dma_wait3A_922] : memref<2x80xf32, #tpu.memory_space<vmem>> -> memref<1x80xf32, #tpu.memory_space<vmem>>
      %dma_wait3A_924 = tpu.memref_squeeze %dma_wait3A_923 : memref<1x80xf32, #tpu.memory_space<vmem>> -> memref<80xf32, #tpu.memory_space<vmem>>
      tpu.wait_dma2 semaphore(%arg22 : memref<!tpu.dma_semaphore, #tpu.memory_space<semaphore_mem>>) src(%dma_wait3A_924 : memref<80xf32, #tpu.memory_space<vmem>>) dst(%dma_wait3A_921 : memref<80xf32, #tpu.memory_space<hbm>>)
      %dma_start3A_925 = arith.constant 0 : i32
      %dma_start3A_926 = arith.constant 0 : i32
      %dma_start3A_927 = arith.constant 0 : i32
      %dma_start3A_928 = arith.constant 0 : i32
      %dma_start3A_929 = tpu.memref_slice %arg15[%dma_start3A_926, %dma_start3A_927, %dma_start3A_928] : memref<2x80x256xf32, #tpu.memory_space<vmem>> -> memref<1x80x256xf32, #tpu.memory_space<vmem>>
      %dma_start3A_930 = tpu.memref_squeeze %dma_start3A_929 : memref<1x80x256xf32, #tpu.memory_space<vmem>> -> memref<80x256xf32, #tpu.memory_space<vmem>>
      %dma_start3A_931 = arith.constant 0 : i32
      %dma_start3A_932 = tpu.memref_slice %arg11[%dma_start3A_925, %dma_start3A_931] : memref<2x80xi32, #tpu.memory_space<vmem>> -> memref<1x80xi32, #tpu.memory_space<vmem>>
      %dma_start3A_933 = tpu.memref_squeeze %dma_start3A_932 : memref<1x80xi32, #tpu.memory_space<vmem>> -> memref<80xi32, #tpu.memory_space<vmem>>
      %dma_start3A_934 = arith.constant 0 : i32
      %dma_start3A_935 = arith.constant 0 : i32
      %dma_start3A_936 = tpu.memref_slice %arg2[%dma_start3A_934, %dma_start3A_935] : memref<10000x256xf32, #tpu.memory_space<hbm>> -> memref<10000x256xf32, #tpu.memory_space<hbm>>
      tpu.enqueue_indirect_dma source(%dma_start3A_936 : memref<10000x256xf32, #tpu.memory_space<hbm>>) target(%dma_start3A_930 : memref<80x256xf32, #tpu.memory_space<vmem>>) offsets(%dma_start3A_933 : memref<80xi32, #tpu.memory_space<vmem>>) semaphore(%arg20 : memref<!tpu.dma_semaphore, #tpu.memory_space<semaphore_mem>>)
      %dma_start3A_937 = arith.constant 0 : i32
      %dma_start3A_938 = arith.constant 0 : i32
      %dma_start3A_939 = arith.constant 0 : i32
      %dma_start3A_940 = arith.constant 0 : i32
      %dma_start3A_941 = tpu.memref_slice %arg16[%dma_start3A_938, %dma_start3A_939, %dma_start3A_940] : memref<2x80x128xf32, #tpu.memory_space<vmem>> -> memref<1x80x128xf32, #tpu.memory_space<vmem>>
      %dma_start3A_942 = tpu.memref_squeeze %dma_start3A_941 : memref<1x80x128xf32, #tpu.memory_space<vmem>> -> memref<80x128xf32, #tpu.memory_space<vmem>>
      %dma_start3A_943 = arith.constant 0 : i32
      %dma_start3A_944 = tpu.memref_slice %arg12[%dma_start3A_937, %dma_start3A_943] : memref<2x80xi32, #tpu.memory_space<vmem>> -> memref<1x80xi32, #tpu.memory_space<vmem>>
      %dma_start3A_945 = tpu.memref_squeeze %dma_start3A_944 : memref<1x80xi32, #tpu.memory_space<vmem>> -> memref<80xi32, #tpu.memory_space<vmem>>
      %dma_start3A_946 = arith.constant 0 : i32
      %dma_start3A_947 = arith.constant 0 : i32
      %dma_start3A_948 = tpu.memref_slice %arg3[%dma_start3A_946, %dma_start3A_947] : memref<10000x128xf32, #tpu.memory_space<hbm>> -> memref<10000x128xf32, #tpu.memory_space<hbm>>
      tpu.enqueue_indirect_dma source(%dma_start3A_948 : memref<10000x128xf32, #tpu.memory_space<hbm>>) target(%dma_start3A_942 : memref<80x128xf32, #tpu.memory_space<vmem>>) offsets(%dma_start3A_945 : memref<80xi32, #tpu.memory_space<vmem>>) semaphore(%arg20 : memref<!tpu.dma_semaphore, #tpu.memory_space<semaphore_mem>>)
      %get3A_949 = arith.constant 0 : i32
      %get3A_950 = arith.index_cast %get3A_949 : i32 to index
      %get3A_951 = arith.constant 0 : index
      %get3A_952 = tpu.vector_load %arg11[%get3A_950, %get3A_951] {strides = array<i32>} : memref<2x80xi32, #tpu.memory_space<vmem>>, vector<16xi32>,
      %gather3A_953 = tpu.vector_load_idx %arg17[%get3A_952] : memref<10000xf32, #tpu.memory_space<vmem>>[vector<16xi32>], vector<16xf32>,
      %get3A_954 = arith.constant 0 : i32
      %get3A_955 = arith.index_cast %get3A_954 : i32 to index
      %get3A_956 = arith.constant 0 : index
      %get3A_957 = tpu.vector_load %arg13[%get3A_955, %get3A_956] {strides = array<i32>} : memref<2x80xf32, #tpu.memory_space<vmem>>, vector<16xf32>,
      %sub3A_958 = arith.subf %gather3A_953, %get3A_957 : vector<16xf32>
      %swap3A_959 = arith.constant 0 : i32
      %swap3A_960 = arith.index_cast %swap3A_959 : i32 to index
      %swap3A_961 = arith.constant 0 : index
      %swap3A_962 = tpu.vector_load %arg14[%swap3A_960, %swap3A_961] {strides = array<i32>} : memref<2x80xf32, #tpu.memory_space<vmem>>, vector<16xf32>,
      tpu.vector_store %arg14[%swap3A_960, %swap3A_961], %sub3A_958 {strides = array<i32>} : memref<2x80xf32, #tpu.memory_space<vmem>>, vector<16xf32>,
      %get3A_963 = arith.constant 0 : i32
      %get3A_964 = arith.index_cast %get3A_963 : i32 to index
      %get3A_965 = arith.constant 16 : index
      %get3A_966 = tpu.vector_load %arg11[%get3A_964, %get3A_965] {strides = array<i32>} : memref<2x80xi32, #tpu.memory_space<vmem>>, vector<16xi32>,
      %gather3A_967 = tpu.vector_load_idx %arg17[%get3A_966] : memref<10000xf32, #tpu.memory_space<vmem>>[vector<16xi32>], vector<16xf32>,
      %get3A_968 = arith.constant 0 : i32
      %get3A_969 = arith.index_cast %get3A_968 : i32 to index
      %get3A_970 = arith.constant 16 : index
      %get3A_971 = tpu.vector_load %arg13[%get3A_969, %get3A_970] {strides = array<i32>} : memref<2x80xf32, #tpu.memory_space<vmem>>, vector<16xf32>,
      %sub3A_972 = arith.subf %gather3A_967, %get3A_971 : vector<16xf32>
      %swap3A_973 = arith.constant 0 : i32
      %swap3A_974 = arith.index_cast %swap3A_973 : i32 to index
      %swap3A_975 = arith.constant 16 : index
      %swap3A_976 = tpu.vector_load %arg14[%swap3A_974, %swap3A_975] {strides = array<i32>} : memref<2x80xf32, #tpu.memory_space<vmem>>, vector<16xf32>,
      tpu.vector_store %arg14[%swap3A_974, %swap3A_975], %sub3A_972 {strides = array<i32>} : memref<2x80xf32, #tpu.memory_space<vmem>>, vector<16xf32>,
      %get3A_977 = arith.constant 0 : i32
      %get3A_978 = arith.index_cast %get3A_977 : i32 to index
      %get3A_979 = arith.constant 32 : index
      %get3A_980 = tpu.vector_load %arg11[%get3A_978, %get3A_979] {strides = array<i32>} : memref<2x80xi32, #tpu.memory_space<vmem>>, vector<16xi32>,
      %gather3A_981 = tpu.vector_load_idx %arg17[%get3A_980] : memref<10000xf32, #tpu.memory_space<vmem>>[vector<16xi32>], vector<16xf32>,
      %get3A_982 = arith.constant 0 : i32
      %get3A_983 = arith.index_cast %get3A_982 : i32 to index
      %get3A_984 = arith.constant 32 : index
      %get3A_985 = tpu.vector_load %arg13[%get3A_983, %get3A_984] {strides = array<i32>} : memref<2x80xf32, #tpu.memory_space<vmem>>, vector<16xf32>,
      %sub3A_986 = arith.subf %gather3A_981, %get3A_985 : vector<16xf32>
      %swap3A_987 = arith.constant 0 : i32
      %swap3A_988 = arith.index_cast %swap3A_987 : i32 to index
      %swap3A_989 = arith.constant 32 : index
      %swap3A_990 = tpu.vector_load %arg14[%swap3A_988, %swap3A_989] {strides = array<i32>} : memref<2x80xf32, #tpu.memory_space<vmem>>, vector<16xf32>,
      tpu.vector_store %arg14[%swap3A_988, %swap3A_989], %sub3A_986 {strides = array<i32>} : memref<2x80xf32, #tpu.memory_space<vmem>>, vector<16xf32>,
      %get3A_991 = arith.constant 0 : i32
      %get3A_992 = arith.index_cast %get3A_991 : i32 to index
      %get3A_993 = arith.constant 48 : index
      %get3A_994 = tpu.vector_load %arg11[%get3A_992, %get3A_993] {strides = array<i32>} : memref<2x80xi32, #tpu.memory_space<vmem>>, vector<16xi32>,
      %gather3A_995 = tpu.vector_load_idx %arg17[%get3A_994] : memref<10000xf32, #tpu.memory_space<vmem>>[vector<16xi32>], vector<16xf32>,
      %get3A_996 = arith.constant 0 : i32
      %get3A_997 = arith.index_cast %get3A_996 : i32 to index
      %get3A_998 = arith.constant 48 : index
      %get3A_999 = tpu.vector_load %arg13[%get3A_997, %get3A_998] {strides = array<i32>} : memref<2x80xf32, #tpu.memory_space<vmem>>, vector<16xf32>,
      %sub3A_1000 = arith.subf %gather3A_995, %get3A_999 : vector<16xf32>
      %swap3A_1001 = arith.constant 0 : i32
      %swap3A_1002 = arith.index_cast %swap3A_1001 : i32 to index
      %swap3A_1003 = arith.constant 48 : index
      %swap3A_1004 = tpu.vector_load %arg14[%swap3A_1002, %swap3A_1003] {strides = array<i32>} : memref<2x80xf32, #tpu.memory_space<vmem>>, vector<16xf32>,
      tpu.vector_store %arg14[%swap3A_1002, %swap3A_1003], %sub3A_1000 {strides = array<i32>} : memref<2x80xf32, #tpu.memory_space<vmem>>, vector<16xf32>,
      %get3A_1005 = arith.constant 0 : i32
      %get3A_1006 = arith.index_cast %get3A_1005 : i32 to index
      %get3A_1007 = arith.constant 64 : index
      %get3A_1008 = tpu.vector_load %arg11[%get3A_1006, %get3A_1007] {strides = array<i32>} : memref<2x80xi32, #tpu.memory_space<vmem>>, vector<16xi32>,
      %gather3A_1009 = tpu.vector_load_idx %arg17[%get3A_1008] : memref<10000xf32, #tpu.memory_space<vmem>>[vector<16xi32>], vector<16xf32>,
      %get3A_1010 = arith.constant 0 : i32
      %get3A_1011 = arith.index_cast %get3A_1010 : i32 to index
      %get3A_1012 = arith.constant 64 : index
      %get3A_1013 = tpu.vector_load %arg13[%get3A_1011, %get3A_1012] {strides = array<i32>} : memref<2x80xf32, #tpu.memory_space<vmem>>, vector<16xf32>,
      %sub3A_1014 = arith.subf %gather3A_1009, %get3A_1013 : vector<16xf32>
      %swap3A_1015 = arith.constant 0 : i32
      %swap3A_1016 = arith.index_cast %swap3A_1015 : i32 to index
      %swap3A_1017 = arith.constant 64 : index
      %swap3A_1018 = tpu.vector_load %arg14[%swap3A_1016, %swap3A_1017] {strides = array<i32>} : memref<2x80xf32, #tpu.memory_space<vmem>>, vector<16xf32>,
      tpu.vector_store %arg14[%swap3A_1016, %swap3A_1017], %sub3A_1014 {strides = array<i32>} : memref<2x80xf32, #tpu.memory_space<vmem>>, vector<16xf32>,
      %dma_wait3A_1019 = arith.constant 1 : i32
      %dma_wait3A_1020 = arith.constant 0 : i32
      %dma_wait3A_1021 = tpu.memref_slice %arg11[%dma_wait3A_1019, %dma_wait3A_1020] : memref<2x80xi32, #tpu.memory_space<vmem>> -> memref<1x80xi32, #tpu.memory_space<vmem>>
      %dma_wait3A_1022 = tpu.memref_squeeze %dma_wait3A_1021 : memref<1x80xi32, #tpu.memory_space<vmem>> -> memref<80xi32, #tpu.memory_space<vmem>>
      %dma_wait3A_1023 = arith.constant 0 : i32
      %dma_wait3A_1024 = tpu.memref_slice %arg5[%dma_wait3A_1023] : memref<320000xi32, #tpu.memory_space<hbm>> -> memref<80xi32, #tpu.memory_space<hbm>>
      %dma_wait3A_1025 = arith.constant 0 : i32
      %dma_wait3A_1026 = tpu.memref_slice %arg11[%dma_wait3A_1019, %dma_wait3A_1025] : memref<2x80xi32, #tpu.memory_space<vmem>> -> memref<1x80xi32, #tpu.memory_space<vmem>>
      %dma_wait3A_1027 = tpu.memref_squeeze %dma_wait3A_1026 : memref<1x80xi32, #tpu.memory_space<vmem>> -> memref<80xi32, #tpu.memory_space<vmem>>
      %dma_wait3A_1028 = arith.constant 0 : i32
      %dma_wait3A_1029 = tpu.memref_slice %arg5[%dma_wait3A_1028] : memref<320000xi32, #tpu.memory_space<hbm>> -> memref<80xi32, #tpu.memory_space<hbm>>
      tpu.wait_dma2 semaphore(%arg19 : memref<!tpu.dma_semaphore, #tpu.memory_space<semaphore_mem>>) src(%dma_wait3A_1029 : memref<80xi32, #tpu.memory_space<hbm>>) dst(%dma_wait3A_1027 : memref<80xi32, #tpu.memory_space<vmem>>)
      %dma_wait3A_1030 = arith.constant 1 : i32
      %dma_wait3A_1031 = arith.constant 0 : i32
      %dma_wait3A_1032 = tpu.memref_slice %arg12[%dma_wait3A_1030, %dma_wait3A_1031] : memref<2x80xi32, #tpu.memory_space<vmem>> -> memref<1x80xi32, #tpu.memory_space<vmem>>
      %dma_wait3A_1033 = tpu.memref_squeeze %dma_wait3A_1032 : memref<1x80xi32, #tpu.memory_space<vmem>> -> memref<80xi32, #tpu.memory_space<vmem>>
      %dma_wait3A_1034 = arith.constant 0 : i32
      %dma_wait3A_1035 = tpu.memref_slice %arg6[%dma_wait3A_1034] : memref<320000xi32, #tpu.memory_space<hbm>> -> memref<80xi32, #tpu.memory_space<hbm>>
      %dma_wait3A_1036 = arith.constant 0 : i32
      %dma_wait3A_1037 = tpu.memref_slice %arg12[%dma_wait3A_1030, %dma_wait3A_1036] : memref<2x80xi32, #tpu.memory_space<vmem>> -> memref<1x80xi32, #tpu.memory_space<vmem>>
      %dma_wait3A_1038 = tpu.memref_squeeze %dma_wait3A_1037 : memref<1x80xi32, #tpu.memory_space<vmem>> -> memref<80xi32, #tpu.memory_space<vmem>>
      %dma_wait3A_1039 = arith.constant 0 : i32
      %dma_wait3A_1040 = tpu.memref_slice %arg6[%dma_wait3A_1039] : memref<320000xi32, #tpu.memory_space<hbm>> -> memref<80xi32, #tpu.memory_space<hbm>>
      tpu.wait_dma2 semaphore(%arg19 : memref<!tpu.dma_semaphore, #tpu.memory_space<semaphore_mem>>) src(%dma_wait3A_1040 : memref<80xi32, #tpu.memory_space<hbm>>) dst(%dma_wait3A_1038 : memref<80xi32, #tpu.memory_space<vmem>>)
      %dma_wait3A_1041 = arith.constant 1 : i32
      %dma_wait3A_1042 = arith.constant 0 : i32
      %dma_wait3A_1043 = tpu.memref_slice %arg13[%dma_wait3A_1041, %dma_wait3A_1042] : memref<2x80xf32, #tpu.memory_space<vmem>> -> memref<1x80xf32, #tpu.memory_space<vmem>>
      %dma_wait3A_1044 = tpu.memref_squeeze %dma_wait3A_1043 : memref<1x80xf32, #tpu.memory_space<vmem>> -> memref<80xf32, #tpu.memory_space<vmem>>
      %dma_wait3A_1045 = arith.constant 0 : i32
      %dma_wait3A_1046 = tpu.memref_slice %arg7[%dma_wait3A_1045] : memref<320000xf32, #tpu.memory_space<hbm>> -> memref<80xf32, #tpu.memory_space<hbm>>
      %dma_wait3A_1047 = arith.constant 0 : i32
      %dma_wait3A_1048 = tpu.memref_slice %arg13[%dma_wait3A_1041, %dma_wait3A_1047] : memref<2x80xf32, #tpu.memory_space<vmem>> -> memref<1x80xf32, #tpu.memory_space<vmem>>
      %dma_wait3A_1049 = tpu.memref_squeeze %dma_wait3A_1048 : memref<1x80xf32, #tpu.memory_space<vmem>> -> memref<80xf32, #tpu.memory_space<vmem>>
      %dma_wait3A_1050 = arith.constant 0 : i32
      %dma_wait3A_1051 = tpu.memref_slice %arg7[%dma_wait3A_1050] : memref<320000xf32, #tpu.memory_space<hbm>> -> memref<80xf32, #tpu.memory_space<hbm>>
      tpu.wait_dma2 semaphore(%arg19 : memref<!tpu.dma_semaphore, #tpu.memory_space<semaphore_mem>>) src(%dma_wait3A_1051 : memref<80xf32, #tpu.memory_space<hbm>>) dst(%dma_wait3A_1049 : memref<80xf32, #tpu.memory_space<vmem>>)
      %dma_wait3A_1052 = arith.constant 1 : i32
      %dma_wait3A_1053 = arith.constant 0 : i32
      %dma_wait3A_1054 = arith.constant 0 : i32
      %dma_wait3A_1055 = tpu.memref_slice %arg15[%dma_wait3A_1052, %dma_wait3A_1053, %dma_wait3A_1054] : memref<2x80x256xf32, #tpu.memory_space<vmem>> -> memref<1x80x256xf32, #tpu.memory_space<vmem>>
      %dma_wait3A_1056 = tpu.memref_squeeze %dma_wait3A_1055 : memref<1x80x256xf32, #tpu.memory_space<vmem>> -> memref<80x256xf32, #tpu.memory_space<vmem>>
      %dma_wait3A_1057 = arith.constant 0 : i32
      %dma_wait3A_1058 = arith.constant 0 : i32
      %dma_wait3A_1059 = tpu.memref_slice %arg8[%dma_wait3A_1057, %dma_wait3A_1058] : memref<320000x256xf32, #tpu.memory_space<hbm>> -> memref<80x256xf32, #tpu.memory_space<hbm>>
      %dma_wait3A_1060 = arith.constant 0 : i32
      %dma_wait3A_1061 = arith.constant 0 : i32
      %dma_wait3A_1062 = tpu.memref_slice %arg8[%dma_wait3A_1060, %dma_wait3A_1061] : memref<320000x256xf32, #tpu.memory_space<hbm>> -> memref<80x256xf32, #tpu.memory_space<hbm>>
      %dma_wait3A_1063 = arith.constant 0 : i32
      %dma_wait3A_1064 = arith.constant 0 : i32
      %dma_wait3A_1065 = tpu.memref_slice %arg15[%dma_wait3A_1052, %dma_wait3A_1063, %dma_wait3A_1064] : memref<2x80x256xf32, #tpu.memory_space<vmem>> -> memref<1x80x256xf32, #tpu.memory_space<vmem>>
      %dma_wait3A_1066 = tpu.memref_squeeze %dma_wait3A_1065 : memref<1x80x256xf32, #tpu.memory_space<vmem>> -> memref<80x256xf32, #tpu.memory_space<vmem>>
      tpu.wait_dma2 semaphore(%arg23 : memref<!tpu.dma_semaphore, #tpu.memory_space<semaphore_mem>>) src(%dma_wait3A_1066 : memref<80x256xf32, #tpu.memory_space<vmem>>) dst(%dma_wait3A_1062 : memref<80x256xf32, #tpu.memory_space<hbm>>)
      %dma_wait3A_1067 = arith.constant 1 : i32
      %dma_wait3A_1068 = arith.constant 0 : i32
      %dma_wait3A_1069 = arith.constant 0 : i32
      %dma_wait3A_1070 = tpu.memref_slice %arg16[%dma_wait3A_1067, %dma_wait3A_1068, %dma_wait3A_1069] : memref<2x80x128xf32, #tpu.memory_space<vmem>> -> memref<1x80x128xf32, #tpu.memory_space<vmem>>
      %dma_wait3A_1071 = tpu.memref_squeeze %dma_wait3A_1070 : memref<1x80x128xf32, #tpu.memory_space<vmem>> -> memref<80x128xf32, #tpu.memory_space<vmem>>
      %dma_wait3A_1072 = arith.constant 0 : i32
      %dma_wait3A_1073 = arith.constant 0 : i32
      %dma_wait3A_1074 = tpu.memref_slice %arg9[%dma_wait3A_1072, %dma_wait3A_1073] : memref<320000x128xf32, #tpu.memory_space<hbm>> -> memref<80x128xf32, #tpu.memory_space<hbm>>
      %dma_wait3A_1075 = arith.constant 0 : i32
      %dma_wait3A_1076 = arith.constant 0 : i32
      %dma_wait3A_1077 = tpu.memref_slice %arg9[%dma_wait3A_1075, %dma_wait3A_1076] : memref<320000x128xf32, #tpu.memory_space<hbm>> -> memref<80x128xf32, #tpu.memory_space<hbm>>
      %dma_wait3A_1078 = arith.constant 0 : i32
      %dma_wait3A_1079 = arith.constant 0 : i32
      %dma_wait3A_1080 = tpu.memref_slice %arg16[%dma_wait3A_1067, %dma_wait3A_1078, %dma_wait3A_1079] : memref<2x80x128xf32, #tpu.memory_space<vmem>> -> memref<1x80x128xf32, #tpu.memory_space<vmem>>
      %dma_wait3A_1081 = tpu.memref_squeeze %dma_wait3A_1080 : memref<1x80x128xf32, #tpu.memory_space<vmem>> -> memref<80x128xf32, #tpu.memory_space<vmem>>
      tpu.wait_dma2 semaphore(%arg23 : memref<!tpu.dma_semaphore, #tpu.memory_space<semaphore_mem>>) src(%dma_wait3A_1081 : memref<80x128xf32, #tpu.memory_space<vmem>>) dst(%dma_wait3A_1077 : memref<80x128xf32, #tpu.memory_space<hbm>>)
      %dma_wait3A_1082 = arith.constant 1 : i32
      %dma_wait3A_1083 = arith.constant 0 : i32
      %dma_wait3A_1084 = tpu.memref_slice %arg14[%dma_wait3A_1082, %dma_wait3A_1083] : memref<2x80xf32, #tpu.memory_space<vmem>> -> memref<1x80xf32, #tpu.memory_space<vmem>>
      %dma_wait3A_1085 = tpu.memref_squeeze %dma_wait3A_1084 : memref<1x80xf32, #tpu.memory_space<vmem>> -> memref<80xf32, #tpu.memory_space<vmem>>
      %dma_wait3A_1086 = arith.constant 0 : i32
      %dma_wait3A_1087 = tpu.memref_slice %arg10[%dma_wait3A_1086] : memref<320000xf32, #tpu.memory_space<hbm>> -> memref<80xf32, #tpu.memory_space<hbm>>
      %dma_wait3A_1088 = arith.constant 0 : i32
      %dma_wait3A_1089 = tpu.memref_slice %arg10[%dma_wait3A_1088] : memref<320000xf32, #tpu.memory_space<hbm>> -> memref<80xf32, #tpu.memory_space<hbm>>
      %dma_wait3A_1090 = arith.constant 0 : i32
      %dma_wait3A_1091 = tpu.memref_slice %arg14[%dma_wait3A_1082, %dma_wait3A_1090] : memref<2x80xf32, #tpu.memory_space<vmem>> -> memref<1x80xf32, #tpu.memory_space<vmem>>
      %dma_wait3A_1092 = tpu.memref_squeeze %dma_wait3A_1091 : memref<1x80xf32, #tpu.memory_space<vmem>> -> memref<80xf32, #tpu.memory_space<vmem>>
      tpu.wait_dma2 semaphore(%arg23 : memref<!tpu.dma_semaphore, #tpu.memory_space<semaphore_mem>>) src(%dma_wait3A_1092 : memref<80xf32, #tpu.memory_space<vmem>>) dst(%dma_wait3A_1089 : memref<80xf32, #tpu.memory_space<hbm>>)
      %dma_start3A_1093 = arith.constant 1 : i32
      %dma_start3A_1094 = arith.constant 1 : i32
      %dma_start3A_1095 = arith.constant 0 : i32
      %dma_start3A_1096 = arith.constant 0 : i32
      %dma_start3A_1097 = tpu.memref_slice %arg15[%dma_start3A_1094, %dma_start3A_1095, %dma_start3A_1096] : memref<2x80x256xf32, #tpu.memory_space<vmem>> -> memref<1x80x256xf32, #tpu.memory_space<vmem>>
      %dma_start3A_1098 = tpu.memref_squeeze %dma_start3A_1097 : memref<1x80x256xf32, #tpu.memory_space<vmem>> -> memref<80x256xf32, #tpu.memory_space<vmem>>
      %dma_start3A_1099 = arith.constant 0 : i32
      %dma_start3A_1100 = tpu.memref_slice %arg11[%dma_start3A_1093, %dma_start3A_1099] : memref<2x80xi32, #tpu.memory_space<vmem>> -> memref<1x80xi32, #tpu.memory_space<vmem>>
      %dma_start3A_1101 = tpu.memref_squeeze %dma_start3A_1100 : memref<1x80xi32, #tpu.memory_space<vmem>> -> memref<80xi32, #tpu.memory_space<vmem>>
      %dma_start3A_1102 = arith.constant 0 : i32
      %dma_start3A_1103 = arith.constant 0 : i32
      %dma_start3A_1104 = tpu.memref_slice %arg2[%dma_start3A_1102, %dma_start3A_1103] : memref<10000x256xf32, #tpu.memory_space<hbm>> -> memref<10000x256xf32, #tpu.memory_space<hbm>>
      tpu.enqueue_indirect_dma source(%dma_start3A_1104 : memref<10000x256xf32, #tpu.memory_space<hbm>>) target(%dma_start3A_1098 : memref<80x256xf32, #tpu.memory_space<vmem>>) offsets(%dma_start3A_1101 : memref<80xi32, #tpu.memory_space<vmem>>) semaphore(%arg21 : memref<!tpu.dma_semaphore, #tpu.memory_space<semaphore_mem>>)
      %dma_start3A_1105 = arith.constant 1 : i32
      %dma_start3A_1106 = arith.constant 1 : i32
      %dma_start3A_1107 = arith.constant 0 : i32
      %dma_start3A_1108 = arith.constant 0 : i32
      %dma_start3A_1109 = tpu.memref_slice %arg16[%dma_start3A_1106, %dma_start3A_1107, %dma_start3A_1108] : memref<2x80x128xf32, #tpu.memory_space<vmem>> -> memref<1x80x128xf32, #tpu.memory_space<vmem>>
      %dma_start3A_1110 = tpu.memref_squeeze %dma_start3A_1109 : memref<1x80x128xf32, #tpu.memory_space<vmem>> -> memref<80x128xf32, #tpu.memory_space<vmem>>
      %dma_start3A_1111 = arith.constant 0 : i32
      %dma_start3A_1112 = tpu.memref_slice %arg12[%dma_start3A_1105, %dma_start3A_1111] : memref<2x80xi32, #tpu.memory_space<vmem>> -> memref<1x80xi32, #tpu.memory_space<vmem>>
      %dma_start3A_1113 = tpu.memref_squeeze %dma_start3A_1112 : memref<1x80xi32, #tpu.memory_space<vmem>> -> memref<80xi32, #tpu.memory_space<vmem>>
      %dma_start3A_1114 = arith.constant 0 : i32
      %dma_start3A_1115 = arith.constant 0 : i32
      %dma_start3A_1116 = tpu.memref_slice %arg3[%dma_start3A_1114, %dma_start3A_1115] : memref<10000x128xf32, #tpu.memory_space<hbm>> -> memref<10000x128xf32, #tpu.memory_space<hbm>>
      tpu.enqueue_indirect_dma source(%dma_start3A_1116 : memref<10000x128xf32, #tpu.memory_space<hbm>>) target(%dma_start3A_1110 : memref<80x128xf32, #tpu.memory_space<vmem>>) offsets(%dma_start3A_1113 : memref<80xi32, #tpu.memory_space<vmem>>) semaphore(%arg21 : memref<!tpu.dma_semaphore, #tpu.memory_space<semaphore_mem>>)
      %get3A_1117 = arith.constant 1 : i32
      %get3A_1118 = arith.index_cast %get3A_1117 : i32 to index
      %get3A_1119 = arith.constant 0 : index
      %get3A_1120 = tpu.vector_load %arg11[%get3A_1118, %get3A_1119] {strides = array<i32>} : memref<2x80xi32, #tpu.memory_space<vmem>>, vector<16xi32>,
      %gather3A_1121 = tpu.vector_load_idx %arg17[%get3A_1120] : memref<10000xf32, #tpu.memory_space<vmem>>[vector<16xi32>], vector<16xf32>,
      %get3A_1122 = arith.constant 1 : i32
      %get3A_1123 = arith.index_cast %get3A_1122 : i32 to index
      %get3A_1124 = arith.constant 0 : index
      %get3A_1125 = tpu.vector_load %arg13[%get3A_1123, %get3A_1124] {strides = array<i32>} : memref<2x80xf32, #tpu.memory_space<vmem>>, vector<16xf32>,
      %sub3A_1126 = arith.subf %gather3A_1121, %get3A_1125 : vector<16xf32>
      %swap3A_1127 = arith.constant 1 : i32
      %swap3A_1128 = arith.index_cast %swap3A_1127 : i32 to index
      %swap3A_1129 = arith.constant 0 : index
      %swap3A_1130 = tpu.vector_load %arg14[%swap3A_1128, %swap3A_1129] {strides = array<i32>} : memref<2x80xf32, #tpu.memory_space<vmem>>, vector<16xf32>,
      tpu.vector_store %arg14[%swap3A_1128, %swap3A_1129], %sub3A_1126 {strides = array<i32>} : memref<2x80xf32, #tpu.memory_space<vmem>>, vector<16xf32>,
      %get3A_1131 = arith.constant 1 : i32
      %get3A_1132 = arith.index_cast %get3A_1131 : i32 to index
      %get3A_1133 = arith.constant 16 : index
      %get3A_1134 = tpu.vector_load %arg11[%get3A_1132, %get3A_1133] {strides = array<i32>} : memref<2x80xi32, #tpu.memory_space<vmem>>, vector<16xi32>,
      %gather3A_1135 = tpu.vector_load_idx %arg17[%get3A_1134] : memref<10000xf32, #tpu.memory_space<vmem>>[vector<16xi32>], vector<16xf32>,
      %get3A_1136 = arith.constant 1 : i32
      %get3A_1137 = arith.index_cast %get3A_1136 : i32 to index
      %get3A_1138 = arith.constant 16 : index
      %get3A_1139 = tpu.vector_load %arg13[%get3A_1137, %get3A_1138] {strides = array<i32>} : memref<2x80xf32, #tpu.memory_space<vmem>>, vector<16xf32>,
      %sub3A_1140 = arith.subf %gather3A_1135, %get3A_1139 : vector<16xf32>
      %swap3A_1141 = arith.constant 1 : i32
      %swap3A_1142 = arith.index_cast %swap3A_1141 : i32 to index
      %swap3A_1143 = arith.constant 16 : index
      %swap3A_1144 = tpu.vector_load %arg14[%swap3A_1142, %swap3A_1143] {strides = array<i32>} : memref<2x80xf32, #tpu.memory_space<vmem>>, vector<16xf32>,
      tpu.vector_store %arg14[%swap3A_1142, %swap3A_1143], %sub3A_1140 {strides = array<i32>} : memref<2x80xf32, #tpu.memory_space<vmem>>, vector<16xf32>,
      %get3A_1145 = arith.constant 1 : i32
      %get3A_1146 = arith.index_cast %get3A_1145 : i32 to index
      %get3A_1147 = arith.constant 32 : index
      %get3A_1148 = tpu.vector_load %arg11[%get3A_1146, %get3A_1147] {strides = array<i32>} : memref<2x80xi32, #tpu.memory_space<vmem>>, vector<16xi32>,
      %gather3A_1149 = tpu.vector_load_idx %arg17[%get3A_1148] : memref<10000xf32, #tpu.memory_space<vmem>>[vector<16xi32>], vector<16xf32>,
      %get3A_1150 = arith.constant 1 : i32
      %get3A_1151 = arith.index_cast %get3A_1150 : i32 to index
      %get3A_1152 = arith.constant 32 : index
      %get3A_1153 = tpu.vector_load %arg13[%get3A_1151, %get3A_1152] {strides = array<i32>} : memref<2x80xf32, #tpu.memory_space<vmem>>, vector<16xf32>,
      %sub3A_1154 = arith.subf %gather3A_1149, %get3A_1153 : vector<16xf32>
      %swap3A_1155 = arith.constant 1 : i32
      %swap3A_1156 = arith.index_cast %swap3A_1155 : i32 to index
      %swap3A_1157 = arith.constant 32 : index
      %swap3A_1158 = tpu.vector_load %arg14[%swap3A_1156, %swap3A_1157] {strides = array<i32>} : memref<2x80xf32, #tpu.memory_space<vmem>>, vector<16xf32>,
      tpu.vector_store %arg14[%swap3A_1156, %swap3A_1157], %sub3A_1154 {strides = array<i32>} : memref<2x80xf32, #tpu.memory_space<vmem>>, vector<16xf32>,
      %get3A_1159 = arith.constant 1 : i32
      %get3A_1160 = arith.index_cast %get3A_1159 : i32 to index
      %get3A_1161 = arith.constant 48 : index
      %get3A_1162 = tpu.vector_load %arg11[%get3A_1160, %get3A_1161] {strides = array<i32>} : memref<2x80xi32, #tpu.memory_space<vmem>>, vector<16xi32>,
      %gather3A_1163 = tpu.vector_load_idx %arg17[%get3A_1162] : memref<10000xf32, #tpu.memory_space<vmem>>[vector<16xi32>], vector<16xf32>,
      %get3A_1164 = arith.constant 1 : i32
      %get3A_1165 = arith.index_cast %get3A_1164 : i32 to index
      %get3A_1166 = arith.constant 48 : index
      %get3A_1167 = tpu.vector_load %arg13[%get3A_1165, %get3A_1166] {strides = array<i32>} : memref<2x80xf32, #tpu.memory_space<vmem>>, vector<16xf32>,
      %sub3A_1168 = arith.subf %gather3A_1163, %get3A_1167 : vector<16xf32>
      %swap3A_1169 = arith.constant 1 : i32
      %swap3A_1170 = arith.index_cast %swap3A_1169 : i32 to index
      %swap3A_1171 = arith.constant 48 : index
      %swap3A_1172 = tpu.vector_load %arg14[%swap3A_1170, %swap3A_1171] {strides = array<i32>} : memref<2x80xf32, #tpu.memory_space<vmem>>, vector<16xf32>,
      tpu.vector_store %arg14[%swap3A_1170, %swap3A_1171], %sub3A_1168 {strides = array<i32>} : memref<2x80xf32, #tpu.memory_space<vmem>>, vector<16xf32>,
      %get3A_1173 = arith.constant 1 : i32
      %get3A_1174 = arith.index_cast %get3A_1173 : i32 to index
      %get3A_1175 = arith.constant 64 : index
      %get3A_1176 = tpu.vector_load %arg11[%get3A_1174, %get3A_1175] {strides = array<i32>} : memref<2x80xi32, #tpu.memory_space<vmem>>, vector<16xi32>,
      %gather3A_1177 = tpu.vector_load_idx %arg17[%get3A_1176] : memref<10000xf32, #tpu.memory_space<vmem>>[vector<16xi32>], vector<16xf32>,
      %get3A_1178 = arith.constant 1 : i32
      %get3A_1179 = arith.index_cast %get3A_1178 : i32 to index
      %get3A_1180 = arith.constant 64 : index
      %get3A_1181 = tpu.vector_load %arg13[%get3A_1179, %get3A_1180] {strides = array<i32>} : memref<2x80xf32, #tpu.memory_space<vmem>>, vector<16xf32>,
      %sub3A_1182 = arith.subf %gather3A_1177, %get3A_1181 : vector<16xf32>
      %swap3A_1183 = arith.constant 1 : i32
      %swap3A_1184 = arith.index_cast %swap3A_1183 : i32 to index
      %swap3A_1185 = arith.constant 64 : index
      %swap3A_1186 = tpu.vector_load %arg14[%swap3A_1184, %swap3A_1185] {strides = array<i32>} : memref<2x80xf32, #tpu.memory_space<vmem>>, vector<16xf32>,
      tpu.vector_store %arg14[%swap3A_1184, %swap3A_1185], %sub3A_1182 {strides = array<i32>} : memref<2x80xf32, #tpu.memory_space<vmem>>, vector<16xf32>,
      %dma_wait3A_1187 = arith.constant 0 : i32
      %dma_wait3A_1188 = arith.constant 0 : i32
      %dma_wait3A_1189 = arith.constant 0 : i32
      %dma_wait3A_1190 = arith.constant 0 : i32
      %dma_wait3A_1191 = tpu.memref_slice %arg15[%dma_wait3A_1188, %dma_wait3A_1189, %dma_wait3A_1190] : memref<2x80x256xf32, #tpu.memory_space<vmem>> -> memref<1x80x256xf32, #tpu.memory_space<vmem>>
      %dma_wait3A_1192 = tpu.memref_squeeze %dma_wait3A_1191 : memref<1x80x256xf32, #tpu.memory_space<vmem>> -> memref<80x256xf32, #tpu.memory_space<vmem>>
      %dma_wait3A_1193 = arith.constant 0 : i32
      %dma_wait3A_1194 = tpu.memref_slice %arg11[%dma_wait3A_1187, %dma_wait3A_1193] : memref<2x80xi32, #tpu.memory_space<vmem>> -> memref<1x80xi32, #tpu.memory_space<vmem>>
      %dma_wait3A_1195 = tpu.memref_squeeze %dma_wait3A_1194 : memref<1x80xi32, #tpu.memory_space<vmem>> -> memref<80xi32, #tpu.memory_space<vmem>>
      %dma_wait3A_1196 = arith.constant 0 : i32
      %dma_wait3A_1197 = arith.constant 0 : i32
      %dma_wait3A_1198 = tpu.memref_slice %arg2[%dma_wait3A_1196, %dma_wait3A_1197] : memref<10000x256xf32, #tpu.memory_space<hbm>> -> memref<10000x256xf32, #tpu.memory_space<hbm>>
      tpu.wait_indirect_dma semaphore(%arg20 : memref<!tpu.dma_semaphore, #tpu.memory_space<semaphore_mem>>) src(%dma_wait3A_1198 : memref<10000x256xf32, #tpu.memory_space<hbm>>) dst(%dma_wait3A_1192 : memref<80x256xf32, #tpu.memory_space<vmem>>)
      %dma_wait3A_1199 = arith.constant 0 : i32
      %dma_wait3A_1200 = arith.constant 0 : i32
      %dma_wait3A_1201 = arith.constant 0 : i32
      %dma_wait3A_1202 = arith.constant 0 : i32
      %dma_wait3A_1203 = tpu.memref_slice %arg16[%dma_wait3A_1200, %dma_wait3A_1201, %dma_wait3A_1202] : memref<2x80x128xf32, #tpu.memory_space<vmem>> -> memref<1x80x128xf32, #tpu.memory_space<vmem>>
      %dma_wait3A_1204 = tpu.memref_squeeze %dma_wait3A_1203 : memref<1x80x128xf32, #tpu.memory_space<vmem>> -> memref<80x128xf32, #tpu.memory_space<vmem>>
      %dma_wait3A_1205 = arith.constant 0 : i32
      %dma_wait3A_1206 = tpu.memref_slice %arg12[%dma_wait3A_1199, %dma_wait3A_1205] : memref<2x80xi32, #tpu.memory_space<vmem>> -> memref<1x80xi32, #tpu.memory_space<vmem>>
      %dma_wait3A_1207 = tpu.memref_squeeze %dma_wait3A_1206 : memref<1x80xi32, #tpu.memory_space<vmem>> -> memref<80xi32, #tpu.memory_space<vmem>>
      %dma_wait3A_1208 = arith.constant 0 : i32
      %dma_wait3A_1209 = arith.constant 0 : i32
      %dma_wait3A_1210 = tpu.memref_slice %arg3[%dma_wait3A_1208, %dma_wait3A_1209] : memref<10000x128xf32, #tpu.memory_space<hbm>> -> memref<10000x128xf32, #tpu.memory_space<hbm>>
      tpu.wait_indirect_dma semaphore(%arg20 : memref<!tpu.dma_semaphore, #tpu.memory_space<semaphore_mem>>) src(%dma_wait3A_1210 : memref<10000x128xf32, #tpu.memory_space<hbm>>) dst(%dma_wait3A_1204 : memref<80x128xf32, #tpu.memory_space<vmem>>)
      %mul3A_1211 = arith.constant 80 : i32
      %mul3A_1212 = arith.muli %mul3A_850, %mul3A_1211 : i32
      %add3A_1213 = arith.addi %mul3A_2, %mul3A_1212 : i32
      %dma_start3A_1214 = arith.constant 0 : i32
      %dma_start3A_1215 = arith.constant 0 : i32
      %dma_start3A_1216 = arith.constant 0 : i32
      %dma_start3A_1217 = tpu.memref_slice %arg15[%dma_start3A_1214, %dma_start3A_1215, %dma_start3A_1216] : memref<2x80x256xf32, #tpu.memory_space<vmem>> -> memref<1x80x256xf32, #tpu.memory_space<vmem>>
      %dma_start3A_1218 = tpu.memref_squeeze %dma_start3A_1217 : memref<1x80x256xf32, #tpu.memory_space<vmem>> -> memref<80x256xf32, #tpu.memory_space<vmem>>
      %dma_start3A_1219 = arith.constant 0 : i32
      %dma_start3A_1220 = tpu.memref_slice %arg8[%add3A_1213, %dma_start3A_1219] : memref<320000x256xf32, #tpu.memory_space<hbm>> -> memref<80x256xf32, #tpu.memory_space<hbm>>
      %dma_start3A_1221 = arith.constant 0 : i32
      %dma_start3A_1222 = tpu.memref_slice %arg8[%add3A_1213, %dma_start3A_1221] : memref<320000x256xf32, #tpu.memory_space<hbm>> -> memref<80x256xf32, #tpu.memory_space<hbm>>
      %dma_start3A_1223 = arith.constant 0 : i32
      %dma_start3A_1224 = arith.constant 0 : i32
      %dma_start3A_1225 = tpu.memref_slice %arg15[%dma_start3A_1214, %dma_start3A_1223, %dma_start3A_1224] : memref<2x80x256xf32, #tpu.memory_space<vmem>> -> memref<1x80x256xf32, #tpu.memory_space<vmem>>
      %dma_start3A_1226 = tpu.memref_squeeze %dma_start3A_1225 : memref<1x80x256xf32, #tpu.memory_space<vmem>> -> memref<80x256xf32, #tpu.memory_space<vmem>>
      tpu.enqueue_dma source(%dma_start3A_1226 : memref<80x256xf32, #tpu.memory_space<vmem>>) target(%dma_start3A_1222 : memref<80x256xf32, #tpu.memory_space<hbm>>) target_semaphore(%arg22 : memref<!tpu.dma_semaphore, #tpu.memory_space<semaphore_mem>>)
      %dma_start3A_1227 = arith.constant 0 : i32
      %dma_start3A_1228 = arith.constant 0 : i32
      %dma_start3A_1229 = arith.constant 0 : i32
      %dma_start3A_1230 = tpu.memref_slice %arg16[%dma_start3A_1227, %dma_start3A_1228, %dma_start3A_1229] : memref<2x80x128xf32, #tpu.memory_space<vmem>> -> memref<1x80x128xf32, #tpu.memory_space<vmem>>
      %dma_start3A_1231 = tpu.memref_squeeze %dma_start3A_1230 : memref<1x80x128xf32, #tpu.memory_space<vmem>> -> memref<80x128xf32, #tpu.memory_space<vmem>>
      %dma_start3A_1232 = arith.constant 0 : i32
      %dma_start3A_1233 = tpu.memref_slice %arg9[%add3A_1213, %dma_start3A_1232] : memref<320000x128xf32, #tpu.memory_space<hbm>> -> memref<80x128xf32, #tpu.memory_space<hbm>>
      %dma_start3A_1234 = arith.constant 0 : i32
      %dma_start3A_1235 = tpu.memref_slice %arg9[%add3A_1213, %dma_start3A_1234] : memref<320000x128xf32, #tpu.memory_space<hbm>> -> memref<80x128xf32, #tpu.memory_space<hbm>>
      %dma_start3A_1236 = arith.constant 0 : i32
      %dma_start3A_1237 = arith.constant 0 : i32
      %dma_start3A_1238 = tpu.memref_slice %arg16[%dma_start3A_1227, %dma_start3A_1236, %dma_start3A_1237] : memref<2x80x128xf32, #tpu.memory_space<vmem>> -> memref<1x80x128xf32, #tpu.memory_space<vmem>>
      %dma_start3A_1239 = tpu.memref_squeeze %dma_start3A_1238 : memref<1x80x128xf32, #tpu.memory_space<vmem>> -> memref<80x128xf32, #tpu.memory_space<vmem>>
      tpu.enqueue_dma source(%dma_start3A_1239 : memref<80x128xf32, #tpu.memory_space<vmem>>) target(%dma_start3A_1235 : memref<80x128xf32, #tpu.memory_space<hbm>>) target_semaphore(%arg22 : memref<!tpu.dma_semaphore, #tpu.memory_space<semaphore_mem>>)
      %dma_start3A_1240 = arith.constant 0 : i32
      %dma_start3A_1241 = arith.constant 0 : i32
      %dma_start3A_1242 = tpu.memref_slice %arg14[%dma_start3A_1240, %dma_start3A_1241] : memref<2x80xf32, #tpu.memory_space<vmem>> -> memref<1x80xf32, #tpu.memory_space<vmem>>
      %dma_start3A_1243 = tpu.memref_squeeze %dma_start3A_1242 : memref<1x80xf32, #tpu.memory_space<vmem>> -> memref<80xf32, #tpu.memory_space<vmem>>
      %dma_start3A_1244 = tpu.memref_slice %arg10[%add3A_1213] : memref<320000xf32, #tpu.memory_space<hbm>> -> memref<80xf32, #tpu.memory_space<hbm>>
      %dma_start3A_1245 = tpu.memref_slice %arg10[%add3A_1213] : memref<320000xf32, #tpu.memory_space<hbm>> -> memref<80xf32, #tpu.memory_space<hbm>>
      %dma_start3A_1246 = arith.constant 0 : i32
      %dma_start3A_1247 = tpu.memref_slice %arg14[%dma_start3A_1240, %dma_start3A_1246] : memref<2x80xf32, #tpu.memory_space<vmem>> -> memref<1x80xf32, #tpu.memory_space<vmem>>
      %dma_start3A_1248 = tpu.memref_squeeze %dma_start3A_1247 : memref<1x80xf32, #tpu.memory_space<vmem>> -> memref<80xf32, #tpu.memory_space<vmem>>
      tpu.enqueue_dma source(%dma_start3A_1248 : memref<80xf32, #tpu.memory_space<vmem>>) target(%dma_start3A_1245 : memref<80xf32, #tpu.memory_space<hbm>>) target_semaphore(%arg22 : memref<!tpu.dma_semaphore, #tpu.memory_space<semaphore_mem>>)
      %add3A_1249 = arith.constant 2 : i32
      %add3A_1250 = arith.addi %mul3A_850, %add3A_1249 : i32
      %mul3A_1251 = arith.constant 80 : i32
      %mul3A_1252 = arith.muli %add3A_1250, %mul3A_1251 : i32
      %add3A_1253 = arith.addi %mul3A_2, %mul3A_1252 : i32
      %min3A_1254 = arith.constant 319920 : i32
      %min3A_1255 = arith.minsi %add3A_1253, %min3A_1254 : i32
      %dma_start3A_1256 = arith.constant 0 : i32
      %dma_start3A_1257 = arith.constant 0 : i32
      %dma_start3A_1258 = tpu.memref_slice %arg11[%dma_start3A_1256, %dma_start3A_1257] : memref<2x80xi32, #tpu.memory_space<vmem>> -> memref<1x80xi32, #tpu.memory_space<vmem>>
      %dma_start3A_1259 = tpu.memref_squeeze %dma_start3A_1258 : memref<1x80xi32, #tpu.memory_space<vmem>> -> memref<80xi32, #tpu.memory_space<vmem>>
      %dma_start3A_1260 = tpu.memref_slice %arg5[%min3A_1255] : memref<320000xi32, #tpu.memory_space<hbm>> -> memref<80xi32, #tpu.memory_space<hbm>>
      %dma_start3A_1261 = arith.constant 0 : i32
      %dma_start3A_1262 = tpu.memref_slice %arg11[%dma_start3A_1256, %dma_start3A_1261] : memref<2x80xi32, #tpu.memory_space<vmem>> -> memref<1x80xi32, #tpu.memory_space<vmem>>
      %dma_start3A_1263 = tpu.memref_squeeze %dma_start3A_1262 : memref<1x80xi32, #tpu.memory_space<vmem>> -> memref<80xi32, #tpu.memory_space<vmem>>
      %dma_start3A_1264 = tpu.memref_slice %arg5[%min3A_1255] : memref<320000xi32, #tpu.memory_space<hbm>> -> memref<80xi32, #tpu.memory_space<hbm>>
      tpu.enqueue_dma source(%dma_start3A_1264 : memref<80xi32, #tpu.memory_space<hbm>>) target(%dma_start3A_1263 : memref<80xi32, #tpu.memory_space<vmem>>) target_semaphore(%arg18 : memref<!tpu.dma_semaphore, #tpu.memory_space<semaphore_mem>>)
      %dma_start3A_1265 = arith.constant 0 : i32
      %dma_start3A_1266 = arith.constant 0 : i32
      %dma_start3A_1267 = tpu.memref_slice %arg12[%dma_start3A_1265, %dma_start3A_1266] : memref<2x80xi32, #tpu.memory_space<vmem>> -> memref<1x80xi32, #tpu.memory_space<vmem>>
      %dma_start3A_1268 = tpu.memref_squeeze %dma_start3A_1267 : memref<1x80xi32, #tpu.memory_space<vmem>> -> memref<80xi32, #tpu.memory_space<vmem>>
      %dma_start3A_1269 = tpu.memref_slice %arg6[%min3A_1255] : memref<320000xi32, #tpu.memory_space<hbm>> -> memref<80xi32, #tpu.memory_space<hbm>>
      %dma_start3A_1270 = arith.constant 0 : i32
      %dma_start3A_1271 = tpu.memref_slice %arg12[%dma_start3A_1265, %dma_start3A_1270] : memref<2x80xi32, #tpu.memory_space<vmem>> -> memref<1x80xi32, #tpu.memory_space<vmem>>
      %dma_start3A_1272 = tpu.memref_squeeze %dma_start3A_1271 : memref<1x80xi32, #tpu.memory_space<vmem>> -> memref<80xi32, #tpu.memory_space<vmem>>
      %dma_start3A_1273 = tpu.memref_slice %arg6[%min3A_1255] : memref<320000xi32, #tpu.memory_space<hbm>> -> memref<80xi32, #tpu.memory_space<hbm>>
      tpu.enqueue_dma source(%dma_start3A_1273 : memref<80xi32, #tpu.memory_space<hbm>>) target(%dma_start3A_1272 : memref<80xi32, #tpu.memory_space<vmem>>) target_semaphore(%arg18 : memref<!tpu.dma_semaphore, #tpu.memory_space<semaphore_mem>>)
      %dma_start3A_1274 = arith.constant 0 : i32
      %dma_start3A_1275 = arith.constant 0 : i32
      %dma_start3A_1276 = tpu.memref_slice %arg13[%dma_start3A_1274, %dma_start3A_1275] : memref<2x80xf32, #tpu.memory_space<vmem>> -> memref<1x80xf32, #tpu.memory_space<vmem>>
      %dma_start3A_1277 = tpu.memref_squeeze %dma_start3A_1276 : memref<1x80xf32, #tpu.memory_space<vmem>> -> memref<80xf32, #tpu.memory_space<vmem>>
      %dma_start3A_1278 = tpu.memref_slice %arg7[%min3A_1255] : memref<320000xf32, #tpu.memory_space<hbm>> -> memref<80xf32, #tpu.memory_space<hbm>>
      %dma_start3A_1279 = arith.constant 0 : i32
      %dma_start3A_1280 = tpu.memref_slice %arg13[%dma_start3A_1274, %dma_start3A_1279] : memref<2x80xf32, #tpu.memory_space<vmem>> -> memref<1x80xf32, #tpu.memory_space<vmem>>
      %dma_start3A_1281 = tpu.memref_squeeze %dma_start3A_1280 : memref<1x80xf32, #tpu.memory_space<vmem>> -> memref<80xf32, #tpu.memory_space<vmem>>
      %dma_start3A_1282 = tpu.memref_slice %arg7[%min3A_1255] : memref<320000xf32, #tpu.memory_space<hbm>> -> memref<80xf32, #tpu.memory_space<hbm>>
      tpu.enqueue_dma source(%dma_start3A_1282 : memref<80xf32, #tpu.memory_space<hbm>>) target(%dma_start3A_1281 : memref<80xf32, #tpu.memory_space<vmem>>) target_semaphore(%arg18 : memref<!tpu.dma_semaphore, #tpu.memory_space<semaphore_mem>>)
      %dma_wait3A_1283 = arith.constant 1 : i32
      %dma_wait3A_1284 = arith.constant 1 : i32
      %dma_wait3A_1285 = arith.constant 0 : i32
      %dma_wait3A_1286 = arith.constant 0 : i32
      %dma_wait3A_1287 = tpu.memref_slice %arg15[%dma_wait3A_1284, %dma_wait3A_1285, %dma_wait3A_1286] : memref<2x80x256xf32, #tpu.memory_space<vmem>> -> memref<1x80x256xf32, #tpu.memory_space<vmem>>
      %dma_wait3A_1288 = tpu.memref_squeeze %dma_wait3A_1287 : memref<1x80x256xf32, #tpu.memory_space<vmem>> -> memref<80x256xf32, #tpu.memory_space<vmem>>
      %dma_wait3A_1289 = arith.constant 0 : i32
      %dma_wait3A_1290 = tpu.memref_slice %arg11[%dma_wait3A_1283, %dma_wait3A_1289] : memref<2x80xi32, #tpu.memory_space<vmem>> -> memref<1x80xi32, #tpu.memory_space<vmem>>
      %dma_wait3A_1291 = tpu.memref_squeeze %dma_wait3A_1290 : memref<1x80xi32, #tpu.memory_space<vmem>> -> memref<80xi32, #tpu.memory_space<vmem>>
      %dma_wait3A_1292 = arith.constant 0 : i32
      %dma_wait3A_1293 = arith.constant 0 : i32
      %dma_wait3A_1294 = tpu.memref_slice %arg2[%dma_wait3A_1292, %dma_wait3A_1293] : memref<10000x256xf32, #tpu.memory_space<hbm>> -> memref<10000x256xf32, #tpu.memory_space<hbm>>
      tpu.wait_indirect_dma semaphore(%arg21 : memref<!tpu.dma_semaphore, #tpu.memory_space<semaphore_mem>>) src(%dma_wait3A_1294 : memref<10000x256xf32, #tpu.memory_space<hbm>>) dst(%dma_wait3A_1288 : memref<80x256xf32, #tpu.memory_space<vmem>>)
      %dma_wait3A_1295 = arith.constant 1 : i32
      %dma_wait3A_1296 = arith.constant 1 : i32
      %dma_wait3A_1297 = arith.constant 0 : i32
      %dma_wait3A_1298 = arith.constant 0 : i32
      %dma_wait3A_1299 = tpu.memref_slice %arg16[%dma_wait3A_1296, %dma_wait3A_1297, %dma_wait3A_1298] : memref<2x80x128xf32, #tpu.memory_space<vmem>> -> memref<1x80x128xf32, #tpu.memory_space<vmem>>
      %dma_wait3A_1300 = tpu.memref_squeeze %dma_wait3A_1299 : memref<1x80x128xf32, #tpu.memory_space<vmem>> -> memref<80x128xf32, #tpu.memory_space<vmem>>
      %dma_wait3A_1301 = arith.constant 0 : i32
      %dma_wait3A_1302 = tpu.memref_slice %arg12[%dma_wait3A_1295, %dma_wait3A_1301] : memref<2x80xi32, #tpu.memory_space<vmem>> -> memref<1x80xi32, #tpu.memory_space<vmem>>
      %dma_wait3A_1303 = tpu.memref_squeeze %dma_wait3A_1302 : memref<1x80xi32, #tpu.memory_space<vmem>> -> memref<80xi32, #tpu.memory_space<vmem>>
      %dma_wait3A_1304 = arith.constant 0 : i32
      %dma_wait3A_1305 = arith.constant 0 : i32
      %dma_wait3A_1306 = tpu.memref_slice %arg3[%dma_wait3A_1304, %dma_wait3A_1305] : memref<10000x128xf32, #tpu.memory_space<hbm>> -> memref<10000x128xf32, #tpu.memory_space<hbm>>
      tpu.wait_indirect_dma semaphore(%arg21 : memref<!tpu.dma_semaphore, #tpu.memory_space<semaphore_mem>>) src(%dma_wait3A_1306 : memref<10000x128xf32, #tpu.memory_space<hbm>>) dst(%dma_wait3A_1300 : memref<80x128xf32, #tpu.memory_space<vmem>>)
      %add3A_1307 = arith.constant 1 : i32
      %add3A_1308 = arith.addi %mul3A_850, %add3A_1307 : i32
      %mul3A_1309 = arith.constant 80 : i32
      %mul3A_1310 = arith.muli %add3A_1308, %mul3A_1309 : i32
      %add3A_1311 = arith.addi %mul3A_2, %mul3A_1310 : i32
      %dma_start3A_1312 = arith.constant 1 : i32
      %dma_start3A_1313 = arith.constant 0 : i32
      %dma_start3A_1314 = arith.constant 0 : i32
      %dma_start3A_1315 = tpu.memref_slice %arg15[%dma_start3A_1312, %dma_start3A_1313, %dma_start3A_1314] : memref<2x80x256xf32, #tpu.memory_space<vmem>> -> memref<1x80x256xf32, #tpu.memory_space<vmem>>
      %dma_start3A_1316 = tpu.memref_squeeze %dma_start3A_1315 : memref<1x80x256xf32, #tpu.memory_space<vmem>> -> memref<80x256xf32, #tpu.memory_space<vmem>>
      %dma_start3A_1317 = arith.constant 0 : i32
      %dma_start3A_1318 = tpu.memref_slice %arg8[%add3A_1311, %dma_start3A_1317] : memref<320000x256xf32, #tpu.memory_space<hbm>> -> memref<80x256xf32, #tpu.memory_space<hbm>>
      %dma_start3A_1319 = arith.constant 0 : i32
      %dma_start3A_1320 = tpu.memref_slice %arg8[%add3A_1311, %dma_start3A_1319] : memref<320000x256xf32, #tpu.memory_space<hbm>> -> memref<80x256xf32, #tpu.memory_space<hbm>>
      %dma_start3A_1321 = arith.constant 0 : i32
      %dma_start3A_1322 = arith.constant 0 : i32
      %dma_start3A_1323 = tpu.memref_slice %arg15[%dma_start3A_1312, %dma_start3A_1321, %dma_start3A_1322] : memref<2x80x256xf32, #tpu.memory_space<vmem>> -> memref<1x80x256xf32, #tpu.memory_space<vmem>>
      %dma_start3A_1324 = tpu.memref_squeeze %dma_start3A_1323 : memref<1x80x256xf32, #tpu.memory_space<vmem>> -> memref<80x256xf32, #tpu.memory_space<vmem>>
      tpu.enqueue_dma source(%dma_start3A_1324 : memref<80x256xf32, #tpu.memory_space<vmem>>) target(%dma_start3A_1320 : memref<80x256xf32, #tpu.memory_space<hbm>>) target_semaphore(%arg23 : memref<!tpu.dma_semaphore, #tpu.memory_space<semaphore_mem>>)
      %dma_start3A_1325 = arith.constant 1 : i32
      %dma_start3A_1326 = arith.constant 0 : i32
      %dma_start3A_1327 = arith.constant 0 : i32
      %dma_start3A_1328 = tpu.memref_slice %arg16[%dma_start3A_1325, %dma_start3A_1326, %dma_start3A_1327] : memref<2x80x128xf32, #tpu.memory_space<vmem>> -> memref<1x80x128xf32, #tpu.memory_space<vmem>>
      %dma_start3A_1329 = tpu.memref_squeeze %dma_start3A_1328 : memref<1x80x128xf32, #tpu.memory_space<vmem>> -> memref<80x128xf32, #tpu.memory_space<vmem>>
      %dma_start3A_1330 = arith.constant 0 : i32
      %dma_start3A_1331 = tpu.memref_slice %arg9[%add3A_1311, %dma_start3A_1330] : memref<320000x128xf32, #tpu.memory_space<hbm>> -> memref<80x128xf32, #tpu.memory_space<hbm>>
      %dma_start3A_1332 = arith.constant 0 : i32
      %dma_start3A_1333 = tpu.memref_slice %arg9[%add3A_1311, %dma_start3A_1332] : memref<320000x128xf32, #tpu.memory_space<hbm>> -> memref<80x128xf32, #tpu.memory_space<hbm>>
      %dma_start3A_1334 = arith.constant 0 : i32
      %dma_start3A_1335 = arith.constant 0 : i32
      %dma_start3A_1336 = tpu.memref_slice %arg16[%dma_start3A_1325, %dma_start3A_1334, %dma_start3A_1335] : memref<2x80x128xf32, #tpu.memory_space<vmem>> -> memref<1x80x128xf32, #tpu.memory_space<vmem>>
      %dma_start3A_1337 = tpu.memref_squeeze %dma_start3A_1336 : memref<1x80x128xf32, #tpu.memory_space<vmem>> -> memref<80x128xf32, #tpu.memory_space<vmem>>
      tpu.enqueue_dma source(%dma_start3A_1337 : memref<80x128xf32, #tpu.memory_space<vmem>>) target(%dma_start3A_1333 : memref<80x128xf32, #tpu.memory_space<hbm>>) target_semaphore(%arg23 : memref<!tpu.dma_semaphore, #tpu.memory_space<semaphore_mem>>)
      %dma_start3A_1338 = arith.constant 1 : i32
      %dma_start3A_1339 = arith.constant 0 : i32
      %dma_start3A_1340 = tpu.memref_slice %arg14[%dma_start3A_1338, %dma_start3A_1339] : memref<2x80xf32, #tpu.memory_space<vmem>> -> memref<1x80xf32, #tpu.memory_space<vmem>>
      %dma_start3A_1341 = tpu.memref_squeeze %dma_start3A_1340 : memref<1x80xf32, #tpu.memory_space<vmem>> -> memref<80xf32, #tpu.memory_space<vmem>>
      %dma_start3A_1342 = tpu.memref_slice %arg10[%add3A_1311] : memref<320000xf32, #tpu.memory_space<hbm>> -> memref<80xf32, #tpu.memory_space<hbm>>
      %dma_start3A_1343 = tpu.memref_slice %arg10[%add3A_1311] : memref<320000xf32, #tpu.memory_space<hbm>> -> memref<80xf32, #tpu.memory_space<hbm>>
      %dma_start3A_1344 = arith.constant 0 : i32
      %dma_start3A_1345 = tpu.memref_slice %arg14[%dma_start3A_1338, %dma_start3A_1344] : memref<2x80xf32, #tpu.memory_space<vmem>> -> memref<1x80xf32, #tpu.memory_space<vmem>>
      %dma_start3A_1346 = tpu.memref_squeeze %dma_start3A_1345 : memref<1x80xf32, #tpu.memory_space<vmem>> -> memref<80xf32, #tpu.memory_space<vmem>>
      tpu.enqueue_dma source(%dma_start3A_1346 : memref<80xf32, #tpu.memory_space<vmem>>) target(%dma_start3A_1343 : memref<80xf32, #tpu.memory_space<hbm>>) target_semaphore(%arg23 : memref<!tpu.dma_semaphore, #tpu.memory_space<semaphore_mem>>)
      %add3A_1347 = arith.constant 3 : i32
      %add3A_1348 = arith.addi %mul3A_850, %add3A_1347 : i32
      %mul3A_1349 = arith.constant 80 : i32
      %mul3A_1350 = arith.muli %add3A_1348, %mul3A_1349 : i32
      %add3A_1351 = arith.addi %mul3A_2, %mul3A_1350 : i32
      %min3A_1352 = arith.constant 319920 : i32
      %min3A_1353 = arith.minsi %add3A_1351, %min3A_1352 : i32
      %dma_start3A_1354 = arith.constant 1 : i32
      %dma_start3A_1355 = arith.constant 0 : i32
      %dma_start3A_1356 = tpu.memref_slice %arg11[%dma_start3A_1354, %dma_start3A_1355] : memref<2x80xi32, #tpu.memory_space<vmem>> -> memref<1x80xi32, #tpu.memory_space<vmem>>
      %dma_start3A_1357 = tpu.memref_squeeze %dma_start3A_1356 : memref<1x80xi32, #tpu.memory_space<vmem>> -> memref<80xi32, #tpu.memory_space<vmem>>
      %dma_start3A_1358 = tpu.memref_slice %arg5[%min3A_1353] : memref<320000xi32, #tpu.memory_space<hbm>> -> memref<80xi32, #tpu.memory_space<hbm>>
      %dma_start3A_1359 = arith.constant 0 : i32
      %dma_start3A_1360 = tpu.memref_slice %arg11[%dma_start3A_1354, %dma_start3A_1359] : memref<2x80xi32, #tpu.memory_space<vmem>> -> memref<1x80xi32, #tpu.memory_space<vmem>>
      %dma_start3A_1361 = tpu.memref_squeeze %dma_start3A_1360 : memref<1x80xi32, #tpu.memory_space<vmem>> -> memref<80xi32, #tpu.memory_space<vmem>>
      %dma_start3A_1362 = tpu.memref_slice %arg5[%min3A_1353] : memref<320000xi32, #tpu.memory_space<hbm>> -> memref<80xi32, #tpu.memory_space<hbm>>
      tpu.enqueue_dma source(%dma_start3A_1362 : memref<80xi32, #tpu.memory_space<hbm>>) target(%dma_start3A_1361 : memref<80xi32, #tpu.memory_space<vmem>>) target_semaphore(%arg19 : memref<!tpu.dma_semaphore, #tpu.memory_space<semaphore_mem>>)
      %dma_start3A_1363 = arith.constant 1 : i32
      %dma_start3A_1364 = arith.constant 0 : i32
      %dma_start3A_1365 = tpu.memref_slice %arg12[%dma_start3A_1363, %dma_start3A_1364] : memref<2x80xi32, #tpu.memory_space<vmem>> -> memref<1x80xi32, #tpu.memory_space<vmem>>
      %dma_start3A_1366 = tpu.memref_squeeze %dma_start3A_1365 : memref<1x80xi32, #tpu.memory_space<vmem>> -> memref<80xi32, #tpu.memory_space<vmem>>
      %dma_start3A_1367 = tpu.memref_slice %arg6[%min3A_1353] : memref<320000xi32, #tpu.memory_space<hbm>> -> memref<80xi32, #tpu.memory_space<hbm>>
      %dma_start3A_1368 = arith.constant 0 : i32
      %dma_start3A_1369 = tpu.memref_slice %arg12[%dma_start3A_1363, %dma_start3A_1368] : memref<2x80xi32, #tpu.memory_space<vmem>> -> memref<1x80xi32, #tpu.memory_space<vmem>>
      %dma_start3A_1370 = tpu.memref_squeeze %dma_start3A_1369 : memref<1x80xi32, #tpu.memory_space<vmem>> -> memref<80xi32, #tpu.memory_space<vmem>>
      %dma_start3A_1371 = tpu.memref_slice %arg6[%min3A_1353] : memref<320000xi32, #tpu.memory_space<hbm>> -> memref<80xi32, #tpu.memory_space<hbm>>
      tpu.enqueue_dma source(%dma_start3A_1371 : memref<80xi32, #tpu.memory_space<hbm>>) target(%dma_start3A_1370 : memref<80xi32, #tpu.memory_space<vmem>>) target_semaphore(%arg19 : memref<!tpu.dma_semaphore, #tpu.memory_space<semaphore_mem>>)
      %dma_start3A_1372 = arith.constant 1 : i32
      %dma_start3A_1373 = arith.constant 0 : i32
      %dma_start3A_1374 = tpu.memref_slice %arg13[%dma_start3A_1372, %dma_start3A_1373] : memref<2x80xf32, #tpu.memory_space<vmem>> -> memref<1x80xf32, #tpu.memory_space<vmem>>
      %dma_start3A_1375 = tpu.memref_squeeze %dma_start3A_1374 : memref<1x80xf32, #tpu.memory_space<vmem>> -> memref<80xf32, #tpu.memory_space<vmem>>
      %dma_start3A_1376 = tpu.memref_slice %arg7[%min3A_1353] : memref<320000xf32, #tpu.memory_space<hbm>> -> memref<80xf32, #tpu.memory_space<hbm>>
      %dma_start3A_1377 = arith.constant 0 : i32
      %dma_start3A_1378 = tpu.memref_slice %arg13[%dma_start3A_1372, %dma_start3A_1377] : memref<2x80xf32, #tpu.memory_space<vmem>> -> memref<1x80xf32, #tpu.memory_space<vmem>>
      %dma_start3A_1379 = tpu.memref_squeeze %dma_start3A_1378 : memref<1x80xf32, #tpu.memory_space<vmem>> -> memref<80xf32, #tpu.memory_space<vmem>>
      %dma_start3A_1380 = tpu.memref_slice %arg7[%min3A_1353] : memref<320000xf32, #tpu.memory_space<hbm>> -> memref<80xf32, #tpu.memory_space<hbm>>
      tpu.enqueue_dma source(%dma_start3A_1380 : memref<80xf32, #tpu.memory_space<hbm>>) target(%dma_start3A_1379 : memref<80xf32, #tpu.memory_space<vmem>>) target_semaphore(%arg19 : memref<!tpu.dma_semaphore, #tpu.memory_space<semaphore_mem>>)
    }
    %scan3A_499 = arith.constant 61 : i32
    %dma_wait3A_500 = arith.constant 0 : i32
    %dma_wait3A_501 = arith.constant 0 : i32
    %dma_wait3A_502 = tpu.memref_slice %arg11[%dma_wait3A_500, %dma_wait3A_501] : memref<2x80xi32, #tpu.memory_space<vmem>> -> memref<1x80xi32, #tpu.memory_space<vmem>>
    %dma_wait3A_503 = tpu.memref_squeeze %dma_wait3A_502 : memref<1x80xi32, #tpu.memory_space<vmem>> -> memref<80xi32, #tpu.memory_space<vmem>>
    %dma_wait3A_504 = arith.constant 0 : i32
    %dma_wait3A_505 = tpu.memref_slice %arg5[%dma_wait3A_504] : memref<320000xi32, #tpu.memory_space<hbm>> -> memref<80xi32, #tpu.memory_space<hbm>>
    %dma_wait3A_506 = arith.constant 0 : i32
    %dma_wait3A_507 = tpu.memref_slice %arg11[%dma_wait3A_500, %dma_wait3A_506] : memref<2x80xi32, #tpu.memory_space<vmem>> -> memref<1x80xi32, #tpu.memory_space<vmem>>
    %dma_wait3A_508 = tpu.memref_squeeze %dma_wait3A_507 : memref<1x80xi32, #tpu.memory_space<vmem>> -> memref<80xi32, #tpu.memory_space<vmem>>
    %dma_wait3A_509 = arith.constant 0 : i32
    %dma_wait3A_510 = tpu.memref_slice %arg5[%dma_wait3A_509] : memref<320000xi32, #tpu.memory_space<hbm>> -> memref<80xi32, #tpu.memory_space<hbm>>
    tpu.wait_dma2 semaphore(%arg18 : memref<!tpu.dma_semaphore, #tpu.memory_space<semaphore_mem>>) src(%dma_wait3A_510 : memref<80xi32, #tpu.memory_space<hbm>>) dst(%dma_wait3A_508 : memref<80xi32, #tpu.memory_space<vmem>>)
    %dma_wait3A_511 = arith.constant 0 : i32
    %dma_wait3A_512 = arith.constant 0 : i32
    %dma_wait3A_513 = tpu.memref_slice %arg12[%dma_wait3A_511, %dma_wait3A_512] : memref<2x80xi32, #tpu.memory_space<vmem>> -> memref<1x80xi32, #tpu.memory_space<vmem>>
    %dma_wait3A_514 = tpu.memref_squeeze %dma_wait3A_513 : memref<1x80xi32, #tpu.memory_space<vmem>> -> memref<80xi32, #tpu.memory_space<vmem>>
    %dma_wait3A_515 = arith.constant 0 : i32
    %dma_wait3A_516 = tpu.memref_slice %arg6[%dma_wait3A_515] : memref<320000xi32, #tpu.memory_space<hbm>> -> memref<80xi32, #tpu.memory_space<hbm>>
    %dma_wait3A_517 = arith.constant 0 : i32
    %dma_wait3A_518 = tpu.memref_slice %arg12[%dma_wait3A_511, %dma_wait3A_517] : memref<2x80xi32, #tpu.memory_space<vmem>> -> memref<1x80xi32, #tpu.memory_space<vmem>>
    %dma_wait3A_519 = tpu.memref_squeeze %dma_wait3A_518 : memref<1x80xi32, #tpu.memory_space<vmem>> -> memref<80xi32, #tpu.memory_space<vmem>>
    %dma_wait3A_520 = arith.constant 0 : i32
    %dma_wait3A_521 = tpu.memref_slice %arg6[%dma_wait3A_520] : memref<320000xi32, #tpu.memory_space<hbm>> -> memref<80xi32, #tpu.memory_space<hbm>>
    tpu.wait_dma2 semaphore(%arg18 : memref<!tpu.dma_semaphore, #tpu.memory_space<semaphore_mem>>) src(%dma_wait3A_521 : memref<80xi32, #tpu.memory_space<hbm>>) dst(%dma_wait3A_519 : memref<80xi32, #tpu.memory_space<vmem>>)
    %dma_wait3A_522 = arith.constant 0 : i32
    %dma_wait3A_523 = arith.constant 0 : i32
    %dma_wait3A_524 = tpu.memref_slice %arg13[%dma_wait3A_522, %dma_wait3A_523] : memref<2x80xf32, #tpu.memory_space<vmem>> -> memref<1x80xf32, #tpu.memory_space<vmem>>
    %dma_wait3A_525 = tpu.memref_squeeze %dma_wait3A_524 : memref<1x80xf32, #tpu.memory_space<vmem>> -> memref<80xf32, #tpu.memory_space<vmem>>
    %dma_wait3A_526 = arith.constant 0 : i32
    %dma_wait3A_527 = tpu.memref_slice %arg7[%dma_wait3A_526] : memref<320000xf32, #tpu.memory_space<hbm>> -> memref<80xf32, #tpu.memory_space<hbm>>
    %dma_wait3A_528 = arith.constant 0 : i32
    %dma_wait3A_529 = tpu.memref_slice %arg13[%dma_wait3A_522, %dma_wait3A_528] : memref<2x80xf32, #tpu.memory_space<vmem>> -> memref<1x80xf32, #tpu.memory_space<vmem>>
    %dma_wait3A_530 = tpu.memref_squeeze %dma_wait3A_529 : memref<1x80xf32, #tpu.memory_space<vmem>> -> memref<80xf32, #tpu.memory_space<vmem>>
    %dma_wait3A_531 = arith.constant 0 : i32
    %dma_wait3A_532 = tpu.memref_slice %arg7[%dma_wait3A_531] : memref<320000xf32, #tpu.memory_space<hbm>> -> memref<80xf32, #tpu.memory_space<hbm>>
    tpu.wait_dma2 semaphore(%arg18 : memref<!tpu.dma_semaphore, #tpu.memory_space<semaphore_mem>>) src(%dma_wait3A_532 : memref<80xf32, #tpu.memory_space<hbm>>) dst(%dma_wait3A_530 : memref<80xf32, #tpu.memory_space<vmem>>)
    %dma_wait3A_533 = arith.constant 0 : i32
    %dma_wait3A_534 = arith.constant 0 : i32
    %dma_wait3A_535 = arith.constant 0 : i32
    %dma_wait3A_536 = tpu.memref_slice %arg15[%dma_wait3A_533, %dma_wait3A_534, %dma_wait3A_535] : memref<2x80x256xf32, #tpu.memory_space<vmem>> -> memref<1x80x256xf32, #tpu.memory_space<vmem>>
    %dma_wait3A_537 = tpu.memref_squeeze %dma_wait3A_536 : memref<1x80x256xf32, #tpu.memory_space<vmem>> -> memref<80x256xf32, #tpu.memory_space<vmem>>
    %dma_wait3A_538 = arith.constant 0 : i32
    %dma_wait3A_539 = arith.constant 0 : i32
    %dma_wait3A_540 = tpu.memref_slice %arg8[%dma_wait3A_538, %dma_wait3A_539] : memref<320000x256xf32, #tpu.memory_space<hbm>> -> memref<80x256xf32, #tpu.memory_space<hbm>>
    %dma_wait3A_541 = arith.constant 0 : i32
    %dma_wait3A_542 = arith.constant 0 : i32
    %dma_wait3A_543 = tpu.memref_slice %arg8[%dma_wait3A_541, %dma_wait3A_542] : memref<320000x256xf32, #tpu.memory_space<hbm>> -> memref<80x256xf32, #tpu.memory_space<hbm>>
    %dma_wait3A_544 = arith.constant 0 : i32
    %dma_wait3A_545 = arith.constant 0 : i32
    %dma_wait3A_546 = tpu.memref_slice %arg15[%dma_wait3A_533, %dma_wait3A_544, %dma_wait3A_545] : memref<2x80x256xf32, #tpu.memory_space<vmem>> -> memref<1x80x256xf32, #tpu.memory_space<vmem>>
    %dma_wait3A_547 = tpu.memref_squeeze %dma_wait3A_546 : memref<1x80x256xf32, #tpu.memory_space<vmem>> -> memref<80x256xf32, #tpu.memory_space<vmem>>
    tpu.wait_dma2 semaphore(%arg22 : memref<!tpu.dma_semaphore, #tpu.memory_space<semaphore_mem>>) src(%dma_wait3A_547 : memref<80x256xf32, #tpu.memory_space<vmem>>) dst(%dma_wait3A_543 : memref<80x256xf32, #tpu.memory_space<hbm>>)
    %dma_wait3A_548 = arith.constant 0 : i32
    %dma_wait3A_549 = arith.constant 0 : i32
    %dma_wait3A_550 = arith.constant 0 : i32
    %dma_wait3A_551 = tpu.memref_slice %arg16[%dma_wait3A_548, %dma_wait3A_549, %dma_wait3A_550] : memref<2x80x128xf32, #tpu.memory_space<vmem>> -> memref<1x80x128xf32, #tpu.memory_space<vmem>>
    %dma_wait3A_552 = tpu.memref_squeeze %dma_wait3A_551 : memref<1x80x128xf32, #tpu.memory_space<vmem>> -> memref<80x128xf32, #tpu.memory_space<vmem>>
    %dma_wait3A_553 = arith.constant 0 : i32
    %dma_wait3A_554 = arith.constant 0 : i32
    %dma_wait3A_555 = tpu.memref_slice %arg9[%dma_wait3A_553, %dma_wait3A_554] : memref<320000x128xf32, #tpu.memory_space<hbm>> -> memref<80x128xf32, #tpu.memory_space<hbm>>
    %dma_wait3A_556 = arith.constant 0 : i32
    %dma_wait3A_557 = arith.constant 0 : i32
    %dma_wait3A_558 = tpu.memref_slice %arg9[%dma_wait3A_556, %dma_wait3A_557] : memref<320000x128xf32, #tpu.memory_space<hbm>> -> memref<80x128xf32, #tpu.memory_space<hbm>>
    %dma_wait3A_559 = arith.constant 0 : i32
    %dma_wait3A_560 = arith.constant 0 : i32
    %dma_wait3A_561 = tpu.memref_slice %arg16[%dma_wait3A_548, %dma_wait3A_559, %dma_wait3A_560] : memref<2x80x128xf32, #tpu.memory_space<vmem>> -> memref<1x80x128xf32, #tpu.memory_space<vmem>>
    %dma_wait3A_562 = tpu.memref_squeeze %dma_wait3A_561 : memref<1x80x128xf32, #tpu.memory_space<vmem>> -> memref<80x128xf32, #tpu.memory_space<vmem>>
    tpu.wait_dma2 semaphore(%arg22 : memref<!tpu.dma_semaphore, #tpu.memory_space<semaphore_mem>>) src(%dma_wait3A_562 : memref<80x128xf32, #tpu.memory_space<vmem>>) dst(%dma_wait3A_558 : memref<80x128xf32, #tpu.memory_space<hbm>>)
    %dma_wait3A_563 = arith.constant 0 : i32
    %dma_wait3A_564 = arith.constant 0 : i32
    %dma_wait3A_565 = tpu.memref_slice %arg14[%dma_wait3A_563, %dma_wait3A_564] : memref<2x80xf32, #tpu.memory_space<vmem>> -> memref<1x80xf32, #tpu.memory_space<vmem>>
    %dma_wait3A_566 = tpu.memref_squeeze %dma_wait3A_565 : memref<1x80xf32, #tpu.memory_space<vmem>> -> memref<80xf32, #tpu.memory_space<vmem>>
    %dma_wait3A_567 = arith.constant 0 : i32
    %dma_wait3A_568 = tpu.memref_slice %arg10[%dma_wait3A_567] : memref<320000xf32, #tpu.memory_space<hbm>> -> memref<80xf32, #tpu.memory_space<hbm>>
    %dma_wait3A_569 = arith.constant 0 : i32
    %dma_wait3A_570 = tpu.memref_slice %arg10[%dma_wait3A_569] : memref<320000xf32, #tpu.memory_space<hbm>> -> memref<80xf32, #tpu.memory_space<hbm>>
    %dma_wait3A_571 = arith.constant 0 : i32
    %dma_wait3A_572 = tpu.memref_slice %arg14[%dma_wait3A_563, %dma_wait3A_571] : memref<2x80xf32, #tpu.memory_space<vmem>> -> memref<1x80xf32, #tpu.memory_space<vmem>>
    %dma_wait3A_573 = tpu.memref_squeeze %dma_wait3A_572 : memref<1x80xf32, #tpu.memory_space<vmem>> -> memref<80xf32, #tpu.memory_space<vmem>>
    tpu.wait_dma2 semaphore(%arg22 : memref<!tpu.dma_semaphore, #tpu.memory_space<semaphore_mem>>) src(%dma_wait3A_573 : memref<80xf32, #tpu.memory_space<vmem>>) dst(%dma_wait3A_570 : memref<80xf32, #tpu.memory_space<hbm>>)
    %dma_start3A_574 = arith.constant 0 : i32
    %dma_start3A_575 = arith.constant 0 : i32
    %dma_start3A_576 = arith.constant 0 : i32
    %dma_start3A_577 = arith.constant 0 : i32
    %dma_start3A_578 = tpu.memref_slice %arg15[%dma_start3A_575, %dma_start3A_576, %dma_start3A_577] : memref<2x80x256xf32, #tpu.memory_space<vmem>> -> memref<1x80x256xf32, #tpu.memory_space<vmem>>
    %dma_start3A_579 = tpu.memref_squeeze %dma_start3A_578 : memref<1x80x256xf32, #tpu.memory_space<vmem>> -> memref<80x256xf32, #tpu.memory_space<vmem>>
    %dma_start3A_580 = arith.constant 0 : i32
    %dma_start3A_581 = tpu.memref_slice %arg11[%dma_start3A_574, %dma_start3A_580] : memref<2x80xi32, #tpu.memory_space<vmem>> -> memref<1x80xi32, #tpu.memory_space<vmem>>
    %dma_start3A_582 = tpu.memref_squeeze %dma_start3A_581 : memref<1x80xi32, #tpu.memory_space<vmem>> -> memref<80xi32, #tpu.memory_space<vmem>>
    %dma_start3A_583 = arith.constant 0 : i32
    %dma_start3A_584 = arith.constant 0 : i32
    %dma_start3A_585 = tpu.memref_slice %arg2[%dma_start3A_583, %dma_start3A_584] : memref<10000x256xf32, #tpu.memory_space<hbm>> -> memref<10000x256xf32, #tpu.memory_space<hbm>>
    tpu.enqueue_indirect_dma source(%dma_start3A_585 : memref<10000x256xf32, #tpu.memory_space<hbm>>) target(%dma_start3A_579 : memref<80x256xf32, #tpu.memory_space<vmem>>) offsets(%dma_start3A_582 : memref<80xi32, #tpu.memory_space<vmem>>) semaphore(%arg20 : memref<!tpu.dma_semaphore, #tpu.memory_space<semaphore_mem>>)
    %dma_start3A_586 = arith.constant 0 : i32
    %dma_start3A_587 = arith.constant 0 : i32
    %dma_start3A_588 = arith.constant 0 : i32
    %dma_start3A_589 = arith.constant 0 : i32
    %dma_start3A_590 = tpu.memref_slice %arg16[%dma_start3A_587, %dma_start3A_588, %dma_start3A_589] : memref<2x80x128xf32, #tpu.memory_space<vmem>> -> memref<1x80x128xf32, #tpu.memory_space<vmem>>
    %dma_start3A_591 = tpu.memref_squeeze %dma_start3A_590 : memref<1x80x128xf32, #tpu.memory_space<vmem>> -> memref<80x128xf32, #tpu.memory_space<vmem>>
    %dma_start3A_592 = arith.constant 0 : i32
    %dma_start3A_593 = tpu.memref_slice %arg12[%dma_start3A_586, %dma_start3A_592] : memref<2x80xi32, #tpu.memory_space<vmem>> -> memref<1x80xi32, #tpu.memory_space<vmem>>
    %dma_start3A_594 = tpu.memref_squeeze %dma_start3A_593 : memref<1x80xi32, #tpu.memory_space<vmem>> -> memref<80xi32, #tpu.memory_space<vmem>>
    %dma_start3A_595 = arith.constant 0 : i32
    %dma_start3A_596 = arith.constant 0 : i32
    %dma_start3A_597 = tpu.memref_slice %arg3[%dma_start3A_595, %dma_start3A_596] : memref<10000x128xf32, #tpu.memory_space<hbm>> -> memref<10000x128xf32, #tpu.memory_space<hbm>>
    tpu.enqueue_indirect_dma source(%dma_start3A_597 : memref<10000x128xf32, #tpu.memory_space<hbm>>) target(%dma_start3A_591 : memref<80x128xf32, #tpu.memory_space<vmem>>) offsets(%dma_start3A_594 : memref<80xi32, #tpu.memory_space<vmem>>) semaphore(%arg20 : memref<!tpu.dma_semaphore, #tpu.memory_space<semaphore_mem>>)
    %get3A_598 = arith.constant 0 : i32
    %get3A_599 = arith.index_cast %get3A_598 : i32 to index
    %get3A_600 = arith.constant 0 : index
    %get3A_601 = tpu.vector_load %arg11[%get3A_599, %get3A_600] {strides = array<i32>} : memref<2x80xi32, #tpu.memory_space<vmem>>, vector<16xi32>,
    %gather3A_602 = tpu.vector_load_idx %arg17[%get3A_601] : memref<10000xf32, #tpu.memory_space<vmem>>[vector<16xi32>], vector<16xf32>,
    %get3A_603 = arith.constant 0 : i32
    %get3A_604 = arith.index_cast %get3A_603 : i32 to index
    %get3A_605 = arith.constant 0 : index
    %get3A_606 = tpu.vector_load %arg13[%get3A_604, %get3A_605] {strides = array<i32>} : memref<2x80xf32, #tpu.memory_space<vmem>>, vector<16xf32>,
    %sub3A_607 = arith.subf %gather3A_602, %get3A_606 : vector<16xf32>
    %swap3A_608 = arith.constant 0 : i32
    %swap3A_609 = arith.index_cast %swap3A_608 : i32 to index
    %swap3A_610 = arith.constant 0 : index
    %swap3A_611 = tpu.vector_load %arg14[%swap3A_609, %swap3A_610] {strides = array<i32>} : memref<2x80xf32, #tpu.memory_space<vmem>>, vector<16xf32>,
    tpu.vector_store %arg14[%swap3A_609, %swap3A_610], %sub3A_607 {strides = array<i32>} : memref<2x80xf32, #tpu.memory_space<vmem>>, vector<16xf32>,
    %get3A_612 = arith.constant 0 : i32
    %get3A_613 = arith.index_cast %get3A_612 : i32 to index
    %get3A_614 = arith.constant 16 : index
    %get3A_615 = tpu.vector_load %arg11[%get3A_613, %get3A_614] {strides = array<i32>} : memref<2x80xi32, #tpu.memory_space<vmem>>, vector<16xi32>,
    %gather3A_616 = tpu.vector_load_idx %arg17[%get3A_615] : memref<10000xf32, #tpu.memory_space<vmem>>[vector<16xi32>], vector<16xf32>,
    %get3A_617 = arith.constant 0 : i32
    %get3A_618 = arith.index_cast %get3A_617 : i32 to index
    %get3A_619 = arith.constant 16 : index
    %get3A_620 = tpu.vector_load %arg13[%get3A_618, %get3A_619] {strides = array<i32>} : memref<2x80xf32, #tpu.memory_space<vmem>>, vector<16xf32>,
    %sub3A_621 = arith.subf %gather3A_616, %get3A_620 : vector<16xf32>
    %swap3A_622 = arith.constant 0 : i32
    %swap3A_623 = arith.index_cast %swap3A_622 : i32 to index
    %swap3A_624 = arith.constant 16 : index
    %swap3A_625 = tpu.vector_load %arg14[%swap3A_623, %swap3A_624] {strides = array<i32>} : memref<2x80xf32, #tpu.memory_space<vmem>>, vector<16xf32>,
    tpu.vector_store %arg14[%swap3A_623, %swap3A_624], %sub3A_621 {strides = array<i32>} : memref<2x80xf32, #tpu.memory_space<vmem>>, vector<16xf32>,
    %get3A_626 = arith.constant 0 : i32
    %get3A_627 = arith.index_cast %get3A_626 : i32 to index
    %get3A_628 = arith.constant 32 : index
    %get3A_629 = tpu.vector_load %arg11[%get3A_627, %get3A_628] {strides = array<i32>} : memref<2x80xi32, #tpu.memory_space<vmem>>, vector<16xi32>,
    %gather3A_630 = tpu.vector_load_idx %arg17[%get3A_629] : memref<10000xf32, #tpu.memory_space<vmem>>[vector<16xi32>], vector<16xf32>,
    %get3A_631 = arith.constant 0 : i32
    %get3A_632 = arith.index_cast %get3A_631 : i32 to index
    %get3A_633 = arith.constant 32 : index
    %get3A_634 = tpu.vector_load %arg13[%get3A_632, %get3A_633] {strides = array<i32>} : memref<2x80xf32, #tpu.memory_space<vmem>>, vector<16xf32>,
    %sub3A_635 = arith.subf %gather3A_630, %get3A_634 : vector<16xf32>
    %swap3A_636 = arith.constant 0 : i32
    %swap3A_637 = arith.index_cast %swap3A_636 : i32 to index
    %swap3A_638 = arith.constant 32 : index
    %swap3A_639 = tpu.vector_load %arg14[%swap3A_637, %swap3A_638] {strides = array<i32>} : memref<2x80xf32, #tpu.memory_space<vmem>>, vector<16xf32>,
    tpu.vector_store %arg14[%swap3A_637, %swap3A_638], %sub3A_635 {strides = array<i32>} : memref<2x80xf32, #tpu.memory_space<vmem>>, vector<16xf32>,
    %get3A_640 = arith.constant 0 : i32
    %get3A_641 = arith.index_cast %get3A_640 : i32 to index
    %get3A_642 = arith.constant 48 : index
    %get3A_643 = tpu.vector_load %arg11[%get3A_641, %get3A_642] {strides = array<i32>} : memref<2x80xi32, #tpu.memory_space<vmem>>, vector<16xi32>,
    %gather3A_644 = tpu.vector_load_idx %arg17[%get3A_643] : memref<10000xf32, #tpu.memory_space<vmem>>[vector<16xi32>], vector<16xf32>,
    %get3A_645 = arith.constant 0 : i32
    %get3A_646 = arith.index_cast %get3A_645 : i32 to index
    %get3A_647 = arith.constant 48 : index
    %get3A_648 = tpu.vector_load %arg13[%get3A_646, %get3A_647] {strides = array<i32>} : memref<2x80xf32, #tpu.memory_space<vmem>>, vector<16xf32>,
    %sub3A_649 = arith.subf %gather3A_644, %get3A_648 : vector<16xf32>
    %swap3A_650 = arith.constant 0 : i32
    %swap3A_651 = arith.index_cast %swap3A_650 : i32 to index
    %swap3A_652 = arith.constant 48 : index
    %swap3A_653 = tpu.vector_load %arg14[%swap3A_651, %swap3A_652] {strides = array<i32>} : memref<2x80xf32, #tpu.memory_space<vmem>>, vector<16xf32>,
    tpu.vector_store %arg14[%swap3A_651, %swap3A_652], %sub3A_649 {strides = array<i32>} : memref<2x80xf32, #tpu.memory_space<vmem>>, vector<16xf32>,
    %get3A_654 = arith.constant 0 : i32
    %get3A_655 = arith.index_cast %get3A_654 : i32 to index
    %get3A_656 = arith.constant 64 : index
    %get3A_657 = tpu.vector_load %arg11[%get3A_655, %get3A_656] {strides = array<i32>} : memref<2x80xi32, #tpu.memory_space<vmem>>, vector<16xi32>,
    %gather3A_658 = tpu.vector_load_idx %arg17[%get3A_657] : memref<10000xf32, #tpu.memory_space<vmem>>[vector<16xi32>], vector<16xf32>,
    %get3A_659 = arith.constant 0 : i32
    %get3A_660 = arith.index_cast %get3A_659 : i32 to index
    %get3A_661 = arith.constant 64 : index
    %get3A_662 = tpu.vector_load %arg13[%get3A_660, %get3A_661] {strides = array<i32>} : memref<2x80xf32, #tpu.memory_space<vmem>>, vector<16xf32>,
    %sub3A_663 = arith.subf %gather3A_658, %get3A_662 : vector<16xf32>
    %swap3A_664 = arith.constant 0 : i32
    %swap3A_665 = arith.index_cast %swap3A_664 : i32 to index
    %swap3A_666 = arith.constant 64 : index
    %swap3A_667 = tpu.vector_load %arg14[%swap3A_665, %swap3A_666] {strides = array<i32>} : memref<2x80xf32, #tpu.memory_space<vmem>>, vector<16xf32>,
    tpu.vector_store %arg14[%swap3A_665, %swap3A_666], %sub3A_663 {strides = array<i32>} : memref<2x80xf32, #tpu.memory_space<vmem>>, vector<16xf32>,
    %dma_wait3A_668 = arith.constant 1 : i32
    %dma_wait3A_669 = arith.constant 0 : i32
    %dma_wait3A_670 = tpu.memref_slice %arg11[%dma_wait3A_668, %dma_wait3A_669] : memref<2x80xi32, #tpu.memory_space<vmem>> -> memref<1x80xi32, #tpu.memory_space<vmem>>
    %dma_wait3A_671 = tpu.memref_squeeze %dma_wait3A_670 : memref<1x80xi32, #tpu.memory_space<vmem>> -> memref<80xi32, #tpu.memory_space<vmem>>
    %dma_wait3A_672 = arith.constant 0 : i32
    %dma_wait3A_673 = tpu.memref_slice %arg5[%dma_wait3A_672] : memref<320000xi32, #tpu.memory_space<hbm>> -> memref<80xi32, #tpu.memory_space<hbm>>
    %dma_wait3A_674 = arith.constant 0 : i32
    %dma_wait3A_675 = tpu.memref_slice %arg11[%dma_wait3A_668, %dma_wait3A_674] : memref<2x80xi32, #tpu.memory_space<vmem>> -> memref<1x80xi32, #tpu.memory_space<vmem>>
    %dma_wait3A_676 = tpu.memref_squeeze %dma_wait3A_675 : memref<1x80xi32, #tpu.memory_space<vmem>> -> memref<80xi32, #tpu.memory_space<vmem>>
    %dma_wait3A_677 = arith.constant 0 : i32
    %dma_wait3A_678 = tpu.memref_slice %arg5[%dma_wait3A_677] : memref<320000xi32, #tpu.memory_space<hbm>> -> memref<80xi32, #tpu.memory_space<hbm>>
    tpu.wait_dma2 semaphore(%arg19 : memref<!tpu.dma_semaphore, #tpu.memory_space<semaphore_mem>>) src(%dma_wait3A_678 : memref<80xi32, #tpu.memory_space<hbm>>) dst(%dma_wait3A_676 : memref<80xi32, #tpu.memory_space<vmem>>)
    %dma_wait3A_679 = arith.constant 1 : i32
    %dma_wait3A_680 = arith.constant 0 : i32
    %dma_wait3A_681 = tpu.memref_slice %arg12[%dma_wait3A_679, %dma_wait3A_680] : memref<2x80xi32, #tpu.memory_space<vmem>> -> memref<1x80xi32, #tpu.memory_space<vmem>>
    %dma_wait3A_682 = tpu.memref_squeeze %dma_wait3A_681 : memref<1x80xi32, #tpu.memory_space<vmem>> -> memref<80xi32, #tpu.memory_space<vmem>>
    %dma_wait3A_683 = arith.constant 0 : i32
    %dma_wait3A_684 = tpu.memref_slice %arg6[%dma_wait3A_683] : memref<320000xi32, #tpu.memory_space<hbm>> -> memref<80xi32, #tpu.memory_space<hbm>>
    %dma_wait3A_685 = arith.constant 0 : i32
    %dma_wait3A_686 = tpu.memref_slice %arg12[%dma_wait3A_679, %dma_wait3A_685] : memref<2x80xi32, #tpu.memory_space<vmem>> -> memref<1x80xi32, #tpu.memory_space<vmem>>
    %dma_wait3A_687 = tpu.memref_squeeze %dma_wait3A_686 : memref<1x80xi32, #tpu.memory_space<vmem>> -> memref<80xi32, #tpu.memory_space<vmem>>
    %dma_wait3A_688 = arith.constant 0 : i32
    %dma_wait3A_689 = tpu.memref_slice %arg6[%dma_wait3A_688] : memref<320000xi32, #tpu.memory_space<hbm>> -> memref<80xi32, #tpu.memory_space<hbm>>
    tpu.wait_dma2 semaphore(%arg19 : memref<!tpu.dma_semaphore, #tpu.memory_space<semaphore_mem>>) src(%dma_wait3A_689 : memref<80xi32, #tpu.memory_space<hbm>>) dst(%dma_wait3A_687 : memref<80xi32, #tpu.memory_space<vmem>>)
    %dma_wait3A_690 = arith.constant 1 : i32
    %dma_wait3A_691 = arith.constant 0 : i32
    %dma_wait3A_692 = tpu.memref_slice %arg13[%dma_wait3A_690, %dma_wait3A_691] : memref<2x80xf32, #tpu.memory_space<vmem>> -> memref<1x80xf32, #tpu.memory_space<vmem>>
    %dma_wait3A_693 = tpu.memref_squeeze %dma_wait3A_692 : memref<1x80xf32, #tpu.memory_space<vmem>> -> memref<80xf32, #tpu.memory_space<vmem>>
    %dma_wait3A_694 = arith.constant 0 : i32
    %dma_wait3A_695 = tpu.memref_slice %arg7[%dma_wait3A_694] : memref<320000xf32, #tpu.memory_space<hbm>> -> memref<80xf32, #tpu.memory_space<hbm>>
    %dma_wait3A_696 = arith.constant 0 : i32
    %dma_wait3A_697 = tpu.memref_slice %arg13[%dma_wait3A_690, %dma_wait3A_696] : memref<2x80xf32, #tpu.memory_space<vmem>> -> memref<1x80xf32, #tpu.memory_space<vmem>>
    %dma_wait3A_698 = tpu.memref_squeeze %dma_wait3A_697 : memref<1x80xf32, #tpu.memory_space<vmem>> -> memref<80xf32, #tpu.memory_space<vmem>>
    %dma_wait3A_699 = arith.constant 0 : i32
    %dma_wait3A_700 = tpu.memref_slice %arg7[%dma_wait3A_699] : memref<320000xf32, #tpu.memory_space<hbm>> -> memref<80xf32, #tpu.memory_space<hbm>>
    tpu.wait_dma2 semaphore(%arg19 : memref<!tpu.dma_semaphore, #tpu.memory_space<semaphore_mem>>) src(%dma_wait3A_700 : memref<80xf32, #tpu.memory_space<hbm>>) dst(%dma_wait3A_698 : memref<80xf32, #tpu.memory_space<vmem>>)
    %dma_wait3A_701 = arith.constant 1 : i32
    %dma_wait3A_702 = arith.constant 0 : i32
    %dma_wait3A_703 = arith.constant 0 : i32
    %dma_wait3A_704 = tpu.memref_slice %arg15[%dma_wait3A_701, %dma_wait3A_702, %dma_wait3A_703] : memref<2x80x256xf32, #tpu.memory_space<vmem>> -> memref<1x80x256xf32, #tpu.memory_space<vmem>>
    %dma_wait3A_705 = tpu.memref_squeeze %dma_wait3A_704 : memref<1x80x256xf32, #tpu.memory_space<vmem>> -> memref<80x256xf32, #tpu.memory_space<vmem>>
    %dma_wait3A_706 = arith.constant 0 : i32
    %dma_wait3A_707 = arith.constant 0 : i32
    %dma_wait3A_708 = tpu.memref_slice %arg8[%dma_wait3A_706, %dma_wait3A_707] : memref<320000x256xf32, #tpu.memory_space<hbm>> -> memref<80x256xf32, #tpu.memory_space<hbm>>
    %dma_wait3A_709 = arith.constant 0 : i32
    %dma_wait3A_710 = arith.constant 0 : i32
    %dma_wait3A_711 = tpu.memref_slice %arg8[%dma_wait3A_709, %dma_wait3A_710] : memref<320000x256xf32, #tpu.memory_space<hbm>> -> memref<80x256xf32, #tpu.memory_space<hbm>>
    %dma_wait3A_712 = arith.constant 0 : i32
    %dma_wait3A_713 = arith.constant 0 : i32
    %dma_wait3A_714 = tpu.memref_slice %arg15[%dma_wait3A_701, %dma_wait3A_712, %dma_wait3A_713] : memref<2x80x256xf32, #tpu.memory_space<vmem>> -> memref<1x80x256xf32, #tpu.memory_space<vmem>>
    %dma_wait3A_715 = tpu.memref_squeeze %dma_wait3A_714 : memref<1x80x256xf32, #tpu.memory_space<vmem>> -> memref<80x256xf32, #tpu.memory_space<vmem>>
    tpu.wait_dma2 semaphore(%arg23 : memref<!tpu.dma_semaphore, #tpu.memory_space<semaphore_mem>>) src(%dma_wait3A_715 : memref<80x256xf32, #tpu.memory_space<vmem>>) dst(%dma_wait3A_711 : memref<80x256xf32, #tpu.memory_space<hbm>>)
    %dma_wait3A_716 = arith.constant 1 : i32
    %dma_wait3A_717 = arith.constant 0 : i32
    %dma_wait3A_718 = arith.constant 0 : i32
    %dma_wait3A_719 = tpu.memref_slice %arg16[%dma_wait3A_716, %dma_wait3A_717, %dma_wait3A_718] : memref<2x80x128xf32, #tpu.memory_space<vmem>> -> memref<1x80x128xf32, #tpu.memory_space<vmem>>
    %dma_wait3A_720 = tpu.memref_squeeze %dma_wait3A_719 : memref<1x80x128xf32, #tpu.memory_space<vmem>> -> memref<80x128xf32, #tpu.memory_space<vmem>>
    %dma_wait3A_721 = arith.constant 0 : i32
    %dma_wait3A_722 = arith.constant 0 : i32
    %dma_wait3A_723 = tpu.memref_slice %arg9[%dma_wait3A_721, %dma_wait3A_722] : memref<320000x128xf32, #tpu.memory_space<hbm>> -> memref<80x128xf32, #tpu.memory_space<hbm>>
    %dma_wait3A_724 = arith.constant 0 : i32
    %dma_wait3A_725 = arith.constant 0 : i32
    %dma_wait3A_726 = tpu.memref_slice %arg9[%dma_wait3A_724, %dma_wait3A_725] : memref<320000x128xf32, #tpu.memory_space<hbm>> -> memref<80x128xf32, #tpu.memory_space<hbm>>
    %dma_wait3A_727 = arith.constant 0 : i32
    %dma_wait3A_728 = arith.constant 0 : i32
    %dma_wait3A_729 = tpu.memref_slice %arg16[%dma_wait3A_716, %dma_wait3A_727, %dma_wait3A_728] : memref<2x80x128xf32, #tpu.memory_space<vmem>> -> memref<1x80x128xf32, #tpu.memory_space<vmem>>
    %dma_wait3A_730 = tpu.memref_squeeze %dma_wait3A_729 : memref<1x80x128xf32, #tpu.memory_space<vmem>> -> memref<80x128xf32, #tpu.memory_space<vmem>>
    tpu.wait_dma2 semaphore(%arg23 : memref<!tpu.dma_semaphore, #tpu.memory_space<semaphore_mem>>) src(%dma_wait3A_730 : memref<80x128xf32, #tpu.memory_space<vmem>>) dst(%dma_wait3A_726 : memref<80x128xf32, #tpu.memory_space<hbm>>)
    %dma_wait3A_731 = arith.constant 1 : i32
    %dma_wait3A_732 = arith.constant 0 : i32
    %dma_wait3A_733 = tpu.memref_slice %arg14[%dma_wait3A_731, %dma_wait3A_732] : memref<2x80xf32, #tpu.memory_space<vmem>> -> memref<1x80xf32, #tpu.memory_space<vmem>>
    %dma_wait3A_734 = tpu.memref_squeeze %dma_wait3A_733 : memref<1x80xf32, #tpu.memory_space<vmem>> -> memref<80xf32, #tpu.memory_space<vmem>>
    %dma_wait3A_735 = arith.constant 0 : i32
    %dma_wait3A_736 = tpu.memref_slice %arg10[%dma_wait3A_735] : memref<320000xf32, #tpu.memory_space<hbm>> -> memref<80xf32, #tpu.memory_space<hbm>>
    %dma_wait3A_737 = arith.constant 0 : i32
    %dma_wait3A_738 = tpu.memref_slice %arg10[%dma_wait3A_737] : memref<320000xf32, #tpu.memory_space<hbm>> -> memref<80xf32, #tpu.memory_space<hbm>>
    %dma_wait3A_739 = arith.constant 0 : i32
    %dma_wait3A_740 = tpu.memref_slice %arg14[%dma_wait3A_731, %dma_wait3A_739] : memref<2x80xf32, #tpu.memory_space<vmem>> -> memref<1x80xf32, #tpu.memory_space<vmem>>
    %dma_wait3A_741 = tpu.memref_squeeze %dma_wait3A_740 : memref<1x80xf32, #tpu.memory_space<vmem>> -> memref<80xf32, #tpu.memory_space<vmem>>
    tpu.wait_dma2 semaphore(%arg23 : memref<!tpu.dma_semaphore, #tpu.memory_space<semaphore_mem>>) src(%dma_wait3A_741 : memref<80xf32, #tpu.memory_space<vmem>>) dst(%dma_wait3A_738 : memref<80xf32, #tpu.memory_space<hbm>>)
    %dma_wait3A_742 = arith.constant 0 : i32
    %dma_wait3A_743 = arith.constant 0 : i32
    %dma_wait3A_744 = arith.constant 0 : i32
    %dma_wait3A_745 = arith.constant 0 : i32
    %dma_wait3A_746 = tpu.memref_slice %arg15[%dma_wait3A_743, %dma_wait3A_744, %dma_wait3A_745] : memref<2x80x256xf32, #tpu.memory_space<vmem>> -> memref<1x80x256xf32, #tpu.memory_space<vmem>>
    %dma_wait3A_747 = tpu.memref_squeeze %dma_wait3A_746 : memref<1x80x256xf32, #tpu.memory_space<vmem>> -> memref<80x256xf32, #tpu.memory_space<vmem>>
    %dma_wait3A_748 = arith.constant 0 : i32
    %dma_wait3A_749 = tpu.memref_slice %arg11[%dma_wait3A_742, %dma_wait3A_748] : memref<2x80xi32, #tpu.memory_space<vmem>> -> memref<1x80xi32, #tpu.memory_space<vmem>>
    %dma_wait3A_750 = tpu.memref_squeeze %dma_wait3A_749 : memref<1x80xi32, #tpu.memory_space<vmem>> -> memref<80xi32, #tpu.memory_space<vmem>>
    %dma_wait3A_751 = arith.constant 0 : i32
    %dma_wait3A_752 = arith.constant 0 : i32
    %dma_wait3A_753 = tpu.memref_slice %arg2[%dma_wait3A_751, %dma_wait3A_752] : memref<10000x256xf32, #tpu.memory_space<hbm>> -> memref<10000x256xf32, #tpu.memory_space<hbm>>
    tpu.wait_indirect_dma semaphore(%arg20 : memref<!tpu.dma_semaphore, #tpu.memory_space<semaphore_mem>>) src(%dma_wait3A_753 : memref<10000x256xf32, #tpu.memory_space<hbm>>) dst(%dma_wait3A_747 : memref<80x256xf32, #tpu.memory_space<vmem>>)
    %dma_wait3A_754 = arith.constant 0 : i32
    %dma_wait3A_755 = arith.constant 0 : i32
    %dma_wait3A_756 = arith.constant 0 : i32
    %dma_wait3A_757 = arith.constant 0 : i32
    %dma_wait3A_758 = tpu.memref_slice %arg16[%dma_wait3A_755, %dma_wait3A_756, %dma_wait3A_757] : memref<2x80x128xf32, #tpu.memory_space<vmem>> -> memref<1x80x128xf32, #tpu.memory_space<vmem>>
    %dma_wait3A_759 = tpu.memref_squeeze %dma_wait3A_758 : memref<1x80x128xf32, #tpu.memory_space<vmem>> -> memref<80x128xf32, #tpu.memory_space<vmem>>
    %dma_wait3A_760 = arith.constant 0 : i32
    %dma_wait3A_761 = tpu.memref_slice %arg12[%dma_wait3A_754, %dma_wait3A_760] : memref<2x80xi32, #tpu.memory_space<vmem>> -> memref<1x80xi32, #tpu.memory_space<vmem>>
    %dma_wait3A_762 = tpu.memref_squeeze %dma_wait3A_761 : memref<1x80xi32, #tpu.memory_space<vmem>> -> memref<80xi32, #tpu.memory_space<vmem>>
    %dma_wait3A_763 = arith.constant 0 : i32
    %dma_wait3A_764 = arith.constant 0 : i32
    %dma_wait3A_765 = tpu.memref_slice %arg3[%dma_wait3A_763, %dma_wait3A_764] : memref<10000x128xf32, #tpu.memory_space<hbm>> -> memref<10000x128xf32, #tpu.memory_space<hbm>>
    tpu.wait_indirect_dma semaphore(%arg20 : memref<!tpu.dma_semaphore, #tpu.memory_space<semaphore_mem>>) src(%dma_wait3A_765 : memref<10000x128xf32, #tpu.memory_space<hbm>>) dst(%dma_wait3A_759 : memref<80x128xf32, #tpu.memory_space<vmem>>)
    %add3A_766 = arith.constant 9920 : i32
    %add3A_767 = arith.addi %mul3A_2, %add3A_766 : i32
    %dma_start3A_768 = arith.constant 0 : i32
    %dma_start3A_769 = arith.constant 0 : i32
    %dma_start3A_770 = arith.constant 0 : i32
    %dma_start3A_771 = tpu.memref_slice %arg15[%dma_start3A_768, %dma_start3A_769, %dma_start3A_770] : memref<2x80x256xf32, #tpu.memory_space<vmem>> -> memref<1x80x256xf32, #tpu.memory_space<vmem>>
    %dma_start3A_772 = tpu.memref_squeeze %dma_start3A_771 : memref<1x80x256xf32, #tpu.memory_space<vmem>> -> memref<80x256xf32, #tpu.memory_space<vmem>>
    %dma_start3A_773 = arith.constant 0 : i32
    %dma_start3A_774 = tpu.memref_slice %arg8[%add3A_767, %dma_start3A_773] : memref<320000x256xf32, #tpu.memory_space<hbm>> -> memref<80x256xf32, #tpu.memory_space<hbm>>
    %dma_start3A_775 = arith.constant 0 : i32
    %dma_start3A_776 = tpu.memref_slice %arg8[%add3A_767, %dma_start3A_775] : memref<320000x256xf32, #tpu.memory_space<hbm>> -> memref<80x256xf32, #tpu.memory_space<hbm>>
    %dma_start3A_777 = arith.constant 0 : i32
    %dma_start3A_778 = arith.constant 0 : i32
    %dma_start3A_779 = tpu.memref_slice %arg15[%dma_start3A_768, %dma_start3A_777, %dma_start3A_778] : memref<2x80x256xf32, #tpu.memory_space<vmem>> -> memref<1x80x256xf32, #tpu.memory_space<vmem>>
    %dma_start3A_780 = tpu.memref_squeeze %dma_start3A_779 : memref<1x80x256xf32, #tpu.memory_space<vmem>> -> memref<80x256xf32, #tpu.memory_space<vmem>>
    tpu.enqueue_dma source(%dma_start3A_780 : memref<80x256xf32, #tpu.memory_space<vmem>>) target(%dma_start3A_776 : memref<80x256xf32, #tpu.memory_space<hbm>>) target_semaphore(%arg22 : memref<!tpu.dma_semaphore, #tpu.memory_space<semaphore_mem>>)
    %dma_start3A_781 = arith.constant 0 : i32
    %dma_start3A_782 = arith.constant 0 : i32
    %dma_start3A_783 = arith.constant 0 : i32
    %dma_start3A_784 = tpu.memref_slice %arg16[%dma_start3A_781, %dma_start3A_782, %dma_start3A_783] : memref<2x80x128xf32, #tpu.memory_space<vmem>> -> memref<1x80x128xf32, #tpu.memory_space<vmem>>
    %dma_start3A_785 = tpu.memref_squeeze %dma_start3A_784 : memref<1x80x128xf32, #tpu.memory_space<vmem>> -> memref<80x128xf32, #tpu.memory_space<vmem>>
    %dma_start3A_786 = arith.constant 0 : i32
    %dma_start3A_787 = tpu.memref_slice %arg9[%add3A_767, %dma_start3A_786] : memref<320000x128xf32, #tpu.memory_space<hbm>> -> memref<80x128xf32, #tpu.memory_space<hbm>>
    %dma_start3A_788 = arith.constant 0 : i32
    %dma_start3A_789 = tpu.memref_slice %arg9[%add3A_767, %dma_start3A_788] : memref<320000x128xf32, #tpu.memory_space<hbm>> -> memref<80x128xf32, #tpu.memory_space<hbm>>
    %dma_start3A_790 = arith.constant 0 : i32
    %dma_start3A_791 = arith.constant 0 : i32
    %dma_start3A_792 = tpu.memref_slice %arg16[%dma_start3A_781, %dma_start3A_790, %dma_start3A_791] : memref<2x80x128xf32, #tpu.memory_space<vmem>> -> memref<1x80x128xf32, #tpu.memory_space<vmem>>
    %dma_start3A_793 = tpu.memref_squeeze %dma_start3A_792 : memref<1x80x128xf32, #tpu.memory_space<vmem>> -> memref<80x128xf32, #tpu.memory_space<vmem>>
    tpu.enqueue_dma source(%dma_start3A_793 : memref<80x128xf32, #tpu.memory_space<vmem>>) target(%dma_start3A_789 : memref<80x128xf32, #tpu.memory_space<hbm>>) target_semaphore(%arg22 : memref<!tpu.dma_semaphore, #tpu.memory_space<semaphore_mem>>)
    %dma_start3A_794 = arith.constant 0 : i32
    %dma_start3A_795 = arith.constant 0 : i32
    %dma_start3A_796 = tpu.memref_slice %arg14[%dma_start3A_794, %dma_start3A_795] : memref<2x80xf32, #tpu.memory_space<vmem>> -> memref<1x80xf32, #tpu.memory_space<vmem>>
    %dma_start3A_797 = tpu.memref_squeeze %dma_start3A_796 : memref<1x80xf32, #tpu.memory_space<vmem>> -> memref<80xf32, #tpu.memory_space<vmem>>
    %dma_start3A_798 = tpu.memref_slice %arg10[%add3A_767] : memref<320000xf32, #tpu.memory_space<hbm>> -> memref<80xf32, #tpu.memory_space<hbm>>
    %dma_start3A_799 = tpu.memref_slice %arg10[%add3A_767] : memref<320000xf32, #tpu.memory_space<hbm>> -> memref<80xf32, #tpu.memory_space<hbm>>
    %dma_start3A_800 = arith.constant 0 : i32
    %dma_start3A_801 = tpu.memref_slice %arg14[%dma_start3A_794, %dma_start3A_800] : memref<2x80xf32, #tpu.memory_space<vmem>> -> memref<1x80xf32, #tpu.memory_space<vmem>>
    %dma_start3A_802 = tpu.memref_squeeze %dma_start3A_801 : memref<1x80xf32, #tpu.memory_space<vmem>> -> memref<80xf32, #tpu.memory_space<vmem>>
    tpu.enqueue_dma source(%dma_start3A_802 : memref<80xf32, #tpu.memory_space<vmem>>) target(%dma_start3A_799 : memref<80xf32, #tpu.memory_space<hbm>>) target_semaphore(%arg22 : memref<!tpu.dma_semaphore, #tpu.memory_space<semaphore_mem>>)
    %dma_wait3A_803 = arith.constant 0 : i32
    %dma_wait3A_804 = arith.constant 0 : i32
    %dma_wait3A_805 = arith.constant 0 : i32
    %dma_wait3A_806 = tpu.memref_slice %arg15[%dma_wait3A_803, %dma_wait3A_804, %dma_wait3A_805] : memref<2x80x256xf32, #tpu.memory_space<vmem>> -> memref<1x80x256xf32, #tpu.memory_space<vmem>>
    %dma_wait3A_807 = tpu.memref_squeeze %dma_wait3A_806 : memref<1x80x256xf32, #tpu.memory_space<vmem>> -> memref<80x256xf32, #tpu.memory_space<vmem>>
    %dma_wait3A_808 = arith.constant 0 : i32
    %dma_wait3A_809 = arith.constant 0 : i32
    %dma_wait3A_810 = tpu.memref_slice %arg8[%dma_wait3A_808, %dma_wait3A_809] : memref<320000x256xf32, #tpu.memory_space<hbm>> -> memref<80x256xf32, #tpu.memory_space<hbm>>
    %dma_wait3A_811 = arith.constant 0 : i32
    %dma_wait3A_812 = arith.constant 0 : i32
    %dma_wait3A_813 = tpu.memref_slice %arg8[%dma_wait3A_811, %dma_wait3A_812] : memref<320000x256xf32, #tpu.memory_space<hbm>> -> memref<80x256xf32, #tpu.memory_space<hbm>>
    %dma_wait3A_814 = arith.constant 0 : i32
    %dma_wait3A_815 = arith.constant 0 : i32
    %dma_wait3A_816 = tpu.memref_slice %arg15[%dma_wait3A_803, %dma_wait3A_814, %dma_wait3A_815] : memref<2x80x256xf32, #tpu.memory_space<vmem>> -> memref<1x80x256xf32, #tpu.memory_space<vmem>>
    %dma_wait3A_817 = tpu.memref_squeeze %dma_wait3A_816 : memref<1x80x256xf32, #tpu.memory_space<vmem>> -> memref<80x256xf32, #tpu.memory_space<vmem>>
    tpu.wait_dma2 semaphore(%arg22 : memref<!tpu.dma_semaphore, #tpu.memory_space<semaphore_mem>>) src(%dma_wait3A_817 : memref<80x256xf32, #tpu.memory_space<vmem>>) dst(%dma_wait3A_813 : memref<80x256xf32, #tpu.memory_space<hbm>>)
    %dma_wait3A_818 = arith.constant 0 : i32
    %dma_wait3A_819 = arith.constant 0 : i32
    %dma_wait3A_820 = arith.constant 0 : i32
    %dma_wait3A_821 = tpu.memref_slice %arg16[%dma_wait3A_818, %dma_wait3A_819, %dma_wait3A_820] : memref<2x80x128xf32, #tpu.memory_space<vmem>> -> memref<1x80x128xf32, #tpu.memory_space<vmem>>
    %dma_wait3A_822 = tpu.memref_squeeze %dma_wait3A_821 : memref<1x80x128xf32, #tpu.memory_space<vmem>> -> memref<80x128xf32, #tpu.memory_space<vmem>>
    %dma_wait3A_823 = arith.constant 0 : i32
    %dma_wait3A_824 = arith.constant 0 : i32
    %dma_wait3A_825 = tpu.memref_slice %arg9[%dma_wait3A_823, %dma_wait3A_824] : memref<320000x128xf32, #tpu.memory_space<hbm>> -> memref<80x128xf32, #tpu.memory_space<hbm>>
    %dma_wait3A_826 = arith.constant 0 : i32
    %dma_wait3A_827 = arith.constant 0 : i32
    %dma_wait3A_828 = tpu.memref_slice %arg9[%dma_wait3A_826, %dma_wait3A_827] : memref<320000x128xf32, #tpu.memory_space<hbm>> -> memref<80x128xf32, #tpu.memory_space<hbm>>
    %dma_wait3A_829 = arith.constant 0 : i32
    %dma_wait3A_830 = arith.constant 0 : i32
    %dma_wait3A_831 = tpu.memref_slice %arg16[%dma_wait3A_818, %dma_wait3A_829, %dma_wait3A_830] : memref<2x80x128xf32, #tpu.memory_space<vmem>> -> memref<1x80x128xf32, #tpu.memory_space<vmem>>
    %dma_wait3A_832 = tpu.memref_squeeze %dma_wait3A_831 : memref<1x80x128xf32, #tpu.memory_space<vmem>> -> memref<80x128xf32, #tpu.memory_space<vmem>>
    tpu.wait_dma2 semaphore(%arg22 : memref<!tpu.dma_semaphore, #tpu.memory_space<semaphore_mem>>) src(%dma_wait3A_832 : memref<80x128xf32, #tpu.memory_space<vmem>>) dst(%dma_wait3A_828 : memref<80x128xf32, #tpu.memory_space<hbm>>)
    %dma_wait3A_833 = arith.constant 0 : i32
    %dma_wait3A_834 = arith.constant 0 : i32
    %dma_wait3A_835 = tpu.memref_slice %arg14[%dma_wait3A_833, %dma_wait3A_834] : memref<2x80xf32, #tpu.memory_space<vmem>> -> memref<1x80xf32, #tpu.memory_space<vmem>>
    %dma_wait3A_836 = tpu.memref_squeeze %dma_wait3A_835 : memref<1x80xf32, #tpu.memory_space<vmem>> -> memref<80xf32, #tpu.memory_space<vmem>>
    %dma_wait3A_837 = arith.constant 0 : i32
    %dma_wait3A_838 = tpu.memref_slice %arg10[%dma_wait3A_837] : memref<320000xf32, #tpu.memory_space<hbm>> -> memref<80xf32, #tpu.memory_space<hbm>>
    %dma_wait3A_839 = arith.constant 0 : i32
    %dma_wait3A_840 = tpu.memref_slice %arg10[%dma_wait3A_839] : memref<320000xf32, #tpu.memory_space<hbm>> -> memref<80xf32, #tpu.memory_space<hbm>>
    %dma_wait3A_841 = arith.constant 0 : i32
    %dma_wait3A_842 = tpu.memref_slice %arg14[%dma_wait3A_833, %dma_wait3A_841] : memref<2x80xf32, #tpu.memory_space<vmem>> -> memref<1x80xf32, #tpu.memory_space<vmem>>
    %dma_wait3A_843 = tpu.memref_squeeze %dma_wait3A_842 : memref<1x80xf32, #tpu.memory_space<vmem>> -> memref<80xf32, #tpu.memory_space<vmem>>
    tpu.wait_dma2 semaphore(%arg22 : memref<!tpu.dma_semaphore, #tpu.memory_space<semaphore_mem>>) src(%dma_wait3A_843 : memref<80xf32, #tpu.memory_space<vmem>>) dst(%dma_wait3A_840 : memref<80xf32, #tpu.memory_space<hbm>>)
    return
  }
}

module attributes {stable_mosaic.version = 14 : i64} {
  func.func @_proj_body(%arg0: i32, %arg1: memref<1000x128xf32, #tpu.memory_space<vmem>>, %arg2: memref<128x128xf32, #tpu.memory_space<vmem>>, %arg3: memref<1x128xf32, #tpu.memory_space<vmem>>, %arg4: memref<128x128xf32, #tpu.memory_space<vmem>>, %arg5: memref<1x128xf32, #tpu.memory_space<vmem>>, %arg6: memref<128x128xf32, #tpu.memory_space<vmem>>, %arg7: memref<1x128xf32, #tpu.memory_space<vmem>>, %arg8: memref<128x128xf32, #tpu.memory_space<vmem>>, %arg9: memref<1x128xf32, #tpu.memory_space<vmem>>, %arg10: memref<1000x128xf32, #tpu.memory_space<vmem>>, %arg11: memref<1000x128xf32, #tpu.memory_space<vmem>>, %arg12: memref<1000x128xf32, #tpu.memory_space<vmem>>, %arg13: memref<1000x128xf32, #tpu.memory_space<vmem>>) attributes {dimension_semantics = [#tpu.dimension_semantics<arbitrary>], iteration_bounds = array<i64: 10>, scalar_prefetch = 0 : i64, scratch_operands = 0 : i64, tpu.core_type = #tpu.core_type<tc>, window_params = [{transform_indices = @transform_0, window_bounds = array<i64: 1000, 128>}, {pipeline_mode = #tpu.pipeline_mode<synchronous>, transform_indices = @transform_1, window_bounds = array<i64: 128, 128>}, {pipeline_mode = #tpu.pipeline_mode<synchronous>, transform_indices = @transform_2, window_bounds = array<i64: 1, 128>}, {pipeline_mode = #tpu.pipeline_mode<synchronous>, transform_indices = @transform_3, window_bounds = array<i64: 128, 128>}, {pipeline_mode = #tpu.pipeline_mode<synchronous>, transform_indices = @transform_4, window_bounds = array<i64: 1, 128>}, {pipeline_mode = #tpu.pipeline_mode<synchronous>, transform_indices = @transform_5, window_bounds = array<i64: 128, 128>}, {pipeline_mode = #tpu.pipeline_mode<synchronous>, transform_indices = @transform_6, window_bounds = array<i64: 1, 128>}, {pipeline_mode = #tpu.pipeline_mode<synchronous>, transform_indices = @transform_7, window_bounds = array<i64: 128, 128>}, {pipeline_mode = #tpu.pipeline_mode<synchronous>, transform_indices = @transform_8, window_bounds = array<i64: 1, 128>}, {transform_indices = @transform_9, window_bounds = array<i64: 1000, 128>}, {transform_indices = @transform_10, window_bounds = array<i64: 1000, 128>}, {transform_indices = @transform_11, window_bounds = array<i64: 1000, 128>}, {transform_indices = @transform_12, window_bounds = array<i64: 1000, 128>}]} {
    %get3A = arith.constant 0 : index
    %get3A_0 = arith.constant 0 : index
    %get3A_1 = vector.load %arg1[%get3A, %get3A_0] : memref<1000x128xf32, #tpu.memory_space<vmem>>, vector<1000x128xf32>
    %get3A_2 = arith.constant 0 : index
    %get3A_3 = arith.constant 0 : index
    %get3A_4 = vector.load %arg2[%get3A_2, %get3A_3] : memref<128x128xf32, #tpu.memory_space<vmem>>, vector<128x128xf32>
    %dot_general3A = arith.constant dense<0.000000e+00> : vector<1000x128xf32>
    %dot_general3A_5 = tpu.matmul %get3A_1, %get3A_4, %dot_general3A {dimension_numbers = #tpu.dot_dimension_numbers<[1], [0], [0], [1], [0, 0, 1, 1], [], []>, transpose_lhs_hint = false} : vector<1000x128xf32>, vector<128x128xf32>, vector<1000x128xf32> -> vector<1000x128xf32>
    %get3A_6 = arith.constant 0 : index
    %get3A_7 = arith.constant 0 : index
    %get3A_8 = vector.load %arg3[%get3A_6, %get3A_7] : memref<1x128xf32, #tpu.memory_space<vmem>>, vector<1x128xf32>
    %add3A = vector.broadcast %get3A_8 : vector<1x128xf32> to vector<1000x128xf32>
    %add3A_9 = arith.addf %dot_general3A_5, %add3A : vector<1000x128xf32>
    %swap3A = arith.constant 0 : index
    %swap3A_10 = arith.constant 0 : index
    %swap3A_11 = vector.load %arg10[%swap3A, %swap3A_10] : memref<1000x128xf32, #tpu.memory_space<vmem>>, vector<1000x128xf32>
    tpu.vector_store %arg10[%swap3A, %swap3A_10], %add3A_9 {strides = array<i32>} : memref<1000x128xf32, #tpu.memory_space<vmem>>, vector<1000x128xf32>,
    %get3A_12 = arith.constant 0 : index
    %get3A_13 = arith.constant 0 : index
    %get3A_14 = vector.load %arg4[%get3A_12, %get3A_13] : memref<128x128xf32, #tpu.memory_space<vmem>>, vector<128x128xf32>
    %dot_general3A_15 = arith.constant dense<0.000000e+00> : vector<1000x128xf32>
    %dot_general3A_16 = tpu.matmul %get3A_1, %get3A_14, %dot_general3A_15 {dimension_numbers = #tpu.dot_dimension_numbers<[1], [0], [0], [1], [0, 0, 1, 1], [], []>, transpose_lhs_hint = false} : vector<1000x128xf32>, vector<128x128xf32>, vector<1000x128xf32> -> vector<1000x128xf32>
    %get3A_17 = arith.constant 0 : index
    %get3A_18 = arith.constant 0 : index
    %get3A_19 = vector.load %arg5[%get3A_17, %get3A_18] : memref<1x128xf32, #tpu.memory_space<vmem>>, vector<1x128xf32>
    %add3A_20 = vector.broadcast %get3A_19 : vector<1x128xf32> to vector<1000x128xf32>
    %add3A_21 = arith.addf %dot_general3A_16, %add3A_20 : vector<1000x128xf32>
    %swap3A_22 = arith.constant 0 : index
    %swap3A_23 = arith.constant 0 : index
    %swap3A_24 = vector.load %arg11[%swap3A_22, %swap3A_23] : memref<1000x128xf32, #tpu.memory_space<vmem>>, vector<1000x128xf32>
    tpu.vector_store %arg11[%swap3A_22, %swap3A_23], %add3A_21 {strides = array<i32>} : memref<1000x128xf32, #tpu.memory_space<vmem>>, vector<1000x128xf32>,
    %get3A_25 = arith.constant 0 : index
    %get3A_26 = arith.constant 0 : index
    %get3A_27 = vector.load %arg6[%get3A_25, %get3A_26] : memref<128x128xf32, #tpu.memory_space<vmem>>, vector<128x128xf32>
    %dot_general3A_28 = arith.constant dense<0.000000e+00> : vector<1000x128xf32>
    %dot_general3A_29 = tpu.matmul %get3A_1, %get3A_27, %dot_general3A_28 {dimension_numbers = #tpu.dot_dimension_numbers<[1], [0], [0], [1], [0, 0, 1, 1], [], []>, transpose_lhs_hint = false} : vector<1000x128xf32>, vector<128x128xf32>, vector<1000x128xf32> -> vector<1000x128xf32>
    %get3A_30 = arith.constant 0 : index
    %get3A_31 = arith.constant 0 : index
    %get3A_32 = vector.load %arg7[%get3A_30, %get3A_31] : memref<1x128xf32, #tpu.memory_space<vmem>>, vector<1x128xf32>
    %add3A_33 = vector.broadcast %get3A_32 : vector<1x128xf32> to vector<1000x128xf32>
    %add3A_34 = arith.addf %dot_general3A_29, %add3A_33 : vector<1000x128xf32>
    %swap3A_35 = arith.constant 0 : index
    %swap3A_36 = arith.constant 0 : index
    %swap3A_37 = vector.load %arg12[%swap3A_35, %swap3A_36] : memref<1000x128xf32, #tpu.memory_space<vmem>>, vector<1000x128xf32>
    tpu.vector_store %arg12[%swap3A_35, %swap3A_36], %add3A_34 {strides = array<i32>} : memref<1000x128xf32, #tpu.memory_space<vmem>>, vector<1000x128xf32>,
    %get3A_38 = arith.constant 0 : index
    %get3A_39 = arith.constant 0 : index
    %get3A_40 = vector.load %arg8[%get3A_38, %get3A_39] : memref<128x128xf32, #tpu.memory_space<vmem>>, vector<128x128xf32>
    %dot_general3A_41 = arith.constant dense<0.000000e+00> : vector<1000x128xf32>
    %dot_general3A_42 = tpu.matmul %get3A_1, %get3A_40, %dot_general3A_41 {dimension_numbers = #tpu.dot_dimension_numbers<[1], [0], [0], [1], [0, 0, 1, 1], [], []>, transpose_lhs_hint = false} : vector<1000x128xf32>, vector<128x128xf32>, vector<1000x128xf32> -> vector<1000x128xf32>
    %get3A_43 = arith.constant 0 : index
    %get3A_44 = arith.constant 0 : index
    %get3A_45 = vector.load %arg9[%get3A_43, %get3A_44] : memref<1x128xf32, #tpu.memory_space<vmem>>, vector<1x128xf32>
    %add3A_46 = vector.broadcast %get3A_45 : vector<1x128xf32> to vector<1000x128xf32>
    %add3A_47 = arith.addf %dot_general3A_42, %add3A_46 : vector<1000x128xf32>
    %swap3A_48 = arith.constant 0 : index
    %swap3A_49 = arith.constant 0 : index
    %swap3A_50 = vector.load %arg13[%swap3A_48, %swap3A_49] : memref<1000x128xf32, #tpu.memory_space<vmem>>, vector<1000x128xf32>
    tpu.vector_store %arg13[%swap3A_48, %swap3A_49], %add3A_47 {strides = array<i32>} : memref<1000x128xf32, #tpu.memory_space<vmem>>, vector<1000x128xf32>,
    return
  }
  func.func @transform_0(%arg0: i32) -> (i32, i32) {
    %c0_i32 = arith.constant 0 : i32
    %c0_i32_0 = arith.constant 0 : i32
    return %arg0, %c0_i32 : i32, i32
  }
  func.func @transform_1(%arg0: i32) -> (i32, i32) {
    %c0_i32 = arith.constant 0 : i32
    %c0_i32_0 = arith.constant 0 : i32
    %c0_i32_1 = arith.constant 0 : i32
    return %c0_i32, %c0_i32_0 : i32, i32
  }
  func.func @transform_2(%arg0: i32) -> (i32, i32) {
    %c0_i32 = arith.constant 0 : i32
    %c0_i32_0 = arith.constant 0 : i32
    %c0_i32_1 = arith.constant 0 : i32
    return %c0_i32, %c0_i32_0 : i32, i32
  }
  func.func @transform_3(%arg0: i32) -> (i32, i32) {
    %c0_i32 = arith.constant 0 : i32
    %c0_i32_0 = arith.constant 0 : i32
    %c0_i32_1 = arith.constant 0 : i32
    return %c0_i32, %c0_i32_0 : i32, i32
  }
  func.func @transform_4(%arg0: i32) -> (i32, i32) {
    %c0_i32 = arith.constant 0 : i32
    %c0_i32_0 = arith.constant 0 : i32
    %c0_i32_1 = arith.constant 0 : i32
    return %c0_i32, %c0_i32_0 : i32, i32
  }
  func.func @transform_5(%arg0: i32) -> (i32, i32) {
    %c0_i32 = arith.constant 0 : i32
    %c0_i32_0 = arith.constant 0 : i32
    %c0_i32_1 = arith.constant 0 : i32
    return %c0_i32, %c0_i32_0 : i32, i32
  }
  func.func @transform_6(%arg0: i32) -> (i32, i32) {
    %c0_i32 = arith.constant 0 : i32
    %c0_i32_0 = arith.constant 0 : i32
    %c0_i32_1 = arith.constant 0 : i32
    return %c0_i32, %c0_i32_0 : i32, i32
  }
  func.func @transform_7(%arg0: i32) -> (i32, i32) {
    %c0_i32 = arith.constant 0 : i32
    %c0_i32_0 = arith.constant 0 : i32
    %c0_i32_1 = arith.constant 0 : i32
    return %c0_i32, %c0_i32_0 : i32, i32
  }
  func.func @transform_8(%arg0: i32) -> (i32, i32) {
    %c0_i32 = arith.constant 0 : i32
    %c0_i32_0 = arith.constant 0 : i32
    %c0_i32_1 = arith.constant 0 : i32
    return %c0_i32, %c0_i32_0 : i32, i32
  }
  func.func @transform_9(%arg0: i32) -> (i32, i32) {
    %c0_i32 = arith.constant 0 : i32
    %c0_i32_0 = arith.constant 0 : i32
    return %arg0, %c0_i32 : i32, i32
  }
  func.func @transform_10(%arg0: i32) -> (i32, i32) {
    %c0_i32 = arith.constant 0 : i32
    %c0_i32_0 = arith.constant 0 : i32
    return %arg0, %c0_i32 : i32, i32
  }
  func.func @transform_11(%arg0: i32) -> (i32, i32) {
    %c0_i32 = arith.constant 0 : i32
    %c0_i32_0 = arith.constant 0 : i32
    return %arg0, %c0_i32 : i32, i32
  }
  func.func @transform_12(%arg0: i32) -> (i32, i32) {
    %c0_i32 = arith.constant 0 : i32
    %c0_i32_0 = arith.constant 0 : i32
    return %arg0, %c0_i32 : i32, i32
  }
}

module attributes {stable_mosaic.version = 14 : i64} {
  func.func @_edge_body(%arg0: i32, %arg1: memref<1000x256xf32, #tpu.memory_space<vmem>>, %arg2: memref<1000x128xf32, #tpu.memory_space<vmem>>, %arg3: memref<1000x1xf32, #tpu.memory_space<vmem>>, %arg4: memref<1000x16xf32, #tpu.memory_space<vmem>>, %arg5: memref<100x128xf32, #tpu.memory_space<vmem>>, %arg6: memref<16x128xf32, #tpu.memory_space<vmem>>, %arg7: memref<1x100xf32, #tpu.memory_space<vmem>>, %arg8: memref<1x100xf32, #tpu.memory_space<vmem>>, %arg9: memref<128x2xf32, #tpu.memory_space<vmem>>, %arg10: memref<2x128xf32, #tpu.memory_space<vmem>>, %arg11: memref<1000x128xf32, #tpu.memory_space<vmem>>, %arg12: memref<1000x8xf32, #tpu.memory_space<vmem>>) attributes {dimension_semantics = [#tpu.dimension_semantics<arbitrary>], iteration_bounds = array<i64: 320>, scalar_prefetch = 0 : i64, scratch_operands = 0 : i64, tpu.core_type = #tpu.core_type<tc>, window_params = [{transform_indices = @transform_0, window_bounds = array<i64: 1000, 256>}, {transform_indices = @transform_1, window_bounds = array<i64: 1000, 128>}, {transform_indices = @transform_2, window_bounds = array<i64: 1000, 1>}, {transform_indices = @transform_3, window_bounds = array<i64: 1000, 16>}, {pipeline_mode = #tpu.pipeline_mode<synchronous>, transform_indices = @transform_4, window_bounds = array<i64: 100, 128>}, {pipeline_mode = #tpu.pipeline_mode<synchronous>, transform_indices = @transform_5, window_bounds = array<i64: 16, 128>}, {pipeline_mode = #tpu.pipeline_mode<synchronous>, transform_indices = @transform_6, window_bounds = array<i64: 1, 100>}, {pipeline_mode = #tpu.pipeline_mode<synchronous>, transform_indices = @transform_7, window_bounds = array<i64: 1, 100>}, {pipeline_mode = #tpu.pipeline_mode<synchronous>, transform_indices = @transform_8, window_bounds = array<i64: 128, 2>}, {pipeline_mode = #tpu.pipeline_mode<synchronous>, transform_indices = @transform_9, window_bounds = array<i64: 2, 128>}, {transform_indices = @transform_10, window_bounds = array<i64: 1000, 128>}, {transform_indices = @transform_11, window_bounds = array<i64: 1000, 8>}]} {
    %get3A = arith.constant 0 : index
    %get3A_0 = arith.constant 0 : index
    %get3A_1 = vector.load %arg1[%get3A, %get3A_0] : memref<1000x256xf32, #tpu.memory_space<vmem>>, vector<1000x128xf32>
    %get3A_2 = arith.constant 0 : index
    %get3A_3 = arith.constant 128 : index
    %get3A_4 = vector.load %arg1[%get3A_2, %get3A_3] : memref<1000x256xf32, #tpu.memory_space<vmem>>, vector<1000x128xf32>
    %get3A_5 = arith.constant 0 : index
    %get3A_6 = arith.constant 0 : index
    %get3A_7 = vector.load %arg3[%get3A_5, %get3A_6] : memref<1000x1xf32, #tpu.memory_space<vmem>>, vector<1000x1xf32>
    %get3A_8 = arith.constant 0 : index
    %get3A_9 = arith.constant 0 : index
    %get3A_10 = vector.load %arg7[%get3A_8, %get3A_9] : memref<1x100xf32, #tpu.memory_space<vmem>>, vector<1x100xf32>
    %mul3A = vector.broadcast %get3A_7 : vector<1000x1xf32> to vector<1000x100xf32>
    %mul3A_11 = vector.broadcast %get3A_10 : vector<1x100xf32> to vector<1000x100xf32>
    %mul3A_12 = arith.mulf %mul3A, %mul3A_11 : vector<1000x100xf32>
    %get3A_13 = arith.constant 0 : index
    %get3A_14 = arith.constant 0 : index
    %get3A_15 = vector.load %arg8[%get3A_13, %get3A_14] : memref<1x100xf32, #tpu.memory_space<vmem>>, vector<1x100xf32>
    %add3A = vector.broadcast %get3A_15 : vector<1x100xf32> to vector<1000x100xf32>
    %add3A_16 = arith.addf %mul3A_12, %add3A : vector<1000x100xf32>
    %mul3A_17 = arith.constant 0.159154937 : f32
    %mul3A_18 = vector.broadcast %mul3A_17 : f32 to vector<1000x100xf32>
    %mul3A_19 = arith.mulf %add3A_16, %mul3A_18 : vector<1000x100xf32>
    %add3A_20 = arith.constant 5.000000e-01 : f32
    %add3A_21 = vector.broadcast %add3A_20 : f32 to vector<1000x100xf32>
    %add3A_22 = arith.addf %mul3A_19, %add3A_21 : vector<1000x100xf32>
    %floor3A = math.floor %add3A_22 : vector<1000x100xf32>
    %sub3A = arith.subf %mul3A_19, %floor3A : vector<1000x100xf32>
    %mul3A_23 = arith.mulf %sub3A, %sub3A : vector<1000x100xf32>
    %mul3A_24 = arith.constant 6.57561779 : f32
    %mul3A_25 = vector.broadcast %mul3A_24 : f32 to vector<1000x100xf32>
    %mul3A_26 = arith.mulf %mul3A_25, %mul3A_23 : vector<1000x100xf32>
    %add3A_27 = arith.constant -26.0005322 : f32
    %add3A_28 = vector.broadcast %add3A_27 : f32 to vector<1000x100xf32>
    %add3A_29 = arith.addf %mul3A_26, %add3A_28 : vector<1000x100xf32>
    %mul3A_30 = arith.mulf %add3A_29, %mul3A_23 : vector<1000x100xf32>
    %add3A_31 = arith.constant 60.1762314 : f32
    %add3A_32 = vector.broadcast %add3A_31 : f32 to vector<1000x100xf32>
    %add3A_33 = arith.addf %mul3A_30, %add3A_32 : vector<1000x100xf32>
    %mul3A_34 = arith.mulf %add3A_33, %mul3A_23 : vector<1000x100xf32>
    %add3A_35 = arith.constant -85.4511642 : f32
    %add3A_36 = vector.broadcast %add3A_35 : f32 to vector<1000x100xf32>
    %add3A_37 = arith.addf %mul3A_34, %add3A_36 : vector<1000x100xf32>
    %mul3A_38 = arith.mulf %add3A_37, %mul3A_23 : vector<1000x100xf32>
    %add3A_39 = arith.constant 64.9391708 : f32
    %add3A_40 = vector.broadcast %add3A_39 : f32 to vector<1000x100xf32>
    %add3A_41 = arith.addf %mul3A_38, %add3A_40 : vector<1000x100xf32>
    %mul3A_42 = arith.mulf %add3A_41, %mul3A_23 : vector<1000x100xf32>
    %add3A_43 = arith.constant -19.7392063 : f32
    %add3A_44 = vector.broadcast %add3A_43 : f32 to vector<1000x100xf32>
    %add3A_45 = arith.addf %mul3A_42, %add3A_44 : vector<1000x100xf32>
    %mul3A_46 = arith.mulf %add3A_45, %mul3A_23 : vector<1000x100xf32>
    %add3A_47 = arith.constant 1.000000e+00 : f32
    %add3A_48 = vector.broadcast %add3A_47 : f32 to vector<1000x100xf32>
    %add3A_49 = arith.addf %mul3A_46, %add3A_48 : vector<1000x100xf32>
    %get3A_50 = arith.constant 0 : index
    %get3A_51 = arith.constant 0 : index
    %get3A_52 = vector.load %arg5[%get3A_50, %get3A_51] : memref<100x128xf32, #tpu.memory_space<vmem>>, vector<100x128xf32>
    %dot_general3A = arith.constant dense<0.000000e+00> : vector<1000x128xf32>
    %dot_general3A_53 = tpu.matmul %add3A_49, %get3A_52, %dot_general3A {dimension_numbers = #tpu.dot_dimension_numbers<[1], [0], [0], [1], [0, 0, 1, 1], [], []>, transpose_lhs_hint = false} : vector<1000x100xf32>, vector<100x128xf32>, vector<1000x128xf32> -> vector<1000x128xf32>
    %get3A_54 = arith.constant 0 : index
    %get3A_55 = arith.constant 0 : index
    %get3A_56 = vector.load %arg4[%get3A_54, %get3A_55] : memref<1000x16xf32, #tpu.memory_space<vmem>>, vector<1000x16xf32>
    %get3A_57 = arith.constant 0 : index
    %get3A_58 = arith.constant 0 : index
    %get3A_59 = vector.load %arg6[%get3A_57, %get3A_58] : memref<16x128xf32, #tpu.memory_space<vmem>>, vector<16x128xf32>
    %dot_general3A_60 = arith.constant dense<0.000000e+00> : vector<1000x128xf32>
    %dot_general3A_61 = tpu.matmul %get3A_56, %get3A_59, %dot_general3A_60 {dimension_numbers = #tpu.dot_dimension_numbers<[1], [0], [0], [1], [0, 0, 1, 1], [], []>, transpose_lhs_hint = false} : vector<1000x16xf32>, vector<16x128xf32>, vector<1000x128xf32> -> vector<1000x128xf32>
    %add3A_62 = arith.addf %dot_general3A_53, %dot_general3A_61 : vector<1000x128xf32>
    %get3A_63 = arith.constant 0 : index
    %get3A_64 = arith.constant 0 : index
    %get3A_65 = vector.load %arg2[%get3A_63, %get3A_64] : memref<1000x128xf32, #tpu.memory_space<vmem>>, vector<1000x128xf32>
    %add3A_66 = arith.addf %get3A_1, %add3A_62 : vector<1000x128xf32>
    %mul3A_67 = arith.mulf %get3A_65, %add3A_66 : vector<1000x128xf32>
    %get3A_68 = arith.constant 0 : index
    %get3A_69 = arith.constant 0 : index
    %get3A_70 = vector.load %arg9[%get3A_68, %get3A_69] : memref<128x2xf32, #tpu.memory_space<vmem>>, vector<128x2xf32>
    %dot_general3A_71 = arith.constant dense<0.000000e+00> : vector<1000x2xf32>
    %dot_general3A_72 = tpu.matmul %mul3A_67, %get3A_70, %dot_general3A_71 {dimension_numbers = #tpu.dot_dimension_numbers<[1], [0], [0], [1], [0, 0, 1, 1], [], []>, transpose_lhs_hint = false} : vector<1000x128xf32>, vector<128x2xf32>, vector<1000x2xf32> -> vector<1000x2xf32>
    %mul3A_73 = arith.constant 1.250000e-01 : f32
    %mul3A_74 = vector.broadcast %mul3A_73 : f32 to vector<1000x2xf32>
    %mul3A_75 = arith.mulf %dot_general3A_72, %mul3A_74 : vector<1000x2xf32>
    %exp3A = math.exp %mul3A_75 : vector<1000x2xf32>
    %get3A_76 = arith.constant 0 : index
    %get3A_77 = arith.constant 0 : index
    %get3A_78 = vector.load %arg10[%get3A_76, %get3A_77] : memref<2x128xf32, #tpu.memory_space<vmem>>, vector<2x128xf32>
    %dot_general3A_79 = arith.constant dense<0.000000e+00> : vector<1000x128xf32>
    %dot_general3A_80 = tpu.matmul %exp3A, %get3A_78, %dot_general3A_79 {dimension_numbers = #tpu.dot_dimension_numbers<[1], [0], [0], [1], [0, 0, 1, 1], [], []>, transpose_lhs_hint = false} : vector<1000x2xf32>, vector<2x128xf32>, vector<1000x128xf32> -> vector<1000x128xf32>
    %add3A_81 = arith.addf %get3A_4, %add3A_62 : vector<1000x128xf32>
    %mul3A_82 = arith.mulf %dot_general3A_80, %add3A_81 : vector<1000x128xf32>
    %swap3A = arith.constant 0 : index
    %swap3A_83 = arith.constant 0 : index
    %swap3A_84 = vector.load %arg11[%swap3A, %swap3A_83] : memref<1000x128xf32, #tpu.memory_space<vmem>>, vector<1000x128xf32>
    tpu.vector_store %arg11[%swap3A, %swap3A_83], %mul3A_82 {strides = array<i32>} : memref<1000x128xf32, #tpu.memory_space<vmem>>, vector<1000x128xf32>,
    %broadcast_in_dim3A = arith.constant 0.000000e+00 : f32
    %broadcast_in_dim3A_85 = vector.broadcast %broadcast_in_dim3A : f32 to vector<1000x6xf32>
    %concatenate3A = tpu.concatenate %exp3A, %broadcast_in_dim3A_85 in 1 : vector<1000x2xf32>, vector<1000x6xf32> -> vector<1000x8xf32>
    %swap3A_86 = arith.constant 0 : index
    %swap3A_87 = arith.constant 0 : index
    %swap3A_88 = vector.load %arg12[%swap3A_86, %swap3A_87] : memref<1000x8xf32, #tpu.memory_space<vmem>>, vector<1000x8xf32>
    tpu.vector_store %arg12[%swap3A_86, %swap3A_87], %concatenate3A {strides = array<i32>} : memref<1000x8xf32, #tpu.memory_space<vmem>>, vector<1000x8xf32>,
    return
  }
  func.func @transform_0(%arg0: i32) -> (i32, i32) {
    %c0_i32 = arith.constant 0 : i32
    %c0_i32_0 = arith.constant 0 : i32
    return %arg0, %c0_i32 : i32, i32
  }
  func.func @transform_1(%arg0: i32) -> (i32, i32) {
    %c0_i32 = arith.constant 0 : i32
    %c0_i32_0 = arith.constant 0 : i32
    return %arg0, %c0_i32 : i32, i32
  }
  func.func @transform_2(%arg0: i32) -> (i32, i32) {
    %c0_i32 = arith.constant 0 : i32
    %c0_i32_0 = arith.constant 0 : i32
    return %arg0, %c0_i32 : i32, i32
  }
  func.func @transform_3(%arg0: i32) -> (i32, i32) {
    %c0_i32 = arith.constant 0 : i32
    %c0_i32_0 = arith.constant 0 : i32
    return %arg0, %c0_i32 : i32, i32
  }
  func.func @transform_4(%arg0: i32) -> (i32, i32) {
    %c0_i32 = arith.constant 0 : i32
    %c0_i32_0 = arith.constant 0 : i32
    %c0_i32_1 = arith.constant 0 : i32
    return %c0_i32, %c0_i32_0 : i32, i32
  }
  func.func @transform_5(%arg0: i32) -> (i32, i32) {
    %c0_i32 = arith.constant 0 : i32
    %c0_i32_0 = arith.constant 0 : i32
    %c0_i32_1 = arith.constant 0 : i32
    return %c0_i32, %c0_i32_0 : i32, i32
  }
  func.func @transform_6(%arg0: i32) -> (i32, i32) {
    %c0_i32 = arith.constant 0 : i32
    %c0_i32_0 = arith.constant 0 : i32
    %c0_i32_1 = arith.constant 0 : i32
    return %c0_i32, %c0_i32_0 : i32, i32
  }
  func.func @transform_7(%arg0: i32) -> (i32, i32) {
    %c0_i32 = arith.constant 0 : i32
    %c0_i32_0 = arith.constant 0 : i32
    %c0_i32_1 = arith.constant 0 : i32
    return %c0_i32, %c0_i32_0 : i32, i32
  }
  func.func @transform_8(%arg0: i32) -> (i32, i32) {
    %c0_i32 = arith.constant 0 : i32
    %c0_i32_0 = arith.constant 0 : i32
    %c0_i32_1 = arith.constant 0 : i32
    return %c0_i32, %c0_i32_0 : i32, i32
  }
  func.func @transform_9(%arg0: i32) -> (i32, i32) {
    %c0_i32 = arith.constant 0 : i32
    %c0_i32_0 = arith.constant 0 : i32
    %c0_i32_1 = arith.constant 0 : i32
    return %c0_i32, %c0_i32_0 : i32, i32
  }
  func.func @transform_10(%arg0: i32) -> (i32, i32) {
    %c0_i32 = arith.constant 0 : i32
    %c0_i32_0 = arith.constant 0 : i32
    return %arg0, %c0_i32 : i32, i32
  }
  func.func @transform_11(%arg0: i32) -> (i32, i32) {
    %c0_i32 = arith.constant 0 : i32
    %c0_i32_0 = arith.constant 0 : i32
    return %arg0, %c0_i32 : i32, i32
  }
}

module attributes {stable_mosaic.version = 14 : i64} {
  func.func @_final_body(%arg0: i32, %arg1: memref<2x1000x128xf32, #tpu.memory_space<vmem>>, %arg2: memref<1000x2xf32, #tpu.memory_space<vmem>>, %arg3: memref<1000x128xf32, #tpu.memory_space<vmem>>, %arg4: memref<1000x128xf32, #tpu.memory_space<vmem>>) attributes {dimension_semantics = [#tpu.dimension_semantics<arbitrary>], iteration_bounds = array<i64: 10>, scalar_prefetch = 0 : i64, scratch_operands = 0 : i64, tpu.core_type = #tpu.core_type<tc>, window_params = [{transform_indices = @transform_0, window_bounds = array<i64: 2, 1000, 128>}, {transform_indices = @transform_1, window_bounds = array<i64: 1000, 2>}, {transform_indices = @transform_2, window_bounds = array<i64: 1000, 128>}, {transform_indices = @transform_3, window_bounds = array<i64: 1000, 128>}]} {
    %get3A = arith.constant 0 : index
    %get3A_0 = arith.constant 0 : index
    %get3A_1 = arith.constant 0 : index
    %get3A_2 = vector.load %arg1[%get3A, %get3A_0, %get3A_1] : memref<2x1000x128xf32, #tpu.memory_space<vmem>>, vector<1x1000x128xf32>
    %get3A_3 = vector.shape_cast %get3A_2 : vector<1x1000x128xf32> to vector<1000x128xf32>
    %get3A_4 = arith.constant 1 : index
    %get3A_5 = arith.constant 0 : index
    %get3A_6 = arith.constant 0 : index
    %get3A_7 = vector.load %arg1[%get3A_4, %get3A_5, %get3A_6] : memref<2x1000x128xf32, #tpu.memory_space<vmem>>, vector<1x1000x128xf32>
    %get3A_8 = vector.shape_cast %get3A_7 : vector<1x1000x128xf32> to vector<1000x128xf32>
    %add3A = arith.addf %get3A_3, %get3A_8 : vector<1000x128xf32>
    %get3A_9 = arith.constant 0 : index
    %get3A_10 = arith.constant 0 : index
    %get3A_11 = vector.load %arg2[%get3A_9, %get3A_10] : memref<1000x2xf32, #tpu.memory_space<vmem>>, vector<1000x1xf32>
    %get3A_12 = arith.constant 0 : index
    %get3A_13 = arith.constant 1 : index
    %get3A_14 = vector.load %arg2[%get3A_12, %get3A_13] : memref<1000x2xf32, #tpu.memory_space<vmem>>, vector<1000x1xf32>
    %iota3A = tpu.iota {dimensions = array<i32: 1>} : vector<1000x128xi32>
    %lt3A = arith.constant 64 : i32
    %lt3A_15 = vector.broadcast %lt3A : i32 to vector<1000x128xi32>
    %lt3A_16 = arith.cmpi slt, %iota3A, %lt3A_15 : vector<1000x128xi32>
    %broadcast_in_dim3A = vector.shape_cast %get3A_11 : vector<1000x1xf32> to vector<1000x1xf32>
    %broadcast_in_dim3A_17 = vector.broadcast %broadcast_in_dim3A : vector<1000x1xf32> to vector<1000x128xf32>
    %broadcast_in_dim3A_18 = vector.shape_cast %get3A_14 : vector<1000x1xf32> to vector<1000x1xf32>
    %broadcast_in_dim3A_19 = vector.broadcast %broadcast_in_dim3A_18 : vector<1000x1xf32> to vector<1000x128xf32>
    %select_n3A = arith.select %lt3A_16, %broadcast_in_dim3A_17, %broadcast_in_dim3A_19 : vector<1000x128xi1>, vector<1000x128xf32>
    %add3A_20 = arith.constant 1.000000e-16 : f32
    %add3A_21 = vector.broadcast %add3A_20 : f32 to vector<1000x128xf32>
    %add3A_22 = arith.addf %select_n3A, %add3A_21 : vector<1000x128xf32>
    %div3A = arith.divf %add3A, %add3A_22 : vector<1000x128xf32>
    %get3A_23 = arith.constant 0 : index
    %get3A_24 = arith.constant 0 : index
    %get3A_25 = vector.load %arg3[%get3A_23, %get3A_24] : memref<1000x128xf32, #tpu.memory_space<vmem>>, vector<1000x128xf32>
    %add3A_26 = arith.addf %div3A, %get3A_25 : vector<1000x128xf32>
    %swap3A = arith.constant 0 : index
    %swap3A_27 = arith.constant 0 : index
    %swap3A_28 = vector.load %arg4[%swap3A, %swap3A_27] : memref<1000x128xf32, #tpu.memory_space<vmem>>, vector<1000x128xf32>
    tpu.vector_store %arg4[%swap3A, %swap3A_27], %add3A_26 {strides = array<i32>} : memref<1000x128xf32, #tpu.memory_space<vmem>>, vector<1000x128xf32>,
    return
  }
  func.func @transform_0(%arg0: i32) -> (i32, i32, i32) {
    %c0_i32 = arith.constant 0 : i32
    %c0_i32_0 = arith.constant 0 : i32
    %c0_i32_1 = arith.constant 0 : i32
    return %c0_i32, %arg0, %c0_i32_0 : i32, i32, i32
  }
  func.func @transform_1(%arg0: i32) -> (i32, i32) {
    %c0_i32 = arith.constant 0 : i32
    %c0_i32_0 = arith.constant 0 : i32
    return %arg0, %c0_i32 : i32, i32
  }
  func.func @transform_2(%arg0: i32) -> (i32, i32) {
    %c0_i32 = arith.constant 0 : i32
    %c0_i32_0 = arith.constant 0 : i32
    return %arg0, %c0_i32 : i32, i32
  }
  func.func @transform_3(%arg0: i32) -> (i32, i32) {
    %c0_i32 = arith.constant 0 : i32
    %c0_i32_0 = arith.constant 0 : i32
    return %arg0, %c0_i32 : i32, i32
  }
}

</mosaic_0001>

<sc_bundles>
// kernel: kernel.10.cloned.1.call-start
scs
__scs_entry_jumppad:
0x0: {  	(pc) =	sbr.rel $0x88, $3  }
0x1: {  	(tag) =	ssettag $0x0;
	lr =	simm.s32 $0x1  }
0x2: {  	[smem:$0x3F91] =	sst lr;
	_ =	strace $0xD0000000  }
0x3: {  	_ = 	snop  }
0x4: {  	_ = 	snop  }
0x5: {  	_ = 	snop  }
0x6: {  	_ = 	snop  }
0x7: {  	_ = 	snop  }
__scs_overlays_trampoline_lowered:
0x8: {  	[smem:$0x3FA0] =	sst s0  }
0x9: {  	[smem:$0x3FA1] =	sst s1  }
0xa: {  	[smem:$0x3FA2] =	sst s2  }
0xb: {  	[smem:$0x3FA3] =	sst s3  }
0xc: {  	[smem:$0x3FA4] =	sst s4  }
0xd: {  	[smem:$0x3FA5] =	sst s5  }
0xe: {  	[smem:$0x3FA6] =	sst s6  }
0xf: {  	[smem:$0x3FA7] =	sst s7  }
0x10: {  	[smem:$0x3FA8] =	sst s8  }
0x11: {  	[smem:$0x3FA9] =	sst s9;
	s0 =	simm.s32 @!p0 $0x0  }
0x12: {  	s1 =	sld [smem:$0x3F8F];
	s0 =	simm.s32 @p0 $0x1  }
0x13: {  	[smem:$0x3FAA] =	sst s0;
	s0 =	simm.s32 @!p1 $0x0  }
0x14: {  	s2 =	sld [smem:$0x3F8E];
	s0 =	simm.s32 @p1 $0x1  }
0x15: {  	[smem:$0x3FAB] =	sst s0;
	s0 =	simm.s32 @!p2 $0x0  }
0x16: {  	s3 =	sld [smem:$0x3FDB];
	s0 =	simm.s32 @p2 $0x1  }
0x17: {  	s4 =	simm.s32 $0x1BF5;
	[smem:$0x3FAD] =	sst s0  }
0x18: {  	s0 =	sld [smem:$0x3F90];
	_ =	swait.ge [sflag:s4], $0x0  }
0x19: {  	s7 =	sld [smem:$0x3F91]  }
0x1a: {  	s8 =	sadd.s32 $0xFFFFE003, lr  }
0x1b: {  	s9 =	sadd.s32 $0xFFFFFEF7, lr;
	s5 =	simm.s32 $0xFFFFFFFF;
	p2 =	slt.u32 s8, $0xFFFFF086  }
0x1c: {  	p1 =	slt.u32 s9, $0xF7A;
	s5 =	simm.s32 @!p2 $0x0  }
0x1d: {  	s5 =	simm.s32 @p1 $0x1;
	p0 =	seq.s32 s7, s2  }
0x1e: {  	s7 =	smul.u32 @!p0 $0xF7A, s2;
	p2 =	seq.s32 @!p0 s5, $0x0  }
0x1f: {  	s9 =	smul.u32 $0xF7A, s1;
	s8 =	simm.s32 @!p0 $0x1BF5;
	p2 =	por !p2, p0  }
0x20: {  	[sflag:s8] =	ssyncset.s32 @!p0 $0xFFFFF086;
	s6 =	sadd.s32 @!p0 s3, s7;
	s7 =	simm.s32 @!p0 $0x108  }
0x21: {  	s3 =	sadd.s32 s3, s9;
	s6 =	sadd.s32 @!p0 $0x88, s6;
	s7 =	simm.s32 @p2 $0x1082  }
0x22: {  	[simem:s7], [sflag:s8] =	dma.local @!p0 [hbm:s6], $0xF7A  }
0x23: {  	s9 =	sor.u32 $0xD0000000, s2;
	s6 =	simm.s32 $0x108;
	_ =	swait.ge @!p0 [sflag:s8], $0x0  }
0x24: {  	s3 =	sadd.s32 $0x88, s3;
	s6 =	simm.s32 @!p1 $0x1082;
	[sflag:s4] =	ssyncset.s32 $0xFFFFF086  }
0x25: {  	[simem:s6], [sflag:s4] =	dma.local [hbm:s3], $0xF7A  }
0x26: {  	[smem:$0x3F91] =	sst s1;
	(tag) =	ssettag s2;
	_ =	strace s9  }
0x27: {  	s1 =	sld [smem:$0x3FA1]  }
0x28: {  	s2 =	sld [smem:$0x3FA2]  }
0x29: {  	s4 =	sld [smem:$0x3FA4]  }
0x2a: {  	p0 =	seq.s32 s5, $0x0;
	s5 =	sld [smem:$0x3FA5]  }
0x2b: {  	s6 =	sld [smem:$0x3FA6]  }
0x2c: {  	s7 =	sld [smem:$0x3FA7]  }
0x2d: {  	s3 =	simm.s32 $0x108;
	s8 =	sld [smem:$0x3FA8]  }
0x2e: {  	s3 =	simm.s32 @!p0 $0x1082;
	s9 =	sld [smem:$0x3FA9]  }
0x2f: {  	lr =	sadd.s32 s0, s3;
	s0 =	sld [smem:$0x3FA0]  }
0x30: {  	s3 =	sld [smem:$0x3FA3]  }
0x31: {  	[smem:$0x3FAC] =	sst s10  }
0x32: {  	s10 =	sld [smem:$0x3FAA];
	_ =	sdelay $0x3  }
0x33: {  	p0 =	seq.s32 s10, $0x1;
	s10 =	sld [smem:$0x3FAC];
	_ =	sdelay $0x3  }
0x34: {  	[smem:$0x3FAC] =	sst s10  }
0x35: {  	s10 =	sld [smem:$0x3FAB];
	_ =	sdelay $0x3  }
0x36: {  	p1 =	seq.s32 s10, $0x1;
	s10 =	sld [smem:$0x3FAC];
	_ =	sdelay $0x3  }
0x37: {  	[smem:$0x3FAC] =	sst s10  }
0x38: {  	s10 =	sld [smem:$0x3FAD]  }
0x39: {  	_ = 	snop;
	(pc) =	sbr.ind lr, $3  }
0x3a: {  	_ = 	snop  }
0x3b: {  	_ = 	snop  }
0x3c: {  	p2 =	seq.s32 s10, $0x1;
	s10 =	sld [smem:$0x3FAC]  }
0x3d: {  	_ =	shalt  }
0x3e: {  	_ =	shalt  }
0x3f: {  	_ =	shalt  }
0x40: {  	_ =	shalt  }
0x41: {  	_ =	shalt  }
0x42: {  	_ =	shalt  }
0x43: {  	_ =	shalt  }
0x44: {  	_ =	shalt  }
0x45: {  	_ =	shalt  }
0x46: {  	_ =	shalt  }
0x47: {  	_ =	shalt  }
0x48: {  	_ =	shalt  }
0x49: {  	_ =	shalt  }
0x4a: {  	_ =	shalt  }
0x4b: {  	_ =	shalt  }
0x4c: {  	_ =	shalt  }
0x4d: {  	_ =	shalt  }
0x4e: {  	_ =	shalt  }
0x4f: {  	_ =	shalt  }
0x50: {  	_ =	shalt  }
0x51: {  	_ =	shalt  }
0x52: {  	_ =	shalt  }
0x53: {  	_ =	shalt  }
0x54: {  	_ =	shalt  }
0x55: {  	_ =	shalt  }
0x56: {  	_ =	shalt  }
0x57: {  	_ =	shalt  }
0x58: {  	_ =	shalt  }
0x59: {  	_ =	shalt  }
0x5a: {  	_ =	shalt  }
0x5b: {  	_ =	shalt  }
0x5c: {  	_ =	shalt  }
0x5d: {  	_ =	shalt  }
0x5e: {  	_ =	shalt  }
0x5f: {  	_ =	shalt  }
0x60: {  	_ =	shalt  }
0x61: {  	_ =	shalt  }
0x62: {  	_ =	shalt  }
0x63: {  	_ =	shalt  }
0x64: {  	_ =	shalt  }
0x65: {  	_ =	shalt  }
0x66: {  	_ =	shalt  }
0x67: {  	_ =	shalt  }
0x68: {  	_ =	shalt  }
0x69: {  	_ =	shalt  }
0x6a: {  	_ =	shalt  }
0x6b: {  	_ =	shalt  }
0x6c: {  	_ =	shalt  }
0x6d: {  	_ =	shalt  }
0x6e: {  	_ =	shalt  }
0x6f: {  	_ =	shalt  }
0x70: {  	_ =	shalt  }
0x71: {  	_ =	shalt  }
0x72: {  	_ =	shalt  }
0x73: {  	_ =	shalt  }
0x74: {  	_ =	shalt  }
0x75: {  	_ =	shalt  }
0x76: {  	_ =	shalt  }
0x77: {  	_ =	shalt  }
0x78: {  	_ =	shalt  }
0x79: {  	_ =	shalt  }
0x7a: {  	_ =	shalt  }
0x7b: {  	_ =	shalt  }
0x7c: {  	_ =	shalt  }
0x7d: {  	_ =	shalt  }
0x7e: {  	_ =	shalt  }
0x7f: {  	_ =	shalt  }
0x80: {  	_ =	shalt  }
0x81: {  	_ =	shalt  }
0x82: {  	_ =	shalt  }
0x83: {  	_ =	shalt  }
0x84: {  	_ =	shalt  }
0x85: {  	_ =	shalt  }
0x86: {  	_ =	shalt  }
0x87: {  	_ =	shalt  }
.Lfunc_end0:
.L_simem_size_0:
called_computation.1_lowered:
.L_overlay_start_0:
0x88: {  	s2 =	sld [smem:$0x3FD9]  }
0x89: {  	s3 =	sld [smem:$0x3FFE];
	_ =	sdelay $0x1  }
0x8a: {  	s1 =	srdreg.scid  }
0x8b: {  	s0 =	sand.u32 $0x1, s1  }
0x8c: {  	s17 =	sshll.u32 s0, $0xA;
	s2 =	sadd.s32 s3, s2  }
0x8d: {  	s2 =	sadd.s32 s2, s17  }
0x8e: {  	[smem:$0x3FB8] =	sst s2  }
0x8f: {  	_ = 	snop  }
0x90: {  	s2 =	sld [smem:$0x3FD0];
	(tm) =	ssettm $0x1  }
0x91: {  	s18 =	sld [smem:$0x3FFB];
	_ =	sdelay $0x3  }
0x92: {  	_ =	strace s18  }
0x93: {  	s3 =	sld [smem:$0x3FFC];
	_ =	sdelay $0x3  }
0x94: {  	_ =	strace s3  }
0x95: {  	s3 =	sld [smem:$0x3FFD];
	_ =	sdelay $0x3  }
0x96: {  	_ =	strace s3  }
0x97: {  	_ =	strace $0x8FFFFFFF  }
0x98: {  	s19 =	sld [smem:$0x3FDB];
	_ =	sdelay $0x1  }
0x99: {  	s4 =	simm.s32 $_scs_section_size  }
0x9a: {  	s5 =	simm.s32 $_size__tile_overlayer_lowered;
	s6 =	simm.s32 $_tile_overlayer_lowered  }
0x9b: {  	s22 =	simm.s32 $0x1BFF;
	s21 =	sshll.u32 s6, $0x1;
	s3 =	sadd.s32 s4, s19  }
0x9c: {  	s7 =	simm.s32 $0x0;
	s20 =	sshll.u32 s5, $0x1;
	s5 =	sadd.s32 s21, s3  }
0x9d: {  	[timem:s7], [sflag:s22] =	dma.local [hbm:s5], s20  }
0x9e: {  	_ =	swait.ge [sflag:s22], s20  }
0x9f: {  	s4 =	ssub.s32 $0x0, s20;
	[sflag:s22] =	ssyncset.done $0x0  }
0xa0: {  	[sflag:s22] =	ssyncadd.s32 s4;
	_ =	sdelay $0x1  }
0xa1: {  	s23 =	simm.s32 $0x1B8B  }
0xa2: {  	_ =	swait.ge [sflag:s23], $0x1  }
0xa3: {  	[sflag:s23] =	ssyncset.done $0x0  }
0xa4: {  	s25 =	simm.s32 $0x1B8E;
	s24 =	sld [smem:$0x3FFE];
	[sflag:s23] =	ssyncadd.s32 $0xFFFFFFFF  }
0xa5: {  	s26 =	simm.s32 $execute0_lowered;
	[smem:$0x3FD2] =	sst s25  }
0xa6: {  	s5 =	sshll.u32 s26, $0x1;
	_ =	strace $0x80000049;
	[dreg:$0x1] =	wrdreg $0xFFFFFFFF  }
0xa7: {  	s28 =	simm.s32 $_size_execute0_lowered;
	s3 =	sadd.s32 s3, s5;
	[dreg:$0x0] =	wrdreg $0x0  }
0xa8: {  	s5 =	sshll.u32 s28, $0x1;
	[dreg:$0x2] =	wrdreg s3  }
0xa9: {  	[dreg:$0x3] =	wrdreg s5  }
0xaa: {  	[dreg:$0x4] =	wrdreg $0xC0  }
0xab: {  	_ =	task [dreg:s7], $0x5FFFF  }
0xac: {  	[dreg:$0x1] =	wrdreg $0xFFFFFFFF  }
0xad: {  	[dreg:$0x0] =	wrdreg $0x60  }
0xae: {  	[dreg:$0x2] =	wrdreg s24  }
0xaf: {  	[dreg:$0x3] =	wrdreg s2  }
0xb0: {  	[dreg:$0x4] =	wrdreg $0x7E800  }
0xb1: {  	[dreg:$0x5] =	wrdreg $0x1BE800  }
0xb2: {  	[dreg:$0x6] =	wrdreg $0x9  }
0xb3: {  	_ =	task.clear_ibuf [dreg:s7], $0x7FFFF;
	_ =	strace $0x90000049  }
0xb4: {  	s29 =	simm.s32 $0x9;
	_ =	strace $0x8000004B  }
0xb5: {  	_ =	swait.ge [sflag:s29], $0x1  }
0xb6: {  	[sflag:s29] =	ssyncadd.s32 $0xFFFFFFFF  }
0xb7: {  	_ =	strace $0x9000004B  }
0xb8: {  	_ =	sfence  }
0xb9: {  	s30 =	sld [smem:$0x0];
	_ =	sdelay $0x2  }
0xba: {  	s31 =	sshll.u32 s1, $0xD;
	s1 =	sshrl.u32 s1, $0x2  }
0xbb: {  	s3 =	sand.u32 $0x4000, s31;
	s1 =	sadd.s32 s1, s30  }
0xbc: {  	s0 =	sor.u32 s3, s0;
	s1 =	sshll.u32 s1, $0x11  }
0xbd: {  	s0 =	sor.u32 s1, s0  }
0xbe: {  	s0 =	sadd.s32 $0x8F2B, s0  }
0xbf: {  	[sflag:s0] =	ssyncadd.remote.s32 $0x1  }
0xc0: {  	_ =	sfence.sel $0xFFFF  }
0xc1: {  	[dreg:$0x0] =	wrdreg $0xFFFFFFFF;
	(pc) =	sbr.abs _section_cstart, $3  }
0xc2: {  	[dreg:$0x1] =	wrdreg $0xFFFFFFFF  }
0xc3: {  	_ =	task.clear_ibuf [dreg:s7], $0x2FFFF;
	_ =	strace $0x9FFFFFFF  }
0xc4: {  	(tm) =	ssettm $0x7FFFFFFF  }
0xc5: {  	_ =	shalt  }
tec
execute0_lowered:
.L_overlay_start_1:
0x0: {  	(tag) =	ssettag $0x1  }
0x1: {  	s0 =	rddreg [dreg:$0x0]  }
0x2: {  	s1 =	rddreg [dreg:$0x1]  }
0x3: {  	s2 =	rddreg [dreg:$0x2]  }
0x4: {  	s3 =	rddreg [dreg:$0x3];
	s5 =	srdreg.scid  }
0x5: {  	s17 =	stileid.u32;
	s4 =	simm.s32 $0x0;
	s28 =	simm.s32 $0x180  }
0x6: {  	s29 =	simm.s32 $0x5180;
	s30 =	simm.s32 $0x5280;
	s31 =	simm.s32 $0x5380  }
0x7: {  	s6 =	sand.u32 $0x1, s5;
	s7 =	smul.u32 $0x14000, s17;
	[smem:$0x7FF] =	sst s4  }
0x8: {  	s9 =	sadd.s32 $0x1DE2E00, s0;
	s10 =	sadd.s32 $0x3EE00, s0;
	s5 =	sadd.s32 $0xDE00, s0  }
0x9: {  	s11 =	sadd.s32 $0x8D000, s0;
	s12 =	smul.u32 $0x50000, s17;
	s13 =	sshll.u32 s17, $0x1  }
0xa: {  	s21 =	sshll.u32 s17, $0x6;
	s15 =	sshll.u32 s17, $0xB;
	s26 =	smul.u32 $0x4E20, s17  }
0xb: {  	s23 =	sshll.u32 s17, $0x8;
	s8 =	smul.u32 $0x140000, s6;
	_ =	strace $0x8000004A  }
0xc: {  	s20 =	ssub.s32 $0x2, s6;
	s13 =	sor.u32 s6, s13;
	s22 =	sadd.s32 s15, s3  }
0xd: {  	s18 =	sor.u32 $0x1C03, s21;
	s1 =	sadd.s32 s1, s23;
	[dreg:$0x9] =	wrdreg s22  }
0xe: {  	s14 =	sshrl.u32 s20, $0x1;
	s12 =	sshrl.u32 s12, $0x2;
	[dreg:$0x8] =	wrdreg s18  }
0xf: {  	s8 =	sadd.s32 s7, s8;
	s12 =	sadd.s32 s12, s2;
	s7 =	sshrl.u32 s7, $0x3  }
0x10: {  	s8 =	sshrl.u32 s8, $0x3;
	[dreg:$0x6] =	wrdreg s12;
	s7 =	sadd.s32 s11, s7  }
0x11: {  	s0 =	sadd.s32 s8, s0;
	s8 =	ssub.s32 s20, s14;
	s14 =	smul.u32 $0x2710, s13  }
0x12: {  	s11 =	sadd.s32 s11, s23;
	s23 =	sshll.u32 s6, $0xC;
	s13 =	smul.u32 $0x27100, s13  }
0x13: {  	s12 =	simm.s32 $0x5500;
	[dreg:$0x7] =	wrdreg s7;
	s20 =	smul.u32 $0x2710, s6  }
0x14: {  	[dreg:$0xa] =	wrdreg s11;
	s1 =	sadd.s32 s23, s1;
	s6 =	smul.u32 $0x27100, s6  }
0x15: {  	s11 =	simm.s32 $0x5400;
	[dreg:$0xe] =	wrdreg s1;
	s0 =	sadd.s32 $0xB5000, s0  }
0x16: {  	s24 =	sshrl.u32 s14, $0x3;
	s16 =	sadd.s32 s9, s13;
	[dreg:$0x15] =	wrdreg s0  }
0x17: {  	s19 =	sadd.s32 $0x50, s14;
	s21 =	sadd.s32 s10, s14;
	[dreg:$0xc] =	wrdreg s16  }
0x18: {  	s0 =	simm.s32 $0x5480;
	s25 =	sadd.s32 s5, s24;
	[dreg:$0xd] =	wrdreg s21  }
0x19: {  	s22 =	sshll.u32 s19, $0x4;
	s16 =	sadd.s32 $0x26C0, s14;
	s14 =	sadd.s32 s20, s26  }
0x1a: {  	[dreg:$0xb] =	wrdreg s25;
	s24 =	sadd.s32 s10, s14;
	s25 =	smul.u32 $0x4E200, s17  }
0x1b: {  	v1 =	vlaneseq.u32;
	s26 =	sadd.s32 s9, s22;
	s13 =	sshll.u32 s16, $0x4;
	s17 =	sshrl.u32 s19, $0x3  }
0x1c: {  	v0 =	vmul.u32 $0x8, v1;
	s19 =	sadd.s32 s10, s19;
	s20 =	sadd.s32 s10, s16;
	[dreg:$0xf] =	wrdreg s26  }
0x1d: {  	v1 =	vmul.u32 $0x80, v1;
	s21 =	sshrl.u32 s16, $0x3;
	s22 =	sadd.s32 $0xF0, s14;
	[dreg:$0x5] =	wrdreg s24  }
0x1e: {  	v2 =	vimm.f32 $0.0e+00;
	v3 =	vor.u32 $0x1, v0;
	s10 =	simm.s32 $0x5300;
	s16 =	simm.s32 $0x1;
	[dreg:$0x11] =	wrdreg s19  }
0x1f: {  	v4 =	vor.u32 $0x1, v1;
	v5 =	vor.u32 $0x100, v0;
	v6 =	vor.u32 $0x101, v0;
	s1 =	sadd.s32 s9, s13;
	[dreg:$0x12] =	wrdreg s20;
	s7 =	sadd.s32 s5, s17  }
0x20: {  	v7 =	vor.u32 $0x800, v1;
	v8 =	vor.u32 $0x801, v1;
	v9 =	vor.u32 $0x200, v0;
	s23 =	sadd.s32 s5, s21;
	s24 =	smax.u32 s8, $0x1;
	[dreg:$0x10] =	wrdreg s1  }
0x21: {  	v10 =	vor.u32 $0x201, v0;
	v11 =	vor.u32 $0x1000, v1;
	v12 =	vor.u32 $0x1001, v1;
	s17 =	simm.s32 $0x5680;
	s20 =	simm.s32 $0x50;
	[dreg:$0x13] =	wrdreg s7  }
0x22: {  	v13 =	vor.u32 $0x300, v0;
	v14 =	vor.u32 $0x301, v0;
	v15 =	vor.u32 $0x1800, v1;
	s21 =	simm.s32 $0x100;
	s15 =	sadd.s32 s25, s9;
	[dreg:$0x14] =	wrdreg s23  }
0x23: {  	v16 =	vor.u32 $0x1801, v1;
	v17 =	vor.u32 $0x400, v0;
	v18 =	vor.u32 $0x401, v0;
	[dreg:$0x16] =	wrdreg s24;
	s7 =	simm.s32 $0x2980;
	s9 =	simm.s32 $0x5200  }
0x24: {  	v19 =	vor.u32 $0x2000, v1;
	v20 =	vor.u32 $0x2001, v1;
	v21 =	vor.u32 $0x80, v0;
	s23 =	simm.s32 $0x0;
	s1 =	sadd.s32 s6, s15;
	s6 =	sshrl.u32 s22, $0x3  }
0x25: {  	v22 =	vor.u32 $0x81, v0;
	v23 =	vor.u32 $0x180, v0;
	v24 =	vor.u32 $0x181, v0;
	s15 =	simm.s32 $0x5600;
	s22 =	simm.s32 $0x2;
	s25 =	sadd.s32 s6, s5  }
0x26: {  	v25 =	vor.u32 $0x280, v0;
	v26 =	vor.u32 $0x281, v0;
	v27 =	vor.u32 $0x380, v0;
	s26 =	sadd.s32 $0xF00, s1;
	s1 =	simm.s32 $0x5580;
	[dreg:$0x17] =	wrdreg s25  }
0x27: {  	v28 =	vor.u32 $0x381, v0;
	v29 =	vor.u32 $0x480, v0;
	v30 =	vor.u32 $0x481, v0;
	s6 =	simm.s32 $0x80;
	[dreg:$0x18] =	wrdreg s26;
	s26 =	simm.s32 $0x3  }
.LBB2_1:
0x28: {  	s8 =	rddreg [dreg:$0x6]  }
0x29: {  	s25 =	rddreg [dreg:$0x7];
	s13 =	sshrl.u32 s8, $0x3  }
0x2a: {  	[dreg:$0x19] =	wrdreg s13  }
0x2b: {  	[spmem:s13], [sflag:s18] =	dma.local [hbm:s25], $0x2800  }
0x2c: {  	_ =	swait.ge [sflag:s26], $0x2800  }
0x2d: {  	s19 =	rddreg [dreg:$0x9]  }
0x2e: {  	[sflag:s26] =	ssyncset.done $0x0;
	s25 =	rddreg [dreg:$0xa];
	s24 =	sshrl.u32 s19, $0x3  }
0x2f: {  	[sflag:s26] =	ssyncadd.s32 $0xFFFFD800;
	[dreg:$0x1a] =	wrdreg s24  }
0x30: {  	[spmem:s24], [sflag:s18] =	dma.local [hbm:s25], $0x100  }
0x31: {  	_ =	swait.ge [sflag:s26], $0x100  }
0x32: {  	[sflag:s26] =	ssyncset.done $0x0  }
0x33: {  	s8 =	simm.s32 $0x0;
	s13 =	simm.s32 $0x200;
	[sflag:s26] =	ssyncadd.s32 $0xFFFFFF00  }
.LBB2_2:
0x34: {  	p0 =	sne.s32 s13, $0x9E00;
	[tilespmem:s8+$0x56F0] =	vst v2  }
0x35: {  	[tilespmem:s8+$0x5680] =	vst v2  }
0x36: {  	[tilespmem:s8+$0x5690] =	vst v2  }
.Ltmp0:
0x37: {  	[tilespmem:s8+$0x56A0] =	vst v2;
	(pc) =	sbr.rel @p0 .LBB2_2-.Ltmp0, $4  }
0x38: {  	[tilespmem:s8+$0x56B0] =	vst v2  }
0x39: {  	[tilespmem:s8+$0x56C0] =	vst v2  }
0x3a: {  	[tilespmem:s8+$0x56D0] =	vst v2  }
0x3b: {  	[tilespmem:s8+$0x56E0] =	vst v2;
	s8 =	sshra.s32 s13, $0x2;
	s13 =	sadd.s32 $0x200, s13  }
0x3c: {  	[tilespmem:s8+$0x56F0] =	vst v2  }
0x3d: {  	[tilespmem:s8+$0x5680] =	vst v2  }
0x3e: {  	[tilespmem:s8+$0x5690] =	vst v2  }
0x3f: {  	[tilespmem:s8+$0x56A0] =	vst v2  }
0x40: {  	[tilespmem:s8+$0x56B0] =	vst v2  }
0x41: {  	[tilespmem:s8+$0x56C0] =	vst v2  }
0x42: {  	[tilespmem:s8+$0x56D0] =	vst v2  }
0x43: {  	[tilespmem:s8+$0x56E0] =	vst v2  }
0x44: {  	[bflag:$0x0] =	sbarrier.arrive $0xFFFF  }
0x45: {  	s24 =	simm.s32 $0x0;
	s25 =	rddreg [dreg:$0xb]  }
0x46: {  	[tilespmem:s24], [sflag:$0x1] =	stream.linear.gather [hbm4b:s25+s24], $0x50, $0x38;
	[tilespmem:$0x1C680] =	vst v63  }
0x47: {  	s13 =	rddreg [dreg:$0xc]  }
0x48: {  	[tilespmem:s28], [sflag:$0x1] =	stream.linear.gather [hbm4b:s13+s24], $0x2800, $0x38;
	[tilespmem:$0x1C680] =	vst v63  }
0x49: {  	s13 =	rddreg [dreg:$0xd]  }
0x4a: {  	[tilespmem:s29], [sflag:$0x1] =	stream.linear.gather [hbm4b:s13+s24], $0x80, $0x38;
	[tilespmem:$0x1C680] =	vst v63  }
0x4b: {  	s18 =	sadd.s32 $0x10, s13  }
0x4c: {  	[tilespmem:s30], [sflag:$0x1] =	stream.linear.gather [hbm4b:s18+s24], $0x80, $0x38;
	[tilespmem:$0x1C680] =	vst v63  }
0x4d: {  	s19 =	sadd.s32 $0x20, s13  }
0x4e: {  	[tilespmem:s31], [sflag:$0x1] =	stream.linear.gather [hbm4b:s19+s24], $0x80, $0x38;
	[tilespmem:$0x1C680] =	vst v63  }
0x4f: {  	s25 =	sadd.s32 $0x30, s13  }
0x50: {  	[tilespmem:s0], [sflag:$0x1] =	stream.linear.gather [hbm4b:s25+s24], $0x80, $0x38;
	[tilespmem:$0x1C680] =	vst v63  }
0x51: {  	s13 =	sadd.s32 $0x40, s13  }
0x52: {  	[tilespmem:s1], [sflag:$0x1] =	stream.linear.gather [hbm4b:s13+s24], $0x80, $0x38;
	[tilespmem:$0x1C680] =	vst v63  }
0x53: {  	s18 =	rddreg [dreg:$0x13]  }
0x54: {  	[tilespmem:s6], [sflag:$0x2] =	stream.linear.gather [hbm4b:s18+s24], $0x50, $0x38;
	[tilespmem:$0x1C680] =	vst v63  }
0x55: {  	s19 =	rddreg [dreg:$0xf]  }
0x56: {  	[tilespmem:s7], [sflag:$0x2] =	stream.linear.gather [hbm4b:s19+s24], $0x2800, $0x38;
	[tilespmem:$0x1C680] =	vst v63  }
0x57: {  	s13 =	rddreg [dreg:$0x11]  }
0x58: {  	[tilespmem:s9], [sflag:$0x2] =	stream.linear.gather [hbm4b:s13+s24], $0x80, $0x38;
	[tilespmem:$0x1C680] =	vst v63  }
0x59: {  	s25 =	sadd.s32 $0x10, s13  }
0x5a: {  	[tilespmem:s10], [sflag:$0x2] =	stream.linear.gather [hbm4b:s25+s24], $0x80, $0x38;
	[tilespmem:$0x1C680] =	vst v63  }
0x5b: {  	s18 =	sadd.s32 $0x20, s13  }
0x5c: {  	[tilespmem:s11], [sflag:$0x2] =	stream.linear.gather [hbm4b:s18+s24], $0x80, $0x38;
	[tilespmem:$0x1C680] =	vst v63  }
0x5d: {  	s19 =	sadd.s32 $0x30, s13  }
0x5e: {  	[tilespmem:s12], [sflag:$0x2] =	stream.linear.gather [hbm4b:s19+s24], $0x80, $0x38;
	[tilespmem:$0x1C680] =	vst v63  }
0x5f: {  	s25 =	sadd.s32 $0x40, s13  }
0x60: {  	[tilespmem:s15], [sflag:$0x2] =	stream.linear.gather [hbm4b:s25+s24], $0x80, $0x38;
	[tilespmem:$0x1C680] =	vst v63  }
0x61: {  	_ =	swait.ge [sflag:s16], $0x50  }
0x62: {  	[sflag:s16] =	ssyncset.done $0x0  }
0x63: {  	[sflag:s16] =	ssyncadd.s32 $0xFFFFFFB0  }
0x64: {  	_ =	swait.ge [sflag:s16], $0x2800  }
0x65: {  	[sflag:s16] =	ssyncset.done $0x0  }
0x66: {  	[sflag:s16] =	ssyncadd.s32 $0xFFFFD800  }
0x67: {  	_ =	swait.ge [sflag:s16], $0x280  }
0x68: {  	[sflag:s16] =	ssyncset.done $0x0  }
0x69: {  	[sflag:s16] =	ssyncadd.s32 $0xFFFFFD80  }
0x6a: {  	v31 =	vld [tilespmem:$0x0];
	_ =	sdelay $0x4  }
0x6b: {  	v32 =	vshll.u32 v31, $0x1  }
0x6c: {  	v32 =	vand.u32 $0x7E, v32  }
0x6d: {  	v33 =	vld.idx.msk [tilespmem:v0+s29+$0x0], $0xffff;
	v34 =	vor.u32 v1, v32  }
0x6e: {  	v35 =	vld.idx.msk [tilespmem:v3+s29+$0x0], $0xffff;
	v32 =	vor.u32 v4, v32;
	_ =	sdelay $0x3  }
0x6f: {  	[tilespmem:v34+s17+$0x0] =	vst.idx.msk $0xffff, v33  }
0x70: {  	[tilespmem:v32+s17+$0x0] =	vst.idx.msk $0xffff, v35  }
0x71: {  	v32 =	vld [tilespmem:$0x10];
	_ =	sdelay $0x4  }
0x72: {  	v31 =	vshrl.u32 v31, $0x6;
	v45 =	vshll.u32 v32, $0x1  }
0x73: {  	[tilespmem:$0x100] =	vst v31;
	v31 =	vand.u32 $0x7E, v45  }
0x74: {  	v46 =	vld.idx.msk [tilespmem:v5+s29+$0x0], $0xffff;
	v47 =	vor.u32 v7, v31  }
0x75: {  	v35 =	vld.idx.msk [tilespmem:v6+s29+$0x0], $0xffff;
	v31 =	vor.u32 v8, v31;
	_ =	sdelay $0x3  }
0x76: {  	[tilespmem:v47+s17+$0x0] =	vst.idx.msk $0xffff, v46  }
0x77: {  	[tilespmem:v31+s17+$0x0] =	vst.idx.msk $0xffff, v35  }
0x78: {  	v31 =	vld [tilespmem:$0x20];
	_ =	sdelay $0x4  }
0x79: {  	v32 =	vshrl.u32 v32, $0x6;
	v48 =	vshll.u32 v31, $0x1  }
0x7a: {  	[tilespmem:$0x110] =	vst v32;
	v49 =	vand.u32 $0x7E, v48  }
0x7b: {  	v50 =	vld.idx.msk [tilespmem:v9+s29+$0x0], $0xffff;
	v51 =	vor.u32 v11, v49  }
0x7c: {  	v35 =	vld.idx.msk [tilespmem:v10+s29+$0x0], $0xffff;
	v32 =	vor.u32 v12, v49;
	_ =	sdelay $0x3  }
0x7d: {  	[tilespmem:v51+s17+$0x0] =	vst.idx.msk $0xffff, v50  }
0x7e: {  	[tilespmem:v32+s17+$0x0] =	vst.idx.msk $0xffff, v35  }
0x7f: {  	v32 =	vld [tilespmem:$0x30];
	_ =	sdelay $0x4  }
0x80: {  	v31 =	vshrl.u32 v31, $0x6;
	v52 =	vshll.u32 v32, $0x1  }
0x81: {  	[tilespmem:$0x120] =	vst v31;
	v31 =	vand.u32 $0x7E, v52  }
0x82: {  	v53 =	vld.idx.msk [tilespmem:v13+s29+$0x0], $0xffff;
	v54 =	vor.u32 v15, v31  }
0x83: {  	v35 =	vld.idx.msk [tilespmem:v14+s29+$0x0], $0xffff;
	v31 =	vor.u32 v16, v31;
	_ =	sdelay $0x3  }
0x84: {  	[tilespmem:v54+s17+$0x0] =	vst.idx.msk $0xffff, v53  }
0x85: {  	[tilespmem:v31+s17+$0x0] =	vst.idx.msk $0xffff, v35  }
0x86: {  	v31 =	vld [tilespmem:$0x40];
	_ =	sdelay $0x4  }
0x87: {  	v32 =	vshrl.u32 v32, $0x6;
	v55 =	vshll.u32 v31, $0x1  }
0x88: {  	[tilespmem:$0x130] =	vst v32;
	v56 =	vand.u32 $0x7E, v55  }
0x89: {  	v57 =	vld.idx.msk [tilespmem:v17+s29+$0x0], $0xffff;
	v58 =	vor.u32 v19, v56  }
0x8a: {  	v35 =	vld.idx.msk [tilespmem:v18+s29+$0x0], $0xffff;
	v32 =	vor.u32 v20, v56;
	_ =	sdelay $0x3  }
0x8b: {  	[tilespmem:v58+s17+$0x0] =	vst.idx.msk $0xffff, v57  }
0x8c: {  	v31 =	vshrl.u32 v31, $0x6;
	[tilespmem:v32+s17+$0x0] =	vst.idx.msk $0xffff, v35  }
0x8d: {  	[tilespmem:$0x140] =	vst v31  }
0x8e: {  	[spmem:s2] =	stream.indirect.scatter.add.f32 [tilespmem:s28], [sflag:$0x3], $0x80, s24, s20, $0xb8;
	[tilespmem:$0x1C680] =	vst v63  }
0x8f: {  	_ =	swait.ge [sflag:s26], $0x2800  }
0x90: {  	[sflag:s26] =	ssyncset.done $0x0  }
0x91: {  	[sflag:s26] =	ssyncadd.s32 $0xFFFFD800  }
0x92: {  	[spmem:s3] =	stream.indirect.scatter.add.f32 [tilespmem:s17], [sflag:$0x3], $0x80, s21, s20, $0xb8;
	[tilespmem:$0x1C680] =	vst v63  }
0x93: {  	_ =	swait.ge [sflag:s26], $0x2800  }
0x94: {  	[sflag:s26] =	ssyncset.done $0x0  }
0x95: {  	[sflag:s26] =	ssyncadd.s32 $0xFFFFD800  }
0x96: {  	v31 =	vld [tilespmem:$0x0];
	_ =	sdelay $0x4  }
0x97: {  	v31 =	vshll.u32 v31, $0x1  }
0x98: {  	v31 =	vand.u32 $0x7E, v31  }
0x99: {  	v59 =	vor.u32 v1, v31  }
0x9a: {  	v31 =	vor.u32 v4, v31;
	_ =	sdelay $0x3  }
0x9b: {  	[tilespmem:v59+s17+$0x0] =	vst.idx.msk $0xffff, v2  }
0x9c: {  	[tilespmem:v31+s17+$0x0] =	vst.idx.msk $0xffff, v2  }
0x9d: {  	v31 =	vld [tilespmem:$0x10];
	_ =	sdelay $0x4  }
0x9e: {  	v31 =	vshll.u32 v31, $0x1  }
0x9f: {  	v31 =	vand.u32 $0x7E, v31  }
0xa0: {  	v60 =	vor.u32 v7, v31  }
0xa1: {  	v31 =	vor.u32 v8, v31;
	_ =	sdelay $0x3  }
0xa2: {  	[tilespmem:v60+s17+$0x0] =	vst.idx.msk $0xffff, v2  }
0xa3: {  	[tilespmem:v31+s17+$0x0] =	vst.idx.msk $0xffff, v2  }
0xa4: {  	v31 =	vld [tilespmem:$0x20];
	_ =	sdelay $0x4  }
0xa5: {  	v31 =	vshll.u32 v31, $0x1  }
0xa6: {  	v31 =	vand.u32 $0x7E, v31  }
0xa7: {  	v61 =	vor.u32 v11, v31  }
0xa8: {  	v31 =	vor.u32 v12, v31;
	_ =	sdelay $0x3  }
0xa9: {  	[tilespmem:v61+s17+$0x0] =	vst.idx.msk $0xffff, v2  }
0xaa: {  	[tilespmem:v31+s17+$0x0] =	vst.idx.msk $0xffff, v2  }
0xab: {  	v31 =	vld [tilespmem:$0x30];
	_ =	sdelay $0x4  }
0xac: {  	v31 =	vshll.u32 v31, $0x1  }
0xad: {  	v31 =	vand.u32 $0x7E, v31  }
0xae: {  	v62 =	vor.u32 v15, v31  }
0xaf: {  	v31 =	vor.u32 v16, v31;
	_ =	sdelay $0x3  }
0xb0: {  	[tilespmem:v62+s17+$0x0] =	vst.idx.msk $0xffff, v2  }
0xb1: {  	[tilespmem:v31+s17+$0x0] =	vst.idx.msk $0xffff, v2  }
0xb2: {  	v31 =	vld [tilespmem:$0x40];
	_ =	sdelay $0x4  }
0xb3: {  	v31 =	vshll.u32 v31, $0x1  }
0xb4: {  	v31 =	vand.u32 $0x7E, v31  }
0xb5: {  	v63 =	vor.u32 v19, v31  }
0xb6: {  	v31 =	vor.u32 v20, v31;
	_ =	sdelay $0x3  }
0xb7: {  	s25 =	rddreg [dreg:$0x18];
	[tilespmem:v63+s17+$0x0] =	vst.idx.msk $0xffff, v2  }
0xb8: {  	s8 =	rddreg [dreg:$0x17];
	[tilespmem:v31+s17+$0x0] =	vst.idx.msk $0xffff, v2  }
.LBB2_4:
0xb9: {  	s13 =	sadd.s32 $0xA0, s24  }
0xba: {  	s18 =	sadd.s32 s14, s13  }
0xbb: {  	s18 =	sshrl.u32 s18, $0x3  }
0xbc: {  	s18 =	sadd.s32 s5, s18  }
0xbd: {  	[tilespmem:s4], [sflag:$0x1] =	stream.linear.gather [hbm4b:s18+s4], $0x50, $0x38;
	[tilespmem:$0x1C680] =	vst v63  }
0xbe: {  	s18 =	rddreg [dreg:$0x5]  }
0xbf: {  	s19 =	sadd.s32 $0xFFFFFB00, s25;
	s18 =	sadd.s32 s24, s18  }
0xc0: {  	[tilespmem:s28], [sflag:$0x1] =	stream.linear.gather [hbm4b:s19+s4], $0x2800, $0x38;
	[tilespmem:$0x1C680] =	vst v63  }
0xc1: {  	s19 =	sadd.s32 $0xA0, s18  }
0xc2: {  	[tilespmem:s29], [sflag:$0x1] =	stream.linear.gather [hbm4b:s19+s4], $0x80, $0x38;
	[tilespmem:$0x1C680] =	vst v63  }
0xc3: {  	s19 =	sadd.s32 $0xB0, s18  }
0xc4: {  	[tilespmem:s30], [sflag:$0x1] =	stream.linear.gather [hbm4b:s19+s4], $0x80, $0x38;
	[tilespmem:$0x1C680] =	vst v63  }
0xc5: {  	s19 =	sadd.s32 $0xC0, s18  }
0xc6: {  	[tilespmem:s31], [sflag:$0x1] =	stream.linear.gather [hbm4b:s19+s4], $0x80, $0x38;
	[tilespmem:$0x1C680] =	vst v63  }
0xc7: {  	s19 =	sadd.s32 $0xD0, s18  }
0xc8: {  	[tilespmem:s0], [sflag:$0x1] =	stream.linear.gather [hbm4b:s19+s4], $0x80, $0x38;
	[tilespmem:$0x1C680] =	vst v63  }
0xc9: {  	s19 =	sadd.s32 $0xE0, s18  }
0xca: {  	[tilespmem:s1], [sflag:$0x1] =	stream.linear.gather [hbm4b:s19+s4], $0x80, $0x38;
	[tilespmem:$0x1C680] =	vst v63  }
0xcb: {  	_ =	swait.ge [sflag:s22], $0x50  }
0xcc: {  	[sflag:s22] =	ssyncset.done $0x0  }
0xcd: {  	[sflag:s22] =	ssyncadd.s32 $0xFFFFFFB0  }
0xce: {  	_ =	swait.ge [sflag:s22], $0x2800  }
0xcf: {  	[sflag:s22] =	ssyncset.done $0x0  }
0xd0: {  	[sflag:s22] =	ssyncadd.s32 $0xFFFFD800  }
0xd1: {  	_ =	swait.ge [sflag:s22], $0x280  }
0xd2: {  	[sflag:s22] =	ssyncset.done $0x0  }
0xd3: {  	[sflag:s22] =	ssyncadd.s32 $0xFFFFFD80  }
0xd4: {  	v31 =	vld [tilespmem:$0x80];
	_ =	sdelay $0x4  }
0xd5: {  	v32 =	vshll.u32 v31, $0x1  }
0xd6: {  	v32 =	vand.u32 $0x7E, v32  }
0xd7: {  	v33 =	vld.idx.msk [tilespmem:v21+s29+$0x0], $0xffff;
	v34 =	vor.u32 v1, v32  }
0xd8: {  	v35 =	vld.idx.msk [tilespmem:v22+s29+$0x0], $0xffff;
	v32 =	vor.u32 v4, v32;
	_ =	sdelay $0x3  }
0xd9: {  	[tilespmem:v34+s17+$0x0] =	vst.idx.msk $0xffff, v33  }
0xda: {  	[tilespmem:v32+s17+$0x0] =	vst.idx.msk $0xffff, v35  }
0xdb: {  	v32 =	vld [tilespmem:$0x90];
	_ =	sdelay $0x4  }
0xdc: {  	v31 =	vshrl.u32 v31, $0x6;
	v50 =	vshll.u32 v32, $0x1  }
0xdd: {  	[tilespmem:$0x100] =	vst v31;
	v31 =	vand.u32 $0x7E, v50  }
0xde: {  	v51 =	vld.idx.msk [tilespmem:v23+s29+$0x0], $0xffff;
	v52 =	vor.u32 v7, v31  }
0xdf: {  	v35 =	vld.idx.msk [tilespmem:v24+s29+$0x0], $0xffff;
	v31 =	vor.u32 v8, v31;
	_ =	sdelay $0x3  }
0xe0: {  	[tilespmem:v52+s17+$0x0] =	vst.idx.msk $0xffff, v51  }
0xe1: {  	[tilespmem:v31+s17+$0x0] =	vst.idx.msk $0xffff, v35  }
0xe2: {  	v31 =	vld [tilespmem:$0xA0];
	_ =	sdelay $0x4  }
0xe3: {  	v32 =	vshrl.u32 v32, $0x6;
	v53 =	vshll.u32 v31, $0x1  }
0xe4: {  	[tilespmem:$0x110] =	vst v32;
	v54 =	vand.u32 $0x7E, v53  }
0xe5: {  	v55 =	vld.idx.msk [tilespmem:v25+s29+$0x0], $0xffff;
	v56 =	vor.u32 v11, v54  }
0xe6: {  	v35 =	vld.idx.msk [tilespmem:v26+s29+$0x0], $0xffff;
	v32 =	vor.u32 v12, v54;
	_ =	sdelay $0x3  }
0xe7: {  	[tilespmem:v56+s17+$0x0] =	vst.idx.msk $0xffff, v55  }
0xe8: {  	[tilespmem:v32+s17+$0x0] =	vst.idx.msk $0xffff, v35  }
0xe9: {  	v32 =	vld [tilespmem:$0xB0];
	_ =	sdelay $0x4  }
0xea: {  	v31 =	vshrl.u32 v31, $0x6;
	v57 =	vshll.u32 v32, $0x1  }
0xeb: {  	[tilespmem:$0x120] =	vst v31;
	v31 =	vand.u32 $0x7E, v57  }
0xec: {  	v58 =	vld.idx.msk [tilespmem:v27+s29+$0x0], $0xffff;
	v59 =	vor.u32 v15, v31  }
0xed: {  	v35 =	vld.idx.msk [tilespmem:v28+s29+$0x0], $0xffff;
	v31 =	vor.u32 v16, v31;
	_ =	sdelay $0x3  }
0xee: {  	[tilespmem:v59+s17+$0x0] =	vst.idx.msk $0xffff, v58  }
0xef: {  	[tilespmem:v31+s17+$0x0] =	vst.idx.msk $0xffff, v35  }
0xf0: {  	v31 =	vld [tilespmem:$0xC0];
	_ =	sdelay $0x4  }
0xf1: {  	v32 =	vshrl.u32 v32, $0x6;
	v60 =	vshll.u32 v31, $0x1  }
0xf2: {  	[tilespmem:$0x130] =	vst v32;
	v61 =	vand.u32 $0x7E, v60  }
0xf3: {  	v62 =	vld.idx.msk [tilespmem:v29+s29+$0x0], $0xffff;
	v63 =	vor.u32 v19, v61  }
0xf4: {  	v35 =	vld.idx.msk [tilespmem:v30+s29+$0x0], $0xffff;
	v32 =	vor.u32 v20, v61;
	_ =	sdelay $0x3  }
0xf5: {  	[tilespmem:v63+s17+$0x0] =	vst.idx.msk $0xffff, v62  }
0xf6: {  	v31 =	vshrl.u32 v31, $0x6;
	[tilespmem:v32+s17+$0x0] =	vst.idx.msk $0xffff, v35  }
0xf7: {  	[tilespmem:$0x140] =	vst v31  }
0xf8: {  	[spmem:s2] =	stream.indirect.scatter.add.f32 [tilespmem:s7], [sflag:$0x3], $0x80, s6, s20, $0xb8;
	[tilespmem:$0x1C680] =	vst v63  }
0xf9: {  	_ =	swait.ge [sflag:s26], $0x2800  }
0xfa: {  	[sflag:s26] =	ssyncset.done $0x0  }
0xfb: {  	[sflag:s26] =	ssyncadd.s32 $0xFFFFD800  }
0xfc: {  	[spmem:s3] =	stream.indirect.scatter.add.f32 [tilespmem:s17], [sflag:$0x3], $0x80, s21, s20, $0xb8;
	[tilespmem:$0x1C680] =	vst v63  }
0xfd: {  	_ =	swait.ge [sflag:s26], $0x2800  }
0xfe: {  	[sflag:s26] =	ssyncset.done $0x0  }
0xff: {  	[sflag:s26] =	ssyncadd.s32 $0xFFFFD800  }
0x100: {  	v31 =	vld [tilespmem:$0x80];
	_ =	sdelay $0x4  }
0x101: {  	v31 =	vshll.u32 v31, $0x1  }
0x102: {  	v31 =	vand.u32 $0x7E, v31  }
0x103: {  	v36 =	vor.u32 v1, v31  }
0x104: {  	v31 =	vor.u32 v4, v31;
	_ =	sdelay $0x3  }
0x105: {  	[tilespmem:v36+s17+$0x0] =	vst.idx.msk $0xffff, v2  }
0x106: {  	[tilespmem:v31+s17+$0x0] =	vst.idx.msk $0xffff, v2  }
0x107: {  	v31 =	vld [tilespmem:$0x90];
	_ =	sdelay $0x4  }
0x108: {  	v31 =	vshll.u32 v31, $0x1  }
0x109: {  	v31 =	vand.u32 $0x7E, v31  }
0x10a: {  	v37 =	vor.u32 v7, v31  }
0x10b: {  	v31 =	vor.u32 v8, v31;
	_ =	sdelay $0x3  }
0x10c: {  	[tilespmem:v37+s17+$0x0] =	vst.idx.msk $0xffff, v2  }
0x10d: {  	[tilespmem:v31+s17+$0x0] =	vst.idx.msk $0xffff, v2  }
0x10e: {  	v31 =	vld [tilespmem:$0xA0];
	_ =	sdelay $0x4  }
0x10f: {  	v31 =	vshll.u32 v31, $0x1  }
0x110: {  	v31 =	vand.u32 $0x7E, v31  }
0x111: {  	v38 =	vor.u32 v11, v31  }
0x112: {  	v31 =	vor.u32 v12, v31;
	_ =	sdelay $0x3  }
0x113: {  	[tilespmem:v38+s17+$0x0] =	vst.idx.msk $0xffff, v2  }
0x114: {  	[tilespmem:v31+s17+$0x0] =	vst.idx.msk $0xffff, v2  }
0x115: {  	v31 =	vld [tilespmem:$0xB0];
	_ =	sdelay $0x4  }
0x116: {  	v31 =	vshll.u32 v31, $0x1  }
0x117: {  	v31 =	vand.u32 $0x7E, v31  }
0x118: {  	v39 =	vor.u32 v15, v31  }
0x119: {  	v31 =	vor.u32 v16, v31;
	_ =	sdelay $0x3  }
0x11a: {  	[tilespmem:v39+s17+$0x0] =	vst.idx.msk $0xffff, v2  }
0x11b: {  	[tilespmem:v31+s17+$0x0] =	vst.idx.msk $0xffff, v2  }
0x11c: {  	v31 =	vld [tilespmem:$0xC0];
	_ =	sdelay $0x4  }
0x11d: {  	v31 =	vshll.u32 v31, $0x1  }
0x11e: {  	v31 =	vand.u32 $0x7E, v31  }
0x11f: {  	v40 =	vor.u32 v19, v31  }
0x120: {  	v31 =	vor.u32 v20, v31;
	_ =	sdelay $0x3  }
0x121: {  	[tilespmem:v40+s17+$0x0] =	vst.idx.msk $0xffff, v2  }
0x122: {  	[tilespmem:v31+s17+$0x0] =	vst.idx.msk $0xffff, v2  }
0x123: {  	[tilespmem:s6], [sflag:$0x2] =	stream.linear.gather [hbm4b:s8+s4], $0x50, $0x38;
	[tilespmem:$0x1C680] =	vst v63  }
0x124: {  	_ = 	snop  }
0x125: {  	[tilespmem:s7], [sflag:$0x2] =	stream.linear.gather [hbm4b:s25+s4], $0x2800, $0x38;
	[tilespmem:$0x1C680] =	vst v63  }
0x126: {  	s19 =	sadd.s32 $0xF0, s18  }
0x127: {  	[tilespmem:s9], [sflag:$0x2] =	stream.linear.gather [hbm4b:s19+s4], $0x80, $0x38;
	[tilespmem:$0x1C680] =	vst v63  }
0x128: {  	s19 =	sadd.s32 $0x100, s18  }
0x129: {  	[tilespmem:s10], [sflag:$0x2] =	stream.linear.gather [hbm4b:s19+s4], $0x80, $0x38;
	[tilespmem:$0x1C680] =	vst v63  }
0x12a: {  	s19 =	sadd.s32 $0x110, s18  }
0x12b: {  	[tilespmem:s11], [sflag:$0x2] =	stream.linear.gather [hbm4b:s19+s4], $0x80, $0x38;
	[tilespmem:$0x1C680] =	vst v63  }
0x12c: {  	s19 =	sadd.s32 $0x120, s18  }
0x12d: {  	[tilespmem:s12], [sflag:$0x2] =	stream.linear.gather [hbm4b:s19+s4], $0x80, $0x38;
	[tilespmem:$0x1C680] =	vst v63  }
0x12e: {  	s18 =	sadd.s32 $0x130, s18  }
0x12f: {  	[tilespmem:s15], [sflag:$0x2] =	stream.linear.gather [hbm4b:s18+s4], $0x80, $0x38;
	[tilespmem:$0x1C680] =	vst v63  }
0x130: {  	_ =	swait.ge [sflag:s16], $0x50  }
0x131: {  	[sflag:s16] =	ssyncset.done $0x0  }
0x132: {  	[sflag:s16] =	ssyncadd.s32 $0xFFFFFFB0  }
0x133: {  	_ =	swait.ge [sflag:s16], $0x2800  }
0x134: {  	[sflag:s16] =	ssyncset.done $0x0  }
0x135: {  	[sflag:s16] =	ssyncadd.s32 $0xFFFFD800  }
0x136: {  	_ =	swait.ge [sflag:s16], $0x280  }
0x137: {  	[sflag:s16] =	ssyncset.done $0x0  }
0x138: {  	[sflag:s16] =	ssyncadd.s32 $0xFFFFFD80  }
0x139: {  	v31 =	vld [tilespmem:$0x0];
	_ =	sdelay $0x4  }
0x13a: {  	v41 =	vshll.u32 v31, $0x1  }
0x13b: {  	v32 =	vand.u32 $0x7E, v41  }
0x13c: {  	v42 =	vld.idx.msk [tilespmem:v0+s29+$0x0], $0xffff;
	v43 =	vor.u32 v1, v32  }
0x13d: {  	v44 =	vld.idx.msk [tilespmem:v3+s29+$0x0], $0xffff;
	v32 =	vor.u32 v4, v32;
	_ =	sdelay $0x3  }
0x13e: {  	[tilespmem:v43+s17+$0x0] =	vst.idx.msk $0xffff, v42  }
0x13f: {  	[tilespmem:v32+s17+$0x0] =	vst.idx.msk $0xffff, v44  }
0x140: {  	v32 =	vld [tilespmem:$0x10];
	_ =	sdelay $0x4  }
0x141: {  	v31 =	vshrl.u32 v31, $0x6;
	v45 =	vshll.u32 v32, $0x1  }
0x142: {  	[tilespmem:$0x100] =	vst v31;
	v31 =	vand.u32 $0x7E, v45  }
0x143: {  	v46 =	vld.idx.msk [tilespmem:v5+s29+$0x0], $0xffff;
	v47 =	vor.u32 v7, v31  }
0x144: {  	v35 =	vld.idx.msk [tilespmem:v6+s29+$0x0], $0xffff;
	v31 =	vor.u32 v8, v31;
	_ =	sdelay $0x3  }
0x145: {  	[tilespmem:v47+s17+$0x0] =	vst.idx.msk $0xffff, v46  }
0x146: {  	[tilespmem:v31+s17+$0x0] =	vst.idx.msk $0xffff, v35  }
0x147: {  	v31 =	vld [tilespmem:$0x20];
	_ =	sdelay $0x4  }
0x148: {  	v32 =	vshrl.u32 v32, $0x6;
	v48 =	vshll.u32 v31, $0x1  }
0x149: {  	[tilespmem:$0x110] =	vst v32;
	v49 =	vand.u32 $0x7E, v48  }
0x14a: {  	v50 =	vld.idx.msk [tilespmem:v9+s29+$0x0], $0xffff;
	v51 =	vor.u32 v11, v49  }
0x14b: {  	v35 =	vld.idx.msk [tilespmem:v10+s29+$0x0], $0xffff;
	v32 =	vor.u32 v12, v49;
	_ =	sdelay $0x3  }
0x14c: {  	[tilespmem:v51+s17+$0x0] =	vst.idx.msk $0xffff, v50  }
0x14d: {  	[tilespmem:v32+s17+$0x0] =	vst.idx.msk $0xffff, v35  }
0x14e: {  	v32 =	vld [tilespmem:$0x30];
	_ =	sdelay $0x4  }
0x14f: {  	v31 =	vshrl.u32 v31, $0x6;
	v52 =	vshll.u32 v32, $0x1  }
0x150: {  	[tilespmem:$0x120] =	vst v31;
	v31 =	vand.u32 $0x7E, v52  }
0x151: {  	v53 =	vld.idx.msk [tilespmem:v13+s29+$0x0], $0xffff;
	v54 =	vor.u32 v15, v31  }
0x152: {  	v35 =	vld.idx.msk [tilespmem:v14+s29+$0x0], $0xffff;
	v31 =	vor.u32 v16, v31;
	_ =	sdelay $0x3  }
0x153: {  	[tilespmem:v54+s17+$0x0] =	vst.idx.msk $0xffff, v53  }
0x154: {  	[tilespmem:v31+s17+$0x0] =	vst.idx.msk $0xffff, v35  }
0x155: {  	v31 =	vld [tilespmem:$0x40];
	_ =	sdelay $0x4  }
0x156: {  	v32 =	vshrl.u32 v32, $0x6;
	v55 =	vshll.u32 v31, $0x1  }
0x157: {  	[tilespmem:$0x130] =	vst v32;
	v56 =	vand.u32 $0x7E, v55  }
0x158: {  	v57 =	vld.idx.msk [tilespmem:v17+s29+$0x0], $0xffff;
	v58 =	vor.u32 v19, v56  }
0x159: {  	v35 =	vld.idx.msk [tilespmem:v18+s29+$0x0], $0xffff;
	v32 =	vor.u32 v20, v56;
	_ =	sdelay $0x3  }
0x15a: {  	[tilespmem:v58+s17+$0x0] =	vst.idx.msk $0xffff, v57  }
0x15b: {  	v31 =	vshrl.u32 v31, $0x6;
	[tilespmem:v32+s17+$0x0] =	vst.idx.msk $0xffff, v35  }
0x15c: {  	[tilespmem:$0x140] =	vst v31  }
0x15d: {  	[spmem:s2] =	stream.indirect.scatter.add.f32 [tilespmem:s28], [sflag:$0x3], $0x80, s4, s20, $0xb8;
	[tilespmem:$0x1C680] =	vst v63  }
0x15e: {  	_ =	swait.ge [sflag:s26], $0x2800  }
0x15f: {  	[sflag:s26] =	ssyncset.done $0x0  }
0x160: {  	[sflag:s26] =	ssyncadd.s32 $0xFFFFD800  }
0x161: {  	[spmem:s3] =	stream.indirect.scatter.add.f32 [tilespmem:s17], [sflag:$0x3], $0x80, s21, s20, $0xb8;
	[tilespmem:$0x1C680] =	vst v63  }
0x162: {  	_ =	swait.ge [sflag:s26], $0x2800  }
0x163: {  	[sflag:s26] =	ssyncset.done $0x0  }
0x164: {  	[sflag:s26] =	ssyncadd.s32 $0xFFFFD800  }
0x165: {  	v31 =	vld [tilespmem:$0x0];
	_ =	sdelay $0x4  }
0x166: {  	v31 =	vshll.u32 v31, $0x1  }
0x167: {  	v31 =	vand.u32 $0x7E, v31  }
0x168: {  	v59 =	vor.u32 v1, v31  }
0x169: {  	v31 =	vor.u32 v4, v31;
	_ =	sdelay $0x3  }
0x16a: {  	[tilespmem:v59+s17+$0x0] =	vst.idx.msk $0xffff, v2  }
0x16b: {  	[tilespmem:v31+s17+$0x0] =	vst.idx.msk $0xffff, v2  }
0x16c: {  	v31 =	vld [tilespmem:$0x10];
	_ =	sdelay $0x4  }
0x16d: {  	v31 =	vshll.u32 v31, $0x1  }
0x16e: {  	v31 =	vand.u32 $0x7E, v31  }
0x16f: {  	v60 =	vor.u32 v7, v31  }
0x170: {  	v31 =	vor.u32 v8, v31;
	_ =	sdelay $0x3  }
0x171: {  	[tilespmem:v60+s17+$0x0] =	vst.idx.msk $0xffff, v2  }
0x172: {  	[tilespmem:v31+s17+$0x0] =	vst.idx.msk $0xffff, v2  }
0x173: {  	v31 =	vld [tilespmem:$0x20];
	_ =	sdelay $0x4  }
0x174: {  	v31 =	vshll.u32 v31, $0x1  }
0x175: {  	v31 =	vand.u32 $0x7E, v31  }
0x176: {  	v61 =	vor.u32 v11, v31  }
0x177: {  	v31 =	vor.u32 v12, v31;
	_ =	sdelay $0x3  }
0x178: {  	[tilespmem:v61+s17+$0x0] =	vst.idx.msk $0xffff, v2  }
0x179: {  	[tilespmem:v31+s17+$0x0] =	vst.idx.msk $0xffff, v2  }
0x17a: {  	v31 =	vld [tilespmem:$0x30];
	_ =	sdelay $0x4  }
0x17b: {  	v31 =	vshll.u32 v31, $0x1  }
0x17c: {  	v31 =	vand.u32 $0x7E, v31  }
0x17d: {  	v62 =	vor.u32 v15, v31  }
0x17e: {  	v31 =	vor.u32 v16, v31;
	_ =	sdelay $0x3  }
0x17f: {  	[tilespmem:v62+s17+$0x0] =	vst.idx.msk $0xffff, v2  }
0x180: {  	[tilespmem:v31+s17+$0x0] =	vst.idx.msk $0xffff, v2  }
0x181: {  	v31 =	vld [tilespmem:$0x40];
	_ =	sdelay $0x4  }
0x182: {  	v31 =	vshll.u32 v31, $0x1  }
0x183: {  	v31 =	vand.u32 $0x7E, v31  }
0x184: {  	v63 =	vor.u32 v19, v31  }
0x185: {  	p0 =	sne.s32 s24, $0x2580;
	v31 =	vor.u32 v20, v31  }
.Ltmp1:
0x186: {  	_ = 	snop;
	(pc) =	sbr.rel @p0 .LBB2_4-.Ltmp1, $3  }
0x187: {  	_ =	sdelay $0x1  }
0x188: {  	[tilespmem:v63+s17+$0x0] =	vst.idx.msk $0xffff, v2  }
0x189: {  	s24 =	smov.u32 s13;
	s8 =	sadd.s32 $0x14, s8;
	s25 =	sadd.s32 $0xA00, s25;
	[tilespmem:v31+s17+$0x0] =	vst.idx.msk $0xffff, v2  }
0x18a: {  	s8 =	rddreg [dreg:$0x14]  }
0x18b: {  	[tilespmem:s4], [sflag:$0x1] =	stream.linear.gather [hbm4b:s8+s4], $0x50, $0x38;
	[tilespmem:$0x1C680] =	vst v63  }
0x18c: {  	s19 =	rddreg [dreg:$0x10]  }
0x18d: {  	[tilespmem:s28], [sflag:$0x1] =	stream.linear.gather [hbm4b:s19+s4], $0x2800, $0x38;
	[tilespmem:$0x1C680] =	vst v63  }
0x18e: {  	s13 =	rddreg [dreg:$0x12]  }
0x18f: {  	[tilespmem:s29], [sflag:$0x1] =	stream.linear.gather [hbm4b:s13+s4], $0x80, $0x38;
	[tilespmem:$0x1C680] =	vst v63  }
0x190: {  	s24 =	sadd.s32 $0x10, s13  }
0x191: {  	[tilespmem:s30], [sflag:$0x1] =	stream.linear.gather [hbm4b:s24+s4], $0x80, $0x38;
	[tilespmem:$0x1C680] =	vst v63  }
0x192: {  	s25 =	sadd.s32 $0x20, s13  }
0x193: {  	[tilespmem:s31], [sflag:$0x1] =	stream.linear.gather [hbm4b:s25+s4], $0x80, $0x38;
	[tilespmem:$0x1C680] =	vst v63  }
0x194: {  	s18 =	sadd.s32 $0x30, s13  }
0x195: {  	[tilespmem:s0], [sflag:$0x1] =	stream.linear.gather [hbm4b:s18+s4], $0x80, $0x38;
	[tilespmem:$0x1C680] =	vst v63  }
0x196: {  	s19 =	sadd.s32 $0x40, s13  }
0x197: {  	[tilespmem:s1], [sflag:$0x1] =	stream.linear.gather [hbm4b:s19+s4], $0x80, $0x38;
	[tilespmem:$0x1C680] =	vst v63  }
0x198: {  	_ =	swait.ge [sflag:s22], $0x50  }
0x199: {  	[sflag:s22] =	ssyncset.done $0x0  }
0x19a: {  	[sflag:s22] =	ssyncadd.s32 $0xFFFFFFB0  }
0x19b: {  	_ =	swait.ge [sflag:s22], $0x2800  }
0x19c: {  	[sflag:s22] =	ssyncset.done $0x0  }
0x19d: {  	[sflag:s22] =	ssyncadd.s32 $0xFFFFD800  }
0x19e: {  	_ =	swait.ge [sflag:s22], $0x280  }
0x19f: {  	[sflag:s22] =	ssyncset.done $0x0  }
0x1a0: {  	[sflag:s22] =	ssyncadd.s32 $0xFFFFFD80  }
0x1a1: {  	v31 =	vld [tilespmem:$0x80];
	_ =	sdelay $0x4  }
0x1a2: {  	v32 =	vshll.u32 v31, $0x1  }
0x1a3: {  	v32 =	vand.u32 $0x7E, v32  }
0x1a4: {  	v33 =	vld.idx.msk [tilespmem:v21+s29+$0x0], $0xffff;
	v34 =	vor.u32 v1, v32  }
0x1a5: {  	v35 =	vld.idx.msk [tilespmem:v22+s29+$0x0], $0xffff;
	v32 =	vor.u32 v4, v32;
	_ =	sdelay $0x3  }
0x1a6: {  	[tilespmem:v34+s17+$0x0] =	vst.idx.msk $0xffff, v33  }
0x1a7: {  	[tilespmem:v32+s17+$0x0] =	vst.idx.msk $0xffff, v35  }
0x1a8: {  	v32 =	vld [tilespmem:$0x90];
	_ =	sdelay $0x4  }
0x1a9: {  	v31 =	vshrl.u32 v31, $0x6;
	v50 =	vshll.u32 v32, $0x1  }
0x1aa: {  	[tilespmem:$0x100] =	vst v31;
	v31 =	vand.u32 $0x7E, v50  }
0x1ab: {  	v51 =	vld.idx.msk [tilespmem:v23+s29+$0x0], $0xffff;
	v52 =	vor.u32 v7, v31  }
0x1ac: {  	v35 =	vld.idx.msk [tilespmem:v24+s29+$0x0], $0xffff;
	v31 =	vor.u32 v8, v31;
	_ =	sdelay $0x3  }
0x1ad: {  	[tilespmem:v52+s17+$0x0] =	vst.idx.msk $0xffff, v51  }
0x1ae: {  	[tilespmem:v31+s17+$0x0] =	vst.idx.msk $0xffff, v35  }
0x1af: {  	v31 =	vld [tilespmem:$0xA0];
	_ =	sdelay $0x4  }
0x1b0: {  	v32 =	vshrl.u32 v32, $0x6;
	v53 =	vshll.u32 v31, $0x1  }
0x1b1: {  	[tilespmem:$0x110] =	vst v32;
	v54 =	vand.u32 $0x7E, v53  }
0x1b2: {  	v55 =	vld.idx.msk [tilespmem:v25+s29+$0x0], $0xffff;
	v56 =	vor.u32 v11, v54  }
0x1b3: {  	v35 =	vld.idx.msk [tilespmem:v26+s29+$0x0], $0xffff;
	v32 =	vor.u32 v12, v54;
	_ =	sdelay $0x3  }
0x1b4: {  	[tilespmem:v56+s17+$0x0] =	vst.idx.msk $0xffff, v55  }
0x1b5: {  	[tilespmem:v32+s17+$0x0] =	vst.idx.msk $0xffff, v35  }
0x1b6: {  	v32 =	vld [tilespmem:$0xB0];
	_ =	sdelay $0x4  }
0x1b7: {  	v31 =	vshrl.u32 v31, $0x6;
	v57 =	vshll.u32 v32, $0x1  }
0x1b8: {  	[tilespmem:$0x120] =	vst v31;
	v31 =	vand.u32 $0x7E, v57  }
0x1b9: {  	v58 =	vld.idx.msk [tilespmem:v27+s29+$0x0], $0xffff;
	v59 =	vor.u32 v15, v31  }
0x1ba: {  	v35 =	vld.idx.msk [tilespmem:v28+s29+$0x0], $0xffff;
	v31 =	vor.u32 v16, v31;
	_ =	sdelay $0x3  }
0x1bb: {  	[tilespmem:v59+s17+$0x0] =	vst.idx.msk $0xffff, v58  }
0x1bc: {  	[tilespmem:v31+s17+$0x0] =	vst.idx.msk $0xffff, v35  }
0x1bd: {  	v31 =	vld [tilespmem:$0xC0];
	_ =	sdelay $0x4  }
0x1be: {  	v32 =	vshrl.u32 v32, $0x6;
	v60 =	vshll.u32 v31, $0x1  }
0x1bf: {  	[tilespmem:$0x130] =	vst v32;
	v61 =	vand.u32 $0x7E, v60  }
0x1c0: {  	v62 =	vld.idx.msk [tilespmem:v29+s29+$0x0], $0xffff;
	v63 =	vor.u32 v19, v61  }
0x1c1: {  	v35 =	vld.idx.msk [tilespmem:v30+s29+$0x0], $0xffff;
	v32 =	vor.u32 v20, v61;
	_ =	sdelay $0x3  }
0x1c2: {  	[tilespmem:v63+s17+$0x0] =	vst.idx.msk $0xffff, v62  }
0x1c3: {  	v31 =	vshrl.u32 v31, $0x6;
	[tilespmem:v32+s17+$0x0] =	vst.idx.msk $0xffff, v35  }
0x1c4: {  	[tilespmem:$0x140] =	vst v31  }
0x1c5: {  	[spmem:s2] =	stream.indirect.scatter.add.f32 [tilespmem:s7], [sflag:$0x3], $0x80, s6, s20, $0xb8;
	[tilespmem:$0x1C680] =	vst v63  }
0x1c6: {  	_ =	swait.ge [sflag:s26], $0x2800  }
0x1c7: {  	[sflag:s26] =	ssyncset.done $0x0  }
0x1c8: {  	[sflag:s26] =	ssyncadd.s32 $0xFFFFD800  }
0x1c9: {  	[spmem:s3] =	stream.indirect.scatter.add.f32 [tilespmem:s17], [sflag:$0x3], $0x80, s21, s20, $0xb8;
	[tilespmem:$0x1C680] =	vst v63  }
0x1ca: {  	_ =	swait.ge [sflag:s26], $0x2800  }
0x1cb: {  	[sflag:s26] =	ssyncset.done $0x0  }
0x1cc: {  	[sflag:s26] =	ssyncadd.s32 $0xFFFFD800  }
0x1cd: {  	v31 =	vld [tilespmem:$0x80];
	_ =	sdelay $0x4  }
0x1ce: {  	v31 =	vshll.u32 v31, $0x1  }
0x1cf: {  	v31 =	vand.u32 $0x7E, v31  }
0x1d0: {  	v36 =	vor.u32 v1, v31  }
0x1d1: {  	v31 =	vor.u32 v4, v31;
	_ =	sdelay $0x3  }
0x1d2: {  	[tilespmem:v36+s17+$0x0] =	vst.idx.msk $0xffff, v2  }
0x1d3: {  	[tilespmem:v31+s17+$0x0] =	vst.idx.msk $0xffff, v2  }
0x1d4: {  	v31 =	vld [tilespmem:$0x90];
	_ =	sdelay $0x4  }
0x1d5: {  	v31 =	vshll.u32 v31, $0x1  }
0x1d6: {  	v31 =	vand.u32 $0x7E, v31  }
0x1d7: {  	v37 =	vor.u32 v7, v31  }
0x1d8: {  	v31 =	vor.u32 v8, v31;
	_ =	sdelay $0x3  }
0x1d9: {  	[tilespmem:v37+s17+$0x0] =	vst.idx.msk $0xffff, v2  }
0x1da: {  	[tilespmem:v31+s17+$0x0] =	vst.idx.msk $0xffff, v2  }
0x1db: {  	v31 =	vld [tilespmem:$0xA0];
	_ =	sdelay $0x4  }
0x1dc: {  	v31 =	vshll.u32 v31, $0x1  }
0x1dd: {  	v31 =	vand.u32 $0x7E, v31  }
0x1de: {  	v38 =	vor.u32 v11, v31  }
0x1df: {  	v31 =	vor.u32 v12, v31;
	_ =	sdelay $0x3  }
0x1e0: {  	[tilespmem:v38+s17+$0x0] =	vst.idx.msk $0xffff, v2  }
0x1e1: {  	[tilespmem:v31+s17+$0x0] =	vst.idx.msk $0xffff, v2  }
0x1e2: {  	v31 =	vld [tilespmem:$0xB0];
	_ =	sdelay $0x4  }
0x1e3: {  	v31 =	vshll.u32 v31, $0x1  }
0x1e4: {  	v31 =	vand.u32 $0x7E, v31  }
0x1e5: {  	v39 =	vor.u32 v15, v31  }
0x1e6: {  	v31 =	vor.u32 v16, v31;
	_ =	sdelay $0x3  }
0x1e7: {  	[tilespmem:v39+s17+$0x0] =	vst.idx.msk $0xffff, v2  }
0x1e8: {  	[tilespmem:v31+s17+$0x0] =	vst.idx.msk $0xffff, v2  }
0x1e9: {  	v31 =	vld [tilespmem:$0xC0];
	_ =	sdelay $0x4  }
0x1ea: {  	v31 =	vshll.u32 v31, $0x1  }
0x1eb: {  	v31 =	vand.u32 $0x7E, v31  }
0x1ec: {  	v40 =	vor.u32 v19, v31  }
0x1ed: {  	v31 =	vor.u32 v20, v31;
	_ =	sdelay $0x3  }
0x1ee: {  	[tilespmem:v40+s17+$0x0] =	vst.idx.msk $0xffff, v2  }
0x1ef: {  	[tilespmem:v31+s17+$0x0] =	vst.idx.msk $0xffff, v2  }
0x1f0: {  	_ =	swait.ge [sflag:s16], $0x50  }
0x1f1: {  	[sflag:s16] =	ssyncset.done $0x0  }
0x1f2: {  	[sflag:s16] =	ssyncadd.s32 $0xFFFFFFB0  }
0x1f3: {  	_ =	swait.ge [sflag:s16], $0x2800  }
0x1f4: {  	[sflag:s16] =	ssyncset.done $0x0  }
0x1f5: {  	[sflag:s16] =	ssyncadd.s32 $0xFFFFD800  }
0x1f6: {  	_ =	swait.ge [sflag:s16], $0x280  }
0x1f7: {  	[sflag:s16] =	ssyncset.done $0x0  }
0x1f8: {  	[sflag:s16] =	ssyncadd.s32 $0xFFFFFD80  }
0x1f9: {  	v31 =	vld [tilespmem:$0x0];
	_ =	sdelay $0x4  }
0x1fa: {  	v41 =	vshll.u32 v31, $0x1  }
0x1fb: {  	v32 =	vand.u32 $0x7E, v41  }
0x1fc: {  	v42 =	vld.idx.msk [tilespmem:v0+s29+$0x0], $0xffff;
	v43 =	vor.u32 v1, v32  }
0x1fd: {  	v44 =	vld.idx.msk [tilespmem:v3+s29+$0x0], $0xffff;
	v32 =	vor.u32 v4, v32;
	_ =	sdelay $0x3  }
0x1fe: {  	[tilespmem:v43+s17+$0x0] =	vst.idx.msk $0xffff, v42  }
0x1ff: {  	[tilespmem:v32+s17+$0x0] =	vst.idx.msk $0xffff, v44  }
0x200: {  	v32 =	vld [tilespmem:$0x10];
	_ =	sdelay $0x4  }
0x201: {  	v31 =	vshrl.u32 v31, $0x6;
	v45 =	vshll.u32 v32, $0x1  }
0x202: {  	[tilespmem:$0x100] =	vst v31;
	v31 =	vand.u32 $0x7E, v45  }
0x203: {  	v46 =	vld.idx.msk [tilespmem:v5+s29+$0x0], $0xffff;
	v47 =	vor.u32 v7, v31  }
0x204: {  	v35 =	vld.idx.msk [tilespmem:v6+s29+$0x0], $0xffff;
	v31 =	vor.u32 v8, v31;
	_ =	sdelay $0x3  }
0x205: {  	[tilespmem:v47+s17+$0x0] =	vst.idx.msk $0xffff, v46  }
0x206: {  	[tilespmem:v31+s17+$0x0] =	vst.idx.msk $0xffff, v35  }
0x207: {  	v31 =	vld [tilespmem:$0x20];
	_ =	sdelay $0x4  }
0x208: {  	v32 =	vshrl.u32 v32, $0x6;
	v48 =	vshll.u32 v31, $0x1  }
0x209: {  	[tilespmem:$0x110] =	vst v32;
	v49 =	vand.u32 $0x7E, v48  }
0x20a: {  	v50 =	vld.idx.msk [tilespmem:v9+s29+$0x0], $0xffff;
	v51 =	vor.u32 v11, v49  }
0x20b: {  	v35 =	vld.idx.msk [tilespmem:v10+s29+$0x0], $0xffff;
	v32 =	vor.u32 v12, v49;
	_ =	sdelay $0x3  }
0x20c: {  	[tilespmem:v51+s17+$0x0] =	vst.idx.msk $0xffff, v50  }
0x20d: {  	[tilespmem:v32+s17+$0x0] =	vst.idx.msk $0xffff, v35  }
0x20e: {  	v32 =	vld [tilespmem:$0x30];
	_ =	sdelay $0x4  }
0x20f: {  	v31 =	vshrl.u32 v31, $0x6;
	v52 =	vshll.u32 v32, $0x1  }
0x210: {  	[tilespmem:$0x120] =	vst v31;
	v31 =	vand.u32 $0x7E, v52  }
0x211: {  	v53 =	vld.idx.msk [tilespmem:v13+s29+$0x0], $0xffff;
	v54 =	vor.u32 v15, v31  }
0x212: {  	v35 =	vld.idx.msk [tilespmem:v14+s29+$0x0], $0xffff;
	v31 =	vor.u32 v16, v31;
	_ =	sdelay $0x3  }
0x213: {  	[tilespmem:v54+s17+$0x0] =	vst.idx.msk $0xffff, v53  }
0x214: {  	[tilespmem:v31+s17+$0x0] =	vst.idx.msk $0xffff, v35  }
0x215: {  	v31 =	vld [tilespmem:$0x40];
	_ =	sdelay $0x4  }
0x216: {  	v32 =	vshrl.u32 v32, $0x6;
	v55 =	vshll.u32 v31, $0x1  }
0x217: {  	[tilespmem:$0x130] =	vst v32;
	v56 =	vand.u32 $0x7E, v55  }
0x218: {  	v57 =	vld.idx.msk [tilespmem:v17+s29+$0x0], $0xffff;
	v58 =	vor.u32 v19, v56  }
0x219: {  	v35 =	vld.idx.msk [tilespmem:v18+s29+$0x0], $0xffff;
	v32 =	vor.u32 v20, v56;
	_ =	sdelay $0x3  }
0x21a: {  	[tilespmem:v58+s17+$0x0] =	vst.idx.msk $0xffff, v57  }
0x21b: {  	v31 =	vshrl.u32 v31, $0x6;
	[tilespmem:v32+s17+$0x0] =	vst.idx.msk $0xffff, v35  }
0x21c: {  	[tilespmem:$0x140] =	vst v31  }
0x21d: {  	[spmem:s2] =	stream.indirect.scatter.add.f32 [tilespmem:s28], [sflag:$0x3], $0x80, s4, s20, $0xb8;
	[tilespmem:$0x1C680] =	vst v63  }
0x21e: {  	_ =	swait.ge [sflag:s26], $0x2800  }
0x21f: {  	[sflag:s26] =	ssyncset.done $0x0  }
0x220: {  	[sflag:s26] =	ssyncadd.s32 $0xFFFFD800  }
0x221: {  	[spmem:s3] =	stream.indirect.scatter.add.f32 [tilespmem:s17], [sflag:$0x3], $0x80, s21, s20, $0xb8;
	[tilespmem:$0x1C680] =	vst v63  }
0x222: {  	_ =	swait.ge [sflag:s26], $0x2800  }
0x223: {  	[sflag:s26] =	ssyncset.done $0x0  }
0x224: {  	[sflag:s26] =	ssyncadd.s32 $0xFFFFD800  }
0x225: {  	v31 =	vld [tilespmem:$0x0];
	_ =	sdelay $0x4  }
0x226: {  	v31 =	vshll.u32 v31, $0x1  }
0x227: {  	v31 =	vand.u32 $0x7E, v31  }
0x228: {  	v59 =	vor.u32 v1, v31  }
0x229: {  	v31 =	vor.u32 v4, v31;
	_ =	sdelay $0x3  }
0x22a: {  	[tilespmem:v59+s17+$0x0] =	vst.idx.msk $0xffff, v2  }
0x22b: {  	[tilespmem:v31+s17+$0x0] =	vst.idx.msk $0xffff, v2  }
0x22c: {  	v31 =	vld [tilespmem:$0x10];
	_ =	sdelay $0x4  }
0x22d: {  	v31 =	vshll.u32 v31, $0x1  }
0x22e: {  	v31 =	vand.u32 $0x7E, v31  }
0x22f: {  	v60 =	vor.u32 v7, v31  }
0x230: {  	v31 =	vor.u32 v8, v31;
	_ =	sdelay $0x3  }
0x231: {  	[tilespmem:v60+s17+$0x0] =	vst.idx.msk $0xffff, v2  }
0x232: {  	[tilespmem:v31+s17+$0x0] =	vst.idx.msk $0xffff, v2  }
0x233: {  	v31 =	vld [tilespmem:$0x20];
	_ =	sdelay $0x4  }
0x234: {  	v31 =	vshll.u32 v31, $0x1  }
0x235: {  	v31 =	vand.u32 $0x7E, v31  }
0x236: {  	v61 =	vor.u32 v11, v31  }
0x237: {  	v31 =	vor.u32 v12, v31;
	_ =	sdelay $0x3  }
0x238: {  	[tilespmem:v61+s17+$0x0] =	vst.idx.msk $0xffff, v2  }
0x239: {  	[tilespmem:v31+s17+$0x0] =	vst.idx.msk $0xffff, v2  }
0x23a: {  	v31 =	vld [tilespmem:$0x30];
	_ =	sdelay $0x4  }
0x23b: {  	v31 =	vshll.u32 v31, $0x1  }
0x23c: {  	v31 =	vand.u32 $0x7E, v31  }
0x23d: {  	v62 =	vor.u32 v15, v31  }
0x23e: {  	v31 =	vor.u32 v16, v31;
	_ =	sdelay $0x3  }
0x23f: {  	[tilespmem:v62+s17+$0x0] =	vst.idx.msk $0xffff, v2  }
0x240: {  	[tilespmem:v31+s17+$0x0] =	vst.idx.msk $0xffff, v2  }
0x241: {  	v31 =	vld [tilespmem:$0x40];
	_ =	sdelay $0x4  }
0x242: {  	v31 =	vshll.u32 v31, $0x1  }
0x243: {  	v31 =	vand.u32 $0x7E, v31  }
0x244: {  	v63 =	vor.u32 v19, v31  }
0x245: {  	v31 =	vor.u32 v20, v31;
	_ =	sdelay $0x3  }
0x246: {  	[tilespmem:v63+s17+$0x0] =	vst.idx.msk $0xffff, v2  }
0x247: {  	[tilespmem:v31+s17+$0x0] =	vst.idx.msk $0xffff, v2  }
0x248: {  	[bflag:$0x0] =	sbarrier.arrive $0xFFFF  }
0x249: {  	s18 =	rddreg [dreg:$0x8]  }
0x24a: {  	s24 =	rddreg [dreg:$0x15]  }
0x24b: {  	s25 =	rddreg [dreg:$0x19]  }
0x24c: {  	[hbm:s24], [sflag:s18] =	dma.local [spmem:s25], $0x2800  }
0x24d: {  	_ =	swait.ge [sflag:s26], $0x2800  }
0x24e: {  	[sflag:s26] =	ssyncset.done $0x0;
	s19 =	rddreg [dreg:$0xe]  }
0x24f: {  	s24 =	rddreg [dreg:$0x1a];
	[sflag:s26] =	ssyncadd.s32 $0xFFFFD800  }
0x250: {  	[hbm:s19], [sflag:s18] =	dma.local [spmem:s24], $0x100  }
0x251: {  	_ =	swait.ge [sflag:s26], $0x100  }
0x252: {  	s23 =	sadd.s32 $0x1, s23;
	s25 =	rddreg [dreg:$0x16]  }
0x253: {  	p0 =	sne.s32 s23, s25  }
.Ltmp2:
0x254: {  	_ = 	snop;
	(pc) =	sbr.rel @p0 .LBB2_1-.Ltmp2, $3  }
0x255: {  	_ =	sdelay $0x1  }
0x256: {  	[sflag:s26] =	ssyncset.done $0x0  }
0x257: {  	[sflag:s26] =	ssyncadd.s32 $0xFFFFFF00  }
0x258: {  	_ =	sfence.sel $0x180000  }
0x259: {  	[bflag:$0x0] =	sbarrier.arrive $0xFFFF  }
0x25a: {  	_ =	strace $0x9000004A  }
0x25b: {  	s0 =	stileid.u32;
	[bflag:$0x2] =	sbarrier.arrive $0xFFFF  }
0x25c: {  	p0 =	sne.s32 s0, $0x0;
	s0 =	rddreg [dreg:$0x4]  }
0x25d: {  	s0 =	sadd.s32 @!p0 $0x100000, s0  }
0x25e: {  	[sflag:s0] =	ssyncadd.tile.s32 @!p0 $0x1;
	_ =	shalt  }
.Lfunc_end2:
_tile_overlayer_lowered:
.L_overlay_start_2:
0x25f: {  	(tag) =	ssettag $0x2  }
0x260: {  	s0 =	rddreg [dreg:$0x0];
	s2 =	stileid.u32  }
0x261: {  	s1 =	rddreg [dreg:$0x1];
	p0 =	sne.s32 s2, $0x0  }
0x262: {  	s3 =	rddreg [dreg:$0x2];
	[bflag:$0x3] =	sbarrier.arrive $0xFFFF;
	s2 =	simm.s32 @!p0 $0x1C03  }
0x263: {  	[timem:s3], [sflag:s2] =	dma.local @!p0 [hbm:s0], s1  }
0x264: {  	s0 =	simm.s32 @!p0 $0x3  }
0x265: {  	_ =	swait.ge @!p0 [sflag:s0], s1  }
0x266: {  	s1 =	ssub.s32 @!p0 $0x0, s1;
	[sflag:s0] =	ssyncset.done @!p0 $0x0  }
0x267: {  	[sflag:s0] =	ssyncadd.s32 @!p0 s1  }
0x268: {  	[bflag:$0x3] =	sbarrier.arrive $0xFFFF  }
0x269: {  	_ =	shalt  }

// kernel: kernel.7.cloned.1.call-start
scs
__scs_entry_jumppad:
0x0: {  	(pc) =	sbr.rel $0x88, $3  }
0x1: {  	(tag) =	ssettag $0x0;
	lr =	simm.s32 $0x1  }
0x2: {  	[smem:$0x3F91] =	sst lr;
	_ =	strace $0xD0000000  }
0x3: {  	_ = 	snop  }
0x4: {  	_ = 	snop  }
0x5: {  	_ = 	snop  }
0x6: {  	_ = 	snop  }
0x7: {  	_ = 	snop  }
__scs_overlays_trampoline_lowered:
0x8: {  	[smem:$0x3FA0] =	sst s0  }
0x9: {  	[smem:$0x3FA1] =	sst s1  }
0xa: {  	[smem:$0x3FA2] =	sst s2  }
0xb: {  	[smem:$0x3FA3] =	sst s3  }
0xc: {  	[smem:$0x3FA4] =	sst s4  }
0xd: {  	[smem:$0x3FA5] =	sst s5  }
0xe: {  	[smem:$0x3FA6] =	sst s6  }
0xf: {  	[smem:$0x3FA7] =	sst s7  }
0x10: {  	[smem:$0x3FA8] =	sst s8  }
0x11: {  	[smem:$0x3FA9] =	sst s9;
	s0 =	simm.s32 @!p0 $0x0  }
0x12: {  	s1 =	sld [smem:$0x3F8F];
	s0 =	simm.s32 @p0 $0x1  }
0x13: {  	[smem:$0x3FAA] =	sst s0;
	s0 =	simm.s32 @!p1 $0x0  }
0x14: {  	s2 =	sld [smem:$0x3F8E];
	s0 =	simm.s32 @p1 $0x1  }
0x15: {  	[smem:$0x3FAB] =	sst s0;
	s0 =	simm.s32 @!p2 $0x0  }
0x16: {  	s3 =	sld [smem:$0x3FDB];
	s0 =	simm.s32 @p2 $0x1  }
0x17: {  	s4 =	simm.s32 $0x1BF5;
	[smem:$0x3FAD] =	sst s0  }
0x18: {  	s0 =	sld [smem:$0x3F90];
	_ =	swait.ge [sflag:s4], $0x0  }
0x19: {  	s7 =	sld [smem:$0x3F91]  }
0x1a: {  	s8 =	sadd.s32 $0xFFFFE003, lr  }
0x1b: {  	s9 =	sadd.s32 $0xFFFFFEF7, lr;
	s5 =	simm.s32 $0xFFFFFFFF;
	p2 =	slt.u32 s8, $0xFFFFF086  }
0x1c: {  	p1 =	slt.u32 s9, $0xF7A;
	s5 =	simm.s32 @!p2 $0x0  }
0x1d: {  	s5 =	simm.s32 @p1 $0x1;
	p0 =	seq.s32 s7, s2  }
0x1e: {  	s7 =	smul.u32 @!p0 $0xF7A, s2;
	p2 =	seq.s32 @!p0 s5, $0x0  }
0x1f: {  	s9 =	smul.u32 $0xF7A, s1;
	s8 =	simm.s32 @!p0 $0x1BF5;
	p2 =	por !p2, p0  }
0x20: {  	[sflag:s8] =	ssyncset.s32 @!p0 $0xFFFFF086;
	s6 =	sadd.s32 @!p0 s3, s7;
	s7 =	simm.s32 @!p0 $0x108  }
0x21: {  	s3 =	sadd.s32 s3, s9;
	s6 =	sadd.s32 @!p0 $0x88, s6;
	s7 =	simm.s32 @p2 $0x1082  }
0x22: {  	[simem:s7], [sflag:s8] =	dma.local @!p0 [hbm:s6], $0xF7A  }
0x23: {  	s9 =	sor.u32 $0xD0000000, s2;
	s6 =	simm.s32 $0x108;
	_ =	swait.ge @!p0 [sflag:s8], $0x0  }
0x24: {  	s3 =	sadd.s32 $0x88, s3;
	s6 =	simm.s32 @!p1 $0x1082;
	[sflag:s4] =	ssyncset.s32 $0xFFFFF086  }
0x25: {  	[simem:s6], [sflag:s4] =	dma.local [hbm:s3], $0xF7A  }
0x26: {  	[smem:$0x3F91] =	sst s1;
	(tag) =	ssettag s2;
	_ =	strace s9  }
0x27: {  	s1 =	sld [smem:$0x3FA1]  }
0x28: {  	s2 =	sld [smem:$0x3FA2]  }
0x29: {  	s4 =	sld [smem:$0x3FA4]  }
0x2a: {  	p0 =	seq.s32 s5, $0x0;
	s5 =	sld [smem:$0x3FA5]  }
0x2b: {  	s6 =	sld [smem:$0x3FA6]  }
0x2c: {  	s7 =	sld [smem:$0x3FA7]  }
0x2d: {  	s3 =	simm.s32 $0x108;
	s8 =	sld [smem:$0x3FA8]  }
0x2e: {  	s3 =	simm.s32 @!p0 $0x1082;
	s9 =	sld [smem:$0x3FA9]  }
0x2f: {  	lr =	sadd.s32 s0, s3;
	s0 =	sld [smem:$0x3FA0]  }
0x30: {  	s3 =	sld [smem:$0x3FA3]  }
0x31: {  	[smem:$0x3FAC] =	sst s10  }
0x32: {  	s10 =	sld [smem:$0x3FAA];
	_ =	sdelay $0x3  }
0x33: {  	p0 =	seq.s32 s10, $0x1;
	s10 =	sld [smem:$0x3FAC];
	_ =	sdelay $0x3  }
0x34: {  	[smem:$0x3FAC] =	sst s10  }
0x35: {  	s10 =	sld [smem:$0x3FAB];
	_ =	sdelay $0x3  }
0x36: {  	p1 =	seq.s32 s10, $0x1;
	s10 =	sld [smem:$0x3FAC];
	_ =	sdelay $0x3  }
0x37: {  	[smem:$0x3FAC] =	sst s10  }
0x38: {  	s10 =	sld [smem:$0x3FAD]  }
0x39: {  	_ = 	snop;
	(pc) =	sbr.ind lr, $3  }
0x3a: {  	_ = 	snop  }
0x3b: {  	_ = 	snop  }
0x3c: {  	p2 =	seq.s32 s10, $0x1;
	s10 =	sld [smem:$0x3FAC]  }
0x3d: {  	_ =	shalt  }
0x3e: {  	_ =	shalt  }
0x3f: {  	_ =	shalt  }
0x40: {  	_ =	shalt  }
0x41: {  	_ =	shalt  }
0x42: {  	_ =	shalt  }
0x43: {  	_ =	shalt  }
0x44: {  	_ =	shalt  }
0x45: {  	_ =	shalt  }
0x46: {  	_ =	shalt  }
0x47: {  	_ =	shalt  }
0x48: {  	_ =	shalt  }
0x49: {  	_ =	shalt  }
0x4a: {  	_ =	shalt  }
0x4b: {  	_ =	shalt  }
0x4c: {  	_ =	shalt  }
0x4d: {  	_ =	shalt  }
0x4e: {  	_ =	shalt  }
0x4f: {  	_ =	shalt  }
0x50: {  	_ =	shalt  }
0x51: {  	_ =	shalt  }
0x52: {  	_ =	shalt  }
0x53: {  	_ =	shalt  }
0x54: {  	_ =	shalt  }
0x55: {  	_ =	shalt  }
0x56: {  	_ =	shalt  }
0x57: {  	_ =	shalt  }
0x58: {  	_ =	shalt  }
0x59: {  	_ =	shalt  }
0x5a: {  	_ =	shalt  }
0x5b: {  	_ =	shalt  }
0x5c: {  	_ =	shalt  }
0x5d: {  	_ =	shalt  }
0x5e: {  	_ =	shalt  }
0x5f: {  	_ =	shalt  }
0x60: {  	_ =	shalt  }
0x61: {  	_ =	shalt  }
0x62: {  	_ =	shalt  }
0x63: {  	_ =	shalt  }
0x64: {  	_ =	shalt  }
0x65: {  	_ =	shalt  }
0x66: {  	_ =	shalt  }
0x67: {  	_ =	shalt  }
0x68: {  	_ =	shalt  }
0x69: {  	_ =	shalt  }
0x6a: {  	_ =	shalt  }
0x6b: {  	_ =	shalt  }
0x6c: {  	_ =	shalt  }
0x6d: {  	_ =	shalt  }
0x6e: {  	_ =	shalt  }
0x6f: {  	_ =	shalt  }
0x70: {  	_ =	shalt  }
0x71: {  	_ =	shalt  }
0x72: {  	_ =	shalt  }
0x73: {  	_ =	shalt  }
0x74: {  	_ =	shalt  }
0x75: {  	_ =	shalt  }
0x76: {  	_ =	shalt  }
0x77: {  	_ =	shalt  }
0x78: {  	_ =	shalt  }
0x79: {  	_ =	shalt  }
0x7a: {  	_ =	shalt  }
0x7b: {  	_ =	shalt  }
0x7c: {  	_ =	shalt  }
0x7d: {  	_ =	shalt  }
0x7e: {  	_ =	shalt  }
0x7f: {  	_ =	shalt  }
0x80: {  	_ =	shalt  }
0x81: {  	_ =	shalt  }
0x82: {  	_ =	shalt  }
0x83: {  	_ =	shalt  }
0x84: {  	_ =	shalt  }
0x85: {  	_ =	shalt  }
0x86: {  	_ =	shalt  }
0x87: {  	_ =	shalt  }
.Lfunc_end0:
.L_simem_size_0:
called_computation_lowered:
.L_overlay_start_0:
0x88: {  	s2 =	sld [smem:$0x3FD9]  }
0x89: {  	s3 =	sld [smem:$0x3FFE];
	_ =	sdelay $0x1  }
0x8a: {  	s1 =	srdreg.scid  }
0x8b: {  	s0 =	sand.u32 $0x1, s1  }
0x8c: {  	s17 =	sshll.u32 s0, $0xA;
	s2 =	sadd.s32 s3, s2  }
0x8d: {  	s2 =	sadd.s32 s2, s17  }
0x8e: {  	[smem:$0x3FB8] =	sst s2  }
0x8f: {  	_ = 	snop  }
0x90: {  	s2 =	sld [smem:$0x3FC8]  }
0x91: {  	s18 =	sld [smem:$0x3FC6]  }
0x92: {  	s4 =	sld [smem:$0x3FD0];
	(tm) =	ssettm $0x1  }
0x93: {  	s5 =	sld [smem:$0x3FFB];
	_ =	sdelay $0x3  }
0x94: {  	_ =	strace s5  }
0x95: {  	s5 =	sld [smem:$0x3FFC];
	_ =	sdelay $0x3  }
0x96: {  	_ =	strace s5  }
0x97: {  	s5 =	sld [smem:$0x3FFD];
	_ =	sdelay $0x3  }
0x98: {  	_ =	strace s5  }
0x99: {  	_ =	strace $0x8FFFFFFF  }
0x9a: {  	s19 =	sld [smem:$0x3FDB];
	_ =	sdelay $0x1  }
0x9b: {  	s6 =	simm.s32 $_scs_section_size  }
0x9c: {  	s7 =	simm.s32 $_size__tile_overlayer_lowered;
	s8 =	simm.s32 $_tile_overlayer_lowered  }
0x9d: {  	s22 =	simm.s32 $0x1BFF;
	s21 =	sshll.u32 s8, $0x1;
	s5 =	sadd.s32 s6, s19  }
0x9e: {  	s9 =	simm.s32 $0x0;
	s20 =	sshll.u32 s7, $0x1;
	s7 =	sadd.s32 s21, s5  }
0x9f: {  	[timem:s9], [sflag:s22] =	dma.local [hbm:s7], s20  }
0xa0: {  	_ =	swait.ge [sflag:s22], s20  }
0xa1: {  	s6 =	ssub.s32 $0x0, s20;
	[sflag:s22] =	ssyncset.done $0x0  }
0xa2: {  	[sflag:s22] =	ssyncadd.s32 s6;
	_ =	sdelay $0x1  }
0xa3: {  	s23 =	simm.s32 $0x1B8B  }
0xa4: {  	_ =	swait.ge [sflag:s23], $0x1  }
0xa5: {  	[sflag:s23] =	ssyncset.done $0x0  }
0xa6: {  	s25 =	simm.s32 $0x1B8E;
	s24 =	sld [smem:$0x3FFE];
	[sflag:s23] =	ssyncadd.s32 $0xFFFFFFFF  }
0xa7: {  	s26 =	simm.s32 $execute0_lowered;
	[smem:$0x3FD2] =	sst s25  }
0xa8: {  	s7 =	sshll.u32 s26, $0x1;
	_ =	strace $0x80000046;
	[dreg:$0x1] =	wrdreg $0xFFFFFFFF  }
0xa9: {  	s28 =	simm.s32 $_size_execute0_lowered;
	s5 =	sadd.s32 s5, s7;
	[dreg:$0x0] =	wrdreg $0x0  }
0xaa: {  	s7 =	sshll.u32 s28, $0x1;
	[dreg:$0x2] =	wrdreg s5  }
0xab: {  	[dreg:$0x3] =	wrdreg s7  }
0xac: {  	[dreg:$0x4] =	wrdreg $0xC0  }
0xad: {  	_ =	task [dreg:s9], $0x5FFFF  }
0xae: {  	[dreg:$0x1] =	wrdreg $0xFFFFFFFF  }
0xaf: {  	[dreg:$0x0] =	wrdreg $0x60  }
0xb0: {  	[dreg:$0x2] =	wrdreg s24  }
0xb1: {  	[dreg:$0x3] =	wrdreg s4  }
0xb2: {  	[dreg:$0x4] =	wrdreg s2  }
0xb3: {  	[dreg:$0x5] =	wrdreg s18  }
0xb4: {  	[dreg:$0x6] =	wrdreg $0x9  }
0xb5: {  	_ =	task.clear_ibuf [dreg:s9], $0x7FFFF;
	_ =	strace $0x90000046  }
0xb6: {  	s29 =	simm.s32 $0x9;
	_ =	strace $0x80000048  }
0xb7: {  	_ =	swait.ge [sflag:s29], $0x1  }
0xb8: {  	[sflag:s29] =	ssyncadd.s32 $0xFFFFFFFF  }
0xb9: {  	_ =	strace $0x90000048  }
0xba: {  	_ =	sfence  }
0xbb: {  	s30 =	sld [smem:$0x0];
	_ =	sdelay $0x2  }
0xbc: {  	s31 =	sshll.u32 s1, $0xD;
	s1 =	sshrl.u32 s1, $0x2  }
0xbd: {  	s3 =	sand.u32 $0x4000, s31;
	s1 =	sadd.s32 s1, s30  }
0xbe: {  	s0 =	sor.u32 s3, s0;
	s1 =	sshll.u32 s1, $0x11  }
0xbf: {  	s0 =	sor.u32 s1, s0  }
0xc0: {  	s0 =	sadd.s32 $0x8F2B, s0  }
0xc1: {  	[sflag:s0] =	ssyncadd.remote.s32 $0x1  }
0xc2: {  	_ =	sfence.sel $0xFFFF  }
0xc3: {  	[dreg:$0x0] =	wrdreg $0xFFFFFFFF;
	(pc) =	sbr.abs _section_cstart, $3  }
0xc4: {  	[dreg:$0x1] =	wrdreg $0xFFFFFFFF  }
0xc5: {  	_ =	task.clear_ibuf [dreg:s9], $0x2FFFF;
	_ =	strace $0x9FFFFFFF  }
0xc6: {  	(tm) =	ssettm $0x7FFFFFFF  }
0xc7: {  	_ =	shalt  }
tec
execute0_lowered:
.L_overlay_start_1:
0x0: {  	(tag) =	ssettag $0x1  }
0x1: {  	s0 =	rddreg [dreg:$0x0]  }
0x2: {  	s25 =	rddreg [dreg:$0x3];
	s4 =	simm.s32 $0x0  }
0x3: {  	s2 =	srdreg.scid;
	s20 =	stileid.u32;
	s28 =	simm.s32 $0x8C00  }
0x4: {  	s29 =	simm.s32 $0x9400;
	[smem:$0x7FF] =	sst s4;
	s15 =	smul.u32 $0x4E20, s20  }
0x5: {  	s6 =	sadd.s32 $0x3EE00, s0;
	s7 =	sadd.s32 $0x4000, s0;
	s18 =	smul.u32 $0x4E200, s20  }
0x6: {  	s8 =	sadd.s32 $0xDE00, s0;
	s2 =	sand.u32 $0x1, s2;
	s26 =	smul.u32 $0x9C400, s20  }
0x7: {  	s3 =	sshll.u32 s20, $0x1;
	s5 =	sadd.s32 $0x96E00, s0;
	s17 =	smul.u32 $0x2710, s2  }
0x8: {  	s11 =	sadd.s32 $0xA5AE00, s0;
	s1 =	sadd.s32 $0x8D000, s0;
	s24 =	smul.u32 $0x27100, s2  }
0x9: {  	s10 =	ssub.s32 $0x2, s2;
	s3 =	sor.u32 s2, s3;
	s2 =	smul.u32 $0x4E200, s2  }
0xa: {  	_ =	strace $0x80000047;
	[smem:$0x7F9] =	sst s7;
	s13 =	smul.u32 $0x2710, s3  }
0xb: {  	[smem:$0x7FA] =	sst s8;
	s12 =	sshrl.u32 s10, $0x1;
	s21 =	smul.u32 $0x27100, s3  }
0xc: {  	[smem:$0x7FB] =	sst s1;
	s3 =	smul.u32 $0x4E200, s3;
	s0 =	ssub.s32 s10, s12  }
0xd: {  	s15 =	sadd.s32 s17, s15;
	s12 =	sshrl.u32 s13, $0x3;
	s14 =	sadd.s32 $0x50, s13  }
0xe: {  	s10 =	sadd.s32 s11, s21;
	s13 =	sadd.s32 $0x26C0, s13;
	s3 =	sadd.s32 s5, s3  }
0xf: {  	s0 =	smax.u32 s0, $0x1;
	[dreg:$0x9] =	wrdreg s10;
	s22 =	sshll.u32 s14, $0x5  }
0x10: {  	s16 =	sshll.u32 s14, $0x4;
	s23 =	sshll.u32 s13, $0x5;
	[dreg:$0xc] =	wrdreg s3  }
0x11: {  	s19 =	sshll.u32 s13, $0x4;
	[dreg:$0x1e] =	wrdreg s0;
	s16 =	sadd.s32 s11, s16  }
0x12: {  	s14 =	sshrl.u32 s14, $0x3;
	s19 =	sadd.s32 s11, s19;
	[dreg:$0xa] =	wrdreg s16  }
0x13: {  	s11 =	sadd.s32 s18, s11;
	s9 =	sadd.s32 s5, s22;
	[dreg:$0xb] =	wrdreg s19  }
0x14: {  	s10 =	sadd.s32 s5, s23;
	s5 =	sadd.s32 s26, s5;
	[dreg:$0xd] =	wrdreg s9  }
0x15: {  	s18 =	sadd.s32 $0x14, s12;
	s26 =	sadd.s32 s8, s14;
	[dreg:$0xe] =	wrdreg s10  }
0x16: {  	s3 =	sadd.s32 s24, s11;
	s20 =	sadd.s32 s7, s18;
	[dreg:$0x13] =	wrdreg s26  }
0x17: {  	s11 =	sadd.s32 $0xF0, s15;
	s22 =	sadd.s32 s8, s18;
	[dreg:$0xf] =	wrdreg s20  }
0x18: {  	s16 =	sadd.s32 $0x140, s15;
	s23 =	sadd.s32 s25, s18;
	[dreg:$0x10] =	wrdreg s22  }
0x19: {  	s24 =	sadd.s32 s7, s14;
	s9 =	sadd.s32 s25, s14;
	[dreg:$0x11] =	wrdreg s23  }
0x1a: {  	s18 =	sadd.s32 $0x1E, s12;
	s10 =	sshrl.u32 s11, $0x3;
	[dreg:$0x12] =	wrdreg s24  }
0x1b: {  	s11 =	sshrl.u32 s16, $0x3;
	[dreg:$0x14] =	wrdreg s9;
	s16 =	sadd.s32 s25, s12  }
0x1c: {  	s31 =	simm.s32 $0x9C00;
	s20 =	sadd.s32 s7, s18;
	[dreg:$0x18] =	wrdreg s16  }
0x1d: {  	s2 =	sadd.s32 s2, s5;
	s5 =	sadd.s32 s25, s18;
	[dreg:$0x1a] =	wrdreg s20  }
0x1e: {  	s30 =	simm.s32 $0xCC00;
	s23 =	sadd.s32 $0x190, s15;
	[dreg:$0x1c] =	wrdreg s5  }
0x1f: {  	s0 =	simm.s32 $0x2;
	s24 =	sadd.s32 $0xF00, s3;
	[dreg:$0x1f] =	wrdreg s23  }
0x20: {  	s26 =	sadd.s32 $0x1E00, s2;
	s9 =	simm.s32 $0x180;
	[smem:$0x7FC] =	sst s24  }
0x21: {  	s2 =	simm.s32 $0x6400;
	s10 =	sadd.s32 s10, s1;
	[smem:$0x7FD] =	sst s26  }
0x22: {  	s15 =	simm.s32 $0x6;
	s17 =	sadd.s32 s11, s25;
	[dreg:$0x5] =	wrdreg s10  }
0x23: {  	s19 =	sadd.s32 s11, s8;
	s21 =	sadd.s32 s11, s7;
	[dreg:$0x6] =	wrdreg s17  }
0x24: {  	s11 =	sadd.s32 s7, s12;
	s26 =	simm.s32 $0x280;
	[dreg:$0x7] =	wrdreg s19  }
0x25: {  	s5 =	simm.s32 $0x5400;
	s7 =	simm.s32 $0x6C00;
	[dreg:$0x8] =	wrdreg s21  }
0x26: {  	s24 =	simm.s32 $0x8400;
	s10 =	sadd.s32 s1, s14;
	[dreg:$0x16] =	wrdreg s11  }
0x27: {  	s20 =	simm.s32 $0x5;
	s14 =	sadd.s32 s8, s12;
	[dreg:$0x15] =	wrdreg s10  }
0x28: {  	s17 =	sadd.s32 s1, s12;
	s19 =	sshrl.u32 s13, $0x3;
	[dreg:$0x17] =	wrdreg s14  }
0x29: {  	s21 =	sadd.s32 s8, s18;
	s11 =	simm.s32 $0xF400;
	[dreg:$0x19] =	wrdreg s17  }
0x2a: {  	s18 =	simm.s32 $0x1;
	s8 =	simm.s32 $0x7400;
	[dreg:$0x1b] =	wrdreg s21  }
0x2b: {  	v2 =	vlaneseq.u32;
	s22 =	sadd.s32 s1, s19;
	s21 =	simm.s32 $0x200;
	s10 =	simm.s32 $0x5C00  }
0x2c: {  	vm0 =	vmmov $0xffff;
	v1 =	vshrl.u32 v2, $0x3;
	s19 =	simm.s32 $0x7C00;
	s17 =	simm.s32 $0x3;
	s14 =	simm.s32 $0x4  }
0x2d: {  	v0 =	vand.u32 $0x7, v2;
	v2 =	vor.u32 $0x8, v2;
	v1 =	vmul.u32 $0x8, v1;
	s1 =	simm.s32 $0x0;
	[dreg:$0x1d] =	wrdreg s22;
	s22 =	simm.s32 $0x80  }
.LBB2_1:
0x2e: {  	[smem:$0x7F8] =	sst s1  }
0x2f: {  	s12 =	rddreg [dreg:$0x2];
	s3 =	simm.s32 $0x7  }
0x30: {  	[tilespmem:s11], [sflag:$0x7] =	stream.linear.gather [hbm4b:s12+s4], $0x2780, $0x38;
	[tilespmem:$0x11B80] =	vst v63  }
0x31: {  	_ =	swait.ge [sflag:s3], $0x2780  }
0x32: {  	[sflag:s3] =	ssyncset.done $0x0  }
0x33: {  	s13 =	rddreg [dreg:$0x16];
	[sflag:s3] =	ssyncadd.s32 $0xFFFFD880  }
0x34: {  	[tilespmem:s4], [sflag:$0x1] =	stream.linear.gather [hbm4b:s13+s4], $0x50, $0x38;
	[tilespmem:$0x11B80] =	vst v63  }
0x35: {  	s16 =	rddreg [dreg:$0x17];
	s13 =	simm.s32 $0x100  }
0x36: {  	[tilespmem:s13], [sflag:$0x1] =	stream.linear.gather [hbm4b:s16+s4], $0x50, $0x38;
	[tilespmem:$0x11B80] =	vst v63  }
0x37: {  	s23 =	rddreg [dreg:$0x18]  }
0x38: {  	[tilespmem:s21], [sflag:$0x1] =	stream.linear.gather [hbm4b:s23+s4], $0x50, $0x38;
	[tilespmem:$0x11B80] =	vst v63  }
0x39: {  	s1 =	rddreg [dreg:$0x12]  }
0x3a: {  	[tilespmem:s22], [sflag:$0x2] =	stream.linear.gather [hbm4b:s1+s4], $0x50, $0x38;
	[tilespmem:$0x11B80] =	vst v63  }
0x3b: {  	s3 =	rddreg [dreg:$0x13]  }
0x3c: {  	[tilespmem:s9], [sflag:$0x2] =	stream.linear.gather [hbm4b:s3+s4], $0x50, $0x38;
	[tilespmem:$0x11B80] =	vst v63  }
0x3d: {  	s16 =	rddreg [dreg:$0x14]  }
0x3e: {  	[tilespmem:s26], [sflag:$0x2] =	stream.linear.gather [hbm4b:s16+s4], $0x50, $0x38;
	[tilespmem:$0x11B80] =	vst v63  }
0x3f: {  	_ =	swait.ge [sflag:s18], $0x50  }
0x40: {  	[sflag:s18] =	ssyncset.done $0x0  }
0x41: {  	[sflag:s18] =	ssyncadd.s32 $0xFFFFFFB0  }
0x42: {  	_ =	swait.ge [sflag:s18], $0x50  }
0x43: {  	[sflag:s18] =	ssyncset.done $0x0  }
0x44: {  	[sflag:s18] =	ssyncadd.s32 $0xFFFFFFB0  }
0x45: {  	_ =	swait.ge [sflag:s18], $0x50  }
0x46: {  	[sflag:s18] =	ssyncset.done $0x0  }
0x47: {  	[sflag:s18] =	ssyncadd.s32 $0xFFFFFFB0  }
0x48: {  	v3 =	vld [tilespmem:$0x0];
	_ =	sdelay $0x4  }
0x49: {  	v4 =	vshll.u32 v3, $0x1  }
0x4a: {  	v3 =	vand.u32 $0x7, v3;
	v4 =	vand.u32 $0xFFFFFFF0, v4  }
0x4b: {  	v3 =	vor.u32 v3, v4  }
0x4c: {  	v4 =	vperm.xlane v3, v0;
	_ =	sdelay $0x1  }
0x4d: {  	v3 =	vperm.xlane v3, v2;
	v4 =	vadd.s32 v1, v4;
	_ =	sdelay $0x1  }
0x4e: {  	v3 =	vadd.s32 v1, v3;
	_ =	sdelay $0x1  }
0x4f: {  	s16 =	simm.s32 $0x400  }
0x50: {  	[tilespmem:s16], [sflag:$0x3] =	stream.indirect_vreg.gather [hbm4b:s6+s4], $0x80, v4, vm0, $0xb8;
	[tilespmem:$0x11B80] =	vst v63  }
0x51: {  	s23 =	simm.s32 $0xC00  }
0x52: {  	[tilespmem:s23], [sflag:$0x3] =	stream.indirect_vreg.gather [hbm4b:s6+s4], $0x80, v3, vm0, $0xb8;
	[tilespmem:$0x11B80] =	vst v63  }
0x53: {  	v3 =	vld [tilespmem:$0x10];
	_ =	sdelay $0x4  }
0x54: {  	v40 =	vshll.u32 v3, $0x1  }
0x55: {  	v3 =	vand.u32 $0x7, v3;
	v4 =	vand.u32 $0xFFFFFFF0, v40  }
0x56: {  	v3 =	vor.u32 v3, v4  }
0x57: {  	v4 =	vperm.xlane v3, v0;
	_ =	sdelay $0x1  }
0x58: {  	v3 =	vperm.xlane v3, v2;
	v4 =	vadd.s32 v1, v4;
	_ =	sdelay $0x1  }
0x59: {  	v3 =	vadd.s32 v1, v3;
	_ =	sdelay $0x1  }
0x5a: {  	s1 =	simm.s32 $0x1400  }
0x5b: {  	[tilespmem:s1], [sflag:$0x3] =	stream.indirect_vreg.gather [hbm4b:s6+s4], $0x80, v4, vm0, $0xb8;
	[tilespmem:$0x11B80] =	vst v63  }
0x5c: {  	s3 =	simm.s32 $0x1C00  }
0x5d: {  	[tilespmem:s3], [sflag:$0x3] =	stream.indirect_vreg.gather [hbm4b:s6+s4], $0x80, v3, vm0, $0xb8;
	[tilespmem:$0x11B80] =	vst v63  }
0x5e: {  	v3 =	vld [tilespmem:$0x20];
	_ =	sdelay $0x4  }
0x5f: {  	v41 =	vshll.u32 v3, $0x1  }
0x60: {  	v3 =	vand.u32 $0x7, v3;
	v4 =	vand.u32 $0xFFFFFFF0, v41  }
0x61: {  	v3 =	vor.u32 v3, v4  }
0x62: {  	v4 =	vperm.xlane v3, v0;
	_ =	sdelay $0x1  }
0x63: {  	v3 =	vperm.xlane v3, v2;
	v4 =	vadd.s32 v1, v4;
	_ =	sdelay $0x1  }
0x64: {  	v3 =	vadd.s32 v1, v3;
	_ =	sdelay $0x1  }
0x65: {  	s23 =	simm.s32 $0x2400  }
0x66: {  	[tilespmem:s23], [sflag:$0x3] =	stream.indirect_vreg.gather [hbm4b:s6+s4], $0x80, v4, vm0, $0xb8;
	[tilespmem:$0x11B80] =	vst v63  }
0x67: {  	s1 =	simm.s32 $0x2C00  }
0x68: {  	[tilespmem:s1], [sflag:$0x3] =	stream.indirect_vreg.gather [hbm4b:s6+s4], $0x80, v3, vm0, $0xb8;
	[tilespmem:$0x11B80] =	vst v63  }
0x69: {  	v3 =	vld [tilespmem:$0x30];
	_ =	sdelay $0x4  }
0x6a: {  	v42 =	vshll.u32 v3, $0x1  }
0x6b: {  	v3 =	vand.u32 $0x7, v3;
	v4 =	vand.u32 $0xFFFFFFF0, v42  }
0x6c: {  	v3 =	vor.u32 v3, v4  }
0x6d: {  	v4 =	vperm.xlane v3, v0;
	_ =	sdelay $0x1  }
0x6e: {  	v3 =	vperm.xlane v3, v2;
	v4 =	vadd.s32 v1, v4;
	_ =	sdelay $0x1  }
0x6f: {  	v3 =	vadd.s32 v1, v3;
	_ =	sdelay $0x1  }
0x70: {  	s3 =	simm.s32 $0x3400  }
0x71: {  	[tilespmem:s3], [sflag:$0x3] =	stream.indirect_vreg.gather [hbm4b:s6+s4], $0x80, v4, vm0, $0xb8;
	[tilespmem:$0x11B80] =	vst v63  }
0x72: {  	s23 =	simm.s32 $0x3C00  }
0x73: {  	[tilespmem:s23], [sflag:$0x3] =	stream.indirect_vreg.gather [hbm4b:s6+s4], $0x80, v3, vm0, $0xb8;
	[tilespmem:$0x11B80] =	vst v63  }
0x74: {  	v3 =	vld [tilespmem:$0x40];
	_ =	sdelay $0x4  }
0x75: {  	v43 =	vshll.u32 v3, $0x1  }
0x76: {  	v3 =	vand.u32 $0x7, v3;
	v4 =	vand.u32 $0xFFFFFFF0, v43  }
0x77: {  	v3 =	vor.u32 v3, v4  }
0x78: {  	v4 =	vperm.xlane v3, v0;
	_ =	sdelay $0x1  }
0x79: {  	v3 =	vperm.xlane v3, v2;
	v4 =	vadd.s32 v1, v4;
	_ =	sdelay $0x1  }
0x7a: {  	v3 =	vadd.s32 v1, v3;
	_ =	sdelay $0x1  }
0x7b: {  	s1 =	simm.s32 $0x4400  }
0x7c: {  	[tilespmem:s1], [sflag:$0x3] =	stream.indirect_vreg.gather [hbm4b:s6+s4], $0x80, v4, vm0, $0xb8;
	[tilespmem:$0x11B80] =	vst v63  }
0x7d: {  	s3 =	simm.s32 $0x4C00  }
0x7e: {  	[tilespmem:s3], [sflag:$0x3] =	stream.indirect_vreg.gather [hbm4b:s6+s4], $0x80, v3, vm0, $0xb8;
	[tilespmem:$0x11B80] =	vst v63  }
0x7f: {  	s12 =	rddreg [dreg:$0x1];
	s23 =	simm.s32 $0xA400;
	s3 =	simm.s32 $0x50  }
0x80: {  	[tilespmem:s23], [sflag:$0x3] =	stream.indirect.gather [hbm4b:s12+s3], $0x80, s13, s3, $0xb8;
	[tilespmem:$0x11B80] =	vst v63  }
0x81: {  	v3 =	vld [tilespmem:$0x0];
	_ =	sdelay $0x5  }
0x82: {  	v4 =	vld [tilespmem:$0x200]  }
0x83: {  	v5 =	vld [tilespmem:$0x10]  }
0x84: {  	v3 =	vld.idx.msk [tilespmem:v3+s11+$0x0], $0xffff;
	_ =	sdelay $0x4  }
0x85: {  	v3 =	vsub.f32 v3, v4  }
0x86: {  	v44 =	vld [tilespmem:$0x210]  }
0x87: {  	v45 =	vld [tilespmem:$0x20];
	[tilespmem:$0x300] =	vst v3  }
0x88: {  	v3 =	vld.idx.msk [tilespmem:v5+s11+$0x0], $0xffff;
	_ =	sdelay $0x4  }
0x89: {  	v3 =	vsub.f32 v3, v44  }
0x8a: {  	v46 =	vld [tilespmem:$0x220]  }
0x8b: {  	v47 =	vld [tilespmem:$0x30];
	[tilespmem:$0x310] =	vst v3  }
0x8c: {  	v3 =	vld.idx.msk [tilespmem:v45+s11+$0x0], $0xffff;
	_ =	sdelay $0x4  }
0x8d: {  	v3 =	vsub.f32 v3, v46  }
0x8e: {  	v48 =	vld [tilespmem:$0x230]  }
0x8f: {  	v49 =	vld [tilespmem:$0x40];
	[tilespmem:$0x320] =	vst v3  }
0x90: {  	v3 =	vld.idx.msk [tilespmem:v47+s11+$0x0], $0xffff;
	_ =	sdelay $0x4  }
0x91: {  	v3 =	vsub.f32 v3, v48;
	_ =	sdelay $0x1  }
0x92: {  	v50 =	vld [tilespmem:$0x240];
	[tilespmem:$0x330] =	vst v3  }
0x93: {  	v3 =	vld.idx.msk [tilespmem:v49+s11+$0x0], $0xffff;
	_ =	sdelay $0x4  }
0x94: {  	v3 =	vsub.f32 v3, v50;
	_ =	sdelay $0x1  }
0x95: {  	[tilespmem:$0x340] =	vst v3  }
0x96: {  	_ =	swait.ge [sflag:s0], $0x50  }
0x97: {  	[sflag:s0] =	ssyncset.done $0x0  }
0x98: {  	[sflag:s0] =	ssyncadd.s32 $0xFFFFFFB0  }
0x99: {  	_ =	swait.ge [sflag:s0], $0x50  }
0x9a: {  	[sflag:s0] =	ssyncset.done $0x0  }
0x9b: {  	[sflag:s0] =	ssyncadd.s32 $0xFFFFFFB0  }
0x9c: {  	_ =	swait.ge [sflag:s0], $0x50  }
0x9d: {  	[sflag:s0] =	ssyncset.done $0x0  }
0x9e: {  	[sflag:s0] =	ssyncadd.s32 $0xFFFFFFB0  }
0x9f: {  	v3 =	vld [tilespmem:$0x80];
	_ =	sdelay $0x4  }
0xa0: {  	v51 =	vshll.u32 v3, $0x1  }
0xa1: {  	v3 =	vand.u32 $0x7, v3;
	v4 =	vand.u32 $0xFFFFFFF0, v51  }
0xa2: {  	v3 =	vor.u32 v3, v4  }
0xa3: {  	v4 =	vperm.xlane v3, v0;
	_ =	sdelay $0x1  }
0xa4: {  	v3 =	vperm.xlane v3, v2;
	v4 =	vadd.s32 v1, v4;
	_ =	sdelay $0x1  }
0xa5: {  	v3 =	vadd.s32 v1, v3;
	_ =	sdelay $0x2  }
0xa6: {  	[tilespmem:s5], [sflag:$0x4] =	stream.indirect_vreg.gather [hbm4b:s6+s4], $0x80, v4, vm0, $0xb8;
	[tilespmem:$0x11B80] =	vst v63  }
0xa7: {  	_ = 	snop  }
0xa8: {  	[tilespmem:s10], [sflag:$0x4] =	stream.indirect_vreg.gather [hbm4b:s6+s4], $0x80, v3, vm0, $0xb8;
	[tilespmem:$0x11B80] =	vst v63  }
0xa9: {  	v3 =	vld [tilespmem:$0x90];
	_ =	sdelay $0x4  }
0xaa: {  	v52 =	vshll.u32 v3, $0x1  }
0xab: {  	v3 =	vand.u32 $0x7, v3;
	v4 =	vand.u32 $0xFFFFFFF0, v52  }
0xac: {  	v3 =	vor.u32 v3, v4  }
0xad: {  	v4 =	vperm.xlane v3, v0;
	_ =	sdelay $0x1  }
0xae: {  	v3 =	vperm.xlane v3, v2;
	v4 =	vadd.s32 v1, v4;
	_ =	sdelay $0x1  }
0xaf: {  	v3 =	vadd.s32 v1, v3;
	_ =	sdelay $0x2  }
0xb0: {  	[tilespmem:s2], [sflag:$0x4] =	stream.indirect_vreg.gather [hbm4b:s6+s4], $0x80, v4, vm0, $0xb8;
	[tilespmem:$0x11B80] =	vst v63  }
0xb1: {  	_ = 	snop  }
0xb2: {  	[tilespmem:s7], [sflag:$0x4] =	stream.indirect_vreg.gather [hbm4b:s6+s4], $0x80, v3, vm0, $0xb8;
	[tilespmem:$0x11B80] =	vst v63  }
0xb3: {  	v3 =	vld [tilespmem:$0xA0];
	_ =	sdelay $0x4  }
0xb4: {  	v53 =	vshll.u32 v3, $0x1  }
0xb5: {  	v3 =	vand.u32 $0x7, v3;
	v4 =	vand.u32 $0xFFFFFFF0, v53  }
0xb6: {  	v3 =	vor.u32 v3, v4  }
0xb7: {  	v4 =	vperm.xlane v3, v0;
	_ =	sdelay $0x1  }
0xb8: {  	v3 =	vperm.xlane v3, v2;
	v4 =	vadd.s32 v1, v4;
	_ =	sdelay $0x1  }
0xb9: {  	v3 =	vadd.s32 v1, v3;
	_ =	sdelay $0x2  }
0xba: {  	[tilespmem:s8], [sflag:$0x4] =	stream.indirect_vreg.gather [hbm4b:s6+s4], $0x80, v4, vm0, $0xb8;
	[tilespmem:$0x11B80] =	vst v63  }
0xbb: {  	_ = 	snop  }
0xbc: {  	[tilespmem:s19], [sflag:$0x4] =	stream.indirect_vreg.gather [hbm4b:s6+s4], $0x80, v3, vm0, $0xb8;
	[tilespmem:$0x11B80] =	vst v63  }
0xbd: {  	v3 =	vld [tilespmem:$0xB0];
	_ =	sdelay $0x4  }
0xbe: {  	v54 =	vshll.u32 v3, $0x1  }
0xbf: {  	v3 =	vand.u32 $0x7, v3;
	v4 =	vand.u32 $0xFFFFFFF0, v54  }
0xc0: {  	v3 =	vor.u32 v3, v4  }
0xc1: {  	v4 =	vperm.xlane v3, v0;
	_ =	sdelay $0x1  }
0xc2: {  	v3 =	vperm.xlane v3, v2;
	v4 =	vadd.s32 v1, v4;
	_ =	sdelay $0x1  }
0xc3: {  	v3 =	vadd.s32 v1, v3;
	_ =	sdelay $0x2  }
0xc4: {  	[tilespmem:s24], [sflag:$0x4] =	stream.indirect_vreg.gather [hbm4b:s6+s4], $0x80, v4, vm0, $0xb8;
	[tilespmem:$0x11B80] =	vst v63  }
0xc5: {  	_ = 	snop  }
0xc6: {  	[tilespmem:s28], [sflag:$0x4] =	stream.indirect_vreg.gather [hbm4b:s6+s4], $0x80, v3, vm0, $0xb8;
	[tilespmem:$0x11B80] =	vst v63  }
0xc7: {  	v3 =	vld [tilespmem:$0xC0];
	_ =	sdelay $0x4  }
0xc8: {  	v55 =	vshll.u32 v3, $0x1  }
0xc9: {  	v3 =	vand.u32 $0x7, v3;
	v4 =	vand.u32 $0xFFFFFFF0, v55  }
0xca: {  	v3 =	vor.u32 v3, v4  }
0xcb: {  	v4 =	vperm.xlane v3, v0;
	_ =	sdelay $0x1  }
0xcc: {  	v3 =	vperm.xlane v3, v2;
	v4 =	vadd.s32 v1, v4;
	_ =	sdelay $0x1  }
0xcd: {  	v3 =	vadd.s32 v1, v3;
	_ =	sdelay $0x2  }
0xce: {  	[tilespmem:s29], [sflag:$0x4] =	stream.indirect_vreg.gather [hbm4b:s6+s4], $0x80, v4, vm0, $0xb8;
	[tilespmem:$0x11B80] =	vst v63  }
0xcf: {  	_ = 	snop  }
0xd0: {  	[tilespmem:s31], [sflag:$0x4] =	stream.indirect_vreg.gather [hbm4b:s6+s4], $0x80, v3, vm0, $0xb8;
	[tilespmem:$0x11B80] =	vst v63  }
0xd1: {  	_ = 	snop  }
0xd2: {  	[tilespmem:s30], [sflag:$0x4] =	stream.indirect.gather [hbm4b:s12+s3], $0x80, s9, s3, $0xb8;
	[tilespmem:$0x11B80] =	vst v63  }
0xd3: {  	v3 =	vld [tilespmem:$0x80];
	_ =	sdelay $0x5  }
0xd4: {  	v4 =	vld [tilespmem:$0x280]  }
0xd5: {  	v56 =	vld [tilespmem:$0x90]  }
0xd6: {  	v3 =	vld.idx.msk [tilespmem:v3+s11+$0x0], $0xffff;
	_ =	sdelay $0x4  }
0xd7: {  	v3 =	vsub.f32 v3, v4  }
0xd8: {  	v57 =	vld [tilespmem:$0x290]  }
0xd9: {  	v58 =	vld [tilespmem:$0xA0];
	[tilespmem:$0x380] =	vst v3  }
0xda: {  	v3 =	vld.idx.msk [tilespmem:v56+s11+$0x0], $0xffff;
	_ =	sdelay $0x4  }
0xdb: {  	v3 =	vsub.f32 v3, v57  }
0xdc: {  	v59 =	vld [tilespmem:$0x2A0]  }
0xdd: {  	v60 =	vld [tilespmem:$0xB0];
	[tilespmem:$0x390] =	vst v3  }
0xde: {  	v3 =	vld.idx.msk [tilespmem:v58+s11+$0x0], $0xffff;
	_ =	sdelay $0x4  }
0xdf: {  	v3 =	vsub.f32 v3, v59  }
0xe0: {  	v61 =	vld [tilespmem:$0x2B0]  }
0xe1: {  	v62 =	vld [tilespmem:$0xC0];
	[tilespmem:$0x3A0] =	vst v3  }
0xe2: {  	v3 =	vld.idx.msk [tilespmem:v60+s11+$0x0], $0xffff;
	_ =	sdelay $0x4  }
0xe3: {  	v3 =	vsub.f32 v3, v61;
	_ =	sdelay $0x1  }
0xe4: {  	v63 =	vld [tilespmem:$0x2C0];
	[tilespmem:$0x3B0] =	vst v3  }
0xe5: {  	v3 =	vld.idx.msk [tilespmem:v62+s11+$0x0], $0xffff;
	_ =	sdelay $0x4  }
0xe6: {  	v3 =	vsub.f32 v3, v63;
	_ =	sdelay $0x1  }
0xe7: {  	[tilespmem:$0x3C0] =	vst v3  }
0xe8: {  	_ =	swait.ge [sflag:s17], $0x5000  }
0xe9: {  	[sflag:s17] =	ssyncset.done $0x0  }
0xea: {  	[sflag:s17] =	ssyncadd.s32 $0xFFFFB000  }
0xeb: {  	_ =	swait.ge [sflag:s17], $0x2800  }
0xec: {  	[sflag:s17] =	ssyncset.done $0x0  }
0xed: {  	s1 =	rddreg [dreg:$0xc];
	[sflag:s17] =	ssyncadd.s32 $0xFFFFD800  }
0xee: {  	[hbm4b:s1+s4] =	stream.linear.scatter [tilespmem:s16], [sflag:$0x5], $0x5000, $0x38;
	[tilespmem:$0x11B80] =	vst v63  }
0xef: {  	s2 =	rddreg [dreg:$0x9]  }
0xf0: {  	[hbm4b:s2+s4] =	stream.linear.scatter [tilespmem:s23], [sflag:$0x5], $0x2800, $0x38;
	[tilespmem:$0x11B80] =	vst v63  }
0xf1: {  	s7 =	simm.s32 $0x300;
	s3 =	rddreg [dreg:$0x19]  }
0xf2: {  	[hbm4b:s3+s4] =	stream.linear.scatter [tilespmem:s7], [sflag:$0x5], $0x50, $0x38;
	[tilespmem:$0x11B80] =	vst v63  }
0xf3: {  	s8 =	rddreg [dreg:$0xf]  }
0xf4: {  	[tilespmem:s4], [sflag:$0x1] =	stream.linear.gather [hbm4b:s8+s4], $0x50, $0x38;
	[tilespmem:$0x11B80] =	vst v63  }
0xf5: {  	s10 =	rddreg [dreg:$0x10]  }
0xf6: {  	[tilespmem:s13], [sflag:$0x1] =	stream.linear.gather [hbm4b:s10+s4], $0x50, $0x38;
	[tilespmem:$0x11B80] =	vst v63  }
0xf7: {  	s13 =	rddreg [dreg:$0x11]  }
0xf8: {  	[tilespmem:s21], [sflag:$0x1] =	stream.linear.gather [hbm4b:s13+s4], $0x50, $0x38;
	[tilespmem:$0x11B80] =	vst v63  }
0xf9: {  	_ =	swait.ge [sflag:s14], $0x5000  }
0xfa: {  	[sflag:s14] =	ssyncset.done $0x0  }
0xfb: {  	[sflag:s14] =	ssyncadd.s32 $0xFFFFB000  }
0xfc: {  	_ =	swait.ge [sflag:s14], $0x2800  }
0xfd: {  	s16 =	rddreg [dreg:$0xd]  }
0xfe: {  	s19 =	rddreg [dreg:$0xa]  }
0xff: {  	s21 =	rddreg [dreg:$0x15]  }
0x100: {  	s24 =	rddreg [dreg:$0x1a]  }
0x101: {  	[sflag:s14] =	ssyncset.done $0x0;
	s28 =	rddreg [dreg:$0x1b]  }
0x102: {  	s8 =	sld [smem:$0x7F9];
	[sflag:s14] =	ssyncadd.s32 $0xFFFFD800  }
0x103: {  	[hbm4b:s16+s4] =	stream.linear.scatter [tilespmem:s5], [sflag:$0x6], $0x5000, $0x38;
	[tilespmem:$0x11B80] =	vst v63  }
0x104: {  	s1 =	sld [smem:$0x7FB]  }
0x105: {  	[hbm4b:s19+s4] =	stream.linear.scatter [tilespmem:s30], [sflag:$0x6], $0x2800, $0x38;
	[tilespmem:$0x11B80] =	vst v63  }
0x106: {  	s29 =	simm.s32 $0x8400;
	s23 =	simm.s32 $0x380;
	s30 =	rddreg [dreg:$0x1c]  }
0x107: {  	[hbm4b:s21+s4] =	stream.linear.scatter [tilespmem:s23], [sflag:$0x6], $0x50, $0x38;
	[tilespmem:$0x11B80] =	vst v63  }
0x108: {  	s31 =	simm.s32 $0x7C00;
	s12 =	simm.s32 $0x0;
	s21 =	sld [smem:$0x7FD]  }
0x109: {  	s2 =	simm.s32 $0x9400;
	s7 =	simm.s32 $0xCC00;
	s23 =	rddreg [dreg:$0x1f]  }
0x10a: {  	[tilespmem:s22], [sflag:$0x2] =	stream.linear.gather [hbm4b:s24+s4], $0x50, $0x38;
	[tilespmem:$0x11B80] =	vst v63  }
0x10b: {  	s10 =	simm.s32 $0x8C00;
	s13 =	simm.s32 $0x5400;
	s22 =	sld [smem:$0x7FC]  }
0x10c: {  	[tilespmem:s9], [sflag:$0x2] =	stream.linear.gather [hbm4b:s28+s4], $0x50, $0x38;
	[tilespmem:$0x11B80] =	vst v63  }
0x10d: {  	s5 =	simm.s32 $0x180;
	s16 =	simm.s32 $0x9C00;
	s9 =	sld [smem:$0x7FA]  }
0x10e: {  	[tilespmem:s26], [sflag:$0x2] =	stream.linear.gather [hbm4b:s30+s4], $0x50, $0x38;
	[tilespmem:$0x11B80] =	vst v63  }
.LBB2_2:
0x10f: {  	_ =	swait.ge [sflag:s18], $0x50  }
0x110: {  	[sflag:s18] =	ssyncset.done $0x0  }
0x111: {  	[sflag:s18] =	ssyncadd.s32 $0xFFFFFFB0  }
0x112: {  	_ =	swait.ge [sflag:s18], $0x50  }
0x113: {  	[sflag:s18] =	ssyncset.done $0x0  }
0x114: {  	[sflag:s18] =	ssyncadd.s32 $0xFFFFFFB0  }
0x115: {  	_ =	swait.ge [sflag:s18], $0x50  }
0x116: {  	[sflag:s18] =	ssyncset.done $0x0  }
0x117: {  	[sflag:s18] =	ssyncadd.s32 $0xFFFFFFB0  }
0x118: {  	_ =	swait.ge [sflag:s20], $0x5000  }
0x119: {  	[sflag:s20] =	ssyncset.done $0x0  }
0x11a: {  	[sflag:s20] =	ssyncadd.s32 $0xFFFFB000  }
0x11b: {  	_ =	swait.ge [sflag:s20], $0x2800  }
0x11c: {  	[sflag:s20] =	ssyncset.done $0x0  }
0x11d: {  	[sflag:s20] =	ssyncadd.s32 $0xFFFFD800  }
0x11e: {  	_ =	swait.ge [sflag:s20], $0x50  }
0x11f: {  	[sflag:s20] =	ssyncset.done $0x0  }
0x120: {  	[sflag:s20] =	ssyncadd.s32 $0xFFFFFFB0  }
0x121: {  	v3 =	vld [tilespmem:$0x0];
	_ =	sdelay $0x4  }
0x122: {  	v4 =	vshll.u32 v3, $0x1  }
0x123: {  	v3 =	vand.u32 $0x7, v3;
	v4 =	vand.u32 $0xFFFFFFF0, v4  }
0x124: {  	v3 =	vor.u32 v3, v4  }
0x125: {  	v4 =	vperm.xlane v3, v0;
	_ =	sdelay $0x1  }
0x126: {  	v3 =	vperm.xlane v3, v2;
	v4 =	vadd.s32 v1, v4;
	_ =	sdelay $0x1  }
0x127: {  	v3 =	vadd.s32 v1, v3;
	_ =	sdelay $0x1  }
0x128: {  	s26 =	simm.s32 $0x400  }
0x129: {  	[tilespmem:s26], [sflag:$0x3] =	stream.indirect_vreg.gather [hbm4b:s6+s4], $0x80, v4, vm0, $0xb8;
	[tilespmem:$0x11B80] =	vst v63  }
0x12a: {  	s24 =	simm.s32 $0xC00  }
0x12b: {  	[tilespmem:s24], [sflag:$0x3] =	stream.indirect_vreg.gather [hbm4b:s6+s4], $0x80, v3, vm0, $0xb8;
	[tilespmem:$0x11B80] =	vst v63  }
0x12c: {  	v3 =	vld [tilespmem:$0x10];
	_ =	sdelay $0x4  }
0x12d: {  	v40 =	vshll.u32 v3, $0x1  }
0x12e: {  	v3 =	vand.u32 $0x7, v3;
	v4 =	vand.u32 $0xFFFFFFF0, v40  }
0x12f: {  	v3 =	vor.u32 v3, v4  }
0x130: {  	v4 =	vperm.xlane v3, v0;
	_ =	sdelay $0x1  }
0x131: {  	v3 =	vperm.xlane v3, v2;
	v4 =	vadd.s32 v1, v4;
	_ =	sdelay $0x1  }
0x132: {  	v3 =	vadd.s32 v1, v3;
	_ =	sdelay $0x1  }
0x133: {  	s3 =	simm.s32 $0x1400  }
0x134: {  	[tilespmem:s3], [sflag:$0x3] =	stream.indirect_vreg.gather [hbm4b:s6+s4], $0x80, v4, vm0, $0xb8;
	[tilespmem:$0x11B80] =	vst v63  }
0x135: {  	s19 =	simm.s32 $0x1C00  }
0x136: {  	[tilespmem:s19], [sflag:$0x3] =	stream.indirect_vreg.gather [hbm4b:s6+s4], $0x80, v3, vm0, $0xb8;
	[tilespmem:$0x11B80] =	vst v63  }
0x137: {  	v3 =	vld [tilespmem:$0x20];
	_ =	sdelay $0x4  }
0x138: {  	v41 =	vshll.u32 v3, $0x1  }
0x139: {  	v3 =	vand.u32 $0x7, v3;
	v4 =	vand.u32 $0xFFFFFFF0, v41  }
0x13a: {  	v3 =	vor.u32 v3, v4  }
0x13b: {  	v4 =	vperm.xlane v3, v0;
	_ =	sdelay $0x1  }
0x13c: {  	v3 =	vperm.xlane v3, v2;
	v4 =	vadd.s32 v1, v4;
	_ =	sdelay $0x1  }
0x13d: {  	v3 =	vadd.s32 v1, v3;
	_ =	sdelay $0x1  }
0x13e: {  	s28 =	simm.s32 $0x2400  }
0x13f: {  	[tilespmem:s28], [sflag:$0x3] =	stream.indirect_vreg.gather [hbm4b:s6+s4], $0x80, v4, vm0, $0xb8;
	[tilespmem:$0x11B80] =	vst v63  }
0x140: {  	s3 =	simm.s32 $0x2C00  }
0x141: {  	[tilespmem:s3], [sflag:$0x3] =	stream.indirect_vreg.gather [hbm4b:s6+s4], $0x80, v3, vm0, $0xb8;
	[tilespmem:$0x11B80] =	vst v63  }
0x142: {  	v3 =	vld [tilespmem:$0x30];
	_ =	sdelay $0x4  }
0x143: {  	v42 =	vshll.u32 v3, $0x1  }
0x144: {  	v3 =	vand.u32 $0x7, v3;
	v4 =	vand.u32 $0xFFFFFFF0, v42  }
0x145: {  	v3 =	vor.u32 v3, v4  }
0x146: {  	v4 =	vperm.xlane v3, v0;
	_ =	sdelay $0x1  }
0x147: {  	v3 =	vperm.xlane v3, v2;
	v4 =	vadd.s32 v1, v4;
	_ =	sdelay $0x1  }
0x148: {  	v3 =	vadd.s32 v1, v3;
	_ =	sdelay $0x1  }
0x149: {  	s19 =	simm.s32 $0x3400  }
0x14a: {  	[tilespmem:s19], [sflag:$0x3] =	stream.indirect_vreg.gather [hbm4b:s6+s4], $0x80, v4, vm0, $0xb8;
	[tilespmem:$0x11B80] =	vst v63  }
0x14b: {  	s28 =	simm.s32 $0x3C00  }
0x14c: {  	[tilespmem:s28], [sflag:$0x3] =	stream.indirect_vreg.gather [hbm4b:s6+s4], $0x80, v3, vm0, $0xb8;
	[tilespmem:$0x11B80] =	vst v63  }
0x14d: {  	v3 =	vld [tilespmem:$0x40];
	_ =	sdelay $0x4  }
0x14e: {  	v43 =	vshll.u32 v3, $0x1  }
0x14f: {  	v3 =	vand.u32 $0x7, v3;
	v4 =	vand.u32 $0xFFFFFFF0, v43  }
0x150: {  	v3 =	vor.u32 v3, v4  }
0x151: {  	v4 =	vperm.xlane v3, v0;
	_ =	sdelay $0x1  }
0x152: {  	v3 =	vperm.xlane v3, v2;
	v4 =	vadd.s32 v1, v4;
	_ =	sdelay $0x1  }
0x153: {  	v3 =	vadd.s32 v1, v3;
	_ =	sdelay $0x1  }
0x154: {  	s3 =	simm.s32 $0x4400  }
0x155: {  	[tilespmem:s3], [sflag:$0x3] =	stream.indirect_vreg.gather [hbm4b:s6+s4], $0x80, v4, vm0, $0xb8;
	[tilespmem:$0x11B80] =	vst v63  }
0x156: {  	s30 =	simm.s32 $0x50;
	s19 =	simm.s32 $0x4C00  }
0x157: {  	[tilespmem:s19], [sflag:$0x3] =	stream.indirect_vreg.gather [hbm4b:s6+s4], $0x80, v3, vm0, $0xb8;
	[tilespmem:$0x11B80] =	vst v63  }
0x158: {  	s24 =	rddreg [dreg:$0x1];
	s28 =	simm.s32 $0xA400;
	s19 =	simm.s32 $0x100  }
0x159: {  	[tilespmem:s28], [sflag:$0x3] =	stream.indirect.gather [hbm4b:s24+s30], $0x80, s19, s30, $0xb8;
	[tilespmem:$0x11B80] =	vst v63  }
0x15a: {  	v3 =	vld [tilespmem:$0x0];
	_ =	sdelay $0x5  }
0x15b: {  	v4 =	vld [tilespmem:$0x200]  }
0x15c: {  	v5 =	vld [tilespmem:$0x10]  }
0x15d: {  	v3 =	vld.idx.msk [tilespmem:v3+s11+$0x0], $0xffff;
	_ =	sdelay $0x4  }
0x15e: {  	v3 =	vsub.f32 v3, v4  }
0x15f: {  	v44 =	vld [tilespmem:$0x210]  }
0x160: {  	v45 =	vld [tilespmem:$0x20];
	[tilespmem:$0x300] =	vst v3  }
0x161: {  	v3 =	vld.idx.msk [tilespmem:v5+s11+$0x0], $0xffff;
	_ =	sdelay $0x4  }
0x162: {  	v3 =	vsub.f32 v3, v44  }
0x163: {  	v46 =	vld [tilespmem:$0x220]  }
0x164: {  	v47 =	vld [tilespmem:$0x30];
	[tilespmem:$0x310] =	vst v3  }
0x165: {  	v3 =	vld.idx.msk [tilespmem:v45+s11+$0x0], $0xffff;
	_ =	sdelay $0x4  }
0x166: {  	v3 =	vsub.f32 v3, v46  }
0x167: {  	v48 =	vld [tilespmem:$0x230]  }
0x168: {  	v49 =	vld [tilespmem:$0x40];
	[tilespmem:$0x320] =	vst v3  }
0x169: {  	v3 =	vld.idx.msk [tilespmem:v47+s11+$0x0], $0xffff;
	_ =	sdelay $0x4  }
0x16a: {  	v3 =	vsub.f32 v3, v48;
	_ =	sdelay $0x1  }
0x16b: {  	v50 =	vld [tilespmem:$0x240];
	[tilespmem:$0x330] =	vst v3  }
0x16c: {  	v3 =	vld.idx.msk [tilespmem:v49+s11+$0x0], $0xffff;
	_ =	sdelay $0x4  }
0x16d: {  	v3 =	vsub.f32 v3, v50;
	_ =	sdelay $0x1  }
0x16e: {  	[tilespmem:$0x340] =	vst v3  }
0x16f: {  	_ =	swait.ge [sflag:s0], $0x50  }
0x170: {  	[sflag:s0] =	ssyncset.done $0x0  }
0x171: {  	[sflag:s0] =	ssyncadd.s32 $0xFFFFFFB0  }
0x172: {  	_ =	swait.ge [sflag:s0], $0x50  }
0x173: {  	[sflag:s0] =	ssyncset.done $0x0  }
0x174: {  	[sflag:s0] =	ssyncadd.s32 $0xFFFFFFB0  }
0x175: {  	_ =	swait.ge [sflag:s0], $0x50  }
0x176: {  	[sflag:s0] =	ssyncset.done $0x0  }
0x177: {  	[sflag:s0] =	ssyncadd.s32 $0xFFFFFFB0  }
0x178: {  	_ =	swait.ge [sflag:s15], $0x5000  }
0x179: {  	[sflag:s15] =	ssyncset.done $0x0  }
0x17a: {  	[sflag:s15] =	ssyncadd.s32 $0xFFFFB000  }
0x17b: {  	_ =	swait.ge [sflag:s15], $0x2800  }
0x17c: {  	[sflag:s15] =	ssyncset.done $0x0  }
0x17d: {  	[sflag:s15] =	ssyncadd.s32 $0xFFFFD800  }
0x17e: {  	_ =	swait.ge [sflag:s15], $0x50  }
0x17f: {  	[sflag:s15] =	ssyncset.done $0x0  }
0x180: {  	[sflag:s15] =	ssyncadd.s32 $0xFFFFFFB0  }
0x181: {  	v3 =	vld [tilespmem:$0x80];
	_ =	sdelay $0x4  }
0x182: {  	v51 =	vshll.u32 v3, $0x1  }
0x183: {  	v3 =	vand.u32 $0x7, v3;
	v4 =	vand.u32 $0xFFFFFFF0, v51  }
0x184: {  	v3 =	vor.u32 v3, v4  }
0x185: {  	v4 =	vperm.xlane v3, v0;
	_ =	sdelay $0x1  }
0x186: {  	v3 =	vperm.xlane v3, v2;
	v4 =	vadd.s32 v1, v4;
	_ =	sdelay $0x1  }
0x187: {  	v3 =	vadd.s32 v1, v3;
	_ =	sdelay $0x2  }
0x188: {  	[tilespmem:s13], [sflag:$0x4] =	stream.indirect_vreg.gather [hbm4b:s6+s4], $0x80, v4, vm0, $0xb8;
	[tilespmem:$0x11B80] =	vst v63  }
0x189: {  	s3 =	simm.s32 $0x5C00  }
0x18a: {  	[tilespmem:s3], [sflag:$0x4] =	stream.indirect_vreg.gather [hbm4b:s6+s4], $0x80, v3, vm0, $0xb8;
	[tilespmem:$0x11B80] =	vst v63  }
0x18b: {  	v3 =	vld [tilespmem:$0x90];
	_ =	sdelay $0x4  }
0x18c: {  	v52 =	vshll.u32 v3, $0x1  }
0x18d: {  	v3 =	vand.u32 $0x7, v3;
	v4 =	vand.u32 $0xFFFFFFF0, v52  }
0x18e: {  	v3 =	vor.u32 v3, v4  }
0x18f: {  	v4 =	vperm.xlane v3, v0;
	_ =	sdelay $0x1  }
0x190: {  	v3 =	vperm.xlane v3, v2;
	v4 =	vadd.s32 v1, v4;
	_ =	sdelay $0x1  }
0x191: {  	v3 =	vadd.s32 v1, v3;
	_ =	sdelay $0x1  }
0x192: {  	s3 =	simm.s32 $0x6400  }
0x193: {  	[tilespmem:s3], [sflag:$0x4] =	stream.indirect_vreg.gather [hbm4b:s6+s4], $0x80, v4, vm0, $0xb8;
	[tilespmem:$0x11B80] =	vst v63  }
0x194: {  	s3 =	simm.s32 $0x6C00  }
0x195: {  	[tilespmem:s3], [sflag:$0x4] =	stream.indirect_vreg.gather [hbm4b:s6+s4], $0x80, v3, vm0, $0xb8;
	[tilespmem:$0x11B80] =	vst v63  }
0x196: {  	v3 =	vld [tilespmem:$0xA0];
	_ =	sdelay $0x4  }
0x197: {  	v53 =	vshll.u32 v3, $0x1  }
0x198: {  	v3 =	vand.u32 $0x7, v3;
	v4 =	vand.u32 $0xFFFFFFF0, v53  }
0x199: {  	v3 =	vor.u32 v3, v4  }
0x19a: {  	v4 =	vperm.xlane v3, v0;
	_ =	sdelay $0x1  }
0x19b: {  	v3 =	vperm.xlane v3, v2;
	v4 =	vadd.s32 v1, v4;
	_ =	sdelay $0x1  }
0x19c: {  	v3 =	vadd.s32 v1, v3;
	_ =	sdelay $0x1  }
0x19d: {  	s3 =	simm.s32 $0x7400  }
0x19e: {  	[tilespmem:s3], [sflag:$0x4] =	stream.indirect_vreg.gather [hbm4b:s6+s4], $0x80, v4, vm0, $0xb8;
	[tilespmem:$0x11B80] =	vst v63  }
0x19f: {  	_ = 	snop  }
0x1a0: {  	[tilespmem:s31], [sflag:$0x4] =	stream.indirect_vreg.gather [hbm4b:s6+s4], $0x80, v3, vm0, $0xb8;
	[tilespmem:$0x11B80] =	vst v63  }
0x1a1: {  	v3 =	vld [tilespmem:$0xB0];
	_ =	sdelay $0x4  }
0x1a2: {  	v54 =	vshll.u32 v3, $0x1  }
0x1a3: {  	v3 =	vand.u32 $0x7, v3;
	v4 =	vand.u32 $0xFFFFFFF0, v54  }
0x1a4: {  	v3 =	vor.u32 v3, v4  }
0x1a5: {  	v4 =	vperm.xlane v3, v0;
	_ =	sdelay $0x1  }
0x1a6: {  	v3 =	vperm.xlane v3, v2;
	v4 =	vadd.s32 v1, v4;
	_ =	sdelay $0x1  }
0x1a7: {  	v3 =	vadd.s32 v1, v3;
	_ =	sdelay $0x2  }
0x1a8: {  	[tilespmem:s29], [sflag:$0x4] =	stream.indirect_vreg.gather [hbm4b:s6+s4], $0x80, v4, vm0, $0xb8;
	[tilespmem:$0x11B80] =	vst v63  }
0x1a9: {  	_ = 	snop  }
0x1aa: {  	[tilespmem:s10], [sflag:$0x4] =	stream.indirect_vreg.gather [hbm4b:s6+s4], $0x80, v3, vm0, $0xb8;
	[tilespmem:$0x11B80] =	vst v63  }
0x1ab: {  	v3 =	vld [tilespmem:$0xC0];
	_ =	sdelay $0x4  }
0x1ac: {  	v55 =	vshll.u32 v3, $0x1  }
0x1ad: {  	v3 =	vand.u32 $0x7, v3;
	v4 =	vand.u32 $0xFFFFFFF0, v55  }
0x1ae: {  	v3 =	vor.u32 v3, v4  }
0x1af: {  	v4 =	vperm.xlane v3, v0;
	_ =	sdelay $0x1  }
0x1b0: {  	v3 =	vperm.xlane v3, v2;
	v4 =	vadd.s32 v1, v4;
	_ =	sdelay $0x1  }
0x1b1: {  	v3 =	vadd.s32 v1, v3;
	_ =	sdelay $0x2  }
0x1b2: {  	[tilespmem:s2], [sflag:$0x4] =	stream.indirect_vreg.gather [hbm4b:s6+s4], $0x80, v4, vm0, $0xb8;
	[tilespmem:$0x11B80] =	vst v63  }
0x1b3: {  	_ = 	snop  }
0x1b4: {  	[tilespmem:s16], [sflag:$0x4] =	stream.indirect_vreg.gather [hbm4b:s6+s4], $0x80, v3, vm0, $0xb8;
	[tilespmem:$0x11B80] =	vst v63  }
0x1b5: {  	_ = 	snop  }
0x1b6: {  	[tilespmem:s7], [sflag:$0x4] =	stream.indirect.gather [hbm4b:s24+s30], $0x80, s5, s30, $0xb8;
	[tilespmem:$0x11B80] =	vst v63  }
0x1b7: {  	v3 =	vld [tilespmem:$0x80];
	_ =	sdelay $0x5  }
0x1b8: {  	v4 =	vld [tilespmem:$0x280]  }
0x1b9: {  	v56 =	vld [tilespmem:$0x90]  }
0x1ba: {  	v3 =	vld.idx.msk [tilespmem:v3+s11+$0x0], $0xffff;
	_ =	sdelay $0x4  }
0x1bb: {  	v3 =	vsub.f32 v3, v4  }
0x1bc: {  	v57 =	vld [tilespmem:$0x290]  }
0x1bd: {  	v58 =	vld [tilespmem:$0xA0];
	[tilespmem:$0x380] =	vst v3  }
0x1be: {  	v3 =	vld.idx.msk [tilespmem:v56+s11+$0x0], $0xffff;
	_ =	sdelay $0x4  }
0x1bf: {  	v3 =	vsub.f32 v3, v57  }
0x1c0: {  	v59 =	vld [tilespmem:$0x2A0]  }
0x1c1: {  	v60 =	vld [tilespmem:$0xB0];
	[tilespmem:$0x390] =	vst v3  }
0x1c2: {  	v3 =	vld.idx.msk [tilespmem:v58+s11+$0x0], $0xffff;
	_ =	sdelay $0x4  }
0x1c3: {  	v3 =	vsub.f32 v3, v59  }
0x1c4: {  	v61 =	vld [tilespmem:$0x2B0]  }
0x1c5: {  	v62 =	vld [tilespmem:$0xC0];
	[tilespmem:$0x3A0] =	vst v3  }
0x1c6: {  	v3 =	vld.idx.msk [tilespmem:v60+s11+$0x0], $0xffff;
	_ =	sdelay $0x4  }
0x1c7: {  	v3 =	vsub.f32 v3, v61;
	_ =	sdelay $0x1  }
0x1c8: {  	v63 =	vld [tilespmem:$0x2C0];
	[tilespmem:$0x3B0] =	vst v3  }
0x1c9: {  	v3 =	vld.idx.msk [tilespmem:v62+s11+$0x0], $0xffff;
	_ =	sdelay $0x4  }
0x1ca: {  	v3 =	vsub.f32 v3, v63;
	_ =	sdelay $0x1  }
0x1cb: {  	[tilespmem:$0x3C0] =	vst v3  }
0x1cc: {  	_ =	swait.ge [sflag:s17], $0x5000  }
0x1cd: {  	[sflag:s17] =	ssyncset.done $0x0  }
0x1ce: {  	[sflag:s17] =	ssyncadd.s32 $0xFFFFB000  }
0x1cf: {  	_ =	swait.ge [sflag:s17], $0x2800  }
0x1d0: {  	[sflag:s17] =	ssyncset.done $0x0  }
0x1d1: {  	s24 =	sadd.s32 $0xFFFFF600, s21;
	[sflag:s17] =	ssyncadd.s32 $0xFFFFD800  }
0x1d2: {  	[hbm4b:s24+s4] =	stream.linear.scatter [tilespmem:s26], [sflag:$0x5], $0x5000, $0x38;
	[tilespmem:$0x11B80] =	vst v63  }
0x1d3: {  	s24 =	sadd.s32 $0xFFFFFF10, s23  }
0x1d4: {  	s26 =	smov.u32 s25;
	s25 =	sadd.s32 $0xFFFFFB00, s22;
	s24 =	sshrl.u32 s24, $0x3  }
0x1d5: {  	[hbm4b:s25+s4] =	stream.linear.scatter [tilespmem:s28], [sflag:$0x5], $0x2800, $0x38;
	[tilespmem:$0x11B80] =	vst v63  }
0x1d6: {  	s25 =	rddreg [dreg:$0x8];
	s24 =	sadd.s32 s1, s24;
	s28 =	simm.s32 $0x300  }
0x1d7: {  	[hbm4b:s24+s4] =	stream.linear.scatter [tilespmem:s28], [sflag:$0x5], $0x50, $0x38;
	[tilespmem:$0x11B80] =	vst v63  }
0x1d8: {  	s28 =	sadd.s32 s12, s25;
	s25 =	rddreg [dreg:$0x7]  }
0x1d9: {  	[tilespmem:s4], [sflag:$0x1] =	stream.linear.gather [hbm4b:s28+s4], $0x50, $0x38;
	[tilespmem:$0x11B80] =	vst v63  }
0x1da: {  	s25 =	sadd.s32 s12, s25;
	s28 =	rddreg [dreg:$0x6]  }
0x1db: {  	[tilespmem:s19], [sflag:$0x1] =	stream.linear.gather [hbm4b:s25+s4], $0x50, $0x38;
	[tilespmem:$0x11B80] =	vst v63  }
0x1dc: {  	s24 =	sadd.s32 s12, s28;
	s28 =	simm.s32 $0x200  }
0x1dd: {  	[tilespmem:s28], [sflag:$0x1] =	stream.linear.gather [hbm4b:s24+s4], $0x50, $0x38;
	[tilespmem:$0x11B80] =	vst v63  }
0x1de: {  	_ =	swait.ge [sflag:s14], $0x5000  }
0x1df: {  	[sflag:s14] =	ssyncset.done $0x0  }
0x1e0: {  	[sflag:s14] =	ssyncadd.s32 $0xFFFFB000  }
0x1e1: {  	_ =	swait.ge [sflag:s14], $0x2800  }
0x1e2: {  	[sflag:s14] =	ssyncset.done $0x0  }
0x1e3: {  	[sflag:s14] =	ssyncadd.s32 $0xFFFFD800  }
0x1e4: {  	[hbm4b:s21+s4] =	stream.linear.scatter [tilespmem:s13], [sflag:$0x6], $0x5000, $0x38;
	[tilespmem:$0x11B80] =	vst v63  }
0x1e5: {  	s25 =	rddreg [dreg:$0x5]  }
0x1e6: {  	[hbm4b:s22+s4] =	stream.linear.scatter [tilespmem:s7], [sflag:$0x6], $0x2800, $0x38;
	[tilespmem:$0x11B80] =	vst v63  }
0x1e7: {  	p0 =	slt.s32 s23, $0x4E1B0;
	s28 =	simm.s32 $0x380;
	s24 =	sadd.s32 s12, s25  }
0x1e8: {  	[hbm4b:s24+s4] =	stream.linear.scatter [tilespmem:s28], [sflag:$0x6], $0x50, $0x38;
	[tilespmem:$0x11B80] =	vst v63  }
0x1e9: {  	s24 =	sadd.s32 $0xA0, s23;
	s23 =	simm.s32 @!p0 $0x4E1B0  }
0x1ea: {  	s3 =	simm.s32 $0x50;
	s30 =	simm.s32 $0x100;
	s23 =	sshrl.u32 s23, $0x3  }
0x1eb: {  	s28 =	simm.s32 $0x80;
	p0 =	sne.s32 s12, $0x4B0;
	s19 =	sadd.s32 s8, s23  }
0x1ec: {  	[tilespmem:s28], [sflag:$0x2] =	stream.linear.gather [hbm4b:s19+s4], $0x50, $0x38;
	[tilespmem:$0x11B80] =	vst v63  }
.Ltmp0:
0x1ed: {  	s25 =	smov.u32 s26;
	s28 =	sadd.s32 s9, s23;
	(pc) =	sbr.rel @p0 .LBB2_2-.Ltmp0, $4  }
0x1ee: {  	[tilespmem:s5], [sflag:$0x2] =	stream.linear.gather [hbm4b:s28+s4], $0x50, $0x38;
	[tilespmem:$0x11B80] =	vst v63  }
0x1ef: {  	s26 =	simm.s32 $0x280;
	s21 =	sadd.s32 $0x1400, s21;
	s23 =	sadd.s32 s25, s23  }
0x1f0: {  	[tilespmem:s26], [sflag:$0x2] =	stream.linear.gather [hbm4b:s23+s4], $0x50, $0x38;
	[tilespmem:$0x11B80] =	vst v63  }
0x1f1: {  	s22 =	sadd.s32 $0xA00, s22;
	s12 =	sadd.s32 $0x14, s12;
	s23 =	smov.u32 s24  }
0x1f2: {  	_ =	swait.ge [sflag:s18], $0x50  }
0x1f3: {  	[sflag:s18] =	ssyncset.done $0x0  }
0x1f4: {  	[sflag:s18] =	ssyncadd.s32 $0xFFFFFFB0  }
0x1f5: {  	_ =	swait.ge [sflag:s18], $0x50  }
0x1f6: {  	[sflag:s18] =	ssyncset.done $0x0  }
0x1f7: {  	[sflag:s18] =	ssyncadd.s32 $0xFFFFFFB0  }
0x1f8: {  	_ =	swait.ge [sflag:s18], $0x50  }
0x1f9: {  	[sflag:s18] =	ssyncset.done $0x0  }
0x1fa: {  	[sflag:s18] =	ssyncadd.s32 $0xFFFFFFB0  }
0x1fb: {  	_ =	swait.ge [sflag:s20], $0x5000  }
0x1fc: {  	[sflag:s20] =	ssyncset.done $0x0  }
0x1fd: {  	[sflag:s20] =	ssyncadd.s32 $0xFFFFB000  }
0x1fe: {  	_ =	swait.ge [sflag:s20], $0x2800  }
0x1ff: {  	[sflag:s20] =	ssyncset.done $0x0  }
0x200: {  	[sflag:s20] =	ssyncadd.s32 $0xFFFFD800  }
0x201: {  	_ =	swait.ge [sflag:s20], $0x50  }
0x202: {  	[sflag:s20] =	ssyncset.done $0x0  }
0x203: {  	[sflag:s20] =	ssyncadd.s32 $0xFFFFFFB0  }
0x204: {  	v3 =	vld [tilespmem:$0x0];
	_ =	sdelay $0x4  }
0x205: {  	v4 =	vshll.u32 v3, $0x1  }
0x206: {  	v3 =	vand.u32 $0x7, v3;
	v4 =	vand.u32 $0xFFFFFFF0, v4  }
0x207: {  	v3 =	vor.u32 v3, v4  }
0x208: {  	v4 =	vperm.xlane v3, v0;
	_ =	sdelay $0x1  }
0x209: {  	v3 =	vperm.xlane v3, v2;
	v4 =	vadd.s32 v1, v4;
	_ =	sdelay $0x1  }
0x20a: {  	v3 =	vadd.s32 v1, v3;
	_ =	sdelay $0x1  }
0x20b: {  	s2 =	simm.s32 $0x400  }
0x20c: {  	[tilespmem:s2], [sflag:$0x3] =	stream.indirect_vreg.gather [hbm4b:s6+s4], $0x80, v4, vm0, $0xb8;
	[tilespmem:$0x11B80] =	vst v63  }
0x20d: {  	s12 =	simm.s32 $0xC00  }
0x20e: {  	[tilespmem:s12], [sflag:$0x3] =	stream.indirect_vreg.gather [hbm4b:s6+s4], $0x80, v3, vm0, $0xb8;
	[tilespmem:$0x11B80] =	vst v63  }
0x20f: {  	v3 =	vld [tilespmem:$0x10];
	_ =	sdelay $0x4  }
0x210: {  	v53 =	vshll.u32 v3, $0x1  }
0x211: {  	v3 =	vand.u32 $0x7, v3;
	v4 =	vand.u32 $0xFFFFFFF0, v53  }
0x212: {  	v3 =	vor.u32 v3, v4  }
0x213: {  	v4 =	vperm.xlane v3, v0;
	_ =	sdelay $0x1  }
0x214: {  	v3 =	vperm.xlane v3, v2;
	v4 =	vadd.s32 v1, v4;
	_ =	sdelay $0x1  }
0x215: {  	v3 =	vadd.s32 v1, v3;
	_ =	sdelay $0x1  }
0x216: {  	s24 =	simm.s32 $0x1400  }
0x217: {  	[tilespmem:s24], [sflag:$0x3] =	stream.indirect_vreg.gather [hbm4b:s6+s4], $0x80, v4, vm0, $0xb8;
	[tilespmem:$0x11B80] =	vst v63  }
0x218: {  	s1 =	simm.s32 $0x1C00  }
0x219: {  	[tilespmem:s1], [sflag:$0x3] =	stream.indirect_vreg.gather [hbm4b:s6+s4], $0x80, v3, vm0, $0xb8;
	[tilespmem:$0x11B80] =	vst v63  }
0x21a: {  	v3 =	vld [tilespmem:$0x20];
	_ =	sdelay $0x4  }
0x21b: {  	v54 =	vshll.u32 v3, $0x1  }
0x21c: {  	v3 =	vand.u32 $0x7, v3;
	v4 =	vand.u32 $0xFFFFFFF0, v54  }
0x21d: {  	v3 =	vor.u32 v3, v4  }
0x21e: {  	v4 =	vperm.xlane v3, v0;
	_ =	sdelay $0x1  }
0x21f: {  	v3 =	vperm.xlane v3, v2;
	v4 =	vadd.s32 v1, v4;
	_ =	sdelay $0x1  }
0x220: {  	v3 =	vadd.s32 v1, v3;
	_ =	sdelay $0x1  }
0x221: {  	s5 =	simm.s32 $0x2400  }
0x222: {  	[tilespmem:s5], [sflag:$0x3] =	stream.indirect_vreg.gather [hbm4b:s6+s4], $0x80, v4, vm0, $0xb8;
	[tilespmem:$0x11B80] =	vst v63  }
0x223: {  	s7 =	simm.s32 $0x2C00  }
0x224: {  	[tilespmem:s7], [sflag:$0x3] =	stream.indirect_vreg.gather [hbm4b:s6+s4], $0x80, v3, vm0, $0xb8;
	[tilespmem:$0x11B80] =	vst v63  }
0x225: {  	v3 =	vld [tilespmem:$0x30];
	_ =	sdelay $0x4  }
0x226: {  	v55 =	vshll.u32 v3, $0x1  }
0x227: {  	v3 =	vand.u32 $0x7, v3;
	v4 =	vand.u32 $0xFFFFFFF0, v55  }
0x228: {  	v3 =	vor.u32 v3, v4  }
0x229: {  	v4 =	vperm.xlane v3, v0;
	_ =	sdelay $0x1  }
0x22a: {  	v3 =	vperm.xlane v3, v2;
	v4 =	vadd.s32 v1, v4;
	_ =	sdelay $0x1  }
0x22b: {  	v3 =	vadd.s32 v1, v3;
	_ =	sdelay $0x1  }
0x22c: {  	s8 =	simm.s32 $0x3400  }
0x22d: {  	[tilespmem:s8], [sflag:$0x3] =	stream.indirect_vreg.gather [hbm4b:s6+s4], $0x80, v4, vm0, $0xb8;
	[tilespmem:$0x11B80] =	vst v63  }
0x22e: {  	s9 =	simm.s32 $0x3C00  }
0x22f: {  	[tilespmem:s9], [sflag:$0x3] =	stream.indirect_vreg.gather [hbm4b:s6+s4], $0x80, v3, vm0, $0xb8;
	[tilespmem:$0x11B80] =	vst v63  }
0x230: {  	v3 =	vld [tilespmem:$0x40];
	_ =	sdelay $0x4  }
0x231: {  	v56 =	vshll.u32 v3, $0x1  }
0x232: {  	v3 =	vand.u32 $0x7, v3;
	v4 =	vand.u32 $0xFFFFFFF0, v56  }
0x233: {  	v3 =	vor.u32 v3, v4  }
0x234: {  	v4 =	vperm.xlane v3, v0;
	_ =	sdelay $0x1  }
0x235: {  	v3 =	vperm.xlane v3, v2;
	v4 =	vadd.s32 v1, v4;
	_ =	sdelay $0x1  }
0x236: {  	v3 =	vadd.s32 v1, v3;
	_ =	sdelay $0x1  }
0x237: {  	s10 =	simm.s32 $0x4400  }
0x238: {  	[tilespmem:s10], [sflag:$0x3] =	stream.indirect_vreg.gather [hbm4b:s6+s4], $0x80, v4, vm0, $0xb8;
	[tilespmem:$0x11B80] =	vst v63  }
0x239: {  	s13 =	simm.s32 $0x4C00  }
0x23a: {  	[tilespmem:s13], [sflag:$0x3] =	stream.indirect_vreg.gather [hbm4b:s6+s4], $0x80, v3, vm0, $0xb8;
	[tilespmem:$0x11B80] =	vst v63  }
0x23b: {  	s1 =	rddreg [dreg:$0x1];
	s5 =	simm.s32 $0xA400  }
0x23c: {  	[tilespmem:s5], [sflag:$0x3] =	stream.indirect.gather [hbm4b:s1+s3], $0x80, s30, s3, $0xb8;
	[tilespmem:$0x11B80] =	vst v63  }
0x23d: {  	v3 =	vld [tilespmem:$0x0];
	_ =	sdelay $0x5  }
0x23e: {  	v4 =	vld [tilespmem:$0x200]  }
0x23f: {  	v5 =	vld [tilespmem:$0x10]  }
0x240: {  	v3 =	vld.idx.msk [tilespmem:v3+s11+$0x0], $0xffff;
	_ =	sdelay $0x4  }
0x241: {  	v3 =	vsub.f32 v3, v4  }
0x242: {  	v57 =	vld [tilespmem:$0x210]  }
0x243: {  	v58 =	vld [tilespmem:$0x20];
	[tilespmem:$0x300] =	vst v3  }
0x244: {  	v3 =	vld.idx.msk [tilespmem:v5+s11+$0x0], $0xffff;
	_ =	sdelay $0x4  }
0x245: {  	v3 =	vsub.f32 v3, v57  }
0x246: {  	v59 =	vld [tilespmem:$0x220]  }
0x247: {  	v60 =	vld [tilespmem:$0x30];
	[tilespmem:$0x310] =	vst v3  }
0x248: {  	v3 =	vld.idx.msk [tilespmem:v58+s11+$0x0], $0xffff;
	_ =	sdelay $0x4  }
0x249: {  	v3 =	vsub.f32 v3, v59  }
0x24a: {  	v61 =	vld [tilespmem:$0x230]  }
0x24b: {  	v62 =	vld [tilespmem:$0x40];
	[tilespmem:$0x320] =	vst v3  }
0x24c: {  	v3 =	vld.idx.msk [tilespmem:v60+s11+$0x0], $0xffff;
	_ =	sdelay $0x4  }
0x24d: {  	v3 =	vsub.f32 v3, v61;
	_ =	sdelay $0x1  }
0x24e: {  	v63 =	vld [tilespmem:$0x240];
	[tilespmem:$0x330] =	vst v3  }
0x24f: {  	v3 =	vld.idx.msk [tilespmem:v62+s11+$0x0], $0xffff;
	_ =	sdelay $0x4  }
0x250: {  	v3 =	vsub.f32 v3, v63;
	_ =	sdelay $0x1  }
0x251: {  	[tilespmem:$0x340] =	vst v3  }
0x252: {  	_ =	swait.ge [sflag:s0], $0x50  }
0x253: {  	[sflag:s0] =	ssyncset.done $0x0  }
0x254: {  	[sflag:s0] =	ssyncadd.s32 $0xFFFFFFB0  }
0x255: {  	_ =	swait.ge [sflag:s0], $0x50  }
0x256: {  	[sflag:s0] =	ssyncset.done $0x0  }
0x257: {  	[sflag:s0] =	ssyncadd.s32 $0xFFFFFFB0  }
0x258: {  	_ =	swait.ge [sflag:s0], $0x50  }
0x259: {  	[sflag:s0] =	ssyncset.done $0x0  }
0x25a: {  	[sflag:s0] =	ssyncadd.s32 $0xFFFFFFB0  }
0x25b: {  	_ =	swait.ge [sflag:s15], $0x5000  }
0x25c: {  	[sflag:s15] =	ssyncset.done $0x0  }
0x25d: {  	[sflag:s15] =	ssyncadd.s32 $0xFFFFB000  }
0x25e: {  	_ =	swait.ge [sflag:s15], $0x2800  }
0x25f: {  	[sflag:s15] =	ssyncset.done $0x0  }
0x260: {  	[sflag:s15] =	ssyncadd.s32 $0xFFFFD800  }
0x261: {  	_ =	swait.ge [sflag:s15], $0x50  }
0x262: {  	[sflag:s15] =	ssyncset.done $0x0  }
0x263: {  	[sflag:s15] =	ssyncadd.s32 $0xFFFFFFB0  }
0x264: {  	_ =	swait.ge [sflag:s17], $0x5000  }
0x265: {  	[sflag:s17] =	ssyncset.done $0x0  }
0x266: {  	[sflag:s17] =	ssyncadd.s32 $0xFFFFB000  }
0x267: {  	_ =	swait.ge [sflag:s17], $0x2800  }
0x268: {  	[sflag:s17] =	ssyncset.done $0x0  }
0x269: {  	s16 =	rddreg [dreg:$0xe];
	[sflag:s17] =	ssyncadd.s32 $0xFFFFD800  }
0x26a: {  	[hbm4b:s16+s4] =	stream.linear.scatter [tilespmem:s2], [sflag:$0x5], $0x5000, $0x38;
	[tilespmem:$0x11B80] =	vst v63  }
0x26b: {  	s19 =	rddreg [dreg:$0xb]  }
0x26c: {  	[hbm4b:s19+s4] =	stream.linear.scatter [tilespmem:s5], [sflag:$0x5], $0x2800, $0x38;
	[tilespmem:$0x11B80] =	vst v63  }
0x26d: {  	s22 =	simm.s32 $0x300;
	s21 =	rddreg [dreg:$0x1d]  }
0x26e: {  	[hbm4b:s21+s4] =	stream.linear.scatter [tilespmem:s22], [sflag:$0x5], $0x50, $0x38;
	[tilespmem:$0x11B80] =	vst v63  }
0x26f: {  	_ =	swait.ge [sflag:s20], $0x5000  }
0x270: {  	[sflag:s20] =	ssyncset.done $0x0  }
0x271: {  	[sflag:s20] =	ssyncadd.s32 $0xFFFFB000  }
0x272: {  	_ =	swait.ge [sflag:s20], $0x2800  }
0x273: {  	[sflag:s20] =	ssyncset.done $0x0  }
0x274: {  	[sflag:s20] =	ssyncadd.s32 $0xFFFFD800  }
0x275: {  	_ =	swait.ge [sflag:s20], $0x50  }
0x276: {  	s23 =	sld [smem:$0x7F8];
	_ =	sdelay $0x2  }
0x277: {  	s24 =	rddreg [dreg:$0x1e];
	s1 =	sadd.s32 $0x1, s23  }
0x278: {  	s28 =	simm.s32 $0x8C00;
	s29 =	simm.s32 $0x9400;
	p0 =	sne.s32 s1, s24  }
.Ltmp1:
0x279: {  	s31 =	simm.s32 $0x9C00;
	s7 =	simm.s32 $0x6C00;
	(pc) =	sbr.rel @p0 .LBB2_1-.Ltmp1, $4  }
0x27a: {  	s8 =	simm.s32 $0x7400;
	s9 =	simm.s32 $0x180;
	s10 =	simm.s32 $0x5C00  }
0x27b: {  	s30 =	simm.s32 $0xCC00;
	s2 =	simm.s32 $0x6400;
	s5 =	simm.s32 $0x5400  }
0x27c: {  	s19 =	simm.s32 $0x7C00;
	s21 =	simm.s32 $0x200;
	[sflag:s20] =	ssyncset.done $0x0  }
0x27d: {  	s22 =	simm.s32 $0x80;
	[sflag:s20] =	ssyncadd.s32 $0xFFFFFFB0;
	s24 =	simm.s32 $0x8400  }
0x27e: {  	_ =	sfence.sel $0x180000  }
0x27f: {  	[bflag:$0x0] =	sbarrier.arrive $0xFFFF  }
0x280: {  	_ =	strace $0x90000047  }
0x281: {  	s0 =	stileid.u32;
	[bflag:$0x2] =	sbarrier.arrive $0xFFFF  }
0x282: {  	p0 =	sne.s32 s0, $0x0;
	s0 =	rddreg [dreg:$0x4]  }
0x283: {  	s0 =	sadd.s32 @!p0 $0x100000, s0  }
0x284: {  	[sflag:s0] =	ssyncadd.tile.s32 @!p0 $0x1;
	_ =	shalt  }
.Lfunc_end2:
_tile_overlayer_lowered:
.L_overlay_start_2:
0x285: {  	(tag) =	ssettag $0x2  }
0x286: {  	s0 =	rddreg [dreg:$0x0];
	s2 =	stileid.u32  }
0x287: {  	s1 =	rddreg [dreg:$0x1];
	p0 =	sne.s32 s2, $0x0  }
0x288: {  	s3 =	rddreg [dreg:$0x2];
	[bflag:$0x3] =	sbarrier.arrive $0xFFFF;
	s2 =	simm.s32 @!p0 $0x1C07  }
0x289: {  	[timem:s3], [sflag:s2] =	dma.local @!p0 [hbm:s0], s1  }
0x28a: {  	s0 =	simm.s32 @!p0 $0x7  }
0x28b: {  	_ =	swait.ge @!p0 [sflag:s0], s1  }
0x28c: {  	s1 =	ssub.s32 @!p0 $0x0, s1;
	[sflag:s0] =	ssyncset.done @!p0 $0x0  }
0x28d: {  	[sflag:s0] =	ssyncadd.s32 @!p0 s1  }
0x28e: {  	[bflag:$0x3] =	sbarrier.arrive $0xFFFF  }
0x28f: {  	_ =	shalt  }

</sc_bundles>
